<compile_context>
chip_gen: v7x
topology: tpu7x:2x2x1
jax: 0.10.2.dev20260603
libtpu: 0.0.44.dev20260713+nightly
codegen_flags: <defaults>
</compile_context>

<pallas_src>
import functools

import jax
import jax.numpy as jnp
from jax import lax
from jax.experimental import pallas as pl
from jax.experimental.pallas import tpu as pltpu
from jax.experimental.pallas import tpu_sc as plsc

NN = 10000
EE = 320000
DD = 128
MM = 256
OUTS = (7, 2, 5, 4, 4)

NC = 2
NS = 16
NW = NC * NS
CH = 128
ROWS_PER_W = 80
R_PAD = NW * ROWS_PER_W
N_PAD = 10112
ROWS_PER_TILE = N_PAD // NS
IDX_CH = 16

_mesh = plsc.VectorSubcoreMesh(
    core_axis_name="c", subcore_axis_name="s", num_cores=NC, num_subcores=NS)



@functools.partial(
    pl.kernel,
    out_type=jax.ShapeDtypeStruct((NC * N_PAD, DD), jnp.float32),
    mesh=_mesh,
    scratch_types=[
        pltpu.VMEM((IDX_CH, CH), jnp.int32),
        pltpu.VMEM((IDX_CH, CH), jnp.int32),
        pltpu.VMEM((CH,), jnp.int32),
        pltpu.VMEM((CH,), jnp.int32),
        pltpu.VMEM((CH, DD), jnp.float32),
        pltpu.VMEM((CH, DD), jnp.float32),
        pltpu.VMEM_SHARED((N_PAD, DD), jnp.float32),
        pltpu.SemaphoreType.DMA,
        pltpu.SemaphoreType.DMA,
        pltpu.SemaphoreType.DMA,
        pltpu.SemaphoreType.DMA,
    ],
)
def _sc_segsum(h_hbm, src_hbm, dst_hbm, z_hbm, out_hbm,
               src_v, dst_v, cur0, cur1, buf0, buf1, acc, g0, g1, s0, s1):
    cid = lax.axis_index("c")
    sid = lax.axis_index("s")
    wid = cid * NS + sid

    row0 = sid * ROWS_PER_TILE
    pltpu.sync_copy(z_hbm.at[pl.ds(row0, ROWS_PER_TILE)],
                    acc.at[pl.ds(row0, ROWS_PER_TILE)])
    plsc.subcore_barrier()

    def _idx(cur, j):
        for g in range(CH // 16):
            cur[pl.ds(g * 16, 16)] = dst_v[j, pl.ds(g * 16, 16)]

    def _stage(st, carry):
        base = wid * ROWS_PER_W + st * IDX_CH
        pltpu.sync_copy(src_hbm.at[pl.ds(base, IDX_CH)], src_v)
        pltpu.sync_copy(dst_hbm.at[pl.ds(base, IDX_CH)], dst_v)

        pltpu.async_copy(h_hbm.at[src_v.at[0]], buf0, g0)
        pltpu.async_copy(h_hbm.at[src_v.at[1]], buf1, g1)

        def _body(jj, c2):
            j0 = 2 * jj
            pltpu.make_async_copy(h_hbm.at[src_v.at[j0]], buf0, g0).wait()
            _idx(cur0, j0)
            pltpu.sync_copy(buf0, acc.at[cur0], add=True)
            pltpu.async_copy(h_hbm.at[src_v.at[j0 + 2]], buf0, g0)
            pltpu.make_async_copy(
                h_hbm.at[src_v.at[j0 + 1]], buf1, g1).wait()
            _idx(cur1, j0 + 1)
            pltpu.sync_copy(buf1, acc.at[cur1], add=True)
            pltpu.async_copy(h_hbm.at[src_v.at[j0 + 3]], buf1, g1)
            return c2
        lax.fori_loop(0, IDX_CH // 2 - 1, _body, 0)

        jlast = IDX_CH - 2
        pltpu.make_async_copy(h_hbm.at[src_v.at[jlast]], buf0, g0).wait()
        _idx(cur0, jlast)
        pltpu.sync_copy(buf0, acc.at[cur0], add=True)
        pltpu.make_async_copy(h_hbm.at[src_v.at[jlast + 1]], buf1, g1).wait()
        _idx(cur1, jlast + 1)
        pltpu.sync_copy(buf1, acc.at[cur1], add=True)
        return carry
    lax.fori_loop(0, ROWS_PER_W // IDX_CH, _stage, 0)

    plsc.subcore_barrier()
    pltpu.sync_copy(acc.at[pl.ds(row0, ROWS_PER_TILE)],
                    out_hbm.at[pl.ds(cid * N_PAD + row0, ROWS_PER_TILE)])


DEGW = 128


@functools.partial(
    pl.kernel,
    out_type=jax.ShapeDtypeStruct((NC * N_PAD, DEGW), jnp.float32),
    mesh=_mesh,
    scratch_types=[
        pltpu.VMEM((IDX_CH, CH), jnp.int32),
        pltpu.VMEM((CH,), jnp.int32),
        pltpu.VMEM((CH, DEGW), jnp.float32),
        pltpu.VMEM_SHARED((N_PAD, DEGW), jnp.float32),
    ],
)
def _sc_degree(dst_hbm, zd_hbm, ones_hbm, out_hbm, dst_v, dst_cur, buf, dacc):
    cid = lax.axis_index("c")
    sid = lax.axis_index("s")
    wid = cid * NS + sid

    row0 = sid * ROWS_PER_TILE
    pltpu.sync_copy(zd_hbm.at[pl.ds(row0, ROWS_PER_TILE)],
                    dacc.at[pl.ds(row0, ROWS_PER_TILE)])
    plsc.subcore_barrier()

    pltpu.sync_copy(ones_hbm, buf)

    def _stage(st, carry):
        base = wid * ROWS_PER_W + st * IDX_CH
        pltpu.sync_copy(dst_hbm.at[pl.ds(base, IDX_CH)], dst_v)

        def _body(j, c2):
            for g in range(CH // 16):
                dst_cur[pl.ds(g * 16, 16)] = dst_v[j, pl.ds(g * 16, 16)]
            pltpu.sync_copy(buf, dacc.at[dst_cur], add=True)
            return c2
        lax.fori_loop(0, IDX_CH, _body, 0)
        return carry
    lax.fori_loop(0, ROWS_PER_W // IDX_CH, _stage, 0)

    plsc.subcore_barrier()
    pltpu.sync_copy(dacc.at[pl.ds(row0, ROWS_PER_TILE)],
                    out_hbm.at[pl.ds(cid * N_PAD + row0, ROWS_PER_TILE)])



def _rdeg_body(parts_ref, out_ref):
    deg = (parts_ref[0:N_PAD, 0:1] + parts_ref[N_PAD:2 * N_PAD, 0:1])
    out_ref[...] = 1.0 / jnp.maximum(deg, 1.0)


_rdeg = pl.pallas_call(
    _rdeg_body,
    out_shape=jax.ShapeDtypeStruct((N_PAD, 1), jnp.float32),
)


def _layer_body(s0_ref, s1_ref, rdeg_ref, h_ref, wl_ref, wr_ref, b_ref,
                g_ref, be_ref, al_ref, out_ref):
    s = s0_ref[...] + s1_ref[...]
    mean = s[:NN] * rdeg_ref[...][:NN]
    t = (jnp.dot(mean, wl_ref[...], preferred_element_type=jnp.float32)
         + jnp.dot(h_ref[...], wr_ref[...], preferred_element_type=jnp.float32)
         + b_ref[...])
    mu = jnp.mean(t, axis=0, keepdims=True)
    o = t - al_ref[...] * mu
    var = jnp.mean(o * o, axis=0, keepdims=True)
    out_ref[...] = jnp.maximum(
        g_ref[...] * o * lax.rsqrt(var + 1e-5) + be_ref[...], 0.0)


_layer_tc = pl.pallas_call(
    _layer_body,
    out_shape=jax.ShapeDtypeStruct((NN, DD), jnp.float32),
)


_BR = 2000


def _heads_body(h_ref, w1_ref, b1_ref, w2_ref, b2_ref,
                w30, w31, w32, w33, w34, b30, b31, b32, b33, b34,
                o0, o1, o2, o3, o4):
    hv = h_ref[...]
    w3s = (w30, w31, w32, w33, w34)
    b3s = (b30, b31, b32, b33, b34)
    outs = (o0, o1, o2, o3, o4)
    for i in range(5):
        z = jnp.maximum(
            jnp.dot(hv, w1_ref[i], preferred_element_type=jnp.float32)
            + b1_ref[i], 0.0)
        z = jnp.maximum(
            jnp.dot(z, w2_ref[i], preferred_element_type=jnp.float32)
            + b2_ref[i], 0.0)
        outs[i][...] = (jnp.dot(z, w3s[i][...],
                                preferred_element_type=jnp.float32)
                        + b3s[i][...])


_heads = pl.pallas_call(
    _heads_body,
    grid=(NN // _BR,),
    in_specs=[
        pl.BlockSpec((_BR, DD), lambda i: (i, 0)),
        pl.BlockSpec((5, DD, MM), lambda i: (0, 0, 0)),
        pl.BlockSpec((5, MM), lambda i: (0, 0)),
        pl.BlockSpec((5, MM, MM // 2), lambda i: (0, 0, 0)),
        pl.BlockSpec((5, MM // 2), lambda i: (0, 0)),
    ] + [pl.BlockSpec((MM // 2, o), lambda i: (0, 0)) for o in OUTS]
      + [pl.BlockSpec((1, o), lambda i: (0, 0)) for o in OUTS],
    out_specs=[pl.BlockSpec((_BR, o), lambda i: (i, 0)) for o in OUTS],
    out_shape=[jax.ShapeDtypeStruct((NN, o), jnp.float32) for o in OUTS],
)


def kernel(x, edge_index, Wl, Wr, bc, gamma, beta, alpha,
           W1, b1, W2, b2, W3, b3):
    src = edge_index[0]
    dst = edge_index[1]
    pad = R_PAD * CH - EE
    src_p = jnp.concatenate(
        [src, jnp.zeros((pad,), jnp.int32)]).reshape(R_PAD, CH)
    pad_dst = NN + (jnp.arange(pad, dtype=jnp.int32) % (N_PAD - NN))
    dst_p = jnp.concatenate([dst, pad_dst]).reshape(R_PAD, CH)

    zeros_deg = jnp.zeros((N_PAD, DEGW), jnp.float32)
    ones_deg = jnp.ones((CH, DEGW), jnp.float32)
    zeros_feat = jnp.zeros((N_PAD, DD), jnp.float32)

    deg_parts = _sc_degree(dst_p, zeros_deg, ones_deg)
    rdeg = _rdeg(deg_parts)

    h = x
    for i in range(5):
        s2 = _sc_segsum(h, src_p, dst_p, zeros_feat).reshape(NC, N_PAD, DD)
        h = _layer_tc(s2[0], s2[1], rdeg, h, Wl[i], Wr[i],
                      bc[i][None], gamma[i][None], beta[i][None],
                      alpha[i][None])

    outs = _heads(h, W1, b1, W2, b2, *W3, *[b[None] for b in b3])
    return tuple(outs)

# --- scband reference (transcript-rebuilt; emitter-appended) ---
"""Pipeline reference for scband-enhanced-gnnmodel-with-mlp-33114197852244 (READ-ONLY COPY).

The authoritative reference and input builder live on the scoring server;
editing this copy changes nothing except your own understanding.
"""

import jax, jax.numpy as jnp
import numpy as np

N = 10000
E = 320000
D = 128
H = 128
M = 256
OUTS = (7, 2, 5, 4, 4)


def setup_inputs(seed: int = 0) -> dict:
    key = jax.random.key(seed)
    ks = jax.random.split(key, 16)
    x = jax.random.normal(ks[0], (N, D), dtype=jnp.float32)
    edge_index = jax.random.randint(ks[1], (2, E), 0, N, dtype=jnp.int32)
    Wl = jax.random.normal(ks[2], (5, D, H), dtype=jnp.float32) * 0.05
    Wr = jax.random.normal(ks[3], (5, D, H), dtype=jnp.float32) * 0.05
    bc = jnp.zeros((5, H), dtype=jnp.float32)
    gamma = jnp.ones((5, H), dtype=jnp.float32)
    beta = jnp.zeros((5, H), dtype=jnp.float32)
    alpha = jnp.ones((5, H), dtype=jnp.float32)
    W1 = jax.random.normal(ks[4], (5, H, M), dtype=jnp.float32) * 0.05
    b1 = jnp.zeros((5, M), dtype=jnp.float32)
    W2 = jax.random.normal(ks[5], (5, M, M // 2), dtype=jnp.float32) * 0.05
    b2 = jnp.zeros((5, M // 2), dtype=jnp.float32)
    W3 = tuple(jax.random.normal(jax.random.fold_in(ks[6], i), (M // 2, o), dtype=jnp.float32) * 0.05 for i, o in enumerate(OUTS))
    b3 = tuple(jnp.zeros((o,), dtype=jnp.float32) for o in OUTS)
    return {"x": x, "edge_index": edge_index, "Wl": Wl, "Wr": Wr, "bc": bc, "gamma": gamma, "beta": beta, "alpha": alpha, "W1": W1, "b1": b1, "W2": W2, "b2": b2, "W3": W3, "b3": b3}


def _sage(h, ei, Wl_i, Wr_i, b_i):
    # PyG SAGEConv with mean aggregation: lin_l(mean_{j->i} x_j) + lin_r(x_i) + bias
    src = ei[0]
    dst = ei[1]
    msg = jnp.take(h, src, axis=0)
    s = jax.ops.segment_sum(msg, dst, num_segments=N)
    deg = jax.ops.segment_sum(jnp.ones((E,), h.dtype), dst, num_segments=N)
    mean = s / jnp.clip(deg, 1.0, None)[:, None]
    return mean @ Wl_i + h @ Wr_i + b_i


def _graphnorm(h, g, b, a):
    # PyG GraphNorm (single graph): (h - alpha*mean) / std * weight + bias
    mu = jnp.mean(h, axis=0)
    out = h - a * mu
    var = jnp.mean(out * out, axis=0)
    return g * out / jnp.sqrt(var + 1e-5) + b


def reference(x, edge_index, Wl, Wr, bc, gamma, beta, alpha, W1, b1, W2, b2, W3, b3):
    h = x
    for i in range(5):
        h = _sage(h, edge_index, Wl[i], Wr[i], bc[i])
        h = _graphnorm(h, gamma[i], beta[i], alpha[i])
        h = jax.nn.relu(h)
        # dropout is identity in eval mode
    outs = []
    for i in range(5):
        z = jax.nn.relu(h @ W1[i] + b1[i])
        z = jax.nn.relu(z @ W2[i] + b2[i])
        outs.append(z @ W3[i] + b3[i])
    return tuple(outs)

if __name__ == "__main__":
    import jax
    _d = setup_inputs()
    print(jax.jit(kernel)(*tuple(_d.values())))

</pallas_src>

<mosaic_0001>
#map = affine_map<(d0, d1) -> (0, 0)>
module attributes {stable_mosaic.version = 14 : i64} {
  func.func @_sc_segsum(%arg0: i32, %arg1: i32, %arg2: memref<10000x128xf32, #tpu.memory_space<hbm>>, %arg3: memref<2560x128xi32, #tpu.memory_space<hbm>>, %arg4: memref<2560x128xi32, #tpu.memory_space<hbm>>, %arg5: memref<10112x128xf32, #tpu.memory_space<hbm>>, %arg6: memref<20224x128xf32, #tpu.memory_space<hbm>>, %arg7: memref<16x128xi32, #tpu.memory_space<vmem>>, %arg8: memref<16x128xi32, #tpu.memory_space<vmem>>, %arg9: memref<128xi32, #tpu.memory_space<vmem>>, %arg10: memref<128xi32, #tpu.memory_space<vmem>>, %arg11: memref<128x128xf32, #tpu.memory_space<vmem>>, %arg12: memref<128x128xf32, #tpu.memory_space<vmem>>, %arg13: memref<10112x128xf32, #tpu.memory_space<vmem_shared>>, %arg14: memref<!tpu.dma_semaphore, #tpu.memory_space<semaphore_mem>>, %arg15: memref<!tpu.dma_semaphore, #tpu.memory_space<semaphore_mem>>, %arg16: memref<!tpu.dma_semaphore, #tpu.memory_space<semaphore_mem>>, %arg17: memref<!tpu.dma_semaphore, #tpu.memory_space<semaphore_mem>>) attributes {dimension_semantics = [#tpu.dimension_semantics<core_parallel>, #tpu.dimension_semantics<subcore_parallel>], iteration_bounds = array<i64: 2, 16>, scalar_prefetch = 0 : i64, scratch_operands = 11 : i64, tpu.core_type = #tpu.core_type<sc_vector_subcore>, window_params = [{transform_indices = #map}, {transform_indices = #map}, {transform_indices = #map}, {transform_indices = #map}, {transform_indices = #map}]} {
    %mul3A = arith.constant 16 : i32
    %mul3A_0 = arith.muli %arg0, %mul3A : i32
    %add3A = arith.addi %mul3A_0, %arg1 : i32
    %mul3A_1 = arith.constant 632 : i32
    %mul3A_2 = arith.muli %arg1, %mul3A_1 : i32
    "tpu.region"() ({
      %run_scoped3A = tpu.sem_alloc : memref<!tpu.dma_semaphore, #tpu.memory_space<semaphore_mem>>
      %dma_start3A = arith.constant 0 : i32
      %dma_start3A_12 = tpu.memref_slice %arg13[%mul3A_2, %dma_start3A] : memref<10112x128xf32, #tpu.memory_space<vmem_shared>> -> memref<632x128xf32, #tpu.memory_space<vmem_shared>>
      %dma_start3A_13 = arith.constant 0 : i32
      %dma_start3A_14 = tpu.memref_slice %arg5[%mul3A_2, %dma_start3A_13] : memref<10112x128xf32, #tpu.memory_space<hbm>> -> memref<632x128xf32, #tpu.memory_space<hbm>>
      tpu.enqueue_dma source(%dma_start3A_14 : memref<632x128xf32, #tpu.memory_space<hbm>>) target(%dma_start3A_12 : memref<632x128xf32, #tpu.memory_space<vmem_shared>>) target_semaphore(%run_scoped3A : memref<!tpu.dma_semaphore, #tpu.memory_space<semaphore_mem>>)
      %dma_wait3A = arith.constant 0 : i32
      %dma_wait3A_15 = tpu.memref_slice %arg13[%mul3A_2, %dma_wait3A] : memref<10112x128xf32, #tpu.memory_space<vmem_shared>> -> memref<632x128xf32, #tpu.memory_space<vmem_shared>>
      %dma_wait3A_16 = arith.constant 0 : i32
      %dma_wait3A_17 = tpu.memref_slice %arg5[%mul3A_2, %dma_wait3A_16] : memref<10112x128xf32, #tpu.memory_space<hbm>> -> memref<632x128xf32, #tpu.memory_space<hbm>>
      tpu.wait_dma2 semaphore(%run_scoped3A : memref<!tpu.dma_semaphore, #tpu.memory_space<semaphore_mem>>) src(%dma_wait3A_17 : memref<632x128xf32, #tpu.memory_space<hbm>>) dst(%dma_wait3A_15 : memref<632x128xf32, #tpu.memory_space<vmem_shared>>)
      tpu.yield
    }) : () -> ()
    %barrier3A = arith.constant 0 : index
    tpu.barrier barrier_id(%barrier3A)
    %scan3A = arith.constant 0 : i32
    %scan3A_3 = arith.constant 0 : i32
    %scan3A_4 = arith.constant 5 : i32
    %scan3A_5 = arith.addi %scan3A_3, %scan3A_4 : i32
    %scan3A_6 = arith.constant 1 : i32
    scf.for %scan3A_12 = %scan3A_3 to %scan3A_5 step %scan3A_6  : i32 {
      %mul3A_13 = arith.constant 80 : i32
      %mul3A_14 = arith.muli %add3A, %mul3A_13 : i32
      %mul3A_15 = arith.constant 16 : i32
      %mul3A_16 = arith.muli %scan3A_12, %mul3A_15 : i32
      %add3A_17 = arith.addi %mul3A_14, %mul3A_16 : i32
      "tpu.region"() ({
        %run_scoped3A = tpu.sem_alloc : memref<!tpu.dma_semaphore, #tpu.memory_space<semaphore_mem>>
        %dma_start3A_192 = arith.constant 0 : i32
        %dma_start3A_193 = tpu.memref_slice %arg3[%add3A_17, %dma_start3A_192] : memref<2560x128xi32, #tpu.memory_space<hbm>> -> memref<16x128xi32, #tpu.memory_space<hbm>>
        %dma_start3A_194 = arith.constant 0 : i32
        %dma_start3A_195 = tpu.memref_slice %arg3[%add3A_17, %dma_start3A_194] : memref<2560x128xi32, #tpu.memory_space<hbm>> -> memref<16x128xi32, #tpu.memory_space<hbm>>
        tpu.enqueue_dma source(%dma_start3A_195 : memref<16x128xi32, #tpu.memory_space<hbm>>) target(%arg7 : memref<16x128xi32, #tpu.memory_space<vmem>>) target_semaphore(%run_scoped3A : memref<!tpu.dma_semaphore, #tpu.memory_space<semaphore_mem>>)
        %dma_wait3A_196 = arith.constant 0 : i32
        %dma_wait3A_197 = tpu.memref_slice %arg3[%add3A_17, %dma_wait3A_196] : memref<2560x128xi32, #tpu.memory_space<hbm>> -> memref<16x128xi32, #tpu.memory_space<hbm>>
        %dma_wait3A_198 = arith.constant 0 : i32
        %dma_wait3A_199 = tpu.memref_slice %arg3[%add3A_17, %dma_wait3A_198] : memref<2560x128xi32, #tpu.memory_space<hbm>> -> memref<16x128xi32, #tpu.memory_space<hbm>>
        tpu.wait_dma2 semaphore(%run_scoped3A : memref<!tpu.dma_semaphore, #tpu.memory_space<semaphore_mem>>) src(%dma_wait3A_199 : memref<16x128xi32, #tpu.memory_space<hbm>>) dst(%arg7 : memref<16x128xi32, #tpu.memory_space<vmem>>)
        tpu.yield
      }) : () -> ()
      "tpu.region"() ({
        %run_scoped3A = tpu.sem_alloc : memref<!tpu.dma_semaphore, #tpu.memory_space<semaphore_mem>>
        %dma_start3A_192 = arith.constant 0 : i32
        %dma_start3A_193 = tpu.memref_slice %arg4[%add3A_17, %dma_start3A_192] : memref<2560x128xi32, #tpu.memory_space<hbm>> -> memref<16x128xi32, #tpu.memory_space<hbm>>
        %dma_start3A_194 = arith.constant 0 : i32
        %dma_start3A_195 = tpu.memref_slice %arg4[%add3A_17, %dma_start3A_194] : memref<2560x128xi32, #tpu.memory_space<hbm>> -> memref<16x128xi32, #tpu.memory_space<hbm>>
        tpu.enqueue_dma source(%dma_start3A_195 : memref<16x128xi32, #tpu.memory_space<hbm>>) target(%arg8 : memref<16x128xi32, #tpu.memory_space<vmem>>) target_semaphore(%run_scoped3A : memref<!tpu.dma_semaphore, #tpu.memory_space<semaphore_mem>>)
        %dma_wait3A_196 = arith.constant 0 : i32
        %dma_wait3A_197 = tpu.memref_slice %arg4[%add3A_17, %dma_wait3A_196] : memref<2560x128xi32, #tpu.memory_space<hbm>> -> memref<16x128xi32, #tpu.memory_space<hbm>>
        %dma_wait3A_198 = arith.constant 0 : i32
        %dma_wait3A_199 = tpu.memref_slice %arg4[%add3A_17, %dma_wait3A_198] : memref<2560x128xi32, #tpu.memory_space<hbm>> -> memref<16x128xi32, #tpu.memory_space<hbm>>
        tpu.wait_dma2 semaphore(%run_scoped3A : memref<!tpu.dma_semaphore, #tpu.memory_space<semaphore_mem>>) src(%dma_wait3A_199 : memref<16x128xi32, #tpu.memory_space<hbm>>) dst(%arg8 : memref<16x128xi32, #tpu.memory_space<vmem>>)
        tpu.yield
      }) : () -> ()
      %dma_start3A = arith.constant 0 : i32
      %dma_start3A_18 = arith.constant 0 : i32
      %dma_start3A_19 = tpu.memref_slice %arg7[%dma_start3A, %dma_start3A_18] : memref<16x128xi32, #tpu.memory_space<vmem>> -> memref<1x128xi32, #tpu.memory_space<vmem>>
      %dma_start3A_20 = tpu.memref_squeeze %dma_start3A_19 : memref<1x128xi32, #tpu.memory_space<vmem>> -> memref<128xi32, #tpu.memory_space<vmem>>
      %dma_start3A_21 = arith.constant 0 : i32
      %dma_start3A_22 = arith.constant 0 : i32
      %dma_start3A_23 = tpu.memref_slice %arg2[%dma_start3A_21, %dma_start3A_22] : memref<10000x128xf32, #tpu.memory_space<hbm>> -> memref<10000x128xf32, #tpu.memory_space<hbm>>
      tpu.enqueue_indirect_dma source(%dma_start3A_23 : memref<10000x128xf32, #tpu.memory_space<hbm>>) target(%arg11 : memref<128x128xf32, #tpu.memory_space<vmem>>) offsets(%dma_start3A_20 : memref<128xi32, #tpu.memory_space<vmem>>) semaphore(%arg14 : memref<!tpu.dma_semaphore, #tpu.memory_space<semaphore_mem>>)
      %dma_start3A_24 = arith.constant 1 : i32
      %dma_start3A_25 = arith.constant 0 : i32
      %dma_start3A_26 = tpu.memref_slice %arg7[%dma_start3A_24, %dma_start3A_25] : memref<16x128xi32, #tpu.memory_space<vmem>> -> memref<1x128xi32, #tpu.memory_space<vmem>>
      %dma_start3A_27 = tpu.memref_squeeze %dma_start3A_26 : memref<1x128xi32, #tpu.memory_space<vmem>> -> memref<128xi32, #tpu.memory_space<vmem>>
      %dma_start3A_28 = arith.constant 0 : i32
      %dma_start3A_29 = arith.constant 0 : i32
      %dma_start3A_30 = tpu.memref_slice %arg2[%dma_start3A_28, %dma_start3A_29] : memref<10000x128xf32, #tpu.memory_space<hbm>> -> memref<10000x128xf32, #tpu.memory_space<hbm>>
      tpu.enqueue_indirect_dma source(%dma_start3A_30 : memref<10000x128xf32, #tpu.memory_space<hbm>>) target(%arg12 : memref<128x128xf32, #tpu.memory_space<vmem>>) offsets(%dma_start3A_27 : memref<128xi32, #tpu.memory_space<vmem>>) semaphore(%arg15 : memref<!tpu.dma_semaphore, #tpu.memory_space<semaphore_mem>>)
      %scan3A_31 = arith.constant 0 : i32
      %scan3A_32 = arith.constant 0 : i32
      %scan3A_33 = arith.constant 7 : i32
      %scan3A_34 = arith.addi %scan3A_32, %scan3A_33 : i32
      %scan3A_35 = arith.constant 1 : i32
      scf.for %scan3A_192 = %scan3A_32 to %scan3A_34 step %scan3A_35  : i32 {
        %mul3A_193 = arith.constant 2 : i32
        %mul3A_194 = arith.muli %mul3A_193, %scan3A_192 : i32
        %dma_wait3A_195 = arith.constant 0 : i32
        %dma_wait3A_196 = tpu.memref_slice %arg7[%mul3A_194, %dma_wait3A_195] : memref<16x128xi32, #tpu.memory_space<vmem>> -> memref<1x128xi32, #tpu.memory_space<vmem>>
        %dma_wait3A_197 = tpu.memref_squeeze %dma_wait3A_196 : memref<1x128xi32, #tpu.memory_space<vmem>> -> memref<128xi32, #tpu.memory_space<vmem>>
        %dma_wait3A_198 = arith.constant 0 : i32
        %dma_wait3A_199 = arith.constant 0 : i32
        %dma_wait3A_200 = tpu.memref_slice %arg2[%dma_wait3A_198, %dma_wait3A_199] : memref<10000x128xf32, #tpu.memory_space<hbm>> -> memref<10000x128xf32, #tpu.memory_space<hbm>>
        tpu.wait_indirect_dma semaphore(%arg14 : memref<!tpu.dma_semaphore, #tpu.memory_space<semaphore_mem>>) src(%dma_wait3A_200 : memref<10000x128xf32, #tpu.memory_space<hbm>>) dst(%arg11 : memref<128x128xf32, #tpu.memory_space<vmem>>)
        %get3A_201 = arith.index_cast %mul3A_194 : i32 to index
        %get3A_202 = arith.constant 0 : index
        %get3A_203 = tpu.vector_load %arg8[%get3A_201, %get3A_202] {strides = array<i32>} : memref<16x128xi32, #tpu.memory_space<vmem>>, vector<1x16xi32>,
        %get3A_204 = vector.shape_cast %get3A_203 : vector<1x16xi32> to vector<16xi32>
        %swap3A_205 = arith.constant 0 : index
        %swap3A_206 = tpu.vector_load %arg9[%swap3A_205] {strides = array<i32>} : memref<128xi32, #tpu.memory_space<vmem>>, vector<16xi32>,
        %swap3A_207 = vector.shape_cast %swap3A_206 : vector<16xi32> to vector<16xi32>
        %swap3A_208 = vector.shape_cast %get3A_204 : vector<16xi32> to vector<16xi32>
        tpu.vector_store %arg9[%swap3A_205], %swap3A_208 {strides = array<i32>} : memref<128xi32, #tpu.memory_space<vmem>>, vector<16xi32>,
        %get3A_209 = arith.index_cast %mul3A_194 : i32 to index
        %get3A_210 = arith.constant 16 : index
        %get3A_211 = tpu.vector_load %arg8[%get3A_209, %get3A_210] {strides = array<i32>} : memref<16x128xi32, #tpu.memory_space<vmem>>, vector<1x16xi32>,
        %get3A_212 = vector.shape_cast %get3A_211 : vector<1x16xi32> to vector<16xi32>
        %swap3A_213 = arith.constant 16 : index
        %swap3A_214 = tpu.vector_load %arg9[%swap3A_213] {strides = array<i32>} : memref<128xi32, #tpu.memory_space<vmem>>, vector<16xi32>,
        %swap3A_215 = vector.shape_cast %swap3A_214 : vector<16xi32> to vector<16xi32>
        %swap3A_216 = vector.shape_cast %get3A_212 : vector<16xi32> to vector<16xi32>
        tpu.vector_store %arg9[%swap3A_213], %swap3A_216 {strides = array<i32>} : memref<128xi32, #tpu.memory_space<vmem>>, vector<16xi32>,
        %get3A_217 = arith.index_cast %mul3A_194 : i32 to index
        %get3A_218 = arith.constant 32 : index
        %get3A_219 = tpu.vector_load %arg8[%get3A_217, %get3A_218] {strides = array<i32>} : memref<16x128xi32, #tpu.memory_space<vmem>>, vector<1x16xi32>,
        %get3A_220 = vector.shape_cast %get3A_219 : vector<1x16xi32> to vector<16xi32>
        %swap3A_221 = arith.constant 32 : index
        %swap3A_222 = tpu.vector_load %arg9[%swap3A_221] {strides = array<i32>} : memref<128xi32, #tpu.memory_space<vmem>>, vector<16xi32>,
        %swap3A_223 = vector.shape_cast %swap3A_222 : vector<16xi32> to vector<16xi32>
        %swap3A_224 = vector.shape_cast %get3A_220 : vector<16xi32> to vector<16xi32>
        tpu.vector_store %arg9[%swap3A_221], %swap3A_224 {strides = array<i32>} : memref<128xi32, #tpu.memory_space<vmem>>, vector<16xi32>,
        %get3A_225 = arith.index_cast %mul3A_194 : i32 to index
        %get3A_226 = arith.constant 48 : index
        %get3A_227 = tpu.vector_load %arg8[%get3A_225, %get3A_226] {strides = array<i32>} : memref<16x128xi32, #tpu.memory_space<vmem>>, vector<1x16xi32>,
        %get3A_228 = vector.shape_cast %get3A_227 : vector<1x16xi32> to vector<16xi32>
        %swap3A_229 = arith.constant 48 : index
        %swap3A_230 = tpu.vector_load %arg9[%swap3A_229] {strides = array<i32>} : memref<128xi32, #tpu.memory_space<vmem>>, vector<16xi32>,
        %swap3A_231 = vector.shape_cast %swap3A_230 : vector<16xi32> to vector<16xi32>
        %swap3A_232 = vector.shape_cast %get3A_228 : vector<16xi32> to vector<16xi32>
        tpu.vector_store %arg9[%swap3A_229], %swap3A_232 {strides = array<i32>} : memref<128xi32, #tpu.memory_space<vmem>>, vector<16xi32>,
        %get3A_233 = arith.index_cast %mul3A_194 : i32 to index
        %get3A_234 = arith.constant 64 : index
        %get3A_235 = tpu.vector_load %arg8[%get3A_233, %get3A_234] {strides = array<i32>} : memref<16x128xi32, #tpu.memory_space<vmem>>, vector<1x16xi32>,
        %get3A_236 = vector.shape_cast %get3A_235 : vector<1x16xi32> to vector<16xi32>
        %swap3A_237 = arith.constant 64 : index
        %swap3A_238 = tpu.vector_load %arg9[%swap3A_237] {strides = array<i32>} : memref<128xi32, #tpu.memory_space<vmem>>, vector<16xi32>,
        %swap3A_239 = vector.shape_cast %swap3A_238 : vector<16xi32> to vector<16xi32>
        %swap3A_240 = vector.shape_cast %get3A_236 : vector<16xi32> to vector<16xi32>
        tpu.vector_store %arg9[%swap3A_237], %swap3A_240 {strides = array<i32>} : memref<128xi32, #tpu.memory_space<vmem>>, vector<16xi32>,
        %get3A_241 = arith.index_cast %mul3A_194 : i32 to index
        %get3A_242 = arith.constant 80 : index
        %get3A_243 = tpu.vector_load %arg8[%get3A_241, %get3A_242] {strides = array<i32>} : memref<16x128xi32, #tpu.memory_space<vmem>>, vector<1x16xi32>,
        %get3A_244 = vector.shape_cast %get3A_243 : vector<1x16xi32> to vector<16xi32>
        %swap3A_245 = arith.constant 80 : index
        %swap3A_246 = tpu.vector_load %arg9[%swap3A_245] {strides = array<i32>} : memref<128xi32, #tpu.memory_space<vmem>>, vector<16xi32>,
        %swap3A_247 = vector.shape_cast %swap3A_246 : vector<16xi32> to vector<16xi32>
        %swap3A_248 = vector.shape_cast %get3A_244 : vector<16xi32> to vector<16xi32>
        tpu.vector_store %arg9[%swap3A_245], %swap3A_248 {strides = array<i32>} : memref<128xi32, #tpu.memory_space<vmem>>, vector<16xi32>,
        %get3A_249 = arith.index_cast %mul3A_194 : i32 to index
        %get3A_250 = arith.constant 96 : index
        %get3A_251 = tpu.vector_load %arg8[%get3A_249, %get3A_250] {strides = array<i32>} : memref<16x128xi32, #tpu.memory_space<vmem>>, vector<1x16xi32>,
        %get3A_252 = vector.shape_cast %get3A_251 : vector<1x16xi32> to vector<16xi32>
        %swap3A_253 = arith.constant 96 : index
        %swap3A_254 = tpu.vector_load %arg9[%swap3A_253] {strides = array<i32>} : memref<128xi32, #tpu.memory_space<vmem>>, vector<16xi32>,
        %swap3A_255 = vector.shape_cast %swap3A_254 : vector<16xi32> to vector<16xi32>
        %swap3A_256 = vector.shape_cast %get3A_252 : vector<16xi32> to vector<16xi32>
        tpu.vector_store %arg9[%swap3A_253], %swap3A_256 {strides = array<i32>} : memref<128xi32, #tpu.memory_space<vmem>>, vector<16xi32>,
        %get3A_257 = arith.index_cast %mul3A_194 : i32 to index
        %get3A_258 = arith.constant 112 : index
        %get3A_259 = tpu.vector_load %arg8[%get3A_257, %get3A_258] {strides = array<i32>} : memref<16x128xi32, #tpu.memory_space<vmem>>, vector<1x16xi32>,
        %get3A_260 = vector.shape_cast %get3A_259 : vector<1x16xi32> to vector<16xi32>
        %swap3A_261 = arith.constant 112 : index
        %swap3A_262 = tpu.vector_load %arg9[%swap3A_261] {strides = array<i32>} : memref<128xi32, #tpu.memory_space<vmem>>, vector<16xi32>,
        %swap3A_263 = vector.shape_cast %swap3A_262 : vector<16xi32> to vector<16xi32>
        %swap3A_264 = vector.shape_cast %get3A_260 : vector<16xi32> to vector<16xi32>
        tpu.vector_store %arg9[%swap3A_261], %swap3A_264 {strides = array<i32>} : memref<128xi32, #tpu.memory_space<vmem>>, vector<16xi32>,
        "tpu.region"() ({
          %run_scoped3A = tpu.sem_alloc : memref<!tpu.dma_semaphore, #tpu.memory_space<semaphore_mem>>
          %dma_start3A_355 = arith.constant 0 : i32
          %dma_start3A_356 = arith.constant 0 : i32
          %dma_start3A_357 = tpu.memref_slice %arg13[%dma_start3A_355, %dma_start3A_356] : memref<10112x128xf32, #tpu.memory_space<vmem_shared>> -> memref<10112x128xf32, #tpu.memory_space<vmem_shared>>
          tpu.enqueue_indirect_dma source(%arg11 : memref<128x128xf32, #tpu.memory_space<vmem>>) target(%dma_start3A_357 : memref<10112x128xf32, #tpu.memory_space<vmem_shared>>) offsets(%arg9 : memref<128xi32, #tpu.memory_space<vmem>>) semaphore(%run_scoped3A : memref<!tpu.dma_semaphore, #tpu.memory_space<semaphore_mem>>) {add = true}
          %dma_wait3A_358 = arith.constant 0 : i32
          %dma_wait3A_359 = arith.constant 0 : i32
          %dma_wait3A_360 = tpu.memref_slice %arg13[%dma_wait3A_358, %dma_wait3A_359] : memref<10112x128xf32, #tpu.memory_space<vmem_shared>> -> memref<10112x128xf32, #tpu.memory_space<vmem_shared>>
          tpu.wait_indirect_dma semaphore(%run_scoped3A : memref<!tpu.dma_semaphore, #tpu.memory_space<semaphore_mem>>) src(%arg11 : memref<128x128xf32, #tpu.memory_space<vmem>>) dst(%dma_wait3A_360 : memref<10112x128xf32, #tpu.memory_space<vmem_shared>>)
          tpu.yield
        }) : () -> ()
        %add3A_265 = arith.constant 2 : i32
        %add3A_266 = arith.addi %mul3A_194, %add3A_265 : i32
        %dma_start3A_267 = arith.constant 0 : i32
        %dma_start3A_268 = tpu.memref_slice %arg7[%add3A_266, %dma_start3A_267] : memref<16x128xi32, #tpu.memory_space<vmem>> -> memref<1x128xi32, #tpu.memory_space<vmem>>
        %dma_start3A_269 = tpu.memref_squeeze %dma_start3A_268 : memref<1x128xi32, #tpu.memory_space<vmem>> -> memref<128xi32, #tpu.memory_space<vmem>>
        %dma_start3A_270 = arith.constant 0 : i32
        %dma_start3A_271 = arith.constant 0 : i32
        %dma_start3A_272 = tpu.memref_slice %arg2[%dma_start3A_270, %dma_start3A_271] : memref<10000x128xf32, #tpu.memory_space<hbm>> -> memref<10000x128xf32, #tpu.memory_space<hbm>>
        tpu.enqueue_indirect_dma source(%dma_start3A_272 : memref<10000x128xf32, #tpu.memory_space<hbm>>) target(%arg11 : memref<128x128xf32, #tpu.memory_space<vmem>>) offsets(%dma_start3A_269 : memref<128xi32, #tpu.memory_space<vmem>>) semaphore(%arg14 : memref<!tpu.dma_semaphore, #tpu.memory_space<semaphore_mem>>)
        %add3A_273 = arith.constant 1 : i32
        %add3A_274 = arith.addi %mul3A_194, %add3A_273 : i32
        %dma_wait3A_275 = arith.constant 0 : i32
        %dma_wait3A_276 = tpu.memref_slice %arg7[%add3A_274, %dma_wait3A_275] : memref<16x128xi32, #tpu.memory_space<vmem>> -> memref<1x128xi32, #tpu.memory_space<vmem>>
        %dma_wait3A_277 = tpu.memref_squeeze %dma_wait3A_276 : memref<1x128xi32, #tpu.memory_space<vmem>> -> memref<128xi32, #tpu.memory_space<vmem>>
        %dma_wait3A_278 = arith.constant 0 : i32
        %dma_wait3A_279 = arith.constant 0 : i32
        %dma_wait3A_280 = tpu.memref_slice %arg2[%dma_wait3A_278, %dma_wait3A_279] : memref<10000x128xf32, #tpu.memory_space<hbm>> -> memref<10000x128xf32, #tpu.memory_space<hbm>>
        tpu.wait_indirect_dma semaphore(%arg15 : memref<!tpu.dma_semaphore, #tpu.memory_space<semaphore_mem>>) src(%dma_wait3A_280 : memref<10000x128xf32, #tpu.memory_space<hbm>>) dst(%arg12 : memref<128x128xf32, #tpu.memory_space<vmem>>)
        %add3A_281 = arith.constant 1 : i32
        %add3A_282 = arith.addi %mul3A_194, %add3A_281 : i32
        %get3A_283 = arith.index_cast %add3A_282 : i32 to index
        %get3A_284 = arith.constant 0 : index
        %get3A_285 = tpu.vector_load %arg8[%get3A_283, %get3A_284] {strides = array<i32>} : memref<16x128xi32, #tpu.memory_space<vmem>>, vector<1x16xi32>,
        %get3A_286 = vector.shape_cast %get3A_285 : vector<1x16xi32> to vector<16xi32>
        %swap3A_287 = arith.constant 0 : index
        %swap3A_288 = tpu.vector_load %arg10[%swap3A_287] {strides = array<i32>} : memref<128xi32, #tpu.memory_space<vmem>>, vector<16xi32>,
        %swap3A_289 = vector.shape_cast %swap3A_288 : vector<16xi32> to vector<16xi32>
        %swap3A_290 = vector.shape_cast %get3A_286 : vector<16xi32> to vector<16xi32>
        tpu.vector_store %arg10[%swap3A_287], %swap3A_290 {strides = array<i32>} : memref<128xi32, #tpu.memory_space<vmem>>, vector<16xi32>,
        %get3A_291 = arith.index_cast %add3A_282 : i32 to index
        %get3A_292 = arith.constant 16 : index
        %get3A_293 = tpu.vector_load %arg8[%get3A_291, %get3A_292] {strides = array<i32>} : memref<16x128xi32, #tpu.memory_space<vmem>>, vector<1x16xi32>,
        %get3A_294 = vector.shape_cast %get3A_293 : vector<1x16xi32> to vector<16xi32>
        %swap3A_295 = arith.constant 16 : index
        %swap3A_296 = tpu.vector_load %arg10[%swap3A_295] {strides = array<i32>} : memref<128xi32, #tpu.memory_space<vmem>>, vector<16xi32>,
        %swap3A_297 = vector.shape_cast %swap3A_296 : vector<16xi32> to vector<16xi32>
        %swap3A_298 = vector.shape_cast %get3A_294 : vector<16xi32> to vector<16xi32>
        tpu.vector_store %arg10[%swap3A_295], %swap3A_298 {strides = array<i32>} : memref<128xi32, #tpu.memory_space<vmem>>, vector<16xi32>,
        %get3A_299 = arith.index_cast %add3A_282 : i32 to index
        %get3A_300 = arith.constant 32 : index
        %get3A_301 = tpu.vector_load %arg8[%get3A_299, %get3A_300] {strides = array<i32>} : memref<16x128xi32, #tpu.memory_space<vmem>>, vector<1x16xi32>,
        %get3A_302 = vector.shape_cast %get3A_301 : vector<1x16xi32> to vector<16xi32>
        %swap3A_303 = arith.constant 32 : index
        %swap3A_304 = tpu.vector_load %arg10[%swap3A_303] {strides = array<i32>} : memref<128xi32, #tpu.memory_space<vmem>>, vector<16xi32>,
        %swap3A_305 = vector.shape_cast %swap3A_304 : vector<16xi32> to vector<16xi32>
        %swap3A_306 = vector.shape_cast %get3A_302 : vector<16xi32> to vector<16xi32>
        tpu.vector_store %arg10[%swap3A_303], %swap3A_306 {strides = array<i32>} : memref<128xi32, #tpu.memory_space<vmem>>, vector<16xi32>,
        %get3A_307 = arith.index_cast %add3A_282 : i32 to index
        %get3A_308 = arith.constant 48 : index
        %get3A_309 = tpu.vector_load %arg8[%get3A_307, %get3A_308] {strides = array<i32>} : memref<16x128xi32, #tpu.memory_space<vmem>>, vector<1x16xi32>,
        %get3A_310 = vector.shape_cast %get3A_309 : vector<1x16xi32> to vector<16xi32>
        %swap3A_311 = arith.constant 48 : index
        %swap3A_312 = tpu.vector_load %arg10[%swap3A_311] {strides = array<i32>} : memref<128xi32, #tpu.memory_space<vmem>>, vector<16xi32>,
        %swap3A_313 = vector.shape_cast %swap3A_312 : vector<16xi32> to vector<16xi32>
        %swap3A_314 = vector.shape_cast %get3A_310 : vector<16xi32> to vector<16xi32>
        tpu.vector_store %arg10[%swap3A_311], %swap3A_314 {strides = array<i32>} : memref<128xi32, #tpu.memory_space<vmem>>, vector<16xi32>,
        %get3A_315 = arith.index_cast %add3A_282 : i32 to index
        %get3A_316 = arith.constant 64 : index
        %get3A_317 = tpu.vector_load %arg8[%get3A_315, %get3A_316] {strides = array<i32>} : memref<16x128xi32, #tpu.memory_space<vmem>>, vector<1x16xi32>,
        %get3A_318 = vector.shape_cast %get3A_317 : vector<1x16xi32> to vector<16xi32>
        %swap3A_319 = arith.constant 64 : index
        %swap3A_320 = tpu.vector_load %arg10[%swap3A_319] {strides = array<i32>} : memref<128xi32, #tpu.memory_space<vmem>>, vector<16xi32>,
        %swap3A_321 = vector.shape_cast %swap3A_320 : vector<16xi32> to vector<16xi32>
        %swap3A_322 = vector.shape_cast %get3A_318 : vector<16xi32> to vector<16xi32>
        tpu.vector_store %arg10[%swap3A_319], %swap3A_322 {strides = array<i32>} : memref<128xi32, #tpu.memory_space<vmem>>, vector<16xi32>,
        %get3A_323 = arith.index_cast %add3A_282 : i32 to index
        %get3A_324 = arith.constant 80 : index
        %get3A_325 = tpu.vector_load %arg8[%get3A_323, %get3A_324] {strides = array<i32>} : memref<16x128xi32, #tpu.memory_space<vmem>>, vector<1x16xi32>,
        %get3A_326 = vector.shape_cast %get3A_325 : vector<1x16xi32> to vector<16xi32>
        %swap3A_327 = arith.constant 80 : index
        %swap3A_328 = tpu.vector_load %arg10[%swap3A_327] {strides = array<i32>} : memref<128xi32, #tpu.memory_space<vmem>>, vector<16xi32>,
        %swap3A_329 = vector.shape_cast %swap3A_328 : vector<16xi32> to vector<16xi32>
        %swap3A_330 = vector.shape_cast %get3A_326 : vector<16xi32> to vector<16xi32>
        tpu.vector_store %arg10[%swap3A_327], %swap3A_330 {strides = array<i32>} : memref<128xi32, #tpu.memory_space<vmem>>, vector<16xi32>,
        %get3A_331 = arith.index_cast %add3A_282 : i32 to index
        %get3A_332 = arith.constant 96 : index
        %get3A_333 = tpu.vector_load %arg8[%get3A_331, %get3A_332] {strides = array<i32>} : memref<16x128xi32, #tpu.memory_space<vmem>>, vector<1x16xi32>,
        %get3A_334 = vector.shape_cast %get3A_333 : vector<1x16xi32> to vector<16xi32>
        %swap3A_335 = arith.constant 96 : index
        %swap3A_336 = tpu.vector_load %arg10[%swap3A_335] {strides = array<i32>} : memref<128xi32, #tpu.memory_space<vmem>>, vector<16xi32>,
        %swap3A_337 = vector.shape_cast %swap3A_336 : vector<16xi32> to vector<16xi32>
        %swap3A_338 = vector.shape_cast %get3A_334 : vector<16xi32> to vector<16xi32>
        tpu.vector_store %arg10[%swap3A_335], %swap3A_338 {strides = array<i32>} : memref<128xi32, #tpu.memory_space<vmem>>, vector<16xi32>,
        %get3A_339 = arith.index_cast %add3A_282 : i32 to index
        %get3A_340 = arith.constant 112 : index
        %get3A_341 = tpu.vector_load %arg8[%get3A_339, %get3A_340] {strides = array<i32>} : memref<16x128xi32, #tpu.memory_space<vmem>>, vector<1x16xi32>,
        %get3A_342 = vector.shape_cast %get3A_341 : vector<1x16xi32> to vector<16xi32>
        %swap3A_343 = arith.constant 112 : index
        %swap3A_344 = tpu.vector_load %arg10[%swap3A_343] {strides = array<i32>} : memref<128xi32, #tpu.memory_space<vmem>>, vector<16xi32>,
        %swap3A_345 = vector.shape_cast %swap3A_344 : vector<16xi32> to vector<16xi32>
        %swap3A_346 = vector.shape_cast %get3A_342 : vector<16xi32> to vector<16xi32>
        tpu.vector_store %arg10[%swap3A_343], %swap3A_346 {strides = array<i32>} : memref<128xi32, #tpu.memory_space<vmem>>, vector<16xi32>,
        "tpu.region"() ({
          %run_scoped3A = tpu.sem_alloc : memref<!tpu.dma_semaphore, #tpu.memory_space<semaphore_mem>>
          %dma_start3A_355 = arith.constant 0 : i32
          %dma_start3A_356 = arith.constant 0 : i32
          %dma_start3A_357 = tpu.memref_slice %arg13[%dma_start3A_355, %dma_start3A_356] : memref<10112x128xf32, #tpu.memory_space<vmem_shared>> -> memref<10112x128xf32, #tpu.memory_space<vmem_shared>>
          tpu.enqueue_indirect_dma source(%arg12 : memref<128x128xf32, #tpu.memory_space<vmem>>) target(%dma_start3A_357 : memref<10112x128xf32, #tpu.memory_space<vmem_shared>>) offsets(%arg10 : memref<128xi32, #tpu.memory_space<vmem>>) semaphore(%run_scoped3A : memref<!tpu.dma_semaphore, #tpu.memory_space<semaphore_mem>>) {add = true}
          %dma_wait3A_358 = arith.constant 0 : i32
          %dma_wait3A_359 = arith.constant 0 : i32
          %dma_wait3A_360 = tpu.memref_slice %arg13[%dma_wait3A_358, %dma_wait3A_359] : memref<10112x128xf32, #tpu.memory_space<vmem_shared>> -> memref<10112x128xf32, #tpu.memory_space<vmem_shared>>
          tpu.wait_indirect_dma semaphore(%run_scoped3A : memref<!tpu.dma_semaphore, #tpu.memory_space<semaphore_mem>>) src(%arg12 : memref<128x128xf32, #tpu.memory_space<vmem>>) dst(%dma_wait3A_360 : memref<10112x128xf32, #tpu.memory_space<vmem_shared>>)
          tpu.yield
        }) : () -> ()
        %add3A_347 = arith.constant 3 : i32
        %add3A_348 = arith.addi %mul3A_194, %add3A_347 : i32
        %dma_start3A_349 = arith.constant 0 : i32
        %dma_start3A_350 = tpu.memref_slice %arg7[%add3A_348, %dma_start3A_349] : memref<16x128xi32, #tpu.memory_space<vmem>> -> memref<1x128xi32, #tpu.memory_space<vmem>>
        %dma_start3A_351 = tpu.memref_squeeze %dma_start3A_350 : memref<1x128xi32, #tpu.memory_space<vmem>> -> memref<128xi32, #tpu.memory_space<vmem>>
        %dma_start3A_352 = arith.constant 0 : i32
        %dma_start3A_353 = arith.constant 0 : i32
        %dma_start3A_354 = tpu.memref_slice %arg2[%dma_start3A_352, %dma_start3A_353] : memref<10000x128xf32, #tpu.memory_space<hbm>> -> memref<10000x128xf32, #tpu.memory_space<hbm>>
        tpu.enqueue_indirect_dma source(%dma_start3A_354 : memref<10000x128xf32, #tpu.memory_space<hbm>>) target(%arg12 : memref<128x128xf32, #tpu.memory_space<vmem>>) offsets(%dma_start3A_351 : memref<128xi32, #tpu.memory_space<vmem>>) semaphore(%arg15 : memref<!tpu.dma_semaphore, #tpu.memory_space<semaphore_mem>>)
      }
      %scan3A_36 = arith.constant 7 : i32
      %dma_wait3A = arith.constant 14 : i32
      %dma_wait3A_37 = arith.constant 0 : i32
      %dma_wait3A_38 = tpu.memref_slice %arg7[%dma_wait3A, %dma_wait3A_37] : memref<16x128xi32, #tpu.memory_space<vmem>> -> memref<1x128xi32, #tpu.memory_space<vmem>>
      %dma_wait3A_39 = tpu.memref_squeeze %dma_wait3A_38 : memref<1x128xi32, #tpu.memory_space<vmem>> -> memref<128xi32, #tpu.memory_space<vmem>>
      %dma_wait3A_40 = arith.constant 0 : i32
      %dma_wait3A_41 = arith.constant 0 : i32
      %dma_wait3A_42 = tpu.memref_slice %arg2[%dma_wait3A_40, %dma_wait3A_41] : memref<10000x128xf32, #tpu.memory_space<hbm>> -> memref<10000x128xf32, #tpu.memory_space<hbm>>
      tpu.wait_indirect_dma semaphore(%arg14 : memref<!tpu.dma_semaphore, #tpu.memory_space<semaphore_mem>>) src(%dma_wait3A_42 : memref<10000x128xf32, #tpu.memory_space<hbm>>) dst(%arg11 : memref<128x128xf32, #tpu.memory_space<vmem>>)
      %get3A = arith.constant 14 : i32
      %get3A_43 = arith.index_cast %get3A : i32 to index
      %get3A_44 = arith.constant 0 : index
      %get3A_45 = tpu.vector_load %arg8[%get3A_43, %get3A_44] {strides = array<i32>} : memref<16x128xi32, #tpu.memory_space<vmem>>, vector<1x16xi32>,
      %get3A_46 = vector.shape_cast %get3A_45 : vector<1x16xi32> to vector<16xi32>
      %swap3A = arith.constant 0 : index
      %swap3A_47 = tpu.vector_load %arg9[%swap3A] {strides = array<i32>} : memref<128xi32, #tpu.memory_space<vmem>>, vector<16xi32>,
      %swap3A_48 = vector.shape_cast %swap3A_47 : vector<16xi32> to vector<16xi32>
      %swap3A_49 = vector.shape_cast %get3A_46 : vector<16xi32> to vector<16xi32>
      tpu.vector_store %arg9[%swap3A], %swap3A_49 {strides = array<i32>} : memref<128xi32, #tpu.memory_space<vmem>>, vector<16xi32>,
      %get3A_50 = arith.constant 14 : i32
      %get3A_51 = arith.index_cast %get3A_50 : i32 to index
      %get3A_52 = arith.constant 16 : index
      %get3A_53 = tpu.vector_load %arg8[%get3A_51, %get3A_52] {strides = array<i32>} : memref<16x128xi32, #tpu.memory_space<vmem>>, vector<1x16xi32>,
      %get3A_54 = vector.shape_cast %get3A_53 : vector<1x16xi32> to vector<16xi32>
      %swap3A_55 = arith.constant 16 : index
      %swap3A_56 = tpu.vector_load %arg9[%swap3A_55] {strides = array<i32>} : memref<128xi32, #tpu.memory_space<vmem>>, vector<16xi32>,
      %swap3A_57 = vector.shape_cast %swap3A_56 : vector<16xi32> to vector<16xi32>
      %swap3A_58 = vector.shape_cast %get3A_54 : vector<16xi32> to vector<16xi32>
      tpu.vector_store %arg9[%swap3A_55], %swap3A_58 {strides = array<i32>} : memref<128xi32, #tpu.memory_space<vmem>>, vector<16xi32>,
      %get3A_59 = arith.constant 14 : i32
      %get3A_60 = arith.index_cast %get3A_59 : i32 to index
      %get3A_61 = arith.constant 32 : index
      %get3A_62 = tpu.vector_load %arg8[%get3A_60, %get3A_61] {strides = array<i32>} : memref<16x128xi32, #tpu.memory_space<vmem>>, vector<1x16xi32>,
      %get3A_63 = vector.shape_cast %get3A_62 : vector<1x16xi32> to vector<16xi32>
      %swap3A_64 = arith.constant 32 : index
      %swap3A_65 = tpu.vector_load %arg9[%swap3A_64] {strides = array<i32>} : memref<128xi32, #tpu.memory_space<vmem>>, vector<16xi32>,
      %swap3A_66 = vector.shape_cast %swap3A_65 : vector<16xi32> to vector<16xi32>
      %swap3A_67 = vector.shape_cast %get3A_63 : vector<16xi32> to vector<16xi32>
      tpu.vector_store %arg9[%swap3A_64], %swap3A_67 {strides = array<i32>} : memref<128xi32, #tpu.memory_space<vmem>>, vector<16xi32>,
      %get3A_68 = arith.constant 14 : i32
      %get3A_69 = arith.index_cast %get3A_68 : i32 to index
      %get3A_70 = arith.constant 48 : index
      %get3A_71 = tpu.vector_load %arg8[%get3A_69, %get3A_70] {strides = array<i32>} : memref<16x128xi32, #tpu.memory_space<vmem>>, vector<1x16xi32>,
      %get3A_72 = vector.shape_cast %get3A_71 : vector<1x16xi32> to vector<16xi32>
      %swap3A_73 = arith.constant 48 : index
      %swap3A_74 = tpu.vector_load %arg9[%swap3A_73] {strides = array<i32>} : memref<128xi32, #tpu.memory_space<vmem>>, vector<16xi32>,
      %swap3A_75 = vector.shape_cast %swap3A_74 : vector<16xi32> to vector<16xi32>
      %swap3A_76 = vector.shape_cast %get3A_72 : vector<16xi32> to vector<16xi32>
      tpu.vector_store %arg9[%swap3A_73], %swap3A_76 {strides = array<i32>} : memref<128xi32, #tpu.memory_space<vmem>>, vector<16xi32>,
      %get3A_77 = arith.constant 14 : i32
      %get3A_78 = arith.index_cast %get3A_77 : i32 to index
      %get3A_79 = arith.constant 64 : index
      %get3A_80 = tpu.vector_load %arg8[%get3A_78, %get3A_79] {strides = array<i32>} : memref<16x128xi32, #tpu.memory_space<vmem>>, vector<1x16xi32>,
      %get3A_81 = vector.shape_cast %get3A_80 : vector<1x16xi32> to vector<16xi32>
      %swap3A_82 = arith.constant 64 : index
      %swap3A_83 = tpu.vector_load %arg9[%swap3A_82] {strides = array<i32>} : memref<128xi32, #tpu.memory_space<vmem>>, vector<16xi32>,
      %swap3A_84 = vector.shape_cast %swap3A_83 : vector<16xi32> to vector<16xi32>
      %swap3A_85 = vector.shape_cast %get3A_81 : vector<16xi32> to vector<16xi32>
      tpu.vector_store %arg9[%swap3A_82], %swap3A_85 {strides = array<i32>} : memref<128xi32, #tpu.memory_space<vmem>>, vector<16xi32>,
      %get3A_86 = arith.constant 14 : i32
      %get3A_87 = arith.index_cast %get3A_86 : i32 to index
      %get3A_88 = arith.constant 80 : index
      %get3A_89 = tpu.vector_load %arg8[%get3A_87, %get3A_88] {strides = array<i32>} : memref<16x128xi32, #tpu.memory_space<vmem>>, vector<1x16xi32>,
      %get3A_90 = vector.shape_cast %get3A_89 : vector<1x16xi32> to vector<16xi32>
      %swap3A_91 = arith.constant 80 : index
      %swap3A_92 = tpu.vector_load %arg9[%swap3A_91] {strides = array<i32>} : memref<128xi32, #tpu.memory_space<vmem>>, vector<16xi32>,
      %swap3A_93 = vector.shape_cast %swap3A_92 : vector<16xi32> to vector<16xi32>
      %swap3A_94 = vector.shape_cast %get3A_90 : vector<16xi32> to vector<16xi32>
      tpu.vector_store %arg9[%swap3A_91], %swap3A_94 {strides = array<i32>} : memref<128xi32, #tpu.memory_space<vmem>>, vector<16xi32>,
      %get3A_95 = arith.constant 14 : i32
      %get3A_96 = arith.index_cast %get3A_95 : i32 to index
      %get3A_97 = arith.constant 96 : index
      %get3A_98 = tpu.vector_load %arg8[%get3A_96, %get3A_97] {strides = array<i32>} : memref<16x128xi32, #tpu.memory_space<vmem>>, vector<1x16xi32>,
      %get3A_99 = vector.shape_cast %get3A_98 : vector<1x16xi32> to vector<16xi32>
      %swap3A_100 = arith.constant 96 : index
      %swap3A_101 = tpu.vector_load %arg9[%swap3A_100] {strides = array<i32>} : memref<128xi32, #tpu.memory_space<vmem>>, vector<16xi32>,
      %swap3A_102 = vector.shape_cast %swap3A_101 : vector<16xi32> to vector<16xi32>
      %swap3A_103 = vector.shape_cast %get3A_99 : vector<16xi32> to vector<16xi32>
      tpu.vector_store %arg9[%swap3A_100], %swap3A_103 {strides = array<i32>} : memref<128xi32, #tpu.memory_space<vmem>>, vector<16xi32>,
      %get3A_104 = arith.constant 14 : i32
      %get3A_105 = arith.index_cast %get3A_104 : i32 to index
      %get3A_106 = arith.constant 112 : index
      %get3A_107 = tpu.vector_load %arg8[%get3A_105, %get3A_106] {strides = array<i32>} : memref<16x128xi32, #tpu.memory_space<vmem>>, vector<1x16xi32>,
      %get3A_108 = vector.shape_cast %get3A_107 : vector<1x16xi32> to vector<16xi32>
      %swap3A_109 = arith.constant 112 : index
      %swap3A_110 = tpu.vector_load %arg9[%swap3A_109] {strides = array<i32>} : memref<128xi32, #tpu.memory_space<vmem>>, vector<16xi32>,
      %swap3A_111 = vector.shape_cast %swap3A_110 : vector<16xi32> to vector<16xi32>
      %swap3A_112 = vector.shape_cast %get3A_108 : vector<16xi32> to vector<16xi32>
      tpu.vector_store %arg9[%swap3A_109], %swap3A_112 {strides = array<i32>} : memref<128xi32, #tpu.memory_space<vmem>>, vector<16xi32>,
      "tpu.region"() ({
        %run_scoped3A = tpu.sem_alloc : memref<!tpu.dma_semaphore, #tpu.memory_space<semaphore_mem>>
        %dma_start3A_192 = arith.constant 0 : i32
        %dma_start3A_193 = arith.constant 0 : i32
        %dma_start3A_194 = tpu.memref_slice %arg13[%dma_start3A_192, %dma_start3A_193] : memref<10112x128xf32, #tpu.memory_space<vmem_shared>> -> memref<10112x128xf32, #tpu.memory_space<vmem_shared>>
        tpu.enqueue_indirect_dma source(%arg11 : memref<128x128xf32, #tpu.memory_space<vmem>>) target(%dma_start3A_194 : memref<10112x128xf32, #tpu.memory_space<vmem_shared>>) offsets(%arg9 : memref<128xi32, #tpu.memory_space<vmem>>) semaphore(%run_scoped3A : memref<!tpu.dma_semaphore, #tpu.memory_space<semaphore_mem>>) {add = true}
        %dma_wait3A_195 = arith.constant 0 : i32
        %dma_wait3A_196 = arith.constant 0 : i32
        %dma_wait3A_197 = tpu.memref_slice %arg13[%dma_wait3A_195, %dma_wait3A_196] : memref<10112x128xf32, #tpu.memory_space<vmem_shared>> -> memref<10112x128xf32, #tpu.memory_space<vmem_shared>>
        tpu.wait_indirect_dma semaphore(%run_scoped3A : memref<!tpu.dma_semaphore, #tpu.memory_space<semaphore_mem>>) src(%arg11 : memref<128x128xf32, #tpu.memory_space<vmem>>) dst(%dma_wait3A_197 : memref<10112x128xf32, #tpu.memory_space<vmem_shared>>)
        tpu.yield
      }) : () -> ()
      %dma_wait3A_113 = arith.constant 15 : i32
      %dma_wait3A_114 = arith.constant 0 : i32
      %dma_wait3A_115 = tpu.memref_slice %arg7[%dma_wait3A_113, %dma_wait3A_114] : memref<16x128xi32, #tpu.memory_space<vmem>> -> memref<1x128xi32, #tpu.memory_space<vmem>>
      %dma_wait3A_116 = tpu.memref_squeeze %dma_wait3A_115 : memref<1x128xi32, #tpu.memory_space<vmem>> -> memref<128xi32, #tpu.memory_space<vmem>>
      %dma_wait3A_117 = arith.constant 0 : i32
      %dma_wait3A_118 = arith.constant 0 : i32
      %dma_wait3A_119 = tpu.memref_slice %arg2[%dma_wait3A_117, %dma_wait3A_118] : memref<10000x128xf32, #tpu.memory_space<hbm>> -> memref<10000x128xf32, #tpu.memory_space<hbm>>
      tpu.wait_indirect_dma semaphore(%arg15 : memref<!tpu.dma_semaphore, #tpu.memory_space<semaphore_mem>>) src(%dma_wait3A_119 : memref<10000x128xf32, #tpu.memory_space<hbm>>) dst(%arg12 : memref<128x128xf32, #tpu.memory_space<vmem>>)
      %get3A_120 = arith.constant 15 : i32
      %get3A_121 = arith.index_cast %get3A_120 : i32 to index
      %get3A_122 = arith.constant 0 : index
      %get3A_123 = tpu.vector_load %arg8[%get3A_121, %get3A_122] {strides = array<i32>} : memref<16x128xi32, #tpu.memory_space<vmem>>, vector<1x16xi32>,
      %get3A_124 = vector.shape_cast %get3A_123 : vector<1x16xi32> to vector<16xi32>
      %swap3A_125 = arith.constant 0 : index
      %swap3A_126 = tpu.vector_load %arg10[%swap3A_125] {strides = array<i32>} : memref<128xi32, #tpu.memory_space<vmem>>, vector<16xi32>,
      %swap3A_127 = vector.shape_cast %swap3A_126 : vector<16xi32> to vector<16xi32>
      %swap3A_128 = vector.shape_cast %get3A_124 : vector<16xi32> to vector<16xi32>
      tpu.vector_store %arg10[%swap3A_125], %swap3A_128 {strides = array<i32>} : memref<128xi32, #tpu.memory_space<vmem>>, vector<16xi32>,
      %get3A_129 = arith.constant 15 : i32
      %get3A_130 = arith.index_cast %get3A_129 : i32 to index
      %get3A_131 = arith.constant 16 : index
      %get3A_132 = tpu.vector_load %arg8[%get3A_130, %get3A_131] {strides = array<i32>} : memref<16x128xi32, #tpu.memory_space<vmem>>, vector<1x16xi32>,
      %get3A_133 = vector.shape_cast %get3A_132 : vector<1x16xi32> to vector<16xi32>
      %swap3A_134 = arith.constant 16 : index
      %swap3A_135 = tpu.vector_load %arg10[%swap3A_134] {strides = array<i32>} : memref<128xi32, #tpu.memory_space<vmem>>, vector<16xi32>,
      %swap3A_136 = vector.shape_cast %swap3A_135 : vector<16xi32> to vector<16xi32>
      %swap3A_137 = vector.shape_cast %get3A_133 : vector<16xi32> to vector<16xi32>
      tpu.vector_store %arg10[%swap3A_134], %swap3A_137 {strides = array<i32>} : memref<128xi32, #tpu.memory_space<vmem>>, vector<16xi32>,
      %get3A_138 = arith.constant 15 : i32
      %get3A_139 = arith.index_cast %get3A_138 : i32 to index
      %get3A_140 = arith.constant 32 : index
      %get3A_141 = tpu.vector_load %arg8[%get3A_139, %get3A_140] {strides = array<i32>} : memref<16x128xi32, #tpu.memory_space<vmem>>, vector<1x16xi32>,
      %get3A_142 = vector.shape_cast %get3A_141 : vector<1x16xi32> to vector<16xi32>
      %swap3A_143 = arith.constant 32 : index
      %swap3A_144 = tpu.vector_load %arg10[%swap3A_143] {strides = array<i32>} : memref<128xi32, #tpu.memory_space<vmem>>, vector<16xi32>,
      %swap3A_145 = vector.shape_cast %swap3A_144 : vector<16xi32> to vector<16xi32>
      %swap3A_146 = vector.shape_cast %get3A_142 : vector<16xi32> to vector<16xi32>
      tpu.vector_store %arg10[%swap3A_143], %swap3A_146 {strides = array<i32>} : memref<128xi32, #tpu.memory_space<vmem>>, vector<16xi32>,
      %get3A_147 = arith.constant 15 : i32
      %get3A_148 = arith.index_cast %get3A_147 : i32 to index
      %get3A_149 = arith.constant 48 : index
      %get3A_150 = tpu.vector_load %arg8[%get3A_148, %get3A_149] {strides = array<i32>} : memref<16x128xi32, #tpu.memory_space<vmem>>, vector<1x16xi32>,
      %get3A_151 = vector.shape_cast %get3A_150 : vector<1x16xi32> to vector<16xi32>
      %swap3A_152 = arith.constant 48 : index
      %swap3A_153 = tpu.vector_load %arg10[%swap3A_152] {strides = array<i32>} : memref<128xi32, #tpu.memory_space<vmem>>, vector<16xi32>,
      %swap3A_154 = vector.shape_cast %swap3A_153 : vector<16xi32> to vector<16xi32>
      %swap3A_155 = vector.shape_cast %get3A_151 : vector<16xi32> to vector<16xi32>
      tpu.vector_store %arg10[%swap3A_152], %swap3A_155 {strides = array<i32>} : memref<128xi32, #tpu.memory_space<vmem>>, vector<16xi32>,
      %get3A_156 = arith.constant 15 : i32
      %get3A_157 = arith.index_cast %get3A_156 : i32 to index
      %get3A_158 = arith.constant 64 : index
      %get3A_159 = tpu.vector_load %arg8[%get3A_157, %get3A_158] {strides = array<i32>} : memref<16x128xi32, #tpu.memory_space<vmem>>, vector<1x16xi32>,
      %get3A_160 = vector.shape_cast %get3A_159 : vector<1x16xi32> to vector<16xi32>
      %swap3A_161 = arith.constant 64 : index
      %swap3A_162 = tpu.vector_load %arg10[%swap3A_161] {strides = array<i32>} : memref<128xi32, #tpu.memory_space<vmem>>, vector<16xi32>,
      %swap3A_163 = vector.shape_cast %swap3A_162 : vector<16xi32> to vector<16xi32>
      %swap3A_164 = vector.shape_cast %get3A_160 : vector<16xi32> to vector<16xi32>
      tpu.vector_store %arg10[%swap3A_161], %swap3A_164 {strides = array<i32>} : memref<128xi32, #tpu.memory_space<vmem>>, vector<16xi32>,
      %get3A_165 = arith.constant 15 : i32
      %get3A_166 = arith.index_cast %get3A_165 : i32 to index
      %get3A_167 = arith.constant 80 : index
      %get3A_168 = tpu.vector_load %arg8[%get3A_166, %get3A_167] {strides = array<i32>} : memref<16x128xi32, #tpu.memory_space<vmem>>, vector<1x16xi32>,
      %get3A_169 = vector.shape_cast %get3A_168 : vector<1x16xi32> to vector<16xi32>
      %swap3A_170 = arith.constant 80 : index
      %swap3A_171 = tpu.vector_load %arg10[%swap3A_170] {strides = array<i32>} : memref<128xi32, #tpu.memory_space<vmem>>, vector<16xi32>,
      %swap3A_172 = vector.shape_cast %swap3A_171 : vector<16xi32> to vector<16xi32>
      %swap3A_173 = vector.shape_cast %get3A_169 : vector<16xi32> to vector<16xi32>
      tpu.vector_store %arg10[%swap3A_170], %swap3A_173 {strides = array<i32>} : memref<128xi32, #tpu.memory_space<vmem>>, vector<16xi32>,
      %get3A_174 = arith.constant 15 : i32
      %get3A_175 = arith.index_cast %get3A_174 : i32 to index
      %get3A_176 = arith.constant 96 : index
      %get3A_177 = tpu.vector_load %arg8[%get3A_175, %get3A_176] {strides = array<i32>} : memref<16x128xi32, #tpu.memory_space<vmem>>, vector<1x16xi32>,
      %get3A_178 = vector.shape_cast %get3A_177 : vector<1x16xi32> to vector<16xi32>
      %swap3A_179 = arith.constant 96 : index
      %swap3A_180 = tpu.vector_load %arg10[%swap3A_179] {strides = array<i32>} : memref<128xi32, #tpu.memory_space<vmem>>, vector<16xi32>,
      %swap3A_181 = vector.shape_cast %swap3A_180 : vector<16xi32> to vector<16xi32>
      %swap3A_182 = vector.shape_cast %get3A_178 : vector<16xi32> to vector<16xi32>
      tpu.vector_store %arg10[%swap3A_179], %swap3A_182 {strides = array<i32>} : memref<128xi32, #tpu.memory_space<vmem>>, vector<16xi32>,
      %get3A_183 = arith.constant 15 : i32
      %get3A_184 = arith.index_cast %get3A_183 : i32 to index
      %get3A_185 = arith.constant 112 : index
      %get3A_186 = tpu.vector_load %arg8[%get3A_184, %get3A_185] {strides = array<i32>} : memref<16x128xi32, #tpu.memory_space<vmem>>, vector<1x16xi32>,
      %get3A_187 = vector.shape_cast %get3A_186 : vector<1x16xi32> to vector<16xi32>
      %swap3A_188 = arith.constant 112 : index
      %swap3A_189 = tpu.vector_load %arg10[%swap3A_188] {strides = array<i32>} : memref<128xi32, #tpu.memory_space<vmem>>, vector<16xi32>,
      %swap3A_190 = vector.shape_cast %swap3A_189 : vector<16xi32> to vector<16xi32>
      %swap3A_191 = vector.shape_cast %get3A_187 : vector<16xi32> to vector<16xi32>
      tpu.vector_store %arg10[%swap3A_188], %swap3A_191 {strides = array<i32>} : memref<128xi32, #tpu.memory_space<vmem>>, vector<16xi32>,
      "tpu.region"() ({
        %run_scoped3A = tpu.sem_alloc : memref<!tpu.dma_semaphore, #tpu.memory_space<semaphore_mem>>
        %dma_start3A_192 = arith.constant 0 : i32
        %dma_start3A_193 = arith.constant 0 : i32
        %dma_start3A_194 = tpu.memref_slice %arg13[%dma_start3A_192, %dma_start3A_193] : memref<10112x128xf32, #tpu.memory_space<vmem_shared>> -> memref<10112x128xf32, #tpu.memory_space<vmem_shared>>
        tpu.enqueue_indirect_dma source(%arg12 : memref<128x128xf32, #tpu.memory_space<vmem>>) target(%dma_start3A_194 : memref<10112x128xf32, #tpu.memory_space<vmem_shared>>) offsets(%arg10 : memref<128xi32, #tpu.memory_space<vmem>>) semaphore(%run_scoped3A : memref<!tpu.dma_semaphore, #tpu.memory_space<semaphore_mem>>) {add = true}
        %dma_wait3A_195 = arith.constant 0 : i32
        %dma_wait3A_196 = arith.constant 0 : i32
        %dma_wait3A_197 = tpu.memref_slice %arg13[%dma_wait3A_195, %dma_wait3A_196] : memref<10112x128xf32, #tpu.memory_space<vmem_shared>> -> memref<10112x128xf32, #tpu.memory_space<vmem_shared>>
        tpu.wait_indirect_dma semaphore(%run_scoped3A : memref<!tpu.dma_semaphore, #tpu.memory_space<semaphore_mem>>) src(%arg12 : memref<128x128xf32, #tpu.memory_space<vmem>>) dst(%dma_wait3A_197 : memref<10112x128xf32, #tpu.memory_space<vmem_shared>>)
        tpu.yield
      }) : () -> ()
    }
    %scan3A_7 = arith.constant 5 : i32
    %barrier3A_8 = arith.constant 0 : index
    tpu.barrier barrier_id(%barrier3A_8)
    %mul3A_9 = arith.constant 10112 : i32
    %mul3A_10 = arith.muli %arg0, %mul3A_9 : i32
    %add3A_11 = arith.addi %mul3A_10, %mul3A_2 : i32
    "tpu.region"() ({
      %run_scoped3A = tpu.sem_alloc : memref<!tpu.dma_semaphore, #tpu.memory_space<semaphore_mem>>
      %dma_start3A = arith.constant 0 : i32
      %dma_start3A_12 = tpu.memref_slice %arg6[%add3A_11, %dma_start3A] : memref<20224x128xf32, #tpu.memory_space<hbm>> -> memref<632x128xf32, #tpu.memory_space<hbm>>
      %dma_start3A_13 = arith.constant 0 : i32
      %dma_start3A_14 = tpu.memref_slice %arg13[%mul3A_2, %dma_start3A_13] : memref<10112x128xf32, #tpu.memory_space<vmem_shared>> -> memref<632x128xf32, #tpu.memory_space<vmem_shared>>
      tpu.enqueue_dma source(%dma_start3A_14 : memref<632x128xf32, #tpu.memory_space<vmem_shared>>) target(%dma_start3A_12 : memref<632x128xf32, #tpu.memory_space<hbm>>) target_semaphore(%run_scoped3A : memref<!tpu.dma_semaphore, #tpu.memory_space<semaphore_mem>>)
      %dma_wait3A = arith.constant 0 : i32
      %dma_wait3A_15 = tpu.memref_slice %arg6[%add3A_11, %dma_wait3A] : memref<20224x128xf32, #tpu.memory_space<hbm>> -> memref<632x128xf32, #tpu.memory_space<hbm>>
      %dma_wait3A_16 = arith.constant 0 : i32
      %dma_wait3A_17 = tpu.memref_slice %arg13[%mul3A_2, %dma_wait3A_16] : memref<10112x128xf32, #tpu.memory_space<vmem_shared>> -> memref<632x128xf32, #tpu.memory_space<vmem_shared>>
      tpu.wait_dma2 semaphore(%run_scoped3A : memref<!tpu.dma_semaphore, #tpu.memory_space<semaphore_mem>>) src(%dma_wait3A_17 : memref<632x128xf32, #tpu.memory_space<vmem_shared>>) dst(%dma_wait3A_15 : memref<632x128xf32, #tpu.memory_space<hbm>>)
      tpu.yield
    }) : () -> ()
    return
  }
}

#map = affine_map<(d0, d1) -> (0, 0)>
module attributes {stable_mosaic.version = 14 : i64} {
  func.func @_sc_segsum(%arg0: i32, %arg1: i32, %arg2: memref<10000x128xf32, #tpu.memory_space<hbm>>, %arg3: memref<2560x128xi32, #tpu.memory_space<hbm>>, %arg4: memref<2560x128xi32, #tpu.memory_space<hbm>>, %arg5: memref<10112x128xf32, #tpu.memory_space<hbm>>, %arg6: memref<20224x128xf32, #tpu.memory_space<hbm>>, %arg7: memref<16x128xi32, #tpu.memory_space<vmem>>, %arg8: memref<16x128xi32, #tpu.memory_space<vmem>>, %arg9: memref<128xi32, #tpu.memory_space<vmem>>, %arg10: memref<128xi32, #tpu.memory_space<vmem>>, %arg11: memref<128x128xf32, #tpu.memory_space<vmem>>, %arg12: memref<128x128xf32, #tpu.memory_space<vmem>>, %arg13: memref<10112x128xf32, #tpu.memory_space<vmem_shared>>, %arg14: memref<!tpu.dma_semaphore, #tpu.memory_space<semaphore_mem>>, %arg15: memref<!tpu.dma_semaphore, #tpu.memory_space<semaphore_mem>>, %arg16: memref<!tpu.dma_semaphore, #tpu.memory_space<semaphore_mem>>, %arg17: memref<!tpu.dma_semaphore, #tpu.memory_space<semaphore_mem>>) attributes {dimension_semantics = [#tpu.dimension_semantics<core_parallel>, #tpu.dimension_semantics<subcore_parallel>], iteration_bounds = array<i64: 2, 16>, scalar_prefetch = 0 : i64, scratch_operands = 11 : i64, tpu.core_type = #tpu.core_type<sc_vector_subcore>, window_params = [{transform_indices = #map}, {transform_indices = #map}, {transform_indices = #map}, {transform_indices = #map}, {transform_indices = #map}]} {
    %mul3A = arith.constant 16 : i32
    %mul3A_0 = arith.muli %arg0, %mul3A : i32
    %add3A = arith.addi %mul3A_0, %arg1 : i32
    %mul3A_1 = arith.constant 632 : i32
    %mul3A_2 = arith.muli %arg1, %mul3A_1 : i32
    "tpu.region"() ({
      %run_scoped3A = tpu.sem_alloc : memref<!tpu.dma_semaphore, #tpu.memory_space<semaphore_mem>>
      %dma_start3A = arith.constant 0 : i32
      %dma_start3A_12 = tpu.memref_slice %arg13[%mul3A_2, %dma_start3A] : memref<10112x128xf32, #tpu.memory_space<vmem_shared>> -> memref<632x128xf32, #tpu.memory_space<vmem_shared>>
      %dma_start3A_13 = arith.constant 0 : i32
      %dma_start3A_14 = tpu.memref_slice %arg5[%mul3A_2, %dma_start3A_13] : memref<10112x128xf32, #tpu.memory_space<hbm>> -> memref<632x128xf32, #tpu.memory_space<hbm>>
      tpu.enqueue_dma source(%dma_start3A_14 : memref<632x128xf32, #tpu.memory_space<hbm>>) target(%dma_start3A_12 : memref<632x128xf32, #tpu.memory_space<vmem_shared>>) target_semaphore(%run_scoped3A : memref<!tpu.dma_semaphore, #tpu.memory_space<semaphore_mem>>)
      %dma_wait3A = arith.constant 0 : i32
      %dma_wait3A_15 = tpu.memref_slice %arg13[%mul3A_2, %dma_wait3A] : memref<10112x128xf32, #tpu.memory_space<vmem_shared>> -> memref<632x128xf32, #tpu.memory_space<vmem_shared>>
      %dma_wait3A_16 = arith.constant 0 : i32
      %dma_wait3A_17 = tpu.memref_slice %arg5[%mul3A_2, %dma_wait3A_16] : memref<10112x128xf32, #tpu.memory_space<hbm>> -> memref<632x128xf32, #tpu.memory_space<hbm>>
      tpu.wait_dma2 semaphore(%run_scoped3A : memref<!tpu.dma_semaphore, #tpu.memory_space<semaphore_mem>>) src(%dma_wait3A_17 : memref<632x128xf32, #tpu.memory_space<hbm>>) dst(%dma_wait3A_15 : memref<632x128xf32, #tpu.memory_space<vmem_shared>>)
      tpu.yield
    }) : () -> ()
    %barrier3A = arith.constant 0 : index
    tpu.barrier barrier_id(%barrier3A)
    %scan3A = arith.constant 0 : i32
    %scan3A_3 = arith.constant 0 : i32
    %scan3A_4 = arith.constant 5 : i32
    %scan3A_5 = arith.addi %scan3A_3, %scan3A_4 : i32
    %scan3A_6 = arith.constant 1 : i32
    scf.for %scan3A_12 = %scan3A_3 to %scan3A_5 step %scan3A_6  : i32 {
      %mul3A_13 = arith.constant 80 : i32
      %mul3A_14 = arith.muli %add3A, %mul3A_13 : i32
      %mul3A_15 = arith.constant 16 : i32
      %mul3A_16 = arith.muli %scan3A_12, %mul3A_15 : i32
      %add3A_17 = arith.addi %mul3A_14, %mul3A_16 : i32
      "tpu.region"() ({
        %run_scoped3A = tpu.sem_alloc : memref<!tpu.dma_semaphore, #tpu.memory_space<semaphore_mem>>
        %dma_start3A_192 = arith.constant 0 : i32
        %dma_start3A_193 = tpu.memref_slice %arg3[%add3A_17, %dma_start3A_192] : memref<2560x128xi32, #tpu.memory_space<hbm>> -> memref<16x128xi32, #tpu.memory_space<hbm>>
        %dma_start3A_194 = arith.constant 0 : i32
        %dma_start3A_195 = tpu.memref_slice %arg3[%add3A_17, %dma_start3A_194] : memref<2560x128xi32, #tpu.memory_space<hbm>> -> memref<16x128xi32, #tpu.memory_space<hbm>>
        tpu.enqueue_dma source(%dma_start3A_195 : memref<16x128xi32, #tpu.memory_space<hbm>>) target(%arg7 : memref<16x128xi32, #tpu.memory_space<vmem>>) target_semaphore(%run_scoped3A : memref<!tpu.dma_semaphore, #tpu.memory_space<semaphore_mem>>)
        %dma_wait3A_196 = arith.constant 0 : i32
        %dma_wait3A_197 = tpu.memref_slice %arg3[%add3A_17, %dma_wait3A_196] : memref<2560x128xi32, #tpu.memory_space<hbm>> -> memref<16x128xi32, #tpu.memory_space<hbm>>
        %dma_wait3A_198 = arith.constant 0 : i32
        %dma_wait3A_199 = tpu.memref_slice %arg3[%add3A_17, %dma_wait3A_198] : memref<2560x128xi32, #tpu.memory_space<hbm>> -> memref<16x128xi32, #tpu.memory_space<hbm>>
        tpu.wait_dma2 semaphore(%run_scoped3A : memref<!tpu.dma_semaphore, #tpu.memory_space<semaphore_mem>>) src(%dma_wait3A_199 : memref<16x128xi32, #tpu.memory_space<hbm>>) dst(%arg7 : memref<16x128xi32, #tpu.memory_space<vmem>>)
        tpu.yield
      }) : () -> ()
      "tpu.region"() ({
        %run_scoped3A = tpu.sem_alloc : memref<!tpu.dma_semaphore, #tpu.memory_space<semaphore_mem>>
        %dma_start3A_192 = arith.constant 0 : i32
        %dma_start3A_193 = tpu.memref_slice %arg4[%add3A_17, %dma_start3A_192] : memref<2560x128xi32, #tpu.memory_space<hbm>> -> memref<16x128xi32, #tpu.memory_space<hbm>>
        %dma_start3A_194 = arith.constant 0 : i32
        %dma_start3A_195 = tpu.memref_slice %arg4[%add3A_17, %dma_start3A_194] : memref<2560x128xi32, #tpu.memory_space<hbm>> -> memref<16x128xi32, #tpu.memory_space<hbm>>
        tpu.enqueue_dma source(%dma_start3A_195 : memref<16x128xi32, #tpu.memory_space<hbm>>) target(%arg8 : memref<16x128xi32, #tpu.memory_space<vmem>>) target_semaphore(%run_scoped3A : memref<!tpu.dma_semaphore, #tpu.memory_space<semaphore_mem>>)
        %dma_wait3A_196 = arith.constant 0 : i32
        %dma_wait3A_197 = tpu.memref_slice %arg4[%add3A_17, %dma_wait3A_196] : memref<2560x128xi32, #tpu.memory_space<hbm>> -> memref<16x128xi32, #tpu.memory_space<hbm>>
        %dma_wait3A_198 = arith.constant 0 : i32
        %dma_wait3A_199 = tpu.memref_slice %arg4[%add3A_17, %dma_wait3A_198] : memref<2560x128xi32, #tpu.memory_space<hbm>> -> memref<16x128xi32, #tpu.memory_space<hbm>>
        tpu.wait_dma2 semaphore(%run_scoped3A : memref<!tpu.dma_semaphore, #tpu.memory_space<semaphore_mem>>) src(%dma_wait3A_199 : memref<16x128xi32, #tpu.memory_space<hbm>>) dst(%arg8 : memref<16x128xi32, #tpu.memory_space<vmem>>)
        tpu.yield
      }) : () -> ()
      %dma_start3A = arith.constant 0 : i32
      %dma_start3A_18 = arith.constant 0 : i32
      %dma_start3A_19 = tpu.memref_slice %arg7[%dma_start3A, %dma_start3A_18] : memref<16x128xi32, #tpu.memory_space<vmem>> -> memref<1x128xi32, #tpu.memory_space<vmem>>
      %dma_start3A_20 = tpu.memref_squeeze %dma_start3A_19 : memref<1x128xi32, #tpu.memory_space<vmem>> -> memref<128xi32, #tpu.memory_space<vmem>>
      %dma_start3A_21 = arith.constant 0 : i32
      %dma_start3A_22 = arith.constant 0 : i32
      %dma_start3A_23 = tpu.memref_slice %arg2[%dma_start3A_21, %dma_start3A_22] : memref<10000x128xf32, #tpu.memory_space<hbm>> -> memref<10000x128xf32, #tpu.memory_space<hbm>>
      tpu.enqueue_indirect_dma source(%dma_start3A_23 : memref<10000x128xf32, #tpu.memory_space<hbm>>) target(%arg11 : memref<128x128xf32, #tpu.memory_space<vmem>>) offsets(%dma_start3A_20 : memref<128xi32, #tpu.memory_space<vmem>>) semaphore(%arg14 : memref<!tpu.dma_semaphore, #tpu.memory_space<semaphore_mem>>)
      %dma_start3A_24 = arith.constant 1 : i32
      %dma_start3A_25 = arith.constant 0 : i32
      %dma_start3A_26 = tpu.memref_slice %arg7[%dma_start3A_24, %dma_start3A_25] : memref<16x128xi32, #tpu.memory_space<vmem>> -> memref<1x128xi32, #tpu.memory_space<vmem>>
      %dma_start3A_27 = tpu.memref_squeeze %dma_start3A_26 : memref<1x128xi32, #tpu.memory_space<vmem>> -> memref<128xi32, #tpu.memory_space<vmem>>
      %dma_start3A_28 = arith.constant 0 : i32
      %dma_start3A_29 = arith.constant 0 : i32
      %dma_start3A_30 = tpu.memref_slice %arg2[%dma_start3A_28, %dma_start3A_29] : memref<10000x128xf32, #tpu.memory_space<hbm>> -> memref<10000x128xf32, #tpu.memory_space<hbm>>
      tpu.enqueue_indirect_dma source(%dma_start3A_30 : memref<10000x128xf32, #tpu.memory_space<hbm>>) target(%arg12 : memref<128x128xf32, #tpu.memory_space<vmem>>) offsets(%dma_start3A_27 : memref<128xi32, #tpu.memory_space<vmem>>) semaphore(%arg15 : memref<!tpu.dma_semaphore, #tpu.memory_space<semaphore_mem>>)
      %scan3A_31 = arith.constant 0 : i32
      %scan3A_32 = arith.constant 0 : i32
      %scan3A_33 = arith.constant 7 : i32
      %scan3A_34 = arith.addi %scan3A_32, %scan3A_33 : i32
      %scan3A_35 = arith.constant 1 : i32
      scf.for %scan3A_192 = %scan3A_32 to %scan3A_34 step %scan3A_35  : i32 {
        %mul3A_193 = arith.constant 2 : i32
        %mul3A_194 = arith.muli %mul3A_193, %scan3A_192 : i32
        %dma_wait3A_195 = arith.constant 0 : i32
        %dma_wait3A_196 = tpu.memref_slice %arg7[%mul3A_194, %dma_wait3A_195] : memref<16x128xi32, #tpu.memory_space<vmem>> -> memref<1x128xi32, #tpu.memory_space<vmem>>
        %dma_wait3A_197 = tpu.memref_squeeze %dma_wait3A_196 : memref<1x128xi32, #tpu.memory_space<vmem>> -> memref<128xi32, #tpu.memory_space<vmem>>
        %dma_wait3A_198 = arith.constant 0 : i32
        %dma_wait3A_199 = arith.constant 0 : i32
        %dma_wait3A_200 = tpu.memref_slice %arg2[%dma_wait3A_198, %dma_wait3A_199] : memref<10000x128xf32, #tpu.memory_space<hbm>> -> memref<10000x128xf32, #tpu.memory_space<hbm>>
        tpu.wait_indirect_dma semaphore(%arg14 : memref<!tpu.dma_semaphore, #tpu.memory_space<semaphore_mem>>) src(%dma_wait3A_200 : memref<10000x128xf32, #tpu.memory_space<hbm>>) dst(%arg11 : memref<128x128xf32, #tpu.memory_space<vmem>>)
        %get3A_201 = arith.index_cast %mul3A_194 : i32 to index
        %get3A_202 = arith.constant 0 : index
        %get3A_203 = tpu.vector_load %arg8[%get3A_201, %get3A_202] {strides = array<i32>} : memref<16x128xi32, #tpu.memory_space<vmem>>, vector<1x16xi32>,
        %get3A_204 = vector.shape_cast %get3A_203 : vector<1x16xi32> to vector<16xi32>
        %swap3A_205 = arith.constant 0 : index
        %swap3A_206 = tpu.vector_load %arg9[%swap3A_205] {strides = array<i32>} : memref<128xi32, #tpu.memory_space<vmem>>, vector<16xi32>,
        %swap3A_207 = vector.shape_cast %swap3A_206 : vector<16xi32> to vector<16xi32>
        %swap3A_208 = vector.shape_cast %get3A_204 : vector<16xi32> to vector<16xi32>
        tpu.vector_store %arg9[%swap3A_205], %swap3A_208 {strides = array<i32>} : memref<128xi32, #tpu.memory_space<vmem>>, vector<16xi32>,
        %get3A_209 = arith.index_cast %mul3A_194 : i32 to index
        %get3A_210 = arith.constant 16 : index
        %get3A_211 = tpu.vector_load %arg8[%get3A_209, %get3A_210] {strides = array<i32>} : memref<16x128xi32, #tpu.memory_space<vmem>>, vector<1x16xi32>,
        %get3A_212 = vector.shape_cast %get3A_211 : vector<1x16xi32> to vector<16xi32>
        %swap3A_213 = arith.constant 16 : index
        %swap3A_214 = tpu.vector_load %arg9[%swap3A_213] {strides = array<i32>} : memref<128xi32, #tpu.memory_space<vmem>>, vector<16xi32>,
        %swap3A_215 = vector.shape_cast %swap3A_214 : vector<16xi32> to vector<16xi32>
        %swap3A_216 = vector.shape_cast %get3A_212 : vector<16xi32> to vector<16xi32>
        tpu.vector_store %arg9[%swap3A_213], %swap3A_216 {strides = array<i32>} : memref<128xi32, #tpu.memory_space<vmem>>, vector<16xi32>,
        %get3A_217 = arith.index_cast %mul3A_194 : i32 to index
        %get3A_218 = arith.constant 32 : index
        %get3A_219 = tpu.vector_load %arg8[%get3A_217, %get3A_218] {strides = array<i32>} : memref<16x128xi32, #tpu.memory_space<vmem>>, vector<1x16xi32>,
        %get3A_220 = vector.shape_cast %get3A_219 : vector<1x16xi32> to vector<16xi32>
        %swap3A_221 = arith.constant 32 : index
        %swap3A_222 = tpu.vector_load %arg9[%swap3A_221] {strides = array<i32>} : memref<128xi32, #tpu.memory_space<vmem>>, vector<16xi32>,
        %swap3A_223 = vector.shape_cast %swap3A_222 : vector<16xi32> to vector<16xi32>
        %swap3A_224 = vector.shape_cast %get3A_220 : vector<16xi32> to vector<16xi32>
        tpu.vector_store %arg9[%swap3A_221], %swap3A_224 {strides = array<i32>} : memref<128xi32, #tpu.memory_space<vmem>>, vector<16xi32>,
        %get3A_225 = arith.index_cast %mul3A_194 : i32 to index
        %get3A_226 = arith.constant 48 : index
        %get3A_227 = tpu.vector_load %arg8[%get3A_225, %get3A_226] {strides = array<i32>} : memref<16x128xi32, #tpu.memory_space<vmem>>, vector<1x16xi32>,
        %get3A_228 = vector.shape_cast %get3A_227 : vector<1x16xi32> to vector<16xi32>
        %swap3A_229 = arith.constant 48 : index
        %swap3A_230 = tpu.vector_load %arg9[%swap3A_229] {strides = array<i32>} : memref<128xi32, #tpu.memory_space<vmem>>, vector<16xi32>,
        %swap3A_231 = vector.shape_cast %swap3A_230 : vector<16xi32> to vector<16xi32>
        %swap3A_232 = vector.shape_cast %get3A_228 : vector<16xi32> to vector<16xi32>
        tpu.vector_store %arg9[%swap3A_229], %swap3A_232 {strides = array<i32>} : memref<128xi32, #tpu.memory_space<vmem>>, vector<16xi32>,
        %get3A_233 = arith.index_cast %mul3A_194 : i32 to index
        %get3A_234 = arith.constant 64 : index
        %get3A_235 = tpu.vector_load %arg8[%get3A_233, %get3A_234] {strides = array<i32>} : memref<16x128xi32, #tpu.memory_space<vmem>>, vector<1x16xi32>,
        %get3A_236 = vector.shape_cast %get3A_235 : vector<1x16xi32> to vector<16xi32>
        %swap3A_237 = arith.constant 64 : index
        %swap3A_238 = tpu.vector_load %arg9[%swap3A_237] {strides = array<i32>} : memref<128xi32, #tpu.memory_space<vmem>>, vector<16xi32>,
        %swap3A_239 = vector.shape_cast %swap3A_238 : vector<16xi32> to vector<16xi32>
        %swap3A_240 = vector.shape_cast %get3A_236 : vector<16xi32> to vector<16xi32>
        tpu.vector_store %arg9[%swap3A_237], %swap3A_240 {strides = array<i32>} : memref<128xi32, #tpu.memory_space<vmem>>, vector<16xi32>,
        %get3A_241 = arith.index_cast %mul3A_194 : i32 to index
        %get3A_242 = arith.constant 80 : index
        %get3A_243 = tpu.vector_load %arg8[%get3A_241, %get3A_242] {strides = array<i32>} : memref<16x128xi32, #tpu.memory_space<vmem>>, vector<1x16xi32>,
        %get3A_244 = vector.shape_cast %get3A_243 : vector<1x16xi32> to vector<16xi32>
        %swap3A_245 = arith.constant 80 : index
        %swap3A_246 = tpu.vector_load %arg9[%swap3A_245] {strides = array<i32>} : memref<128xi32, #tpu.memory_space<vmem>>, vector<16xi32>,
        %swap3A_247 = vector.shape_cast %swap3A_246 : vector<16xi32> to vector<16xi32>
        %swap3A_248 = vector.shape_cast %get3A_244 : vector<16xi32> to vector<16xi32>
        tpu.vector_store %arg9[%swap3A_245], %swap3A_248 {strides = array<i32>} : memref<128xi32, #tpu.memory_space<vmem>>, vector<16xi32>,
        %get3A_249 = arith.index_cast %mul3A_194 : i32 to index
        %get3A_250 = arith.constant 96 : index
        %get3A_251 = tpu.vector_load %arg8[%get3A_249, %get3A_250] {strides = array<i32>} : memref<16x128xi32, #tpu.memory_space<vmem>>, vector<1x16xi32>,
        %get3A_252 = vector.shape_cast %get3A_251 : vector<1x16xi32> to vector<16xi32>
        %swap3A_253 = arith.constant 96 : index
        %swap3A_254 = tpu.vector_load %arg9[%swap3A_253] {strides = array<i32>} : memref<128xi32, #tpu.memory_space<vmem>>, vector<16xi32>,
        %swap3A_255 = vector.shape_cast %swap3A_254 : vector<16xi32> to vector<16xi32>
        %swap3A_256 = vector.shape_cast %get3A_252 : vector<16xi32> to vector<16xi32>
        tpu.vector_store %arg9[%swap3A_253], %swap3A_256 {strides = array<i32>} : memref<128xi32, #tpu.memory_space<vmem>>, vector<16xi32>,
        %get3A_257 = arith.index_cast %mul3A_194 : i32 to index
        %get3A_258 = arith.constant 112 : index
        %get3A_259 = tpu.vector_load %arg8[%get3A_257, %get3A_258] {strides = array<i32>} : memref<16x128xi32, #tpu.memory_space<vmem>>, vector<1x16xi32>,
        %get3A_260 = vector.shape_cast %get3A_259 : vector<1x16xi32> to vector<16xi32>
        %swap3A_261 = arith.constant 112 : index
        %swap3A_262 = tpu.vector_load %arg9[%swap3A_261] {strides = array<i32>} : memref<128xi32, #tpu.memory_space<vmem>>, vector<16xi32>,
        %swap3A_263 = vector.shape_cast %swap3A_262 : vector<16xi32> to vector<16xi32>
        %swap3A_264 = vector.shape_cast %get3A_260 : vector<16xi32> to vector<16xi32>
        tpu.vector_store %arg9[%swap3A_261], %swap3A_264 {strides = array<i32>} : memref<128xi32, #tpu.memory_space<vmem>>, vector<16xi32>,
        "tpu.region"() ({
          %run_scoped3A = tpu.sem_alloc : memref<!tpu.dma_semaphore, #tpu.memory_space<semaphore_mem>>
          %dma_start3A_355 = arith.constant 0 : i32
          %dma_start3A_356 = arith.constant 0 : i32
          %dma_start3A_357 = tpu.memref_slice %arg13[%dma_start3A_355, %dma_start3A_356] : memref<10112x128xf32, #tpu.memory_space<vmem_shared>> -> memref<10112x128xf32, #tpu.memory_space<vmem_shared>>
          tpu.enqueue_indirect_dma source(%arg11 : memref<128x128xf32, #tpu.memory_space<vmem>>) target(%dma_start3A_357 : memref<10112x128xf32, #tpu.memory_space<vmem_shared>>) offsets(%arg9 : memref<128xi32, #tpu.memory_space<vmem>>) semaphore(%run_scoped3A : memref<!tpu.dma_semaphore, #tpu.memory_space<semaphore_mem>>) {add = true}
          %dma_wait3A_358 = arith.constant 0 : i32
          %dma_wait3A_359 = arith.constant 0 : i32
          %dma_wait3A_360 = tpu.memref_slice %arg13[%dma_wait3A_358, %dma_wait3A_359] : memref<10112x128xf32, #tpu.memory_space<vmem_shared>> -> memref<10112x128xf32, #tpu.memory_space<vmem_shared>>
          tpu.wait_indirect_dma semaphore(%run_scoped3A : memref<!tpu.dma_semaphore, #tpu.memory_space<semaphore_mem>>) src(%arg11 : memref<128x128xf32, #tpu.memory_space<vmem>>) dst(%dma_wait3A_360 : memref<10112x128xf32, #tpu.memory_space<vmem_shared>>)
          tpu.yield
        }) : () -> ()
        %add3A_265 = arith.constant 2 : i32
        %add3A_266 = arith.addi %mul3A_194, %add3A_265 : i32
        %dma_start3A_267 = arith.constant 0 : i32
        %dma_start3A_268 = tpu.memref_slice %arg7[%add3A_266, %dma_start3A_267] : memref<16x128xi32, #tpu.memory_space<vmem>> -> memref<1x128xi32, #tpu.memory_space<vmem>>
        %dma_start3A_269 = tpu.memref_squeeze %dma_start3A_268 : memref<1x128xi32, #tpu.memory_space<vmem>> -> memref<128xi32, #tpu.memory_space<vmem>>
        %dma_start3A_270 = arith.constant 0 : i32
        %dma_start3A_271 = arith.constant 0 : i32
        %dma_start3A_272 = tpu.memref_slice %arg2[%dma_start3A_270, %dma_start3A_271] : memref<10000x128xf32, #tpu.memory_space<hbm>> -> memref<10000x128xf32, #tpu.memory_space<hbm>>
        tpu.enqueue_indirect_dma source(%dma_start3A_272 : memref<10000x128xf32, #tpu.memory_space<hbm>>) target(%arg11 : memref<128x128xf32, #tpu.memory_space<vmem>>) offsets(%dma_start3A_269 : memref<128xi32, #tpu.memory_space<vmem>>) semaphore(%arg14 : memref<!tpu.dma_semaphore, #tpu.memory_space<semaphore_mem>>)
        %add3A_273 = arith.constant 1 : i32
        %add3A_274 = arith.addi %mul3A_194, %add3A_273 : i32
        %dma_wait3A_275 = arith.constant 0 : i32
        %dma_wait3A_276 = tpu.memref_slice %arg7[%add3A_274, %dma_wait3A_275] : memref<16x128xi32, #tpu.memory_space<vmem>> -> memref<1x128xi32, #tpu.memory_space<vmem>>
        %dma_wait3A_277 = tpu.memref_squeeze %dma_wait3A_276 : memref<1x128xi32, #tpu.memory_space<vmem>> -> memref<128xi32, #tpu.memory_space<vmem>>
        %dma_wait3A_278 = arith.constant 0 : i32
        %dma_wait3A_279 = arith.constant 0 : i32
        %dma_wait3A_280 = tpu.memref_slice %arg2[%dma_wait3A_278, %dma_wait3A_279] : memref<10000x128xf32, #tpu.memory_space<hbm>> -> memref<10000x128xf32, #tpu.memory_space<hbm>>
        tpu.wait_indirect_dma semaphore(%arg15 : memref<!tpu.dma_semaphore, #tpu.memory_space<semaphore_mem>>) src(%dma_wait3A_280 : memref<10000x128xf32, #tpu.memory_space<hbm>>) dst(%arg12 : memref<128x128xf32, #tpu.memory_space<vmem>>)
        %add3A_281 = arith.constant 1 : i32
        %add3A_282 = arith.addi %mul3A_194, %add3A_281 : i32
        %get3A_283 = arith.index_cast %add3A_282 : i32 to index
        %get3A_284 = arith.constant 0 : index
        %get3A_285 = tpu.vector_load %arg8[%get3A_283, %get3A_284] {strides = array<i32>} : memref<16x128xi32, #tpu.memory_space<vmem>>, vector<1x16xi32>,
        %get3A_286 = vector.shape_cast %get3A_285 : vector<1x16xi32> to vector<16xi32>
        %swap3A_287 = arith.constant 0 : index
        %swap3A_288 = tpu.vector_load %arg10[%swap3A_287] {strides = array<i32>} : memref<128xi32, #tpu.memory_space<vmem>>, vector<16xi32>,
        %swap3A_289 = vector.shape_cast %swap3A_288 : vector<16xi32> to vector<16xi32>
        %swap3A_290 = vector.shape_cast %get3A_286 : vector<16xi32> to vector<16xi32>
        tpu.vector_store %arg10[%swap3A_287], %swap3A_290 {strides = array<i32>} : memref<128xi32, #tpu.memory_space<vmem>>, vector<16xi32>,
        %get3A_291 = arith.index_cast %add3A_282 : i32 to index
        %get3A_292 = arith.constant 16 : index
        %get3A_293 = tpu.vector_load %arg8[%get3A_291, %get3A_292] {strides = array<i32>} : memref<16x128xi32, #tpu.memory_space<vmem>>, vector<1x16xi32>,
        %get3A_294 = vector.shape_cast %get3A_293 : vector<1x16xi32> to vector<16xi32>
        %swap3A_295 = arith.constant 16 : index
        %swap3A_296 = tpu.vector_load %arg10[%swap3A_295] {strides = array<i32>} : memref<128xi32, #tpu.memory_space<vmem>>, vector<16xi32>,
        %swap3A_297 = vector.shape_cast %swap3A_296 : vector<16xi32> to vector<16xi32>
        %swap3A_298 = vector.shape_cast %get3A_294 : vector<16xi32> to vector<16xi32>
        tpu.vector_store %arg10[%swap3A_295], %swap3A_298 {strides = array<i32>} : memref<128xi32, #tpu.memory_space<vmem>>, vector<16xi32>,
        %get3A_299 = arith.index_cast %add3A_282 : i32 to index
        %get3A_300 = arith.constant 32 : index
        %get3A_301 = tpu.vector_load %arg8[%get3A_299, %get3A_300] {strides = array<i32>} : memref<16x128xi32, #tpu.memory_space<vmem>>, vector<1x16xi32>,
        %get3A_302 = vector.shape_cast %get3A_301 : vector<1x16xi32> to vector<16xi32>
        %swap3A_303 = arith.constant 32 : index
        %swap3A_304 = tpu.vector_load %arg10[%swap3A_303] {strides = array<i32>} : memref<128xi32, #tpu.memory_space<vmem>>, vector<16xi32>,
        %swap3A_305 = vector.shape_cast %swap3A_304 : vector<16xi32> to vector<16xi32>
        %swap3A_306 = vector.shape_cast %get3A_302 : vector<16xi32> to vector<16xi32>
        tpu.vector_store %arg10[%swap3A_303], %swap3A_306 {strides = array<i32>} : memref<128xi32, #tpu.memory_space<vmem>>, vector<16xi32>,
        %get3A_307 = arith.index_cast %add3A_282 : i32 to index
        %get3A_308 = arith.constant 48 : index
        %get3A_309 = tpu.vector_load %arg8[%get3A_307, %get3A_308] {strides = array<i32>} : memref<16x128xi32, #tpu.memory_space<vmem>>, vector<1x16xi32>,
        %get3A_310 = vector.shape_cast %get3A_309 : vector<1x16xi32> to vector<16xi32>
        %swap3A_311 = arith.constant 48 : index
        %swap3A_312 = tpu.vector_load %arg10[%swap3A_311] {strides = array<i32>} : memref<128xi32, #tpu.memory_space<vmem>>, vector<16xi32>,
        %swap3A_313 = vector.shape_cast %swap3A_312 : vector<16xi32> to vector<16xi32>
        %swap3A_314 = vector.shape_cast %get3A_310 : vector<16xi32> to vector<16xi32>
        tpu.vector_store %arg10[%swap3A_311], %swap3A_314 {strides = array<i32>} : memref<128xi32, #tpu.memory_space<vmem>>, vector<16xi32>,
        %get3A_315 = arith.index_cast %add3A_282 : i32 to index
        %get3A_316 = arith.constant 64 : index
        %get3A_317 = tpu.vector_load %arg8[%get3A_315, %get3A_316] {strides = array<i32>} : memref<16x128xi32, #tpu.memory_space<vmem>>, vector<1x16xi32>,
        %get3A_318 = vector.shape_cast %get3A_317 : vector<1x16xi32> to vector<16xi32>
        %swap3A_319 = arith.constant 64 : index
        %swap3A_320 = tpu.vector_load %arg10[%swap3A_319] {strides = array<i32>} : memref<128xi32, #tpu.memory_space<vmem>>, vector<16xi32>,
        %swap3A_321 = vector.shape_cast %swap3A_320 : vector<16xi32> to vector<16xi32>
        %swap3A_322 = vector.shape_cast %get3A_318 : vector<16xi32> to vector<16xi32>
        tpu.vector_store %arg10[%swap3A_319], %swap3A_322 {strides = array<i32>} : memref<128xi32, #tpu.memory_space<vmem>>, vector<16xi32>,
        %get3A_323 = arith.index_cast %add3A_282 : i32 to index
        %get3A_324 = arith.constant 80 : index
        %get3A_325 = tpu.vector_load %arg8[%get3A_323, %get3A_324] {strides = array<i32>} : memref<16x128xi32, #tpu.memory_space<vmem>>, vector<1x16xi32>,
        %get3A_326 = vector.shape_cast %get3A_325 : vector<1x16xi32> to vector<16xi32>
        %swap3A_327 = arith.constant 80 : index
        %swap3A_328 = tpu.vector_load %arg10[%swap3A_327] {strides = array<i32>} : memref<128xi32, #tpu.memory_space<vmem>>, vector<16xi32>,
        %swap3A_329 = vector.shape_cast %swap3A_328 : vector<16xi32> to vector<16xi32>
        %swap3A_330 = vector.shape_cast %get3A_326 : vector<16xi32> to vector<16xi32>
        tpu.vector_store %arg10[%swap3A_327], %swap3A_330 {strides = array<i32>} : memref<128xi32, #tpu.memory_space<vmem>>, vector<16xi32>,
        %get3A_331 = arith.index_cast %add3A_282 : i32 to index
        %get3A_332 = arith.constant 96 : index
        %get3A_333 = tpu.vector_load %arg8[%get3A_331, %get3A_332] {strides = array<i32>} : memref<16x128xi32, #tpu.memory_space<vmem>>, vector<1x16xi32>,
        %get3A_334 = vector.shape_cast %get3A_333 : vector<1x16xi32> to vector<16xi32>
        %swap3A_335 = arith.constant 96 : index
        %swap3A_336 = tpu.vector_load %arg10[%swap3A_335] {strides = array<i32>} : memref<128xi32, #tpu.memory_space<vmem>>, vector<16xi32>,
        %swap3A_337 = vector.shape_cast %swap3A_336 : vector<16xi32> to vector<16xi32>
        %swap3A_338 = vector.shape_cast %get3A_334 : vector<16xi32> to vector<16xi32>
        tpu.vector_store %arg10[%swap3A_335], %swap3A_338 {strides = array<i32>} : memref<128xi32, #tpu.memory_space<vmem>>, vector<16xi32>,
        %get3A_339 = arith.index_cast %add3A_282 : i32 to index
        %get3A_340 = arith.constant 112 : index
        %get3A_341 = tpu.vector_load %arg8[%get3A_339, %get3A_340] {strides = array<i32>} : memref<16x128xi32, #tpu.memory_space<vmem>>, vector<1x16xi32>,
        %get3A_342 = vector.shape_cast %get3A_341 : vector<1x16xi32> to vector<16xi32>
        %swap3A_343 = arith.constant 112 : index
        %swap3A_344 = tpu.vector_load %arg10[%swap3A_343] {strides = array<i32>} : memref<128xi32, #tpu.memory_space<vmem>>, vector<16xi32>,
        %swap3A_345 = vector.shape_cast %swap3A_344 : vector<16xi32> to vector<16xi32>
        %swap3A_346 = vector.shape_cast %get3A_342 : vector<16xi32> to vector<16xi32>
        tpu.vector_store %arg10[%swap3A_343], %swap3A_346 {strides = array<i32>} : memref<128xi32, #tpu.memory_space<vmem>>, vector<16xi32>,
        "tpu.region"() ({
          %run_scoped3A = tpu.sem_alloc : memref<!tpu.dma_semaphore, #tpu.memory_space<semaphore_mem>>
          %dma_start3A_355 = arith.constant 0 : i32
          %dma_start3A_356 = arith.constant 0 : i32
          %dma_start3A_357 = tpu.memref_slice %arg13[%dma_start3A_355, %dma_start3A_356] : memref<10112x128xf32, #tpu.memory_space<vmem_shared>> -> memref<10112x128xf32, #tpu.memory_space<vmem_shared>>
          tpu.enqueue_indirect_dma source(%arg12 : memref<128x128xf32, #tpu.memory_space<vmem>>) target(%dma_start3A_357 : memref<10112x128xf32, #tpu.memory_space<vmem_shared>>) offsets(%arg10 : memref<128xi32, #tpu.memory_space<vmem>>) semaphore(%run_scoped3A : memref<!tpu.dma_semaphore, #tpu.memory_space<semaphore_mem>>) {add = true}
          %dma_wait3A_358 = arith.constant 0 : i32
          %dma_wait3A_359 = arith.constant 0 : i32
          %dma_wait3A_360 = tpu.memref_slice %arg13[%dma_wait3A_358, %dma_wait3A_359] : memref<10112x128xf32, #tpu.memory_space<vmem_shared>> -> memref<10112x128xf32, #tpu.memory_space<vmem_shared>>
          tpu.wait_indirect_dma semaphore(%run_scoped3A : memref<!tpu.dma_semaphore, #tpu.memory_space<semaphore_mem>>) src(%arg12 : memref<128x128xf32, #tpu.memory_space<vmem>>) dst(%dma_wait3A_360 : memref<10112x128xf32, #tpu.memory_space<vmem_shared>>)
          tpu.yield
        }) : () -> ()
        %add3A_347 = arith.constant 3 : i32
        %add3A_348 = arith.addi %mul3A_194, %add3A_347 : i32
        %dma_start3A_349 = arith.constant 0 : i32
        %dma_start3A_350 = tpu.memref_slice %arg7[%add3A_348, %dma_start3A_349] : memref<16x128xi32, #tpu.memory_space<vmem>> -> memref<1x128xi32, #tpu.memory_space<vmem>>
        %dma_start3A_351 = tpu.memref_squeeze %dma_start3A_350 : memref<1x128xi32, #tpu.memory_space<vmem>> -> memref<128xi32, #tpu.memory_space<vmem>>
        %dma_start3A_352 = arith.constant 0 : i32
        %dma_start3A_353 = arith.constant 0 : i32
        %dma_start3A_354 = tpu.memref_slice %arg2[%dma_start3A_352, %dma_start3A_353] : memref<10000x128xf32, #tpu.memory_space<hbm>> -> memref<10000x128xf32, #tpu.memory_space<hbm>>
        tpu.enqueue_indirect_dma source(%dma_start3A_354 : memref<10000x128xf32, #tpu.memory_space<hbm>>) target(%arg12 : memref<128x128xf32, #tpu.memory_space<vmem>>) offsets(%dma_start3A_351 : memref<128xi32, #tpu.memory_space<vmem>>) semaphore(%arg15 : memref<!tpu.dma_semaphore, #tpu.memory_space<semaphore_mem>>)
      }
      %scan3A_36 = arith.constant 7 : i32
      %dma_wait3A = arith.constant 14 : i32
      %dma_wait3A_37 = arith.constant 0 : i32
      %dma_wait3A_38 = tpu.memref_slice %arg7[%dma_wait3A, %dma_wait3A_37] : memref<16x128xi32, #tpu.memory_space<vmem>> -> memref<1x128xi32, #tpu.memory_space<vmem>>
      %dma_wait3A_39 = tpu.memref_squeeze %dma_wait3A_38 : memref<1x128xi32, #tpu.memory_space<vmem>> -> memref<128xi32, #tpu.memory_space<vmem>>
      %dma_wait3A_40 = arith.constant 0 : i32
      %dma_wait3A_41 = arith.constant 0 : i32
      %dma_wait3A_42 = tpu.memref_slice %arg2[%dma_wait3A_40, %dma_wait3A_41] : memref<10000x128xf32, #tpu.memory_space<hbm>> -> memref<10000x128xf32, #tpu.memory_space<hbm>>
      tpu.wait_indirect_dma semaphore(%arg14 : memref<!tpu.dma_semaphore, #tpu.memory_space<semaphore_mem>>) src(%dma_wait3A_42 : memref<10000x128xf32, #tpu.memory_space<hbm>>) dst(%arg11 : memref<128x128xf32, #tpu.memory_space<vmem>>)
      %get3A = arith.constant 14 : i32
      %get3A_43 = arith.index_cast %get3A : i32 to index
      %get3A_44 = arith.constant 0 : index
      %get3A_45 = tpu.vector_load %arg8[%get3A_43, %get3A_44] {strides = array<i32>} : memref<16x128xi32, #tpu.memory_space<vmem>>, vector<1x16xi32>,
      %get3A_46 = vector.shape_cast %get3A_45 : vector<1x16xi32> to vector<16xi32>
      %swap3A = arith.constant 0 : index
      %swap3A_47 = tpu.vector_load %arg9[%swap3A] {strides = array<i32>} : memref<128xi32, #tpu.memory_space<vmem>>, vector<16xi32>,
      %swap3A_48 = vector.shape_cast %swap3A_47 : vector<16xi32> to vector<16xi32>
      %swap3A_49 = vector.shape_cast %get3A_46 : vector<16xi32> to vector<16xi32>
      tpu.vector_store %arg9[%swap3A], %swap3A_49 {strides = array<i32>} : memref<128xi32, #tpu.memory_space<vmem>>, vector<16xi32>,
      %get3A_50 = arith.constant 14 : i32
      %get3A_51 = arith.index_cast %get3A_50 : i32 to index
      %get3A_52 = arith.constant 16 : index
      %get3A_53 = tpu.vector_load %arg8[%get3A_51, %get3A_52] {strides = array<i32>} : memref<16x128xi32, #tpu.memory_space<vmem>>, vector<1x16xi32>,
      %get3A_54 = vector.shape_cast %get3A_53 : vector<1x16xi32> to vector<16xi32>
      %swap3A_55 = arith.constant 16 : index
      %swap3A_56 = tpu.vector_load %arg9[%swap3A_55] {strides = array<i32>} : memref<128xi32, #tpu.memory_space<vmem>>, vector<16xi32>,
      %swap3A_57 = vector.shape_cast %swap3A_56 : vector<16xi32> to vector<16xi32>
      %swap3A_58 = vector.shape_cast %get3A_54 : vector<16xi32> to vector<16xi32>
      tpu.vector_store %arg9[%swap3A_55], %swap3A_58 {strides = array<i32>} : memref<128xi32, #tpu.memory_space<vmem>>, vector<16xi32>,
      %get3A_59 = arith.constant 14 : i32
      %get3A_60 = arith.index_cast %get3A_59 : i32 to index
      %get3A_61 = arith.constant 32 : index
      %get3A_62 = tpu.vector_load %arg8[%get3A_60, %get3A_61] {strides = array<i32>} : memref<16x128xi32, #tpu.memory_space<vmem>>, vector<1x16xi32>,
      %get3A_63 = vector.shape_cast %get3A_62 : vector<1x16xi32> to vector<16xi32>
      %swap3A_64 = arith.constant 32 : index
      %swap3A_65 = tpu.vector_load %arg9[%swap3A_64] {strides = array<i32>} : memref<128xi32, #tpu.memory_space<vmem>>, vector<16xi32>,
      %swap3A_66 = vector.shape_cast %swap3A_65 : vector<16xi32> to vector<16xi32>
      %swap3A_67 = vector.shape_cast %get3A_63 : vector<16xi32> to vector<16xi32>
      tpu.vector_store %arg9[%swap3A_64], %swap3A_67 {strides = array<i32>} : memref<128xi32, #tpu.memory_space<vmem>>, vector<16xi32>,
      %get3A_68 = arith.constant 14 : i32
      %get3A_69 = arith.index_cast %get3A_68 : i32 to index
      %get3A_70 = arith.constant 48 : index
      %get3A_71 = tpu.vector_load %arg8[%get3A_69, %get3A_70] {strides = array<i32>} : memref<16x128xi32, #tpu.memory_space<vmem>>, vector<1x16xi32>,
      %get3A_72 = vector.shape_cast %get3A_71 : vector<1x16xi32> to vector<16xi32>
      %swap3A_73 = arith.constant 48 : index
      %swap3A_74 = tpu.vector_load %arg9[%swap3A_73] {strides = array<i32>} : memref<128xi32, #tpu.memory_space<vmem>>, vector<16xi32>,
      %swap3A_75 = vector.shape_cast %swap3A_74 : vector<16xi32> to vector<16xi32>
      %swap3A_76 = vector.shape_cast %get3A_72 : vector<16xi32> to vector<16xi32>
      tpu.vector_store %arg9[%swap3A_73], %swap3A_76 {strides = array<i32>} : memref<128xi32, #tpu.memory_space<vmem>>, vector<16xi32>,
      %get3A_77 = arith.constant 14 : i32
      %get3A_78 = arith.index_cast %get3A_77 : i32 to index
      %get3A_79 = arith.constant 64 : index
      %get3A_80 = tpu.vector_load %arg8[%get3A_78, %get3A_79] {strides = array<i32>} : memref<16x128xi32, #tpu.memory_space<vmem>>, vector<1x16xi32>,
      %get3A_81 = vector.shape_cast %get3A_80 : vector<1x16xi32> to vector<16xi32>
      %swap3A_82 = arith.constant 64 : index
      %swap3A_83 = tpu.vector_load %arg9[%swap3A_82] {strides = array<i32>} : memref<128xi32, #tpu.memory_space<vmem>>, vector<16xi32>,
      %swap3A_84 = vector.shape_cast %swap3A_83 : vector<16xi32> to vector<16xi32>
      %swap3A_85 = vector.shape_cast %get3A_81 : vector<16xi32> to vector<16xi32>
      tpu.vector_store %arg9[%swap3A_82], %swap3A_85 {strides = array<i32>} : memref<128xi32, #tpu.memory_space<vmem>>, vector<16xi32>,
      %get3A_86 = arith.constant 14 : i32
      %get3A_87 = arith.index_cast %get3A_86 : i32 to index
      %get3A_88 = arith.constant 80 : index
      %get3A_89 = tpu.vector_load %arg8[%get3A_87, %get3A_88] {strides = array<i32>} : memref<16x128xi32, #tpu.memory_space<vmem>>, vector<1x16xi32>,
      %get3A_90 = vector.shape_cast %get3A_89 : vector<1x16xi32> to vector<16xi32>
      %swap3A_91 = arith.constant 80 : index
      %swap3A_92 = tpu.vector_load %arg9[%swap3A_91] {strides = array<i32>} : memref<128xi32, #tpu.memory_space<vmem>>, vector<16xi32>,
      %swap3A_93 = vector.shape_cast %swap3A_92 : vector<16xi32> to vector<16xi32>
      %swap3A_94 = vector.shape_cast %get3A_90 : vector<16xi32> to vector<16xi32>
      tpu.vector_store %arg9[%swap3A_91], %swap3A_94 {strides = array<i32>} : memref<128xi32, #tpu.memory_space<vmem>>, vector<16xi32>,
      %get3A_95 = arith.constant 14 : i32
      %get3A_96 = arith.index_cast %get3A_95 : i32 to index
      %get3A_97 = arith.constant 96 : index
      %get3A_98 = tpu.vector_load %arg8[%get3A_96, %get3A_97] {strides = array<i32>} : memref<16x128xi32, #tpu.memory_space<vmem>>, vector<1x16xi32>,
      %get3A_99 = vector.shape_cast %get3A_98 : vector<1x16xi32> to vector<16xi32>
      %swap3A_100 = arith.constant 96 : index
      %swap3A_101 = tpu.vector_load %arg9[%swap3A_100] {strides = array<i32>} : memref<128xi32, #tpu.memory_space<vmem>>, vector<16xi32>,
      %swap3A_102 = vector.shape_cast %swap3A_101 : vector<16xi32> to vector<16xi32>
      %swap3A_103 = vector.shape_cast %get3A_99 : vector<16xi32> to vector<16xi32>
      tpu.vector_store %arg9[%swap3A_100], %swap3A_103 {strides = array<i32>} : memref<128xi32, #tpu.memory_space<vmem>>, vector<16xi32>,
      %get3A_104 = arith.constant 14 : i32
      %get3A_105 = arith.index_cast %get3A_104 : i32 to index
      %get3A_106 = arith.constant 112 : index
      %get3A_107 = tpu.vector_load %arg8[%get3A_105, %get3A_106] {strides = array<i32>} : memref<16x128xi32, #tpu.memory_space<vmem>>, vector<1x16xi32>,
      %get3A_108 = vector.shape_cast %get3A_107 : vector<1x16xi32> to vector<16xi32>
      %swap3A_109 = arith.constant 112 : index
      %swap3A_110 = tpu.vector_load %arg9[%swap3A_109] {strides = array<i32>} : memref<128xi32, #tpu.memory_space<vmem>>, vector<16xi32>,
      %swap3A_111 = vector.shape_cast %swap3A_110 : vector<16xi32> to vector<16xi32>
      %swap3A_112 = vector.shape_cast %get3A_108 : vector<16xi32> to vector<16xi32>
      tpu.vector_store %arg9[%swap3A_109], %swap3A_112 {strides = array<i32>} : memref<128xi32, #tpu.memory_space<vmem>>, vector<16xi32>,
      "tpu.region"() ({
        %run_scoped3A = tpu.sem_alloc : memref<!tpu.dma_semaphore, #tpu.memory_space<semaphore_mem>>
        %dma_start3A_192 = arith.constant 0 : i32
        %dma_start3A_193 = arith.constant 0 : i32
        %dma_start3A_194 = tpu.memref_slice %arg13[%dma_start3A_192, %dma_start3A_193] : memref<10112x128xf32, #tpu.memory_space<vmem_shared>> -> memref<10112x128xf32, #tpu.memory_space<vmem_shared>>
        tpu.enqueue_indirect_dma source(%arg11 : memref<128x128xf32, #tpu.memory_space<vmem>>) target(%dma_start3A_194 : memref<10112x128xf32, #tpu.memory_space<vmem_shared>>) offsets(%arg9 : memref<128xi32, #tpu.memory_space<vmem>>) semaphore(%run_scoped3A : memref<!tpu.dma_semaphore, #tpu.memory_space<semaphore_mem>>) {add = true}
        %dma_wait3A_195 = arith.constant 0 : i32
        %dma_wait3A_196 = arith.constant 0 : i32
        %dma_wait3A_197 = tpu.memref_slice %arg13[%dma_wait3A_195, %dma_wait3A_196] : memref<10112x128xf32, #tpu.memory_space<vmem_shared>> -> memref<10112x128xf32, #tpu.memory_space<vmem_shared>>
        tpu.wait_indirect_dma semaphore(%run_scoped3A : memref<!tpu.dma_semaphore, #tpu.memory_space<semaphore_mem>>) src(%arg11 : memref<128x128xf32, #tpu.memory_space<vmem>>) dst(%dma_wait3A_197 : memref<10112x128xf32, #tpu.memory_space<vmem_shared>>)
        tpu.yield
      }) : () -> ()
      %dma_wait3A_113 = arith.constant 15 : i32
      %dma_wait3A_114 = arith.constant 0 : i32
      %dma_wait3A_115 = tpu.memref_slice %arg7[%dma_wait3A_113, %dma_wait3A_114] : memref<16x128xi32, #tpu.memory_space<vmem>> -> memref<1x128xi32, #tpu.memory_space<vmem>>
      %dma_wait3A_116 = tpu.memref_squeeze %dma_wait3A_115 : memref<1x128xi32, #tpu.memory_space<vmem>> -> memref<128xi32, #tpu.memory_space<vmem>>
      %dma_wait3A_117 = arith.constant 0 : i32
      %dma_wait3A_118 = arith.constant 0 : i32
      %dma_wait3A_119 = tpu.memref_slice %arg2[%dma_wait3A_117, %dma_wait3A_118] : memref<10000x128xf32, #tpu.memory_space<hbm>> -> memref<10000x128xf32, #tpu.memory_space<hbm>>
      tpu.wait_indirect_dma semaphore(%arg15 : memref<!tpu.dma_semaphore, #tpu.memory_space<semaphore_mem>>) src(%dma_wait3A_119 : memref<10000x128xf32, #tpu.memory_space<hbm>>) dst(%arg12 : memref<128x128xf32, #tpu.memory_space<vmem>>)
      %get3A_120 = arith.constant 15 : i32
      %get3A_121 = arith.index_cast %get3A_120 : i32 to index
      %get3A_122 = arith.constant 0 : index
      %get3A_123 = tpu.vector_load %arg8[%get3A_121, %get3A_122] {strides = array<i32>} : memref<16x128xi32, #tpu.memory_space<vmem>>, vector<1x16xi32>,
      %get3A_124 = vector.shape_cast %get3A_123 : vector<1x16xi32> to vector<16xi32>
      %swap3A_125 = arith.constant 0 : index
      %swap3A_126 = tpu.vector_load %arg10[%swap3A_125] {strides = array<i32>} : memref<128xi32, #tpu.memory_space<vmem>>, vector<16xi32>,
      %swap3A_127 = vector.shape_cast %swap3A_126 : vector<16xi32> to vector<16xi32>
      %swap3A_128 = vector.shape_cast %get3A_124 : vector<16xi32> to vector<16xi32>
      tpu.vector_store %arg10[%swap3A_125], %swap3A_128 {strides = array<i32>} : memref<128xi32, #tpu.memory_space<vmem>>, vector<16xi32>,
      %get3A_129 = arith.constant 15 : i32
      %get3A_130 = arith.index_cast %get3A_129 : i32 to index
      %get3A_131 = arith.constant 16 : index
      %get3A_132 = tpu.vector_load %arg8[%get3A_130, %get3A_131] {strides = array<i32>} : memref<16x128xi32, #tpu.memory_space<vmem>>, vector<1x16xi32>,
      %get3A_133 = vector.shape_cast %get3A_132 : vector<1x16xi32> to vector<16xi32>
      %swap3A_134 = arith.constant 16 : index
      %swap3A_135 = tpu.vector_load %arg10[%swap3A_134] {strides = array<i32>} : memref<128xi32, #tpu.memory_space<vmem>>, vector<16xi32>,
      %swap3A_136 = vector.shape_cast %swap3A_135 : vector<16xi32> to vector<16xi32>
      %swap3A_137 = vector.shape_cast %get3A_133 : vector<16xi32> to vector<16xi32>
      tpu.vector_store %arg10[%swap3A_134], %swap3A_137 {strides = array<i32>} : memref<128xi32, #tpu.memory_space<vmem>>, vector<16xi32>,
      %get3A_138 = arith.constant 15 : i32
      %get3A_139 = arith.index_cast %get3A_138 : i32 to index
      %get3A_140 = arith.constant 32 : index
      %get3A_141 = tpu.vector_load %arg8[%get3A_139, %get3A_140] {strides = array<i32>} : memref<16x128xi32, #tpu.memory_space<vmem>>, vector<1x16xi32>,
      %get3A_142 = vector.shape_cast %get3A_141 : vector<1x16xi32> to vector<16xi32>
      %swap3A_143 = arith.constant 32 : index
      %swap3A_144 = tpu.vector_load %arg10[%swap3A_143] {strides = array<i32>} : memref<128xi32, #tpu.memory_space<vmem>>, vector<16xi32>,
      %swap3A_145 = vector.shape_cast %swap3A_144 : vector<16xi32> to vector<16xi32>
      %swap3A_146 = vector.shape_cast %get3A_142 : vector<16xi32> to vector<16xi32>
      tpu.vector_store %arg10[%swap3A_143], %swap3A_146 {strides = array<i32>} : memref<128xi32, #tpu.memory_space<vmem>>, vector<16xi32>,
      %get3A_147 = arith.constant 15 : i32
      %get3A_148 = arith.index_cast %get3A_147 : i32 to index
      %get3A_149 = arith.constant 48 : index
      %get3A_150 = tpu.vector_load %arg8[%get3A_148, %get3A_149] {strides = array<i32>} : memref<16x128xi32, #tpu.memory_space<vmem>>, vector<1x16xi32>,
      %get3A_151 = vector.shape_cast %get3A_150 : vector<1x16xi32> to vector<16xi32>
      %swap3A_152 = arith.constant 48 : index
      %swap3A_153 = tpu.vector_load %arg10[%swap3A_152] {strides = array<i32>} : memref<128xi32, #tpu.memory_space<vmem>>, vector<16xi32>,
      %swap3A_154 = vector.shape_cast %swap3A_153 : vector<16xi32> to vector<16xi32>
      %swap3A_155 = vector.shape_cast %get3A_151 : vector<16xi32> to vector<16xi32>
      tpu.vector_store %arg10[%swap3A_152], %swap3A_155 {strides = array<i32>} : memref<128xi32, #tpu.memory_space<vmem>>, vector<16xi32>,
      %get3A_156 = arith.constant 15 : i32
      %get3A_157 = arith.index_cast %get3A_156 : i32 to index
      %get3A_158 = arith.constant 64 : index
      %get3A_159 = tpu.vector_load %arg8[%get3A_157, %get3A_158] {strides = array<i32>} : memref<16x128xi32, #tpu.memory_space<vmem>>, vector<1x16xi32>,
      %get3A_160 = vector.shape_cast %get3A_159 : vector<1x16xi32> to vector<16xi32>
      %swap3A_161 = arith.constant 64 : index
      %swap3A_162 = tpu.vector_load %arg10[%swap3A_161] {strides = array<i32>} : memref<128xi32, #tpu.memory_space<vmem>>, vector<16xi32>,
      %swap3A_163 = vector.shape_cast %swap3A_162 : vector<16xi32> to vector<16xi32>
      %swap3A_164 = vector.shape_cast %get3A_160 : vector<16xi32> to vector<16xi32>
      tpu.vector_store %arg10[%swap3A_161], %swap3A_164 {strides = array<i32>} : memref<128xi32, #tpu.memory_space<vmem>>, vector<16xi32>,
      %get3A_165 = arith.constant 15 : i32
      %get3A_166 = arith.index_cast %get3A_165 : i32 to index
      %get3A_167 = arith.constant 80 : index
      %get3A_168 = tpu.vector_load %arg8[%get3A_166, %get3A_167] {strides = array<i32>} : memref<16x128xi32, #tpu.memory_space<vmem>>, vector<1x16xi32>,
      %get3A_169 = vector.shape_cast %get3A_168 : vector<1x16xi32> to vector<16xi32>
      %swap3A_170 = arith.constant 80 : index
      %swap3A_171 = tpu.vector_load %arg10[%swap3A_170] {strides = array<i32>} : memref<128xi32, #tpu.memory_space<vmem>>, vector<16xi32>,
      %swap3A_172 = vector.shape_cast %swap3A_171 : vector<16xi32> to vector<16xi32>
      %swap3A_173 = vector.shape_cast %get3A_169 : vector<16xi32> to vector<16xi32>
      tpu.vector_store %arg10[%swap3A_170], %swap3A_173 {strides = array<i32>} : memref<128xi32, #tpu.memory_space<vmem>>, vector<16xi32>,
      %get3A_174 = arith.constant 15 : i32
      %get3A_175 = arith.index_cast %get3A_174 : i32 to index
      %get3A_176 = arith.constant 96 : index
      %get3A_177 = tpu.vector_load %arg8[%get3A_175, %get3A_176] {strides = array<i32>} : memref<16x128xi32, #tpu.memory_space<vmem>>, vector<1x16xi32>,
      %get3A_178 = vector.shape_cast %get3A_177 : vector<1x16xi32> to vector<16xi32>
      %swap3A_179 = arith.constant 96 : index
      %swap3A_180 = tpu.vector_load %arg10[%swap3A_179] {strides = array<i32>} : memref<128xi32, #tpu.memory_space<vmem>>, vector<16xi32>,
      %swap3A_181 = vector.shape_cast %swap3A_180 : vector<16xi32> to vector<16xi32>
      %swap3A_182 = vector.shape_cast %get3A_178 : vector<16xi32> to vector<16xi32>
      tpu.vector_store %arg10[%swap3A_179], %swap3A_182 {strides = array<i32>} : memref<128xi32, #tpu.memory_space<vmem>>, vector<16xi32>,
      %get3A_183 = arith.constant 15 : i32
      %get3A_184 = arith.index_cast %get3A_183 : i32 to index
      %get3A_185 = arith.constant 112 : index
      %get3A_186 = tpu.vector_load %arg8[%get3A_184, %get3A_185] {strides = array<i32>} : memref<16x128xi32, #tpu.memory_space<vmem>>, vector<1x16xi32>,
      %get3A_187 = vector.shape_cast %get3A_186 : vector<1x16xi32> to vector<16xi32>
      %swap3A_188 = arith.constant 112 : index
      %swap3A_189 = tpu.vector_load %arg10[%swap3A_188] {strides = array<i32>} : memref<128xi32, #tpu.memory_space<vmem>>, vector<16xi32>,
      %swap3A_190 = vector.shape_cast %swap3A_189 : vector<16xi32> to vector<16xi32>
      %swap3A_191 = vector.shape_cast %get3A_187 : vector<16xi32> to vector<16xi32>
      tpu.vector_store %arg10[%swap3A_188], %swap3A_191 {strides = array<i32>} : memref<128xi32, #tpu.memory_space<vmem>>, vector<16xi32>,
      "tpu.region"() ({
        %run_scoped3A = tpu.sem_alloc : memref<!tpu.dma_semaphore, #tpu.memory_space<semaphore_mem>>
        %dma_start3A_192 = arith.constant 0 : i32
        %dma_start3A_193 = arith.constant 0 : i32
        %dma_start3A_194 = tpu.memref_slice %arg13[%dma_start3A_192, %dma_start3A_193] : memref<10112x128xf32, #tpu.memory_space<vmem_shared>> -> memref<10112x128xf32, #tpu.memory_space<vmem_shared>>
        tpu.enqueue_indirect_dma source(%arg12 : memref<128x128xf32, #tpu.memory_space<vmem>>) target(%dma_start3A_194 : memref<10112x128xf32, #tpu.memory_space<vmem_shared>>) offsets(%arg10 : memref<128xi32, #tpu.memory_space<vmem>>) semaphore(%run_scoped3A : memref<!tpu.dma_semaphore, #tpu.memory_space<semaphore_mem>>) {add = true}
        %dma_wait3A_195 = arith.constant 0 : i32
        %dma_wait3A_196 = arith.constant 0 : i32
        %dma_wait3A_197 = tpu.memref_slice %arg13[%dma_wait3A_195, %dma_wait3A_196] : memref<10112x128xf32, #tpu.memory_space<vmem_shared>> -> memref<10112x128xf32, #tpu.memory_space<vmem_shared>>
        tpu.wait_indirect_dma semaphore(%run_scoped3A : memref<!tpu.dma_semaphore, #tpu.memory_space<semaphore_mem>>) src(%arg12 : memref<128x128xf32, #tpu.memory_space<vmem>>) dst(%dma_wait3A_197 : memref<10112x128xf32, #tpu.memory_space<vmem_shared>>)
        tpu.yield
      }) : () -> ()
    }
    %scan3A_7 = arith.constant 5 : i32
    %barrier3A_8 = arith.constant 0 : index
    tpu.barrier barrier_id(%barrier3A_8)
    %mul3A_9 = arith.constant 10112 : i32
    %mul3A_10 = arith.muli %arg0, %mul3A_9 : i32
    %add3A_11 = arith.addi %mul3A_10, %mul3A_2 : i32
    "tpu.region"() ({
      %run_scoped3A = tpu.sem_alloc : memref<!tpu.dma_semaphore, #tpu.memory_space<semaphore_mem>>
      %dma_start3A = arith.constant 0 : i32
      %dma_start3A_12 = tpu.memref_slice %arg6[%add3A_11, %dma_start3A] : memref<20224x128xf32, #tpu.memory_space<hbm>> -> memref<632x128xf32, #tpu.memory_space<hbm>>
      %dma_start3A_13 = arith.constant 0 : i32
      %dma_start3A_14 = tpu.memref_slice %arg13[%mul3A_2, %dma_start3A_13] : memref<10112x128xf32, #tpu.memory_space<vmem_shared>> -> memref<632x128xf32, #tpu.memory_space<vmem_shared>>
      tpu.enqueue_dma source(%dma_start3A_14 : memref<632x128xf32, #tpu.memory_space<vmem_shared>>) target(%dma_start3A_12 : memref<632x128xf32, #tpu.memory_space<hbm>>) target_semaphore(%run_scoped3A : memref<!tpu.dma_semaphore, #tpu.memory_space<semaphore_mem>>)
      %dma_wait3A = arith.constant 0 : i32
      %dma_wait3A_15 = tpu.memref_slice %arg6[%add3A_11, %dma_wait3A] : memref<20224x128xf32, #tpu.memory_space<hbm>> -> memref<632x128xf32, #tpu.memory_space<hbm>>
      %dma_wait3A_16 = arith.constant 0 : i32
      %dma_wait3A_17 = tpu.memref_slice %arg13[%mul3A_2, %dma_wait3A_16] : memref<10112x128xf32, #tpu.memory_space<vmem_shared>> -> memref<632x128xf32, #tpu.memory_space<vmem_shared>>
      tpu.wait_dma2 semaphore(%run_scoped3A : memref<!tpu.dma_semaphore, #tpu.memory_space<semaphore_mem>>) src(%dma_wait3A_17 : memref<632x128xf32, #tpu.memory_space<vmem_shared>>) dst(%dma_wait3A_15 : memref<632x128xf32, #tpu.memory_space<hbm>>)
      tpu.yield
    }) : () -> ()
    return
  }
}

#map = affine_map<(d0, d1) -> (0, 0)>
module attributes {stable_mosaic.version = 14 : i64} {
  func.func @_sc_segsum(%arg0: i32, %arg1: i32, %arg2: memref<10000x128xf32, #tpu.memory_space<hbm>>, %arg3: memref<2560x128xi32, #tpu.memory_space<hbm>>, %arg4: memref<2560x128xi32, #tpu.memory_space<hbm>>, %arg5: memref<10112x128xf32, #tpu.memory_space<hbm>>, %arg6: memref<20224x128xf32, #tpu.memory_space<hbm>>, %arg7: memref<16x128xi32, #tpu.memory_space<vmem>>, %arg8: memref<16x128xi32, #tpu.memory_space<vmem>>, %arg9: memref<128xi32, #tpu.memory_space<vmem>>, %arg10: memref<128xi32, #tpu.memory_space<vmem>>, %arg11: memref<128x128xf32, #tpu.memory_space<vmem>>, %arg12: memref<128x128xf32, #tpu.memory_space<vmem>>, %arg13: memref<10112x128xf32, #tpu.memory_space<vmem_shared>>, %arg14: memref<!tpu.dma_semaphore, #tpu.memory_space<semaphore_mem>>, %arg15: memref<!tpu.dma_semaphore, #tpu.memory_space<semaphore_mem>>, %arg16: memref<!tpu.dma_semaphore, #tpu.memory_space<semaphore_mem>>, %arg17: memref<!tpu.dma_semaphore, #tpu.memory_space<semaphore_mem>>) attributes {dimension_semantics = [#tpu.dimension_semantics<core_parallel>, #tpu.dimension_semantics<subcore_parallel>], iteration_bounds = array<i64: 2, 16>, scalar_prefetch = 0 : i64, scratch_operands = 11 : i64, tpu.core_type = #tpu.core_type<sc_vector_subcore>, window_params = [{transform_indices = #map}, {transform_indices = #map}, {transform_indices = #map}, {transform_indices = #map}, {transform_indices = #map}]} {
    %mul3A = arith.constant 16 : i32
    %mul3A_0 = arith.muli %arg0, %mul3A : i32
    %add3A = arith.addi %mul3A_0, %arg1 : i32
    %mul3A_1 = arith.constant 632 : i32
    %mul3A_2 = arith.muli %arg1, %mul3A_1 : i32
    "tpu.region"() ({
      %run_scoped3A = tpu.sem_alloc : memref<!tpu.dma_semaphore, #tpu.memory_space<semaphore_mem>>
      %dma_start3A = arith.constant 0 : i32
      %dma_start3A_12 = tpu.memref_slice %arg13[%mul3A_2, %dma_start3A] : memref<10112x128xf32, #tpu.memory_space<vmem_shared>> -> memref<632x128xf32, #tpu.memory_space<vmem_shared>>
      %dma_start3A_13 = arith.constant 0 : i32
      %dma_start3A_14 = tpu.memref_slice %arg5[%mul3A_2, %dma_start3A_13] : memref<10112x128xf32, #tpu.memory_space<hbm>> -> memref<632x128xf32, #tpu.memory_space<hbm>>
      tpu.enqueue_dma source(%dma_start3A_14 : memref<632x128xf32, #tpu.memory_space<hbm>>) target(%dma_start3A_12 : memref<632x128xf32, #tpu.memory_space<vmem_shared>>) target_semaphore(%run_scoped3A : memref<!tpu.dma_semaphore, #tpu.memory_space<semaphore_mem>>)
      %dma_wait3A = arith.constant 0 : i32
      %dma_wait3A_15 = tpu.memref_slice %arg13[%mul3A_2, %dma_wait3A] : memref<10112x128xf32, #tpu.memory_space<vmem_shared>> -> memref<632x128xf32, #tpu.memory_space<vmem_shared>>
      %dma_wait3A_16 = arith.constant 0 : i32
      %dma_wait3A_17 = tpu.memref_slice %arg5[%mul3A_2, %dma_wait3A_16] : memref<10112x128xf32, #tpu.memory_space<hbm>> -> memref<632x128xf32, #tpu.memory_space<hbm>>
      tpu.wait_dma2 semaphore(%run_scoped3A : memref<!tpu.dma_semaphore, #tpu.memory_space<semaphore_mem>>) src(%dma_wait3A_17 : memref<632x128xf32, #tpu.memory_space<hbm>>) dst(%dma_wait3A_15 : memref<632x128xf32, #tpu.memory_space<vmem_shared>>)
      tpu.yield
    }) : () -> ()
    %barrier3A = arith.constant 0 : index
    tpu.barrier barrier_id(%barrier3A)
    %scan3A = arith.constant 0 : i32
    %scan3A_3 = arith.constant 0 : i32
    %scan3A_4 = arith.constant 5 : i32
    %scan3A_5 = arith.addi %scan3A_3, %scan3A_4 : i32
    %scan3A_6 = arith.constant 1 : i32
    scf.for %scan3A_12 = %scan3A_3 to %scan3A_5 step %scan3A_6  : i32 {
      %mul3A_13 = arith.constant 80 : i32
      %mul3A_14 = arith.muli %add3A, %mul3A_13 : i32
      %mul3A_15 = arith.constant 16 : i32
      %mul3A_16 = arith.muli %scan3A_12, %mul3A_15 : i32
      %add3A_17 = arith.addi %mul3A_14, %mul3A_16 : i32
      "tpu.region"() ({
        %run_scoped3A = tpu.sem_alloc : memref<!tpu.dma_semaphore, #tpu.memory_space<semaphore_mem>>
        %dma_start3A_192 = arith.constant 0 : i32
        %dma_start3A_193 = tpu.memref_slice %arg3[%add3A_17, %dma_start3A_192] : memref<2560x128xi32, #tpu.memory_space<hbm>> -> memref<16x128xi32, #tpu.memory_space<hbm>>
        %dma_start3A_194 = arith.constant 0 : i32
        %dma_start3A_195 = tpu.memref_slice %arg3[%add3A_17, %dma_start3A_194] : memref<2560x128xi32, #tpu.memory_space<hbm>> -> memref<16x128xi32, #tpu.memory_space<hbm>>
        tpu.enqueue_dma source(%dma_start3A_195 : memref<16x128xi32, #tpu.memory_space<hbm>>) target(%arg7 : memref<16x128xi32, #tpu.memory_space<vmem>>) target_semaphore(%run_scoped3A : memref<!tpu.dma_semaphore, #tpu.memory_space<semaphore_mem>>)
        %dma_wait3A_196 = arith.constant 0 : i32
        %dma_wait3A_197 = tpu.memref_slice %arg3[%add3A_17, %dma_wait3A_196] : memref<2560x128xi32, #tpu.memory_space<hbm>> -> memref<16x128xi32, #tpu.memory_space<hbm>>
        %dma_wait3A_198 = arith.constant 0 : i32
        %dma_wait3A_199 = tpu.memref_slice %arg3[%add3A_17, %dma_wait3A_198] : memref<2560x128xi32, #tpu.memory_space<hbm>> -> memref<16x128xi32, #tpu.memory_space<hbm>>
        tpu.wait_dma2 semaphore(%run_scoped3A : memref<!tpu.dma_semaphore, #tpu.memory_space<semaphore_mem>>) src(%dma_wait3A_199 : memref<16x128xi32, #tpu.memory_space<hbm>>) dst(%arg7 : memref<16x128xi32, #tpu.memory_space<vmem>>)
        tpu.yield
      }) : () -> ()
      "tpu.region"() ({
        %run_scoped3A = tpu.sem_alloc : memref<!tpu.dma_semaphore, #tpu.memory_space<semaphore_mem>>
        %dma_start3A_192 = arith.constant 0 : i32
        %dma_start3A_193 = tpu.memref_slice %arg4[%add3A_17, %dma_start3A_192] : memref<2560x128xi32, #tpu.memory_space<hbm>> -> memref<16x128xi32, #tpu.memory_space<hbm>>
        %dma_start3A_194 = arith.constant 0 : i32
        %dma_start3A_195 = tpu.memref_slice %arg4[%add3A_17, %dma_start3A_194] : memref<2560x128xi32, #tpu.memory_space<hbm>> -> memref<16x128xi32, #tpu.memory_space<hbm>>
        tpu.enqueue_dma source(%dma_start3A_195 : memref<16x128xi32, #tpu.memory_space<hbm>>) target(%arg8 : memref<16x128xi32, #tpu.memory_space<vmem>>) target_semaphore(%run_scoped3A : memref<!tpu.dma_semaphore, #tpu.memory_space<semaphore_mem>>)
        %dma_wait3A_196 = arith.constant 0 : i32
        %dma_wait3A_197 = tpu.memref_slice %arg4[%add3A_17, %dma_wait3A_196] : memref<2560x128xi32, #tpu.memory_space<hbm>> -> memref<16x128xi32, #tpu.memory_space<hbm>>
        %dma_wait3A_198 = arith.constant 0 : i32
        %dma_wait3A_199 = tpu.memref_slice %arg4[%add3A_17, %dma_wait3A_198] : memref<2560x128xi32, #tpu.memory_space<hbm>> -> memref<16x128xi32, #tpu.memory_space<hbm>>
        tpu.wait_dma2 semaphore(%run_scoped3A : memref<!tpu.dma_semaphore, #tpu.memory_space<semaphore_mem>>) src(%dma_wait3A_199 : memref<16x128xi32, #tpu.memory_space<hbm>>) dst(%arg8 : memref<16x128xi32, #tpu.memory_space<vmem>>)
        tpu.yield
      }) : () -> ()
      %dma_start3A = arith.constant 0 : i32
      %dma_start3A_18 = arith.constant 0 : i32
      %dma_start3A_19 = tpu.memref_slice %arg7[%dma_start3A, %dma_start3A_18] : memref<16x128xi32, #tpu.memory_space<vmem>> -> memref<1x128xi32, #tpu.memory_space<vmem>>
      %dma_start3A_20 = tpu.memref_squeeze %dma_start3A_19 : memref<1x128xi32, #tpu.memory_space<vmem>> -> memref<128xi32, #tpu.memory_space<vmem>>
      %dma_start3A_21 = arith.constant 0 : i32
      %dma_start3A_22 = arith.constant 0 : i32
      %dma_start3A_23 = tpu.memref_slice %arg2[%dma_start3A_21, %dma_start3A_22] : memref<10000x128xf32, #tpu.memory_space<hbm>> -> memref<10000x128xf32, #tpu.memory_space<hbm>>
      tpu.enqueue_indirect_dma source(%dma_start3A_23 : memref<10000x128xf32, #tpu.memory_space<hbm>>) target(%arg11 : memref<128x128xf32, #tpu.memory_space<vmem>>) offsets(%dma_start3A_20 : memref<128xi32, #tpu.memory_space<vmem>>) semaphore(%arg14 : memref<!tpu.dma_semaphore, #tpu.memory_space<semaphore_mem>>)
      %dma_start3A_24 = arith.constant 1 : i32
      %dma_start3A_25 = arith.constant 0 : i32
      %dma_start3A_26 = tpu.memref_slice %arg7[%dma_start3A_24, %dma_start3A_25] : memref<16x128xi32, #tpu.memory_space<vmem>> -> memref<1x128xi32, #tpu.memory_space<vmem>>
      %dma_start3A_27 = tpu.memref_squeeze %dma_start3A_26 : memref<1x128xi32, #tpu.memory_space<vmem>> -> memref<128xi32, #tpu.memory_space<vmem>>
      %dma_start3A_28 = arith.constant 0 : i32
      %dma_start3A_29 = arith.constant 0 : i32
      %dma_start3A_30 = tpu.memref_slice %arg2[%dma_start3A_28, %dma_start3A_29] : memref<10000x128xf32, #tpu.memory_space<hbm>> -> memref<10000x128xf32, #tpu.memory_space<hbm>>
      tpu.enqueue_indirect_dma source(%dma_start3A_30 : memref<10000x128xf32, #tpu.memory_space<hbm>>) target(%arg12 : memref<128x128xf32, #tpu.memory_space<vmem>>) offsets(%dma_start3A_27 : memref<128xi32, #tpu.memory_space<vmem>>) semaphore(%arg15 : memref<!tpu.dma_semaphore, #tpu.memory_space<semaphore_mem>>)
      %scan3A_31 = arith.constant 0 : i32
      %scan3A_32 = arith.constant 0 : i32
      %scan3A_33 = arith.constant 7 : i32
      %scan3A_34 = arith.addi %scan3A_32, %scan3A_33 : i32
      %scan3A_35 = arith.constant 1 : i32
      scf.for %scan3A_192 = %scan3A_32 to %scan3A_34 step %scan3A_35  : i32 {
        %mul3A_193 = arith.constant 2 : i32
        %mul3A_194 = arith.muli %mul3A_193, %scan3A_192 : i32
        %dma_wait3A_195 = arith.constant 0 : i32
        %dma_wait3A_196 = tpu.memref_slice %arg7[%mul3A_194, %dma_wait3A_195] : memref<16x128xi32, #tpu.memory_space<vmem>> -> memref<1x128xi32, #tpu.memory_space<vmem>>
        %dma_wait3A_197 = tpu.memref_squeeze %dma_wait3A_196 : memref<1x128xi32, #tpu.memory_space<vmem>> -> memref<128xi32, #tpu.memory_space<vmem>>
        %dma_wait3A_198 = arith.constant 0 : i32
        %dma_wait3A_199 = arith.constant 0 : i32
        %dma_wait3A_200 = tpu.memref_slice %arg2[%dma_wait3A_198, %dma_wait3A_199] : memref<10000x128xf32, #tpu.memory_space<hbm>> -> memref<10000x128xf32, #tpu.memory_space<hbm>>
        tpu.wait_indirect_dma semaphore(%arg14 : memref<!tpu.dma_semaphore, #tpu.memory_space<semaphore_mem>>) src(%dma_wait3A_200 : memref<10000x128xf32, #tpu.memory_space<hbm>>) dst(%arg11 : memref<128x128xf32, #tpu.memory_space<vmem>>)
        %get3A_201 = arith.index_cast %mul3A_194 : i32 to index
        %get3A_202 = arith.constant 0 : index
        %get3A_203 = tpu.vector_load %arg8[%get3A_201, %get3A_202] {strides = array<i32>} : memref<16x128xi32, #tpu.memory_space<vmem>>, vector<1x16xi32>,
        %get3A_204 = vector.shape_cast %get3A_203 : vector<1x16xi32> to vector<16xi32>
        %swap3A_205 = arith.constant 0 : index
        %swap3A_206 = tpu.vector_load %arg9[%swap3A_205] {strides = array<i32>} : memref<128xi32, #tpu.memory_space<vmem>>, vector<16xi32>,
        %swap3A_207 = vector.shape_cast %swap3A_206 : vector<16xi32> to vector<16xi32>
        %swap3A_208 = vector.shape_cast %get3A_204 : vector<16xi32> to vector<16xi32>
        tpu.vector_store %arg9[%swap3A_205], %swap3A_208 {strides = array<i32>} : memref<128xi32, #tpu.memory_space<vmem>>, vector<16xi32>,
        %get3A_209 = arith.index_cast %mul3A_194 : i32 to index
        %get3A_210 = arith.constant 16 : index
        %get3A_211 = tpu.vector_load %arg8[%get3A_209, %get3A_210] {strides = array<i32>} : memref<16x128xi32, #tpu.memory_space<vmem>>, vector<1x16xi32>,
        %get3A_212 = vector.shape_cast %get3A_211 : vector<1x16xi32> to vector<16xi32>
        %swap3A_213 = arith.constant 16 : index
        %swap3A_214 = tpu.vector_load %arg9[%swap3A_213] {strides = array<i32>} : memref<128xi32, #tpu.memory_space<vmem>>, vector<16xi32>,
        %swap3A_215 = vector.shape_cast %swap3A_214 : vector<16xi32> to vector<16xi32>
        %swap3A_216 = vector.shape_cast %get3A_212 : vector<16xi32> to vector<16xi32>
        tpu.vector_store %arg9[%swap3A_213], %swap3A_216 {strides = array<i32>} : memref<128xi32, #tpu.memory_space<vmem>>, vector<16xi32>,
        %get3A_217 = arith.index_cast %mul3A_194 : i32 to index
        %get3A_218 = arith.constant 32 : index
        %get3A_219 = tpu.vector_load %arg8[%get3A_217, %get3A_218] {strides = array<i32>} : memref<16x128xi32, #tpu.memory_space<vmem>>, vector<1x16xi32>,
        %get3A_220 = vector.shape_cast %get3A_219 : vector<1x16xi32> to vector<16xi32>
        %swap3A_221 = arith.constant 32 : index
        %swap3A_222 = tpu.vector_load %arg9[%swap3A_221] {strides = array<i32>} : memref<128xi32, #tpu.memory_space<vmem>>, vector<16xi32>,
        %swap3A_223 = vector.shape_cast %swap3A_222 : vector<16xi32> to vector<16xi32>
        %swap3A_224 = vector.shape_cast %get3A_220 : vector<16xi32> to vector<16xi32>
        tpu.vector_store %arg9[%swap3A_221], %swap3A_224 {strides = array<i32>} : memref<128xi32, #tpu.memory_space<vmem>>, vector<16xi32>,
        %get3A_225 = arith.index_cast %mul3A_194 : i32 to index
        %get3A_226 = arith.constant 48 : index
        %get3A_227 = tpu.vector_load %arg8[%get3A_225, %get3A_226] {strides = array<i32>} : memref<16x128xi32, #tpu.memory_space<vmem>>, vector<1x16xi32>,
        %get3A_228 = vector.shape_cast %get3A_227 : vector<1x16xi32> to vector<16xi32>
        %swap3A_229 = arith.constant 48 : index
        %swap3A_230 = tpu.vector_load %arg9[%swap3A_229] {strides = array<i32>} : memref<128xi32, #tpu.memory_space<vmem>>, vector<16xi32>,
        %swap3A_231 = vector.shape_cast %swap3A_230 : vector<16xi32> to vector<16xi32>
        %swap3A_232 = vector.shape_cast %get3A_228 : vector<16xi32> to vector<16xi32>
        tpu.vector_store %arg9[%swap3A_229], %swap3A_232 {strides = array<i32>} : memref<128xi32, #tpu.memory_space<vmem>>, vector<16xi32>,
        %get3A_233 = arith.index_cast %mul3A_194 : i32 to index
        %get3A_234 = arith.constant 64 : index
        %get3A_235 = tpu.vector_load %arg8[%get3A_233, %get3A_234] {strides = array<i32>} : memref<16x128xi32, #tpu.memory_space<vmem>>, vector<1x16xi32>,
        %get3A_236 = vector.shape_cast %get3A_235 : vector<1x16xi32> to vector<16xi32>
        %swap3A_237 = arith.constant 64 : index
        %swap3A_238 = tpu.vector_load %arg9[%swap3A_237] {strides = array<i32>} : memref<128xi32, #tpu.memory_space<vmem>>, vector<16xi32>,
        %swap3A_239 = vector.shape_cast %swap3A_238 : vector<16xi32> to vector<16xi32>
        %swap3A_240 = vector.shape_cast %get3A_236 : vector<16xi32> to vector<16xi32>
        tpu.vector_store %arg9[%swap3A_237], %swap3A_240 {strides = array<i32>} : memref<128xi32, #tpu.memory_space<vmem>>, vector<16xi32>,
        %get3A_241 = arith.index_cast %mul3A_194 : i32 to index
        %get3A_242 = arith.constant 80 : index
        %get3A_243 = tpu.vector_load %arg8[%get3A_241, %get3A_242] {strides = array<i32>} : memref<16x128xi32, #tpu.memory_space<vmem>>, vector<1x16xi32>,
        %get3A_244 = vector.shape_cast %get3A_243 : vector<1x16xi32> to vector<16xi32>
        %swap3A_245 = arith.constant 80 : index
        %swap3A_246 = tpu.vector_load %arg9[%swap3A_245] {strides = array<i32>} : memref<128xi32, #tpu.memory_space<vmem>>, vector<16xi32>,
        %swap3A_247 = vector.shape_cast %swap3A_246 : vector<16xi32> to vector<16xi32>
        %swap3A_248 = vector.shape_cast %get3A_244 : vector<16xi32> to vector<16xi32>
        tpu.vector_store %arg9[%swap3A_245], %swap3A_248 {strides = array<i32>} : memref<128xi32, #tpu.memory_space<vmem>>, vector<16xi32>,
        %get3A_249 = arith.index_cast %mul3A_194 : i32 to index
        %get3A_250 = arith.constant 96 : index
        %get3A_251 = tpu.vector_load %arg8[%get3A_249, %get3A_250] {strides = array<i32>} : memref<16x128xi32, #tpu.memory_space<vmem>>, vector<1x16xi32>,
        %get3A_252 = vector.shape_cast %get3A_251 : vector<1x16xi32> to vector<16xi32>
        %swap3A_253 = arith.constant 96 : index
        %swap3A_254 = tpu.vector_load %arg9[%swap3A_253] {strides = array<i32>} : memref<128xi32, #tpu.memory_space<vmem>>, vector<16xi32>,
        %swap3A_255 = vector.shape_cast %swap3A_254 : vector<16xi32> to vector<16xi32>
        %swap3A_256 = vector.shape_cast %get3A_252 : vector<16xi32> to vector<16xi32>
        tpu.vector_store %arg9[%swap3A_253], %swap3A_256 {strides = array<i32>} : memref<128xi32, #tpu.memory_space<vmem>>, vector<16xi32>,
        %get3A_257 = arith.index_cast %mul3A_194 : i32 to index
        %get3A_258 = arith.constant 112 : index
        %get3A_259 = tpu.vector_load %arg8[%get3A_257, %get3A_258] {strides = array<i32>} : memref<16x128xi32, #tpu.memory_space<vmem>>, vector<1x16xi32>,
        %get3A_260 = vector.shape_cast %get3A_259 : vector<1x16xi32> to vector<16xi32>
        %swap3A_261 = arith.constant 112 : index
        %swap3A_262 = tpu.vector_load %arg9[%swap3A_261] {strides = array<i32>} : memref<128xi32, #tpu.memory_space<vmem>>, vector<16xi32>,
        %swap3A_263 = vector.shape_cast %swap3A_262 : vector<16xi32> to vector<16xi32>
        %swap3A_264 = vector.shape_cast %get3A_260 : vector<16xi32> to vector<16xi32>
        tpu.vector_store %arg9[%swap3A_261], %swap3A_264 {strides = array<i32>} : memref<128xi32, #tpu.memory_space<vmem>>, vector<16xi32>,
        "tpu.region"() ({
          %run_scoped3A = tpu.sem_alloc : memref<!tpu.dma_semaphore, #tpu.memory_space<semaphore_mem>>
          %dma_start3A_355 = arith.constant 0 : i32
          %dma_start3A_356 = arith.constant 0 : i32
          %dma_start3A_357 = tpu.memref_slice %arg13[%dma_start3A_355, %dma_start3A_356] : memref<10112x128xf32, #tpu.memory_space<vmem_shared>> -> memref<10112x128xf32, #tpu.memory_space<vmem_shared>>
          tpu.enqueue_indirect_dma source(%arg11 : memref<128x128xf32, #tpu.memory_space<vmem>>) target(%dma_start3A_357 : memref<10112x128xf32, #tpu.memory_space<vmem_shared>>) offsets(%arg9 : memref<128xi32, #tpu.memory_space<vmem>>) semaphore(%run_scoped3A : memref<!tpu.dma_semaphore, #tpu.memory_space<semaphore_mem>>) {add = true}
          %dma_wait3A_358 = arith.constant 0 : i32
          %dma_wait3A_359 = arith.constant 0 : i32
          %dma_wait3A_360 = tpu.memref_slice %arg13[%dma_wait3A_358, %dma_wait3A_359] : memref<10112x128xf32, #tpu.memory_space<vmem_shared>> -> memref<10112x128xf32, #tpu.memory_space<vmem_shared>>
          tpu.wait_indirect_dma semaphore(%run_scoped3A : memref<!tpu.dma_semaphore, #tpu.memory_space<semaphore_mem>>) src(%arg11 : memref<128x128xf32, #tpu.memory_space<vmem>>) dst(%dma_wait3A_360 : memref<10112x128xf32, #tpu.memory_space<vmem_shared>>)
          tpu.yield
        }) : () -> ()
        %add3A_265 = arith.constant 2 : i32
        %add3A_266 = arith.addi %mul3A_194, %add3A_265 : i32
        %dma_start3A_267 = arith.constant 0 : i32
        %dma_start3A_268 = tpu.memref_slice %arg7[%add3A_266, %dma_start3A_267] : memref<16x128xi32, #tpu.memory_space<vmem>> -> memref<1x128xi32, #tpu.memory_space<vmem>>
        %dma_start3A_269 = tpu.memref_squeeze %dma_start3A_268 : memref<1x128xi32, #tpu.memory_space<vmem>> -> memref<128xi32, #tpu.memory_space<vmem>>
        %dma_start3A_270 = arith.constant 0 : i32
        %dma_start3A_271 = arith.constant 0 : i32
        %dma_start3A_272 = tpu.memref_slice %arg2[%dma_start3A_270, %dma_start3A_271] : memref<10000x128xf32, #tpu.memory_space<hbm>> -> memref<10000x128xf32, #tpu.memory_space<hbm>>
        tpu.enqueue_indirect_dma source(%dma_start3A_272 : memref<10000x128xf32, #tpu.memory_space<hbm>>) target(%arg11 : memref<128x128xf32, #tpu.memory_space<vmem>>) offsets(%dma_start3A_269 : memref<128xi32, #tpu.memory_space<vmem>>) semaphore(%arg14 : memref<!tpu.dma_semaphore, #tpu.memory_space<semaphore_mem>>)
        %add3A_273 = arith.constant 1 : i32
        %add3A_274 = arith.addi %mul3A_194, %add3A_273 : i32
        %dma_wait3A_275 = arith.constant 0 : i32
        %dma_wait3A_276 = tpu.memref_slice %arg7[%add3A_274, %dma_wait3A_275] : memref<16x128xi32, #tpu.memory_space<vmem>> -> memref<1x128xi32, #tpu.memory_space<vmem>>
        %dma_wait3A_277 = tpu.memref_squeeze %dma_wait3A_276 : memref<1x128xi32, #tpu.memory_space<vmem>> -> memref<128xi32, #tpu.memory_space<vmem>>
        %dma_wait3A_278 = arith.constant 0 : i32
        %dma_wait3A_279 = arith.constant 0 : i32
        %dma_wait3A_280 = tpu.memref_slice %arg2[%dma_wait3A_278, %dma_wait3A_279] : memref<10000x128xf32, #tpu.memory_space<hbm>> -> memref<10000x128xf32, #tpu.memory_space<hbm>>
        tpu.wait_indirect_dma semaphore(%arg15 : memref<!tpu.dma_semaphore, #tpu.memory_space<semaphore_mem>>) src(%dma_wait3A_280 : memref<10000x128xf32, #tpu.memory_space<hbm>>) dst(%arg12 : memref<128x128xf32, #tpu.memory_space<vmem>>)
        %add3A_281 = arith.constant 1 : i32
        %add3A_282 = arith.addi %mul3A_194, %add3A_281 : i32
        %get3A_283 = arith.index_cast %add3A_282 : i32 to index
        %get3A_284 = arith.constant 0 : index
        %get3A_285 = tpu.vector_load %arg8[%get3A_283, %get3A_284] {strides = array<i32>} : memref<16x128xi32, #tpu.memory_space<vmem>>, vector<1x16xi32>,
        %get3A_286 = vector.shape_cast %get3A_285 : vector<1x16xi32> to vector<16xi32>
        %swap3A_287 = arith.constant 0 : index
        %swap3A_288 = tpu.vector_load %arg10[%swap3A_287] {strides = array<i32>} : memref<128xi32, #tpu.memory_space<vmem>>, vector<16xi32>,
        %swap3A_289 = vector.shape_cast %swap3A_288 : vector<16xi32> to vector<16xi32>
        %swap3A_290 = vector.shape_cast %get3A_286 : vector<16xi32> to vector<16xi32>
        tpu.vector_store %arg10[%swap3A_287], %swap3A_290 {strides = array<i32>} : memref<128xi32, #tpu.memory_space<vmem>>, vector<16xi32>,
        %get3A_291 = arith.index_cast %add3A_282 : i32 to index
        %get3A_292 = arith.constant 16 : index
        %get3A_293 = tpu.vector_load %arg8[%get3A_291, %get3A_292] {strides = array<i32>} : memref<16x128xi32, #tpu.memory_space<vmem>>, vector<1x16xi32>,
        %get3A_294 = vector.shape_cast %get3A_293 : vector<1x16xi32> to vector<16xi32>
        %swap3A_295 = arith.constant 16 : index
        %swap3A_296 = tpu.vector_load %arg10[%swap3A_295] {strides = array<i32>} : memref<128xi32, #tpu.memory_space<vmem>>, vector<16xi32>,
        %swap3A_297 = vector.shape_cast %swap3A_296 : vector<16xi32> to vector<16xi32>
        %swap3A_298 = vector.shape_cast %get3A_294 : vector<16xi32> to vector<16xi32>
        tpu.vector_store %arg10[%swap3A_295], %swap3A_298 {strides = array<i32>} : memref<128xi32, #tpu.memory_space<vmem>>, vector<16xi32>,
        %get3A_299 = arith.index_cast %add3A_282 : i32 to index
        %get3A_300 = arith.constant 32 : index
        %get3A_301 = tpu.vector_load %arg8[%get3A_299, %get3A_300] {strides = array<i32>} : memref<16x128xi32, #tpu.memory_space<vmem>>, vector<1x16xi32>,
        %get3A_302 = vector.shape_cast %get3A_301 : vector<1x16xi32> to vector<16xi32>
        %swap3A_303 = arith.constant 32 : index
        %swap3A_304 = tpu.vector_load %arg10[%swap3A_303] {strides = array<i32>} : memref<128xi32, #tpu.memory_space<vmem>>, vector<16xi32>,
        %swap3A_305 = vector.shape_cast %swap3A_304 : vector<16xi32> to vector<16xi32>
        %swap3A_306 = vector.shape_cast %get3A_302 : vector<16xi32> to vector<16xi32>
        tpu.vector_store %arg10[%swap3A_303], %swap3A_306 {strides = array<i32>} : memref<128xi32, #tpu.memory_space<vmem>>, vector<16xi32>,
        %get3A_307 = arith.index_cast %add3A_282 : i32 to index
        %get3A_308 = arith.constant 48 : index
        %get3A_309 = tpu.vector_load %arg8[%get3A_307, %get3A_308] {strides = array<i32>} : memref<16x128xi32, #tpu.memory_space<vmem>>, vector<1x16xi32>,
        %get3A_310 = vector.shape_cast %get3A_309 : vector<1x16xi32> to vector<16xi32>
        %swap3A_311 = arith.constant 48 : index
        %swap3A_312 = tpu.vector_load %arg10[%swap3A_311] {strides = array<i32>} : memref<128xi32, #tpu.memory_space<vmem>>, vector<16xi32>,
        %swap3A_313 = vector.shape_cast %swap3A_312 : vector<16xi32> to vector<16xi32>
        %swap3A_314 = vector.shape_cast %get3A_310 : vector<16xi32> to vector<16xi32>
        tpu.vector_store %arg10[%swap3A_311], %swap3A_314 {strides = array<i32>} : memref<128xi32, #tpu.memory_space<vmem>>, vector<16xi32>,
        %get3A_315 = arith.index_cast %add3A_282 : i32 to index
        %get3A_316 = arith.constant 64 : index
        %get3A_317 = tpu.vector_load %arg8[%get3A_315, %get3A_316] {strides = array<i32>} : memref<16x128xi32, #tpu.memory_space<vmem>>, vector<1x16xi32>,
        %get3A_318 = vector.shape_cast %get3A_317 : vector<1x16xi32> to vector<16xi32>
        %swap3A_319 = arith.constant 64 : index
        %swap3A_320 = tpu.vector_load %arg10[%swap3A_319] {strides = array<i32>} : memref<128xi32, #tpu.memory_space<vmem>>, vector<16xi32>,
        %swap3A_321 = vector.shape_cast %swap3A_320 : vector<16xi32> to vector<16xi32>
        %swap3A_322 = vector.shape_cast %get3A_318 : vector<16xi32> to vector<16xi32>
        tpu.vector_store %arg10[%swap3A_319], %swap3A_322 {strides = array<i32>} : memref<128xi32, #tpu.memory_space<vmem>>, vector<16xi32>,
        %get3A_323 = arith.index_cast %add3A_282 : i32 to index
        %get3A_324 = arith.constant 80 : index
        %get3A_325 = tpu.vector_load %arg8[%get3A_323, %get3A_324] {strides = array<i32>} : memref<16x128xi32, #tpu.memory_space<vmem>>, vector<1x16xi32>,
        %get3A_326 = vector.shape_cast %get3A_325 : vector<1x16xi32> to vector<16xi32>
        %swap3A_327 = arith.constant 80 : index
        %swap3A_328 = tpu.vector_load %arg10[%swap3A_327] {strides = array<i32>} : memref<128xi32, #tpu.memory_space<vmem>>, vector<16xi32>,
        %swap3A_329 = vector.shape_cast %swap3A_328 : vector<16xi32> to vector<16xi32>
        %swap3A_330 = vector.shape_cast %get3A_326 : vector<16xi32> to vector<16xi32>
        tpu.vector_store %arg10[%swap3A_327], %swap3A_330 {strides = array<i32>} : memref<128xi32, #tpu.memory_space<vmem>>, vector<16xi32>,
        %get3A_331 = arith.index_cast %add3A_282 : i32 to index
        %get3A_332 = arith.constant 96 : index
        %get3A_333 = tpu.vector_load %arg8[%get3A_331, %get3A_332] {strides = array<i32>} : memref<16x128xi32, #tpu.memory_space<vmem>>, vector<1x16xi32>,
        %get3A_334 = vector.shape_cast %get3A_333 : vector<1x16xi32> to vector<16xi32>
        %swap3A_335 = arith.constant 96 : index
        %swap3A_336 = tpu.vector_load %arg10[%swap3A_335] {strides = array<i32>} : memref<128xi32, #tpu.memory_space<vmem>>, vector<16xi32>,
        %swap3A_337 = vector.shape_cast %swap3A_336 : vector<16xi32> to vector<16xi32>
        %swap3A_338 = vector.shape_cast %get3A_334 : vector<16xi32> to vector<16xi32>
        tpu.vector_store %arg10[%swap3A_335], %swap3A_338 {strides = array<i32>} : memref<128xi32, #tpu.memory_space<vmem>>, vector<16xi32>,
        %get3A_339 = arith.index_cast %add3A_282 : i32 to index
        %get3A_340 = arith.constant 112 : index
        %get3A_341 = tpu.vector_load %arg8[%get3A_339, %get3A_340] {strides = array<i32>} : memref<16x128xi32, #tpu.memory_space<vmem>>, vector<1x16xi32>,
        %get3A_342 = vector.shape_cast %get3A_341 : vector<1x16xi32> to vector<16xi32>
        %swap3A_343 = arith.constant 112 : index
        %swap3A_344 = tpu.vector_load %arg10[%swap3A_343] {strides = array<i32>} : memref<128xi32, #tpu.memory_space<vmem>>, vector<16xi32>,
        %swap3A_345 = vector.shape_cast %swap3A_344 : vector<16xi32> to vector<16xi32>
        %swap3A_346 = vector.shape_cast %get3A_342 : vector<16xi32> to vector<16xi32>
        tpu.vector_store %arg10[%swap3A_343], %swap3A_346 {strides = array<i32>} : memref<128xi32, #tpu.memory_space<vmem>>, vector<16xi32>,
        "tpu.region"() ({
          %run_scoped3A = tpu.sem_alloc : memref<!tpu.dma_semaphore, #tpu.memory_space<semaphore_mem>>
          %dma_start3A_355 = arith.constant 0 : i32
          %dma_start3A_356 = arith.constant 0 : i32
          %dma_start3A_357 = tpu.memref_slice %arg13[%dma_start3A_355, %dma_start3A_356] : memref<10112x128xf32, #tpu.memory_space<vmem_shared>> -> memref<10112x128xf32, #tpu.memory_space<vmem_shared>>
          tpu.enqueue_indirect_dma source(%arg12 : memref<128x128xf32, #tpu.memory_space<vmem>>) target(%dma_start3A_357 : memref<10112x128xf32, #tpu.memory_space<vmem_shared>>) offsets(%arg10 : memref<128xi32, #tpu.memory_space<vmem>>) semaphore(%run_scoped3A : memref<!tpu.dma_semaphore, #tpu.memory_space<semaphore_mem>>) {add = true}
          %dma_wait3A_358 = arith.constant 0 : i32
          %dma_wait3A_359 = arith.constant 0 : i32
          %dma_wait3A_360 = tpu.memref_slice %arg13[%dma_wait3A_358, %dma_wait3A_359] : memref<10112x128xf32, #tpu.memory_space<vmem_shared>> -> memref<10112x128xf32, #tpu.memory_space<vmem_shared>>
          tpu.wait_indirect_dma semaphore(%run_scoped3A : memref<!tpu.dma_semaphore, #tpu.memory_space<semaphore_mem>>) src(%arg12 : memref<128x128xf32, #tpu.memory_space<vmem>>) dst(%dma_wait3A_360 : memref<10112x128xf32, #tpu.memory_space<vmem_shared>>)
          tpu.yield
        }) : () -> ()
        %add3A_347 = arith.constant 3 : i32
        %add3A_348 = arith.addi %mul3A_194, %add3A_347 : i32
        %dma_start3A_349 = arith.constant 0 : i32
        %dma_start3A_350 = tpu.memref_slice %arg7[%add3A_348, %dma_start3A_349] : memref<16x128xi32, #tpu.memory_space<vmem>> -> memref<1x128xi32, #tpu.memory_space<vmem>>
        %dma_start3A_351 = tpu.memref_squeeze %dma_start3A_350 : memref<1x128xi32, #tpu.memory_space<vmem>> -> memref<128xi32, #tpu.memory_space<vmem>>
        %dma_start3A_352 = arith.constant 0 : i32
        %dma_start3A_353 = arith.constant 0 : i32
        %dma_start3A_354 = tpu.memref_slice %arg2[%dma_start3A_352, %dma_start3A_353] : memref<10000x128xf32, #tpu.memory_space<hbm>> -> memref<10000x128xf32, #tpu.memory_space<hbm>>
        tpu.enqueue_indirect_dma source(%dma_start3A_354 : memref<10000x128xf32, #tpu.memory_space<hbm>>) target(%arg12 : memref<128x128xf32, #tpu.memory_space<vmem>>) offsets(%dma_start3A_351 : memref<128xi32, #tpu.memory_space<vmem>>) semaphore(%arg15 : memref<!tpu.dma_semaphore, #tpu.memory_space<semaphore_mem>>)
      }
      %scan3A_36 = arith.constant 7 : i32
      %dma_wait3A = arith.constant 14 : i32
      %dma_wait3A_37 = arith.constant 0 : i32
      %dma_wait3A_38 = tpu.memref_slice %arg7[%dma_wait3A, %dma_wait3A_37] : memref<16x128xi32, #tpu.memory_space<vmem>> -> memref<1x128xi32, #tpu.memory_space<vmem>>
      %dma_wait3A_39 = tpu.memref_squeeze %dma_wait3A_38 : memref<1x128xi32, #tpu.memory_space<vmem>> -> memref<128xi32, #tpu.memory_space<vmem>>
      %dma_wait3A_40 = arith.constant 0 : i32
      %dma_wait3A_41 = arith.constant 0 : i32
      %dma_wait3A_42 = tpu.memref_slice %arg2[%dma_wait3A_40, %dma_wait3A_41] : memref<10000x128xf32, #tpu.memory_space<hbm>> -> memref<10000x128xf32, #tpu.memory_space<hbm>>
      tpu.wait_indirect_dma semaphore(%arg14 : memref<!tpu.dma_semaphore, #tpu.memory_space<semaphore_mem>>) src(%dma_wait3A_42 : memref<10000x128xf32, #tpu.memory_space<hbm>>) dst(%arg11 : memref<128x128xf32, #tpu.memory_space<vmem>>)
      %get3A = arith.constant 14 : i32
      %get3A_43 = arith.index_cast %get3A : i32 to index
      %get3A_44 = arith.constant 0 : index
      %get3A_45 = tpu.vector_load %arg8[%get3A_43, %get3A_44] {strides = array<i32>} : memref<16x128xi32, #tpu.memory_space<vmem>>, vector<1x16xi32>,
      %get3A_46 = vector.shape_cast %get3A_45 : vector<1x16xi32> to vector<16xi32>
      %swap3A = arith.constant 0 : index
      %swap3A_47 = tpu.vector_load %arg9[%swap3A] {strides = array<i32>} : memref<128xi32, #tpu.memory_space<vmem>>, vector<16xi32>,
      %swap3A_48 = vector.shape_cast %swap3A_47 : vector<16xi32> to vector<16xi32>
      %swap3A_49 = vector.shape_cast %get3A_46 : vector<16xi32> to vector<16xi32>
      tpu.vector_store %arg9[%swap3A], %swap3A_49 {strides = array<i32>} : memref<128xi32, #tpu.memory_space<vmem>>, vector<16xi32>,
      %get3A_50 = arith.constant 14 : i32
      %get3A_51 = arith.index_cast %get3A_50 : i32 to index
      %get3A_52 = arith.constant 16 : index
      %get3A_53 = tpu.vector_load %arg8[%get3A_51, %get3A_52] {strides = array<i32>} : memref<16x128xi32, #tpu.memory_space<vmem>>, vector<1x16xi32>,
      %get3A_54 = vector.shape_cast %get3A_53 : vector<1x16xi32> to vector<16xi32>
      %swap3A_55 = arith.constant 16 : index
      %swap3A_56 = tpu.vector_load %arg9[%swap3A_55] {strides = array<i32>} : memref<128xi32, #tpu.memory_space<vmem>>, vector<16xi32>,
      %swap3A_57 = vector.shape_cast %swap3A_56 : vector<16xi32> to vector<16xi32>
      %swap3A_58 = vector.shape_cast %get3A_54 : vector<16xi32> to vector<16xi32>
      tpu.vector_store %arg9[%swap3A_55], %swap3A_58 {strides = array<i32>} : memref<128xi32, #tpu.memory_space<vmem>>, vector<16xi32>,
      %get3A_59 = arith.constant 14 : i32
      %get3A_60 = arith.index_cast %get3A_59 : i32 to index
      %get3A_61 = arith.constant 32 : index
      %get3A_62 = tpu.vector_load %arg8[%get3A_60, %get3A_61] {strides = array<i32>} : memref<16x128xi32, #tpu.memory_space<vmem>>, vector<1x16xi32>,
      %get3A_63 = vector.shape_cast %get3A_62 : vector<1x16xi32> to vector<16xi32>
      %swap3A_64 = arith.constant 32 : index
      %swap3A_65 = tpu.vector_load %arg9[%swap3A_64] {strides = array<i32>} : memref<128xi32, #tpu.memory_space<vmem>>, vector<16xi32>,
      %swap3A_66 = vector.shape_cast %swap3A_65 : vector<16xi32> to vector<16xi32>
      %swap3A_67 = vector.shape_cast %get3A_63 : vector<16xi32> to vector<16xi32>
      tpu.vector_store %arg9[%swap3A_64], %swap3A_67 {strides = array<i32>} : memref<128xi32, #tpu.memory_space<vmem>>, vector<16xi32>,
      %get3A_68 = arith.constant 14 : i32
      %get3A_69 = arith.index_cast %get3A_68 : i32 to index
      %get3A_70 = arith.constant 48 : index
      %get3A_71 = tpu.vector_load %arg8[%get3A_69, %get3A_70] {strides = array<i32>} : memref<16x128xi32, #tpu.memory_space<vmem>>, vector<1x16xi32>,
      %get3A_72 = vector.shape_cast %get3A_71 : vector<1x16xi32> to vector<16xi32>
      %swap3A_73 = arith.constant 48 : index
      %swap3A_74 = tpu.vector_load %arg9[%swap3A_73] {strides = array<i32>} : memref<128xi32, #tpu.memory_space<vmem>>, vector<16xi32>,
      %swap3A_75 = vector.shape_cast %swap3A_74 : vector<16xi32> to vector<16xi32>
      %swap3A_76 = vector.shape_cast %get3A_72 : vector<16xi32> to vector<16xi32>
      tpu.vector_store %arg9[%swap3A_73], %swap3A_76 {strides = array<i32>} : memref<128xi32, #tpu.memory_space<vmem>>, vector<16xi32>,
      %get3A_77 = arith.constant 14 : i32
      %get3A_78 = arith.index_cast %get3A_77 : i32 to index
      %get3A_79 = arith.constant 64 : index
      %get3A_80 = tpu.vector_load %arg8[%get3A_78, %get3A_79] {strides = array<i32>} : memref<16x128xi32, #tpu.memory_space<vmem>>, vector<1x16xi32>,
      %get3A_81 = vector.shape_cast %get3A_80 : vector<1x16xi32> to vector<16xi32>
      %swap3A_82 = arith.constant 64 : index
      %swap3A_83 = tpu.vector_load %arg9[%swap3A_82] {strides = array<i32>} : memref<128xi32, #tpu.memory_space<vmem>>, vector<16xi32>,
      %swap3A_84 = vector.shape_cast %swap3A_83 : vector<16xi32> to vector<16xi32>
      %swap3A_85 = vector.shape_cast %get3A_81 : vector<16xi32> to vector<16xi32>
      tpu.vector_store %arg9[%swap3A_82], %swap3A_85 {strides = array<i32>} : memref<128xi32, #tpu.memory_space<vmem>>, vector<16xi32>,
      %get3A_86 = arith.constant 14 : i32
      %get3A_87 = arith.index_cast %get3A_86 : i32 to index
      %get3A_88 = arith.constant 80 : index
      %get3A_89 = tpu.vector_load %arg8[%get3A_87, %get3A_88] {strides = array<i32>} : memref<16x128xi32, #tpu.memory_space<vmem>>, vector<1x16xi32>,
      %get3A_90 = vector.shape_cast %get3A_89 : vector<1x16xi32> to vector<16xi32>
      %swap3A_91 = arith.constant 80 : index
      %swap3A_92 = tpu.vector_load %arg9[%swap3A_91] {strides = array<i32>} : memref<128xi32, #tpu.memory_space<vmem>>, vector<16xi32>,
      %swap3A_93 = vector.shape_cast %swap3A_92 : vector<16xi32> to vector<16xi32>
      %swap3A_94 = vector.shape_cast %get3A_90 : vector<16xi32> to vector<16xi32>
      tpu.vector_store %arg9[%swap3A_91], %swap3A_94 {strides = array<i32>} : memref<128xi32, #tpu.memory_space<vmem>>, vector<16xi32>,
      %get3A_95 = arith.constant 14 : i32
      %get3A_96 = arith.index_cast %get3A_95 : i32 to index
      %get3A_97 = arith.constant 96 : index
      %get3A_98 = tpu.vector_load %arg8[%get3A_96, %get3A_97] {strides = array<i32>} : memref<16x128xi32, #tpu.memory_space<vmem>>, vector<1x16xi32>,
      %get3A_99 = vector.shape_cast %get3A_98 : vector<1x16xi32> to vector<16xi32>
      %swap3A_100 = arith.constant 96 : index
      %swap3A_101 = tpu.vector_load %arg9[%swap3A_100] {strides = array<i32>} : memref<128xi32, #tpu.memory_space<vmem>>, vector<16xi32>,
      %swap3A_102 = vector.shape_cast %swap3A_101 : vector<16xi32> to vector<16xi32>
      %swap3A_103 = vector.shape_cast %get3A_99 : vector<16xi32> to vector<16xi32>
      tpu.vector_store %arg9[%swap3A_100], %swap3A_103 {strides = array<i32>} : memref<128xi32, #tpu.memory_space<vmem>>, vector<16xi32>,
      %get3A_104 = arith.constant 14 : i32
      %get3A_105 = arith.index_cast %get3A_104 : i32 to index
      %get3A_106 = arith.constant 112 : index
      %get3A_107 = tpu.vector_load %arg8[%get3A_105, %get3A_106] {strides = array<i32>} : memref<16x128xi32, #tpu.memory_space<vmem>>, vector<1x16xi32>,
      %get3A_108 = vector.shape_cast %get3A_107 : vector<1x16xi32> to vector<16xi32>
      %swap3A_109 = arith.constant 112 : index
      %swap3A_110 = tpu.vector_load %arg9[%swap3A_109] {strides = array<i32>} : memref<128xi32, #tpu.memory_space<vmem>>, vector<16xi32>,
      %swap3A_111 = vector.shape_cast %swap3A_110 : vector<16xi32> to vector<16xi32>
      %swap3A_112 = vector.shape_cast %get3A_108 : vector<16xi32> to vector<16xi32>
      tpu.vector_store %arg9[%swap3A_109], %swap3A_112 {strides = array<i32>} : memref<128xi32, #tpu.memory_space<vmem>>, vector<16xi32>,
      "tpu.region"() ({
        %run_scoped3A = tpu.sem_alloc : memref<!tpu.dma_semaphore, #tpu.memory_space<semaphore_mem>>
        %dma_start3A_192 = arith.constant 0 : i32
        %dma_start3A_193 = arith.constant 0 : i32
        %dma_start3A_194 = tpu.memref_slice %arg13[%dma_start3A_192, %dma_start3A_193] : memref<10112x128xf32, #tpu.memory_space<vmem_shared>> -> memref<10112x128xf32, #tpu.memory_space<vmem_shared>>
        tpu.enqueue_indirect_dma source(%arg11 : memref<128x128xf32, #tpu.memory_space<vmem>>) target(%dma_start3A_194 : memref<10112x128xf32, #tpu.memory_space<vmem_shared>>) offsets(%arg9 : memref<128xi32, #tpu.memory_space<vmem>>) semaphore(%run_scoped3A : memref<!tpu.dma_semaphore, #tpu.memory_space<semaphore_mem>>) {add = true}
        %dma_wait3A_195 = arith.constant 0 : i32
        %dma_wait3A_196 = arith.constant 0 : i32
        %dma_wait3A_197 = tpu.memref_slice %arg13[%dma_wait3A_195, %dma_wait3A_196] : memref<10112x128xf32, #tpu.memory_space<vmem_shared>> -> memref<10112x128xf32, #tpu.memory_space<vmem_shared>>
        tpu.wait_indirect_dma semaphore(%run_scoped3A : memref<!tpu.dma_semaphore, #tpu.memory_space<semaphore_mem>>) src(%arg11 : memref<128x128xf32, #tpu.memory_space<vmem>>) dst(%dma_wait3A_197 : memref<10112x128xf32, #tpu.memory_space<vmem_shared>>)
        tpu.yield
      }) : () -> ()
      %dma_wait3A_113 = arith.constant 15 : i32
      %dma_wait3A_114 = arith.constant 0 : i32
      %dma_wait3A_115 = tpu.memref_slice %arg7[%dma_wait3A_113, %dma_wait3A_114] : memref<16x128xi32, #tpu.memory_space<vmem>> -> memref<1x128xi32, #tpu.memory_space<vmem>>
      %dma_wait3A_116 = tpu.memref_squeeze %dma_wait3A_115 : memref<1x128xi32, #tpu.memory_space<vmem>> -> memref<128xi32, #tpu.memory_space<vmem>>
      %dma_wait3A_117 = arith.constant 0 : i32
      %dma_wait3A_118 = arith.constant 0 : i32
      %dma_wait3A_119 = tpu.memref_slice %arg2[%dma_wait3A_117, %dma_wait3A_118] : memref<10000x128xf32, #tpu.memory_space<hbm>> -> memref<10000x128xf32, #tpu.memory_space<hbm>>
      tpu.wait_indirect_dma semaphore(%arg15 : memref<!tpu.dma_semaphore, #tpu.memory_space<semaphore_mem>>) src(%dma_wait3A_119 : memref<10000x128xf32, #tpu.memory_space<hbm>>) dst(%arg12 : memref<128x128xf32, #tpu.memory_space<vmem>>)
      %get3A_120 = arith.constant 15 : i32
      %get3A_121 = arith.index_cast %get3A_120 : i32 to index
      %get3A_122 = arith.constant 0 : index
      %get3A_123 = tpu.vector_load %arg8[%get3A_121, %get3A_122] {strides = array<i32>} : memref<16x128xi32, #tpu.memory_space<vmem>>, vector<1x16xi32>,
      %get3A_124 = vector.shape_cast %get3A_123 : vector<1x16xi32> to vector<16xi32>
      %swap3A_125 = arith.constant 0 : index
      %swap3A_126 = tpu.vector_load %arg10[%swap3A_125] {strides = array<i32>} : memref<128xi32, #tpu.memory_space<vmem>>, vector<16xi32>,
      %swap3A_127 = vector.shape_cast %swap3A_126 : vector<16xi32> to vector<16xi32>
      %swap3A_128 = vector.shape_cast %get3A_124 : vector<16xi32> to vector<16xi32>
      tpu.vector_store %arg10[%swap3A_125], %swap3A_128 {strides = array<i32>} : memref<128xi32, #tpu.memory_space<vmem>>, vector<16xi32>,
      %get3A_129 = arith.constant 15 : i32
      %get3A_130 = arith.index_cast %get3A_129 : i32 to index
      %get3A_131 = arith.constant 16 : index
      %get3A_132 = tpu.vector_load %arg8[%get3A_130, %get3A_131] {strides = array<i32>} : memref<16x128xi32, #tpu.memory_space<vmem>>, vector<1x16xi32>,
      %get3A_133 = vector.shape_cast %get3A_132 : vector<1x16xi32> to vector<16xi32>
      %swap3A_134 = arith.constant 16 : index
      %swap3A_135 = tpu.vector_load %arg10[%swap3A_134] {strides = array<i32>} : memref<128xi32, #tpu.memory_space<vmem>>, vector<16xi32>,
      %swap3A_136 = vector.shape_cast %swap3A_135 : vector<16xi32> to vector<16xi32>
      %swap3A_137 = vector.shape_cast %get3A_133 : vector<16xi32> to vector<16xi32>
      tpu.vector_store %arg10[%swap3A_134], %swap3A_137 {strides = array<i32>} : memref<128xi32, #tpu.memory_space<vmem>>, vector<16xi32>,
      %get3A_138 = arith.constant 15 : i32
      %get3A_139 = arith.index_cast %get3A_138 : i32 to index
      %get3A_140 = arith.constant 32 : index
      %get3A_141 = tpu.vector_load %arg8[%get3A_139, %get3A_140] {strides = array<i32>} : memref<16x128xi32, #tpu.memory_space<vmem>>, vector<1x16xi32>,
      %get3A_142 = vector.shape_cast %get3A_141 : vector<1x16xi32> to vector<16xi32>
      %swap3A_143 = arith.constant 32 : index
      %swap3A_144 = tpu.vector_load %arg10[%swap3A_143] {strides = array<i32>} : memref<128xi32, #tpu.memory_space<vmem>>, vector<16xi32>,
      %swap3A_145 = vector.shape_cast %swap3A_144 : vector<16xi32> to vector<16xi32>
      %swap3A_146 = vector.shape_cast %get3A_142 : vector<16xi32> to vector<16xi32>
      tpu.vector_store %arg10[%swap3A_143], %swap3A_146 {strides = array<i32>} : memref<128xi32, #tpu.memory_space<vmem>>, vector<16xi32>,
      %get3A_147 = arith.constant 15 : i32
      %get3A_148 = arith.index_cast %get3A_147 : i32 to index
      %get3A_149 = arith.constant 48 : index
      %get3A_150 = tpu.vector_load %arg8[%get3A_148, %get3A_149] {strides = array<i32>} : memref<16x128xi32, #tpu.memory_space<vmem>>, vector<1x16xi32>,
      %get3A_151 = vector.shape_cast %get3A_150 : vector<1x16xi32> to vector<16xi32>
      %swap3A_152 = arith.constant 48 : index
      %swap3A_153 = tpu.vector_load %arg10[%swap3A_152] {strides = array<i32>} : memref<128xi32, #tpu.memory_space<vmem>>, vector<16xi32>,
      %swap3A_154 = vector.shape_cast %swap3A_153 : vector<16xi32> to vector<16xi32>
      %swap3A_155 = vector.shape_cast %get3A_151 : vector<16xi32> to vector<16xi32>
      tpu.vector_store %arg10[%swap3A_152], %swap3A_155 {strides = array<i32>} : memref<128xi32, #tpu.memory_space<vmem>>, vector<16xi32>,
      %get3A_156 = arith.constant 15 : i32
      %get3A_157 = arith.index_cast %get3A_156 : i32 to index
      %get3A_158 = arith.constant 64 : index
      %get3A_159 = tpu.vector_load %arg8[%get3A_157, %get3A_158] {strides = array<i32>} : memref<16x128xi32, #tpu.memory_space<vmem>>, vector<1x16xi32>,
      %get3A_160 = vector.shape_cast %get3A_159 : vector<1x16xi32> to vector<16xi32>
      %swap3A_161 = arith.constant 64 : index
      %swap3A_162 = tpu.vector_load %arg10[%swap3A_161] {strides = array<i32>} : memref<128xi32, #tpu.memory_space<vmem>>, vector<16xi32>,
      %swap3A_163 = vector.shape_cast %swap3A_162 : vector<16xi32> to vector<16xi32>
      %swap3A_164 = vector.shape_cast %get3A_160 : vector<16xi32> to vector<16xi32>
      tpu.vector_store %arg10[%swap3A_161], %swap3A_164 {strides = array<i32>} : memref<128xi32, #tpu.memory_space<vmem>>, vector<16xi32>,
      %get3A_165 = arith.constant 15 : i32
      %get3A_166 = arith.index_cast %get3A_165 : i32 to index
      %get3A_167 = arith.constant 80 : index
      %get3A_168 = tpu.vector_load %arg8[%get3A_166, %get3A_167] {strides = array<i32>} : memref<16x128xi32, #tpu.memory_space<vmem>>, vector<1x16xi32>,
      %get3A_169 = vector.shape_cast %get3A_168 : vector<1x16xi32> to vector<16xi32>
      %swap3A_170 = arith.constant 80 : index
      %swap3A_171 = tpu.vector_load %arg10[%swap3A_170] {strides = array<i32>} : memref<128xi32, #tpu.memory_space<vmem>>, vector<16xi32>,
      %swap3A_172 = vector.shape_cast %swap3A_171 : vector<16xi32> to vector<16xi32>
      %swap3A_173 = vector.shape_cast %get3A_169 : vector<16xi32> to vector<16xi32>
      tpu.vector_store %arg10[%swap3A_170], %swap3A_173 {strides = array<i32>} : memref<128xi32, #tpu.memory_space<vmem>>, vector<16xi32>,
      %get3A_174 = arith.constant 15 : i32
      %get3A_175 = arith.index_cast %get3A_174 : i32 to index
      %get3A_176 = arith.constant 96 : index
      %get3A_177 = tpu.vector_load %arg8[%get3A_175, %get3A_176] {strides = array<i32>} : memref<16x128xi32, #tpu.memory_space<vmem>>, vector<1x16xi32>,
      %get3A_178 = vector.shape_cast %get3A_177 : vector<1x16xi32> to vector<16xi32>
      %swap3A_179 = arith.constant 96 : index
      %swap3A_180 = tpu.vector_load %arg10[%swap3A_179] {strides = array<i32>} : memref<128xi32, #tpu.memory_space<vmem>>, vector<16xi32>,
      %swap3A_181 = vector.shape_cast %swap3A_180 : vector<16xi32> to vector<16xi32>
      %swap3A_182 = vector.shape_cast %get3A_178 : vector<16xi32> to vector<16xi32>
      tpu.vector_store %arg10[%swap3A_179], %swap3A_182 {strides = array<i32>} : memref<128xi32, #tpu.memory_space<vmem>>, vector<16xi32>,
      %get3A_183 = arith.constant 15 : i32
      %get3A_184 = arith.index_cast %get3A_183 : i32 to index
      %get3A_185 = arith.constant 112 : index
      %get3A_186 = tpu.vector_load %arg8[%get3A_184, %get3A_185] {strides = array<i32>} : memref<16x128xi32, #tpu.memory_space<vmem>>, vector<1x16xi32>,
      %get3A_187 = vector.shape_cast %get3A_186 : vector<1x16xi32> to vector<16xi32>
      %swap3A_188 = arith.constant 112 : index
      %swap3A_189 = tpu.vector_load %arg10[%swap3A_188] {strides = array<i32>} : memref<128xi32, #tpu.memory_space<vmem>>, vector<16xi32>,
      %swap3A_190 = vector.shape_cast %swap3A_189 : vector<16xi32> to vector<16xi32>
      %swap3A_191 = vector.shape_cast %get3A_187 : vector<16xi32> to vector<16xi32>
      tpu.vector_store %arg10[%swap3A_188], %swap3A_191 {strides = array<i32>} : memref<128xi32, #tpu.memory_space<vmem>>, vector<16xi32>,
      "tpu.region"() ({
        %run_scoped3A = tpu.sem_alloc : memref<!tpu.dma_semaphore, #tpu.memory_space<semaphore_mem>>
        %dma_start3A_192 = arith.constant 0 : i32
        %dma_start3A_193 = arith.constant 0 : i32
        %dma_start3A_194 = tpu.memref_slice %arg13[%dma_start3A_192, %dma_start3A_193] : memref<10112x128xf32, #tpu.memory_space<vmem_shared>> -> memref<10112x128xf32, #tpu.memory_space<vmem_shared>>
        tpu.enqueue_indirect_dma source(%arg12 : memref<128x128xf32, #tpu.memory_space<vmem>>) target(%dma_start3A_194 : memref<10112x128xf32, #tpu.memory_space<vmem_shared>>) offsets(%arg10 : memref<128xi32, #tpu.memory_space<vmem>>) semaphore(%run_scoped3A : memref<!tpu.dma_semaphore, #tpu.memory_space<semaphore_mem>>) {add = true}
        %dma_wait3A_195 = arith.constant 0 : i32
        %dma_wait3A_196 = arith.constant 0 : i32
        %dma_wait3A_197 = tpu.memref_slice %arg13[%dma_wait3A_195, %dma_wait3A_196] : memref<10112x128xf32, #tpu.memory_space<vmem_shared>> -> memref<10112x128xf32, #tpu.memory_space<vmem_shared>>
        tpu.wait_indirect_dma semaphore(%run_scoped3A : memref<!tpu.dma_semaphore, #tpu.memory_space<semaphore_mem>>) src(%arg12 : memref<128x128xf32, #tpu.memory_space<vmem>>) dst(%dma_wait3A_197 : memref<10112x128xf32, #tpu.memory_space<vmem_shared>>)
        tpu.yield
      }) : () -> ()
    }
    %scan3A_7 = arith.constant 5 : i32
    %barrier3A_8 = arith.constant 0 : index
    tpu.barrier barrier_id(%barrier3A_8)
    %mul3A_9 = arith.constant 10112 : i32
    %mul3A_10 = arith.muli %arg0, %mul3A_9 : i32
    %add3A_11 = arith.addi %mul3A_10, %mul3A_2 : i32
    "tpu.region"() ({
      %run_scoped3A = tpu.sem_alloc : memref<!tpu.dma_semaphore, #tpu.memory_space<semaphore_mem>>
      %dma_start3A = arith.constant 0 : i32
      %dma_start3A_12 = tpu.memref_slice %arg6[%add3A_11, %dma_start3A] : memref<20224x128xf32, #tpu.memory_space<hbm>> -> memref<632x128xf32, #tpu.memory_space<hbm>>
      %dma_start3A_13 = arith.constant 0 : i32
      %dma_start3A_14 = tpu.memref_slice %arg13[%mul3A_2, %dma_start3A_13] : memref<10112x128xf32, #tpu.memory_space<vmem_shared>> -> memref<632x128xf32, #tpu.memory_space<vmem_shared>>
      tpu.enqueue_dma source(%dma_start3A_14 : memref<632x128xf32, #tpu.memory_space<vmem_shared>>) target(%dma_start3A_12 : memref<632x128xf32, #tpu.memory_space<hbm>>) target_semaphore(%run_scoped3A : memref<!tpu.dma_semaphore, #tpu.memory_space<semaphore_mem>>)
      %dma_wait3A = arith.constant 0 : i32
      %dma_wait3A_15 = tpu.memref_slice %arg6[%add3A_11, %dma_wait3A] : memref<20224x128xf32, #tpu.memory_space<hbm>> -> memref<632x128xf32, #tpu.memory_space<hbm>>
      %dma_wait3A_16 = arith.constant 0 : i32
      %dma_wait3A_17 = tpu.memref_slice %arg13[%mul3A_2, %dma_wait3A_16] : memref<10112x128xf32, #tpu.memory_space<vmem_shared>> -> memref<632x128xf32, #tpu.memory_space<vmem_shared>>
      tpu.wait_dma2 semaphore(%run_scoped3A : memref<!tpu.dma_semaphore, #tpu.memory_space<semaphore_mem>>) src(%dma_wait3A_17 : memref<632x128xf32, #tpu.memory_space<vmem_shared>>) dst(%dma_wait3A_15 : memref<632x128xf32, #tpu.memory_space<hbm>>)
      tpu.yield
    }) : () -> ()
    return
  }
}

#map = affine_map<(d0, d1) -> (0, 0)>
module attributes {stable_mosaic.version = 14 : i64} {
  func.func @_sc_degree(%arg0: i32, %arg1: i32, %arg2: memref<2560x128xi32, #tpu.memory_space<hbm>>, %arg3: memref<10112x128xf32, #tpu.memory_space<hbm>>, %arg4: memref<128x128xf32, #tpu.memory_space<hbm>>, %arg5: memref<20224x128xf32, #tpu.memory_space<hbm>>, %arg6: memref<16x128xi32, #tpu.memory_space<vmem>>, %arg7: memref<128xi32, #tpu.memory_space<vmem>>, %arg8: memref<128x128xf32, #tpu.memory_space<vmem>>, %arg9: memref<10112x128xf32, #tpu.memory_space<vmem_shared>>) attributes {dimension_semantics = [#tpu.dimension_semantics<core_parallel>, #tpu.dimension_semantics<subcore_parallel>], iteration_bounds = array<i64: 2, 16>, scalar_prefetch = 0 : i64, scratch_operands = 4 : i64, tpu.core_type = #tpu.core_type<sc_vector_subcore>, window_params = [{transform_indices = #map}, {transform_indices = #map}, {transform_indices = #map}, {transform_indices = #map}]} {
    %mul3A = arith.constant 16 : i32
    %mul3A_0 = arith.muli %arg0, %mul3A : i32
    %add3A = arith.addi %mul3A_0, %arg1 : i32
    %mul3A_1 = arith.constant 632 : i32
    %mul3A_2 = arith.muli %arg1, %mul3A_1 : i32
    "tpu.region"() ({
      %run_scoped3A = tpu.sem_alloc : memref<!tpu.dma_semaphore, #tpu.memory_space<semaphore_mem>>
      %dma_start3A = arith.constant 0 : i32
      %dma_start3A_12 = tpu.memref_slice %arg9[%mul3A_2, %dma_start3A] : memref<10112x128xf32, #tpu.memory_space<vmem_shared>> -> memref<632x128xf32, #tpu.memory_space<vmem_shared>>
      %dma_start3A_13 = arith.constant 0 : i32
      %dma_start3A_14 = tpu.memref_slice %arg3[%mul3A_2, %dma_start3A_13] : memref<10112x128xf32, #tpu.memory_space<hbm>> -> memref<632x128xf32, #tpu.memory_space<hbm>>
      tpu.enqueue_dma source(%dma_start3A_14 : memref<632x128xf32, #tpu.memory_space<hbm>>) target(%dma_start3A_12 : memref<632x128xf32, #tpu.memory_space<vmem_shared>>) target_semaphore(%run_scoped3A : memref<!tpu.dma_semaphore, #tpu.memory_space<semaphore_mem>>)
      %dma_wait3A = arith.constant 0 : i32
      %dma_wait3A_15 = tpu.memref_slice %arg9[%mul3A_2, %dma_wait3A] : memref<10112x128xf32, #tpu.memory_space<vmem_shared>> -> memref<632x128xf32, #tpu.memory_space<vmem_shared>>
      %dma_wait3A_16 = arith.constant 0 : i32
      %dma_wait3A_17 = tpu.memref_slice %arg3[%mul3A_2, %dma_wait3A_16] : memref<10112x128xf32, #tpu.memory_space<hbm>> -> memref<632x128xf32, #tpu.memory_space<hbm>>
      tpu.wait_dma2 semaphore(%run_scoped3A : memref<!tpu.dma_semaphore, #tpu.memory_space<semaphore_mem>>) src(%dma_wait3A_17 : memref<632x128xf32, #tpu.memory_space<hbm>>) dst(%dma_wait3A_15 : memref<632x128xf32, #tpu.memory_space<vmem_shared>>)
      tpu.yield
    }) : () -> ()
    %barrier3A = arith.constant 0 : index
    tpu.barrier barrier_id(%barrier3A)
    "tpu.region"() ({
      %run_scoped3A = tpu.sem_alloc : memref<!tpu.dma_semaphore, #tpu.memory_space<semaphore_mem>>
      tpu.enqueue_dma source(%arg4 : memref<128x128xf32, #tpu.memory_space<hbm>>) target(%arg8 : memref<128x128xf32, #tpu.memory_space<vmem>>) target_semaphore(%run_scoped3A : memref<!tpu.dma_semaphore, #tpu.memory_space<semaphore_mem>>)
      tpu.wait_dma2 semaphore(%run_scoped3A : memref<!tpu.dma_semaphore, #tpu.memory_space<semaphore_mem>>) src(%arg4 : memref<128x128xf32, #tpu.memory_space<hbm>>) dst(%arg8 : memref<128x128xf32, #tpu.memory_space<vmem>>)
      tpu.yield
    }) : () -> ()
    %scan3A = arith.constant 0 : i32
    %scan3A_3 = arith.constant 0 : i32
    %scan3A_4 = arith.constant 5 : i32
    %scan3A_5 = arith.addi %scan3A_3, %scan3A_4 : i32
    %scan3A_6 = arith.constant 1 : i32
    scf.for %scan3A_12 = %scan3A_3 to %scan3A_5 step %scan3A_6  : i32 {
      %mul3A_13 = arith.constant 80 : i32
      %mul3A_14 = arith.muli %add3A, %mul3A_13 : i32
      %mul3A_15 = arith.constant 16 : i32
      %mul3A_16 = arith.muli %scan3A_12, %mul3A_15 : i32
      %add3A_17 = arith.addi %mul3A_14, %mul3A_16 : i32
      "tpu.region"() ({
        %run_scoped3A = tpu.sem_alloc : memref<!tpu.dma_semaphore, #tpu.memory_space<semaphore_mem>>
        %dma_start3A = arith.constant 0 : i32
        %dma_start3A_24 = tpu.memref_slice %arg2[%add3A_17, %dma_start3A] : memref<2560x128xi32, #tpu.memory_space<hbm>> -> memref<16x128xi32, #tpu.memory_space<hbm>>
        %dma_start3A_25 = arith.constant 0 : i32
        %dma_start3A_26 = tpu.memref_slice %arg2[%add3A_17, %dma_start3A_25] : memref<2560x128xi32, #tpu.memory_space<hbm>> -> memref<16x128xi32, #tpu.memory_space<hbm>>
        tpu.enqueue_dma source(%dma_start3A_26 : memref<16x128xi32, #tpu.memory_space<hbm>>) target(%arg6 : memref<16x128xi32, #tpu.memory_space<vmem>>) target_semaphore(%run_scoped3A : memref<!tpu.dma_semaphore, #tpu.memory_space<semaphore_mem>>)
        %dma_wait3A = arith.constant 0 : i32
        %dma_wait3A_27 = tpu.memref_slice %arg2[%add3A_17, %dma_wait3A] : memref<2560x128xi32, #tpu.memory_space<hbm>> -> memref<16x128xi32, #tpu.memory_space<hbm>>
        %dma_wait3A_28 = arith.constant 0 : i32
        %dma_wait3A_29 = tpu.memref_slice %arg2[%add3A_17, %dma_wait3A_28] : memref<2560x128xi32, #tpu.memory_space<hbm>> -> memref<16x128xi32, #tpu.memory_space<hbm>>
        tpu.wait_dma2 semaphore(%run_scoped3A : memref<!tpu.dma_semaphore, #tpu.memory_space<semaphore_mem>>) src(%dma_wait3A_29 : memref<16x128xi32, #tpu.memory_space<hbm>>) dst(%arg6 : memref<16x128xi32, #tpu.memory_space<vmem>>)
        tpu.yield
      }) : () -> ()
      %scan3A_18 = arith.constant 0 : i32
      %scan3A_19 = arith.constant 0 : i32
      %scan3A_20 = arith.constant 16 : i32
      %scan3A_21 = arith.addi %scan3A_19, %scan3A_20 : i32
      %scan3A_22 = arith.constant 1 : i32
      scf.for %scan3A_24 = %scan3A_19 to %scan3A_21 step %scan3A_22  : i32 {
        %get3A = arith.index_cast %scan3A_24 : i32 to index
        %get3A_25 = arith.constant 0 : index
        %get3A_26 = tpu.vector_load %arg6[%get3A, %get3A_25] {strides = array<i32>} : memref<16x128xi32, #tpu.memory_space<vmem>>, vector<1x16xi32>,
        %get3A_27 = vector.shape_cast %get3A_26 : vector<1x16xi32> to vector<16xi32>
        %swap3A = arith.constant 0 : index
        %swap3A_28 = tpu.vector_load %arg7[%swap3A] {strides = array<i32>} : memref<128xi32, #tpu.memory_space<vmem>>, vector<16xi32>,
        %swap3A_29 = vector.shape_cast %swap3A_28 : vector<16xi32> to vector<16xi32>
        %swap3A_30 = vector.shape_cast %get3A_27 : vector<16xi32> to vector<16xi32>
        tpu.vector_store %arg7[%swap3A], %swap3A_30 {strides = array<i32>} : memref<128xi32, #tpu.memory_space<vmem>>, vector<16xi32>,
        %get3A_31 = arith.index_cast %scan3A_24 : i32 to index
        %get3A_32 = arith.constant 16 : index
        %get3A_33 = tpu.vector_load %arg6[%get3A_31, %get3A_32] {strides = array<i32>} : memref<16x128xi32, #tpu.memory_space<vmem>>, vector<1x16xi32>,
        %get3A_34 = vector.shape_cast %get3A_33 : vector<1x16xi32> to vector<16xi32>
        %swap3A_35 = arith.constant 16 : index
        %swap3A_36 = tpu.vector_load %arg7[%swap3A_35] {strides = array<i32>} : memref<128xi32, #tpu.memory_space<vmem>>, vector<16xi32>,
        %swap3A_37 = vector.shape_cast %swap3A_36 : vector<16xi32> to vector<16xi32>
        %swap3A_38 = vector.shape_cast %get3A_34 : vector<16xi32> to vector<16xi32>
        tpu.vector_store %arg7[%swap3A_35], %swap3A_38 {strides = array<i32>} : memref<128xi32, #tpu.memory_space<vmem>>, vector<16xi32>,
        %get3A_39 = arith.index_cast %scan3A_24 : i32 to index
        %get3A_40 = arith.constant 32 : index
        %get3A_41 = tpu.vector_load %arg6[%get3A_39, %get3A_40] {strides = array<i32>} : memref<16x128xi32, #tpu.memory_space<vmem>>, vector<1x16xi32>,
        %get3A_42 = vector.shape_cast %get3A_41 : vector<1x16xi32> to vector<16xi32>
        %swap3A_43 = arith.constant 32 : index
        %swap3A_44 = tpu.vector_load %arg7[%swap3A_43] {strides = array<i32>} : memref<128xi32, #tpu.memory_space<vmem>>, vector<16xi32>,
        %swap3A_45 = vector.shape_cast %swap3A_44 : vector<16xi32> to vector<16xi32>
        %swap3A_46 = vector.shape_cast %get3A_42 : vector<16xi32> to vector<16xi32>
        tpu.vector_store %arg7[%swap3A_43], %swap3A_46 {strides = array<i32>} : memref<128xi32, #tpu.memory_space<vmem>>, vector<16xi32>,
        %get3A_47 = arith.index_cast %scan3A_24 : i32 to index
        %get3A_48 = arith.constant 48 : index
        %get3A_49 = tpu.vector_load %arg6[%get3A_47, %get3A_48] {strides = array<i32>} : memref<16x128xi32, #tpu.memory_space<vmem>>, vector<1x16xi32>,
        %get3A_50 = vector.shape_cast %get3A_49 : vector<1x16xi32> to vector<16xi32>
        %swap3A_51 = arith.constant 48 : index
        %swap3A_52 = tpu.vector_load %arg7[%swap3A_51] {strides = array<i32>} : memref<128xi32, #tpu.memory_space<vmem>>, vector<16xi32>,
        %swap3A_53 = vector.shape_cast %swap3A_52 : vector<16xi32> to vector<16xi32>
        %swap3A_54 = vector.shape_cast %get3A_50 : vector<16xi32> to vector<16xi32>
        tpu.vector_store %arg7[%swap3A_51], %swap3A_54 {strides = array<i32>} : memref<128xi32, #tpu.memory_space<vmem>>, vector<16xi32>,
        %get3A_55 = arith.index_cast %scan3A_24 : i32 to index
        %get3A_56 = arith.constant 64 : index
        %get3A_57 = tpu.vector_load %arg6[%get3A_55, %get3A_56] {strides = array<i32>} : memref<16x128xi32, #tpu.memory_space<vmem>>, vector<1x16xi32>,
        %get3A_58 = vector.shape_cast %get3A_57 : vector<1x16xi32> to vector<16xi32>
        %swap3A_59 = arith.constant 64 : index
        %swap3A_60 = tpu.vector_load %arg7[%swap3A_59] {strides = array<i32>} : memref<128xi32, #tpu.memory_space<vmem>>, vector<16xi32>,
        %swap3A_61 = vector.shape_cast %swap3A_60 : vector<16xi32> to vector<16xi32>
        %swap3A_62 = vector.shape_cast %get3A_58 : vector<16xi32> to vector<16xi32>
        tpu.vector_store %arg7[%swap3A_59], %swap3A_62 {strides = array<i32>} : memref<128xi32, #tpu.memory_space<vmem>>, vector<16xi32>,
        %get3A_63 = arith.index_cast %scan3A_24 : i32 to index
        %get3A_64 = arith.constant 80 : index
        %get3A_65 = tpu.vector_load %arg6[%get3A_63, %get3A_64] {strides = array<i32>} : memref<16x128xi32, #tpu.memory_space<vmem>>, vector<1x16xi32>,
        %get3A_66 = vector.shape_cast %get3A_65 : vector<1x16xi32> to vector<16xi32>
        %swap3A_67 = arith.constant 80 : index
        %swap3A_68 = tpu.vector_load %arg7[%swap3A_67] {strides = array<i32>} : memref<128xi32, #tpu.memory_space<vmem>>, vector<16xi32>,
        %swap3A_69 = vector.shape_cast %swap3A_68 : vector<16xi32> to vector<16xi32>
        %swap3A_70 = vector.shape_cast %get3A_66 : vector<16xi32> to vector<16xi32>
        tpu.vector_store %arg7[%swap3A_67], %swap3A_70 {strides = array<i32>} : memref<128xi32, #tpu.memory_space<vmem>>, vector<16xi32>,
        %get3A_71 = arith.index_cast %scan3A_24 : i32 to index
        %get3A_72 = arith.constant 96 : index
        %get3A_73 = tpu.vector_load %arg6[%get3A_71, %get3A_72] {strides = array<i32>} : memref<16x128xi32, #tpu.memory_space<vmem>>, vector<1x16xi32>,
        %get3A_74 = vector.shape_cast %get3A_73 : vector<1x16xi32> to vector<16xi32>
        %swap3A_75 = arith.constant 96 : index
        %swap3A_76 = tpu.vector_load %arg7[%swap3A_75] {strides = array<i32>} : memref<128xi32, #tpu.memory_space<vmem>>, vector<16xi32>,
        %swap3A_77 = vector.shape_cast %swap3A_76 : vector<16xi32> to vector<16xi32>
        %swap3A_78 = vector.shape_cast %get3A_74 : vector<16xi32> to vector<16xi32>
        tpu.vector_store %arg7[%swap3A_75], %swap3A_78 {strides = array<i32>} : memref<128xi32, #tpu.memory_space<vmem>>, vector<16xi32>,
        %get3A_79 = arith.index_cast %scan3A_24 : i32 to index
        %get3A_80 = arith.constant 112 : index
        %get3A_81 = tpu.vector_load %arg6[%get3A_79, %get3A_80] {strides = array<i32>} : memref<16x128xi32, #tpu.memory_space<vmem>>, vector<1x16xi32>,
        %get3A_82 = vector.shape_cast %get3A_81 : vector<1x16xi32> to vector<16xi32>
        %swap3A_83 = arith.constant 112 : index
        %swap3A_84 = tpu.vector_load %arg7[%swap3A_83] {strides = array<i32>} : memref<128xi32, #tpu.memory_space<vmem>>, vector<16xi32>,
        %swap3A_85 = vector.shape_cast %swap3A_84 : vector<16xi32> to vector<16xi32>
        %swap3A_86 = vector.shape_cast %get3A_82 : vector<16xi32> to vector<16xi32>
        tpu.vector_store %arg7[%swap3A_83], %swap3A_86 {strides = array<i32>} : memref<128xi32, #tpu.memory_space<vmem>>, vector<16xi32>,
        "tpu.region"() ({
          %run_scoped3A = tpu.sem_alloc : memref<!tpu.dma_semaphore, #tpu.memory_space<semaphore_mem>>
          %dma_start3A = arith.constant 0 : i32
          %dma_start3A_87 = arith.constant 0 : i32
          %dma_start3A_88 = tpu.memref_slice %arg9[%dma_start3A, %dma_start3A_87] : memref<10112x128xf32, #tpu.memory_space<vmem_shared>> -> memref<10112x128xf32, #tpu.memory_space<vmem_shared>>
          tpu.enqueue_indirect_dma source(%arg8 : memref<128x128xf32, #tpu.memory_space<vmem>>) target(%dma_start3A_88 : memref<10112x128xf32, #tpu.memory_space<vmem_shared>>) offsets(%arg7 : memref<128xi32, #tpu.memory_space<vmem>>) semaphore(%run_scoped3A : memref<!tpu.dma_semaphore, #tpu.memory_space<semaphore_mem>>) {add = true}
          %dma_wait3A = arith.constant 0 : i32
          %dma_wait3A_89 = arith.constant 0 : i32
          %dma_wait3A_90 = tpu.memref_slice %arg9[%dma_wait3A, %dma_wait3A_89] : memref<10112x128xf32, #tpu.memory_space<vmem_shared>> -> memref<10112x128xf32, #tpu.memory_space<vmem_shared>>
          tpu.wait_indirect_dma semaphore(%run_scoped3A : memref<!tpu.dma_semaphore, #tpu.memory_space<semaphore_mem>>) src(%arg8 : memref<128x128xf32, #tpu.memory_space<vmem>>) dst(%dma_wait3A_90 : memref<10112x128xf32, #tpu.memory_space<vmem_shared>>)
          tpu.yield
        }) : () -> ()
      }
      %scan3A_23 = arith.constant 16 : i32
    }
    %scan3A_7 = arith.constant 5 : i32
    %barrier3A_8 = arith.constant 0 : index
    tpu.barrier barrier_id(%barrier3A_8)
    %mul3A_9 = arith.constant 10112 : i32
    %mul3A_10 = arith.muli %arg0, %mul3A_9 : i32
    %add3A_11 = arith.addi %mul3A_10, %mul3A_2 : i32
    "tpu.region"() ({
      %run_scoped3A = tpu.sem_alloc : memref<!tpu.dma_semaphore, #tpu.memory_space<semaphore_mem>>
      %dma_start3A = arith.constant 0 : i32
      %dma_start3A_12 = tpu.memref_slice %arg5[%add3A_11, %dma_start3A] : memref<20224x128xf32, #tpu.memory_space<hbm>> -> memref<632x128xf32, #tpu.memory_space<hbm>>
      %dma_start3A_13 = arith.constant 0 : i32
      %dma_start3A_14 = tpu.memref_slice %arg9[%mul3A_2, %dma_start3A_13] : memref<10112x128xf32, #tpu.memory_space<vmem_shared>> -> memref<632x128xf32, #tpu.memory_space<vmem_shared>>
      tpu.enqueue_dma source(%dma_start3A_14 : memref<632x128xf32, #tpu.memory_space<vmem_shared>>) target(%dma_start3A_12 : memref<632x128xf32, #tpu.memory_space<hbm>>) target_semaphore(%run_scoped3A : memref<!tpu.dma_semaphore, #tpu.memory_space<semaphore_mem>>)
      %dma_wait3A = arith.constant 0 : i32
      %dma_wait3A_15 = tpu.memref_slice %arg5[%add3A_11, %dma_wait3A] : memref<20224x128xf32, #tpu.memory_space<hbm>> -> memref<632x128xf32, #tpu.memory_space<hbm>>
      %dma_wait3A_16 = arith.constant 0 : i32
      %dma_wait3A_17 = tpu.memref_slice %arg9[%mul3A_2, %dma_wait3A_16] : memref<10112x128xf32, #tpu.memory_space<vmem_shared>> -> memref<632x128xf32, #tpu.memory_space<vmem_shared>>
      tpu.wait_dma2 semaphore(%run_scoped3A : memref<!tpu.dma_semaphore, #tpu.memory_space<semaphore_mem>>) src(%dma_wait3A_17 : memref<632x128xf32, #tpu.memory_space<vmem_shared>>) dst(%dma_wait3A_15 : memref<632x128xf32, #tpu.memory_space<hbm>>)
      tpu.yield
    }) : () -> ()
    return
  }
}

#map = affine_map<(d0, d1) -> (0, 0)>
module attributes {stable_mosaic.version = 14 : i64} {
  func.func @_sc_segsum(%arg0: i32, %arg1: i32, %arg2: memref<10000x128xf32, #tpu.memory_space<hbm>>, %arg3: memref<2560x128xi32, #tpu.memory_space<hbm>>, %arg4: memref<2560x128xi32, #tpu.memory_space<hbm>>, %arg5: memref<10112x128xf32, #tpu.memory_space<hbm>>, %arg6: memref<20224x128xf32, #tpu.memory_space<hbm>>, %arg7: memref<16x128xi32, #tpu.memory_space<vmem>>, %arg8: memref<16x128xi32, #tpu.memory_space<vmem>>, %arg9: memref<128xi32, #tpu.memory_space<vmem>>, %arg10: memref<128xi32, #tpu.memory_space<vmem>>, %arg11: memref<128x128xf32, #tpu.memory_space<vmem>>, %arg12: memref<128x128xf32, #tpu.memory_space<vmem>>, %arg13: memref<10112x128xf32, #tpu.memory_space<vmem_shared>>, %arg14: memref<!tpu.dma_semaphore, #tpu.memory_space<semaphore_mem>>, %arg15: memref<!tpu.dma_semaphore, #tpu.memory_space<semaphore_mem>>, %arg16: memref<!tpu.dma_semaphore, #tpu.memory_space<semaphore_mem>>, %arg17: memref<!tpu.dma_semaphore, #tpu.memory_space<semaphore_mem>>) attributes {dimension_semantics = [#tpu.dimension_semantics<core_parallel>, #tpu.dimension_semantics<subcore_parallel>], iteration_bounds = array<i64: 2, 16>, scalar_prefetch = 0 : i64, scratch_operands = 11 : i64, tpu.core_type = #tpu.core_type<sc_vector_subcore>, window_params = [{transform_indices = #map}, {transform_indices = #map}, {transform_indices = #map}, {transform_indices = #map}, {transform_indices = #map}]} {
    %mul3A = arith.constant 16 : i32
    %mul3A_0 = arith.muli %arg0, %mul3A : i32
    %add3A = arith.addi %mul3A_0, %arg1 : i32
    %mul3A_1 = arith.constant 632 : i32
    %mul3A_2 = arith.muli %arg1, %mul3A_1 : i32
    "tpu.region"() ({
      %run_scoped3A = tpu.sem_alloc : memref<!tpu.dma_semaphore, #tpu.memory_space<semaphore_mem>>
      %dma_start3A = arith.constant 0 : i32
      %dma_start3A_12 = tpu.memref_slice %arg13[%mul3A_2, %dma_start3A] : memref<10112x128xf32, #tpu.memory_space<vmem_shared>> -> memref<632x128xf32, #tpu.memory_space<vmem_shared>>
      %dma_start3A_13 = arith.constant 0 : i32
      %dma_start3A_14 = tpu.memref_slice %arg5[%mul3A_2, %dma_start3A_13] : memref<10112x128xf32, #tpu.memory_space<hbm>> -> memref<632x128xf32, #tpu.memory_space<hbm>>
      tpu.enqueue_dma source(%dma_start3A_14 : memref<632x128xf32, #tpu.memory_space<hbm>>) target(%dma_start3A_12 : memref<632x128xf32, #tpu.memory_space<vmem_shared>>) target_semaphore(%run_scoped3A : memref<!tpu.dma_semaphore, #tpu.memory_space<semaphore_mem>>)
      %dma_wait3A = arith.constant 0 : i32
      %dma_wait3A_15 = tpu.memref_slice %arg13[%mul3A_2, %dma_wait3A] : memref<10112x128xf32, #tpu.memory_space<vmem_shared>> -> memref<632x128xf32, #tpu.memory_space<vmem_shared>>
      %dma_wait3A_16 = arith.constant 0 : i32
      %dma_wait3A_17 = tpu.memref_slice %arg5[%mul3A_2, %dma_wait3A_16] : memref<10112x128xf32, #tpu.memory_space<hbm>> -> memref<632x128xf32, #tpu.memory_space<hbm>>
      tpu.wait_dma2 semaphore(%run_scoped3A : memref<!tpu.dma_semaphore, #tpu.memory_space<semaphore_mem>>) src(%dma_wait3A_17 : memref<632x128xf32, #tpu.memory_space<hbm>>) dst(%dma_wait3A_15 : memref<632x128xf32, #tpu.memory_space<vmem_shared>>)
      tpu.yield
    }) : () -> ()
    %barrier3A = arith.constant 0 : index
    tpu.barrier barrier_id(%barrier3A)
    %scan3A = arith.constant 0 : i32
    %scan3A_3 = arith.constant 0 : i32
    %scan3A_4 = arith.constant 5 : i32
    %scan3A_5 = arith.addi %scan3A_3, %scan3A_4 : i32
    %scan3A_6 = arith.constant 1 : i32
    scf.for %scan3A_12 = %scan3A_3 to %scan3A_5 step %scan3A_6  : i32 {
      %mul3A_13 = arith.constant 80 : i32
      %mul3A_14 = arith.muli %add3A, %mul3A_13 : i32
      %mul3A_15 = arith.constant 16 : i32
      %mul3A_16 = arith.muli %scan3A_12, %mul3A_15 : i32
      %add3A_17 = arith.addi %mul3A_14, %mul3A_16 : i32
      "tpu.region"() ({
        %run_scoped3A = tpu.sem_alloc : memref<!tpu.dma_semaphore, #tpu.memory_space<semaphore_mem>>
        %dma_start3A_192 = arith.constant 0 : i32
        %dma_start3A_193 = tpu.memref_slice %arg3[%add3A_17, %dma_start3A_192] : memref<2560x128xi32, #tpu.memory_space<hbm>> -> memref<16x128xi32, #tpu.memory_space<hbm>>
        %dma_start3A_194 = arith.constant 0 : i32
        %dma_start3A_195 = tpu.memref_slice %arg3[%add3A_17, %dma_start3A_194] : memref<2560x128xi32, #tpu.memory_space<hbm>> -> memref<16x128xi32, #tpu.memory_space<hbm>>
        tpu.enqueue_dma source(%dma_start3A_195 : memref<16x128xi32, #tpu.memory_space<hbm>>) target(%arg7 : memref<16x128xi32, #tpu.memory_space<vmem>>) target_semaphore(%run_scoped3A : memref<!tpu.dma_semaphore, #tpu.memory_space<semaphore_mem>>)
        %dma_wait3A_196 = arith.constant 0 : i32
        %dma_wait3A_197 = tpu.memref_slice %arg3[%add3A_17, %dma_wait3A_196] : memref<2560x128xi32, #tpu.memory_space<hbm>> -> memref<16x128xi32, #tpu.memory_space<hbm>>
        %dma_wait3A_198 = arith.constant 0 : i32
        %dma_wait3A_199 = tpu.memref_slice %arg3[%add3A_17, %dma_wait3A_198] : memref<2560x128xi32, #tpu.memory_space<hbm>> -> memref<16x128xi32, #tpu.memory_space<hbm>>
        tpu.wait_dma2 semaphore(%run_scoped3A : memref<!tpu.dma_semaphore, #tpu.memory_space<semaphore_mem>>) src(%dma_wait3A_199 : memref<16x128xi32, #tpu.memory_space<hbm>>) dst(%arg7 : memref<16x128xi32, #tpu.memory_space<vmem>>)
        tpu.yield
      }) : () -> ()
      "tpu.region"() ({
        %run_scoped3A = tpu.sem_alloc : memref<!tpu.dma_semaphore, #tpu.memory_space<semaphore_mem>>
        %dma_start3A_192 = arith.constant 0 : i32
        %dma_start3A_193 = tpu.memref_slice %arg4[%add3A_17, %dma_start3A_192] : memref<2560x128xi32, #tpu.memory_space<hbm>> -> memref<16x128xi32, #tpu.memory_space<hbm>>
        %dma_start3A_194 = arith.constant 0 : i32
        %dma_start3A_195 = tpu.memref_slice %arg4[%add3A_17, %dma_start3A_194] : memref<2560x128xi32, #tpu.memory_space<hbm>> -> memref<16x128xi32, #tpu.memory_space<hbm>>
        tpu.enqueue_dma source(%dma_start3A_195 : memref<16x128xi32, #tpu.memory_space<hbm>>) target(%arg8 : memref<16x128xi32, #tpu.memory_space<vmem>>) target_semaphore(%run_scoped3A : memref<!tpu.dma_semaphore, #tpu.memory_space<semaphore_mem>>)
        %dma_wait3A_196 = arith.constant 0 : i32
        %dma_wait3A_197 = tpu.memref_slice %arg4[%add3A_17, %dma_wait3A_196] : memref<2560x128xi32, #tpu.memory_space<hbm>> -> memref<16x128xi32, #tpu.memory_space<hbm>>
        %dma_wait3A_198 = arith.constant 0 : i32
        %dma_wait3A_199 = tpu.memref_slice %arg4[%add3A_17, %dma_wait3A_198] : memref<2560x128xi32, #tpu.memory_space<hbm>> -> memref<16x128xi32, #tpu.memory_space<hbm>>
        tpu.wait_dma2 semaphore(%run_scoped3A : memref<!tpu.dma_semaphore, #tpu.memory_space<semaphore_mem>>) src(%dma_wait3A_199 : memref<16x128xi32, #tpu.memory_space<hbm>>) dst(%arg8 : memref<16x128xi32, #tpu.memory_space<vmem>>)
        tpu.yield
      }) : () -> ()
      %dma_start3A = arith.constant 0 : i32
      %dma_start3A_18 = arith.constant 0 : i32
      %dma_start3A_19 = tpu.memref_slice %arg7[%dma_start3A, %dma_start3A_18] : memref<16x128xi32, #tpu.memory_space<vmem>> -> memref<1x128xi32, #tpu.memory_space<vmem>>
      %dma_start3A_20 = tpu.memref_squeeze %dma_start3A_19 : memref<1x128xi32, #tpu.memory_space<vmem>> -> memref<128xi32, #tpu.memory_space<vmem>>
      %dma_start3A_21 = arith.constant 0 : i32
      %dma_start3A_22 = arith.constant 0 : i32
      %dma_start3A_23 = tpu.memref_slice %arg2[%dma_start3A_21, %dma_start3A_22] : memref<10000x128xf32, #tpu.memory_space<hbm>> -> memref<10000x128xf32, #tpu.memory_space<hbm>>
      tpu.enqueue_indirect_dma source(%dma_start3A_23 : memref<10000x128xf32, #tpu.memory_space<hbm>>) target(%arg11 : memref<128x128xf32, #tpu.memory_space<vmem>>) offsets(%dma_start3A_20 : memref<128xi32, #tpu.memory_space<vmem>>) semaphore(%arg14 : memref<!tpu.dma_semaphore, #tpu.memory_space<semaphore_mem>>)
      %dma_start3A_24 = arith.constant 1 : i32
      %dma_start3A_25 = arith.constant 0 : i32
      %dma_start3A_26 = tpu.memref_slice %arg7[%dma_start3A_24, %dma_start3A_25] : memref<16x128xi32, #tpu.memory_space<vmem>> -> memref<1x128xi32, #tpu.memory_space<vmem>>
      %dma_start3A_27 = tpu.memref_squeeze %dma_start3A_26 : memref<1x128xi32, #tpu.memory_space<vmem>> -> memref<128xi32, #tpu.memory_space<vmem>>
      %dma_start3A_28 = arith.constant 0 : i32
      %dma_start3A_29 = arith.constant 0 : i32
      %dma_start3A_30 = tpu.memref_slice %arg2[%dma_start3A_28, %dma_start3A_29] : memref<10000x128xf32, #tpu.memory_space<hbm>> -> memref<10000x128xf32, #tpu.memory_space<hbm>>
      tpu.enqueue_indirect_dma source(%dma_start3A_30 : memref<10000x128xf32, #tpu.memory_space<hbm>>) target(%arg12 : memref<128x128xf32, #tpu.memory_space<vmem>>) offsets(%dma_start3A_27 : memref<128xi32, #tpu.memory_space<vmem>>) semaphore(%arg15 : memref<!tpu.dma_semaphore, #tpu.memory_space<semaphore_mem>>)
      %scan3A_31 = arith.constant 0 : i32
      %scan3A_32 = arith.constant 0 : i32
      %scan3A_33 = arith.constant 7 : i32
      %scan3A_34 = arith.addi %scan3A_32, %scan3A_33 : i32
      %scan3A_35 = arith.constant 1 : i32
      scf.for %scan3A_192 = %scan3A_32 to %scan3A_34 step %scan3A_35  : i32 {
        %mul3A_193 = arith.constant 2 : i32
        %mul3A_194 = arith.muli %mul3A_193, %scan3A_192 : i32
        %dma_wait3A_195 = arith.constant 0 : i32
        %dma_wait3A_196 = tpu.memref_slice %arg7[%mul3A_194, %dma_wait3A_195] : memref<16x128xi32, #tpu.memory_space<vmem>> -> memref<1x128xi32, #tpu.memory_space<vmem>>
        %dma_wait3A_197 = tpu.memref_squeeze %dma_wait3A_196 : memref<1x128xi32, #tpu.memory_space<vmem>> -> memref<128xi32, #tpu.memory_space<vmem>>
        %dma_wait3A_198 = arith.constant 0 : i32
        %dma_wait3A_199 = arith.constant 0 : i32
        %dma_wait3A_200 = tpu.memref_slice %arg2[%dma_wait3A_198, %dma_wait3A_199] : memref<10000x128xf32, #tpu.memory_space<hbm>> -> memref<10000x128xf32, #tpu.memory_space<hbm>>
        tpu.wait_indirect_dma semaphore(%arg14 : memref<!tpu.dma_semaphore, #tpu.memory_space<semaphore_mem>>) src(%dma_wait3A_200 : memref<10000x128xf32, #tpu.memory_space<hbm>>) dst(%arg11 : memref<128x128xf32, #tpu.memory_space<vmem>>)
        %get3A_201 = arith.index_cast %mul3A_194 : i32 to index
        %get3A_202 = arith.constant 0 : index
        %get3A_203 = tpu.vector_load %arg8[%get3A_201, %get3A_202] {strides = array<i32>} : memref<16x128xi32, #tpu.memory_space<vmem>>, vector<1x16xi32>,
        %get3A_204 = vector.shape_cast %get3A_203 : vector<1x16xi32> to vector<16xi32>
        %swap3A_205 = arith.constant 0 : index
        %swap3A_206 = tpu.vector_load %arg9[%swap3A_205] {strides = array<i32>} : memref<128xi32, #tpu.memory_space<vmem>>, vector<16xi32>,
        %swap3A_207 = vector.shape_cast %swap3A_206 : vector<16xi32> to vector<16xi32>
        %swap3A_208 = vector.shape_cast %get3A_204 : vector<16xi32> to vector<16xi32>
        tpu.vector_store %arg9[%swap3A_205], %swap3A_208 {strides = array<i32>} : memref<128xi32, #tpu.memory_space<vmem>>, vector<16xi32>,
        %get3A_209 = arith.index_cast %mul3A_194 : i32 to index
        %get3A_210 = arith.constant 16 : index
        %get3A_211 = tpu.vector_load %arg8[%get3A_209, %get3A_210] {strides = array<i32>} : memref<16x128xi32, #tpu.memory_space<vmem>>, vector<1x16xi32>,
        %get3A_212 = vector.shape_cast %get3A_211 : vector<1x16xi32> to vector<16xi32>
        %swap3A_213 = arith.constant 16 : index
        %swap3A_214 = tpu.vector_load %arg9[%swap3A_213] {strides = array<i32>} : memref<128xi32, #tpu.memory_space<vmem>>, vector<16xi32>,
        %swap3A_215 = vector.shape_cast %swap3A_214 : vector<16xi32> to vector<16xi32>
        %swap3A_216 = vector.shape_cast %get3A_212 : vector<16xi32> to vector<16xi32>
        tpu.vector_store %arg9[%swap3A_213], %swap3A_216 {strides = array<i32>} : memref<128xi32, #tpu.memory_space<vmem>>, vector<16xi32>,
        %get3A_217 = arith.index_cast %mul3A_194 : i32 to index
        %get3A_218 = arith.constant 32 : index
        %get3A_219 = tpu.vector_load %arg8[%get3A_217, %get3A_218] {strides = array<i32>} : memref<16x128xi32, #tpu.memory_space<vmem>>, vector<1x16xi32>,
        %get3A_220 = vector.shape_cast %get3A_219 : vector<1x16xi32> to vector<16xi32>
        %swap3A_221 = arith.constant 32 : index
        %swap3A_222 = tpu.vector_load %arg9[%swap3A_221] {strides = array<i32>} : memref<128xi32, #tpu.memory_space<vmem>>, vector<16xi32>,
        %swap3A_223 = vector.shape_cast %swap3A_222 : vector<16xi32> to vector<16xi32>
        %swap3A_224 = vector.shape_cast %get3A_220 : vector<16xi32> to vector<16xi32>
        tpu.vector_store %arg9[%swap3A_221], %swap3A_224 {strides = array<i32>} : memref<128xi32, #tpu.memory_space<vmem>>, vector<16xi32>,
        %get3A_225 = arith.index_cast %mul3A_194 : i32 to index
        %get3A_226 = arith.constant 48 : index
        %get3A_227 = tpu.vector_load %arg8[%get3A_225, %get3A_226] {strides = array<i32>} : memref<16x128xi32, #tpu.memory_space<vmem>>, vector<1x16xi32>,
        %get3A_228 = vector.shape_cast %get3A_227 : vector<1x16xi32> to vector<16xi32>
        %swap3A_229 = arith.constant 48 : index
        %swap3A_230 = tpu.vector_load %arg9[%swap3A_229] {strides = array<i32>} : memref<128xi32, #tpu.memory_space<vmem>>, vector<16xi32>,
        %swap3A_231 = vector.shape_cast %swap3A_230 : vector<16xi32> to vector<16xi32>
        %swap3A_232 = vector.shape_cast %get3A_228 : vector<16xi32> to vector<16xi32>
        tpu.vector_store %arg9[%swap3A_229], %swap3A_232 {strides = array<i32>} : memref<128xi32, #tpu.memory_space<vmem>>, vector<16xi32>,
        %get3A_233 = arith.index_cast %mul3A_194 : i32 to index
        %get3A_234 = arith.constant 64 : index
        %get3A_235 = tpu.vector_load %arg8[%get3A_233, %get3A_234] {strides = array<i32>} : memref<16x128xi32, #tpu.memory_space<vmem>>, vector<1x16xi32>,
        %get3A_236 = vector.shape_cast %get3A_235 : vector<1x16xi32> to vector<16xi32>
        %swap3A_237 = arith.constant 64 : index
        %swap3A_238 = tpu.vector_load %arg9[%swap3A_237] {strides = array<i32>} : memref<128xi32, #tpu.memory_space<vmem>>, vector<16xi32>,
        %swap3A_239 = vector.shape_cast %swap3A_238 : vector<16xi32> to vector<16xi32>
        %swap3A_240 = vector.shape_cast %get3A_236 : vector<16xi32> to vector<16xi32>
        tpu.vector_store %arg9[%swap3A_237], %swap3A_240 {strides = array<i32>} : memref<128xi32, #tpu.memory_space<vmem>>, vector<16xi32>,
        %get3A_241 = arith.index_cast %mul3A_194 : i32 to index
        %get3A_242 = arith.constant 80 : index
        %get3A_243 = tpu.vector_load %arg8[%get3A_241, %get3A_242] {strides = array<i32>} : memref<16x128xi32, #tpu.memory_space<vmem>>, vector<1x16xi32>,
        %get3A_244 = vector.shape_cast %get3A_243 : vector<1x16xi32> to vector<16xi32>
        %swap3A_245 = arith.constant 80 : index
        %swap3A_246 = tpu.vector_load %arg9[%swap3A_245] {strides = array<i32>} : memref<128xi32, #tpu.memory_space<vmem>>, vector<16xi32>,
        %swap3A_247 = vector.shape_cast %swap3A_246 : vector<16xi32> to vector<16xi32>
        %swap3A_248 = vector.shape_cast %get3A_244 : vector<16xi32> to vector<16xi32>
        tpu.vector_store %arg9[%swap3A_245], %swap3A_248 {strides = array<i32>} : memref<128xi32, #tpu.memory_space<vmem>>, vector<16xi32>,
        %get3A_249 = arith.index_cast %mul3A_194 : i32 to index
        %get3A_250 = arith.constant 96 : index
        %get3A_251 = tpu.vector_load %arg8[%get3A_249, %get3A_250] {strides = array<i32>} : memref<16x128xi32, #tpu.memory_space<vmem>>, vector<1x16xi32>,
        %get3A_252 = vector.shape_cast %get3A_251 : vector<1x16xi32> to vector<16xi32>
        %swap3A_253 = arith.constant 96 : index
        %swap3A_254 = tpu.vector_load %arg9[%swap3A_253] {strides = array<i32>} : memref<128xi32, #tpu.memory_space<vmem>>, vector<16xi32>,
        %swap3A_255 = vector.shape_cast %swap3A_254 : vector<16xi32> to vector<16xi32>
        %swap3A_256 = vector.shape_cast %get3A_252 : vector<16xi32> to vector<16xi32>
        tpu.vector_store %arg9[%swap3A_253], %swap3A_256 {strides = array<i32>} : memref<128xi32, #tpu.memory_space<vmem>>, vector<16xi32>,
        %get3A_257 = arith.index_cast %mul3A_194 : i32 to index
        %get3A_258 = arith.constant 112 : index
        %get3A_259 = tpu.vector_load %arg8[%get3A_257, %get3A_258] {strides = array<i32>} : memref<16x128xi32, #tpu.memory_space<vmem>>, vector<1x16xi32>,
        %get3A_260 = vector.shape_cast %get3A_259 : vector<1x16xi32> to vector<16xi32>
        %swap3A_261 = arith.constant 112 : index
        %swap3A_262 = tpu.vector_load %arg9[%swap3A_261] {strides = array<i32>} : memref<128xi32, #tpu.memory_space<vmem>>, vector<16xi32>,
        %swap3A_263 = vector.shape_cast %swap3A_262 : vector<16xi32> to vector<16xi32>
        %swap3A_264 = vector.shape_cast %get3A_260 : vector<16xi32> to vector<16xi32>
        tpu.vector_store %arg9[%swap3A_261], %swap3A_264 {strides = array<i32>} : memref<128xi32, #tpu.memory_space<vmem>>, vector<16xi32>,
        "tpu.region"() ({
          %run_scoped3A = tpu.sem_alloc : memref<!tpu.dma_semaphore, #tpu.memory_space<semaphore_mem>>
          %dma_start3A_355 = arith.constant 0 : i32
          %dma_start3A_356 = arith.constant 0 : i32
          %dma_start3A_357 = tpu.memref_slice %arg13[%dma_start3A_355, %dma_start3A_356] : memref<10112x128xf32, #tpu.memory_space<vmem_shared>> -> memref<10112x128xf32, #tpu.memory_space<vmem_shared>>
          tpu.enqueue_indirect_dma source(%arg11 : memref<128x128xf32, #tpu.memory_space<vmem>>) target(%dma_start3A_357 : memref<10112x128xf32, #tpu.memory_space<vmem_shared>>) offsets(%arg9 : memref<128xi32, #tpu.memory_space<vmem>>) semaphore(%run_scoped3A : memref<!tpu.dma_semaphore, #tpu.memory_space<semaphore_mem>>) {add = true}
          %dma_wait3A_358 = arith.constant 0 : i32
          %dma_wait3A_359 = arith.constant 0 : i32
          %dma_wait3A_360 = tpu.memref_slice %arg13[%dma_wait3A_358, %dma_wait3A_359] : memref<10112x128xf32, #tpu.memory_space<vmem_shared>> -> memref<10112x128xf32, #tpu.memory_space<vmem_shared>>
          tpu.wait_indirect_dma semaphore(%run_scoped3A : memref<!tpu.dma_semaphore, #tpu.memory_space<semaphore_mem>>) src(%arg11 : memref<128x128xf32, #tpu.memory_space<vmem>>) dst(%dma_wait3A_360 : memref<10112x128xf32, #tpu.memory_space<vmem_shared>>)
          tpu.yield
        }) : () -> ()
        %add3A_265 = arith.constant 2 : i32
        %add3A_266 = arith.addi %mul3A_194, %add3A_265 : i32
        %dma_start3A_267 = arith.constant 0 : i32
        %dma_start3A_268 = tpu.memref_slice %arg7[%add3A_266, %dma_start3A_267] : memref<16x128xi32, #tpu.memory_space<vmem>> -> memref<1x128xi32, #tpu.memory_space<vmem>>
        %dma_start3A_269 = tpu.memref_squeeze %dma_start3A_268 : memref<1x128xi32, #tpu.memory_space<vmem>> -> memref<128xi32, #tpu.memory_space<vmem>>
        %dma_start3A_270 = arith.constant 0 : i32
        %dma_start3A_271 = arith.constant 0 : i32
        %dma_start3A_272 = tpu.memref_slice %arg2[%dma_start3A_270, %dma_start3A_271] : memref<10000x128xf32, #tpu.memory_space<hbm>> -> memref<10000x128xf32, #tpu.memory_space<hbm>>
        tpu.enqueue_indirect_dma source(%dma_start3A_272 : memref<10000x128xf32, #tpu.memory_space<hbm>>) target(%arg11 : memref<128x128xf32, #tpu.memory_space<vmem>>) offsets(%dma_start3A_269 : memref<128xi32, #tpu.memory_space<vmem>>) semaphore(%arg14 : memref<!tpu.dma_semaphore, #tpu.memory_space<semaphore_mem>>)
        %add3A_273 = arith.constant 1 : i32
        %add3A_274 = arith.addi %mul3A_194, %add3A_273 : i32
        %dma_wait3A_275 = arith.constant 0 : i32
        %dma_wait3A_276 = tpu.memref_slice %arg7[%add3A_274, %dma_wait3A_275] : memref<16x128xi32, #tpu.memory_space<vmem>> -> memref<1x128xi32, #tpu.memory_space<vmem>>
        %dma_wait3A_277 = tpu.memref_squeeze %dma_wait3A_276 : memref<1x128xi32, #tpu.memory_space<vmem>> -> memref<128xi32, #tpu.memory_space<vmem>>
        %dma_wait3A_278 = arith.constant 0 : i32
        %dma_wait3A_279 = arith.constant 0 : i32
        %dma_wait3A_280 = tpu.memref_slice %arg2[%dma_wait3A_278, %dma_wait3A_279] : memref<10000x128xf32, #tpu.memory_space<hbm>> -> memref<10000x128xf32, #tpu.memory_space<hbm>>
        tpu.wait_indirect_dma semaphore(%arg15 : memref<!tpu.dma_semaphore, #tpu.memory_space<semaphore_mem>>) src(%dma_wait3A_280 : memref<10000x128xf32, #tpu.memory_space<hbm>>) dst(%arg12 : memref<128x128xf32, #tpu.memory_space<vmem>>)
        %add3A_281 = arith.constant 1 : i32
        %add3A_282 = arith.addi %mul3A_194, %add3A_281 : i32
        %get3A_283 = arith.index_cast %add3A_282 : i32 to index
        %get3A_284 = arith.constant 0 : index
        %get3A_285 = tpu.vector_load %arg8[%get3A_283, %get3A_284] {strides = array<i32>} : memref<16x128xi32, #tpu.memory_space<vmem>>, vector<1x16xi32>,
        %get3A_286 = vector.shape_cast %get3A_285 : vector<1x16xi32> to vector<16xi32>
        %swap3A_287 = arith.constant 0 : index
        %swap3A_288 = tpu.vector_load %arg10[%swap3A_287] {strides = array<i32>} : memref<128xi32, #tpu.memory_space<vmem>>, vector<16xi32>,
        %swap3A_289 = vector.shape_cast %swap3A_288 : vector<16xi32> to vector<16xi32>
        %swap3A_290 = vector.shape_cast %get3A_286 : vector<16xi32> to vector<16xi32>
        tpu.vector_store %arg10[%swap3A_287], %swap3A_290 {strides = array<i32>} : memref<128xi32, #tpu.memory_space<vmem>>, vector<16xi32>,
        %get3A_291 = arith.index_cast %add3A_282 : i32 to index
        %get3A_292 = arith.constant 16 : index
        %get3A_293 = tpu.vector_load %arg8[%get3A_291, %get3A_292] {strides = array<i32>} : memref<16x128xi32, #tpu.memory_space<vmem>>, vector<1x16xi32>,
        %get3A_294 = vector.shape_cast %get3A_293 : vector<1x16xi32> to vector<16xi32>
        %swap3A_295 = arith.constant 16 : index
        %swap3A_296 = tpu.vector_load %arg10[%swap3A_295] {strides = array<i32>} : memref<128xi32, #tpu.memory_space<vmem>>, vector<16xi32>,
        %swap3A_297 = vector.shape_cast %swap3A_296 : vector<16xi32> to vector<16xi32>
        %swap3A_298 = vector.shape_cast %get3A_294 : vector<16xi32> to vector<16xi32>
        tpu.vector_store %arg10[%swap3A_295], %swap3A_298 {strides = array<i32>} : memref<128xi32, #tpu.memory_space<vmem>>, vector<16xi32>,
        %get3A_299 = arith.index_cast %add3A_282 : i32 to index
        %get3A_300 = arith.constant 32 : index
        %get3A_301 = tpu.vector_load %arg8[%get3A_299, %get3A_300] {strides = array<i32>} : memref<16x128xi32, #tpu.memory_space<vmem>>, vector<1x16xi32>,
        %get3A_302 = vector.shape_cast %get3A_301 : vector<1x16xi32> to vector<16xi32>
        %swap3A_303 = arith.constant 32 : index
        %swap3A_304 = tpu.vector_load %arg10[%swap3A_303] {strides = array<i32>} : memref<128xi32, #tpu.memory_space<vmem>>, vector<16xi32>,
        %swap3A_305 = vector.shape_cast %swap3A_304 : vector<16xi32> to vector<16xi32>
        %swap3A_306 = vector.shape_cast %get3A_302 : vector<16xi32> to vector<16xi32>
        tpu.vector_store %arg10[%swap3A_303], %swap3A_306 {strides = array<i32>} : memref<128xi32, #tpu.memory_space<vmem>>, vector<16xi32>,
        %get3A_307 = arith.index_cast %add3A_282 : i32 to index
        %get3A_308 = arith.constant 48 : index
        %get3A_309 = tpu.vector_load %arg8[%get3A_307, %get3A_308] {strides = array<i32>} : memref<16x128xi32, #tpu.memory_space<vmem>>, vector<1x16xi32>,
        %get3A_310 = vector.shape_cast %get3A_309 : vector<1x16xi32> to vector<16xi32>
        %swap3A_311 = arith.constant 48 : index
        %swap3A_312 = tpu.vector_load %arg10[%swap3A_311] {strides = array<i32>} : memref<128xi32, #tpu.memory_space<vmem>>, vector<16xi32>,
        %swap3A_313 = vector.shape_cast %swap3A_312 : vector<16xi32> to vector<16xi32>
        %swap3A_314 = vector.shape_cast %get3A_310 : vector<16xi32> to vector<16xi32>
        tpu.vector_store %arg10[%swap3A_311], %swap3A_314 {strides = array<i32>} : memref<128xi32, #tpu.memory_space<vmem>>, vector<16xi32>,
        %get3A_315 = arith.index_cast %add3A_282 : i32 to index
        %get3A_316 = arith.constant 64 : index
        %get3A_317 = tpu.vector_load %arg8[%get3A_315, %get3A_316] {strides = array<i32>} : memref<16x128xi32, #tpu.memory_space<vmem>>, vector<1x16xi32>,
        %get3A_318 = vector.shape_cast %get3A_317 : vector<1x16xi32> to vector<16xi32>
        %swap3A_319 = arith.constant 64 : index
        %swap3A_320 = tpu.vector_load %arg10[%swap3A_319] {strides = array<i32>} : memref<128xi32, #tpu.memory_space<vmem>>, vector<16xi32>,
        %swap3A_321 = vector.shape_cast %swap3A_320 : vector<16xi32> to vector<16xi32>
        %swap3A_322 = vector.shape_cast %get3A_318 : vector<16xi32> to vector<16xi32>
        tpu.vector_store %arg10[%swap3A_319], %swap3A_322 {strides = array<i32>} : memref<128xi32, #tpu.memory_space<vmem>>, vector<16xi32>,
        %get3A_323 = arith.index_cast %add3A_282 : i32 to index
        %get3A_324 = arith.constant 80 : index
        %get3A_325 = tpu.vector_load %arg8[%get3A_323, %get3A_324] {strides = array<i32>} : memref<16x128xi32, #tpu.memory_space<vmem>>, vector<1x16xi32>,
        %get3A_326 = vector.shape_cast %get3A_325 : vector<1x16xi32> to vector<16xi32>
        %swap3A_327 = arith.constant 80 : index
        %swap3A_328 = tpu.vector_load %arg10[%swap3A_327] {strides = array<i32>} : memref<128xi32, #tpu.memory_space<vmem>>, vector<16xi32>,
        %swap3A_329 = vector.shape_cast %swap3A_328 : vector<16xi32> to vector<16xi32>
        %swap3A_330 = vector.shape_cast %get3A_326 : vector<16xi32> to vector<16xi32>
        tpu.vector_store %arg10[%swap3A_327], %swap3A_330 {strides = array<i32>} : memref<128xi32, #tpu.memory_space<vmem>>, vector<16xi32>,
        %get3A_331 = arith.index_cast %add3A_282 : i32 to index
        %get3A_332 = arith.constant 96 : index
        %get3A_333 = tpu.vector_load %arg8[%get3A_331, %get3A_332] {strides = array<i32>} : memref<16x128xi32, #tpu.memory_space<vmem>>, vector<1x16xi32>,
        %get3A_334 = vector.shape_cast %get3A_333 : vector<1x16xi32> to vector<16xi32>
        %swap3A_335 = arith.constant 96 : index
        %swap3A_336 = tpu.vector_load %arg10[%swap3A_335] {strides = array<i32>} : memref<128xi32, #tpu.memory_space<vmem>>, vector<16xi32>,
        %swap3A_337 = vector.shape_cast %swap3A_336 : vector<16xi32> to vector<16xi32>
        %swap3A_338 = vector.shape_cast %get3A_334 : vector<16xi32> to vector<16xi32>
        tpu.vector_store %arg10[%swap3A_335], %swap3A_338 {strides = array<i32>} : memref<128xi32, #tpu.memory_space<vmem>>, vector<16xi32>,
        %get3A_339 = arith.index_cast %add3A_282 : i32 to index
        %get3A_340 = arith.constant 112 : index
        %get3A_341 = tpu.vector_load %arg8[%get3A_339, %get3A_340] {strides = array<i32>} : memref<16x128xi32, #tpu.memory_space<vmem>>, vector<1x16xi32>,
        %get3A_342 = vector.shape_cast %get3A_341 : vector<1x16xi32> to vector<16xi32>
        %swap3A_343 = arith.constant 112 : index
        %swap3A_344 = tpu.vector_load %arg10[%swap3A_343] {strides = array<i32>} : memref<128xi32, #tpu.memory_space<vmem>>, vector<16xi32>,
        %swap3A_345 = vector.shape_cast %swap3A_344 : vector<16xi32> to vector<16xi32>
        %swap3A_346 = vector.shape_cast %get3A_342 : vector<16xi32> to vector<16xi32>
        tpu.vector_store %arg10[%swap3A_343], %swap3A_346 {strides = array<i32>} : memref<128xi32, #tpu.memory_space<vmem>>, vector<16xi32>,
        "tpu.region"() ({
          %run_scoped3A = tpu.sem_alloc : memref<!tpu.dma_semaphore, #tpu.memory_space<semaphore_mem>>
          %dma_start3A_355 = arith.constant 0 : i32
          %dma_start3A_356 = arith.constant 0 : i32
          %dma_start3A_357 = tpu.memref_slice %arg13[%dma_start3A_355, %dma_start3A_356] : memref<10112x128xf32, #tpu.memory_space<vmem_shared>> -> memref<10112x128xf32, #tpu.memory_space<vmem_shared>>
          tpu.enqueue_indirect_dma source(%arg12 : memref<128x128xf32, #tpu.memory_space<vmem>>) target(%dma_start3A_357 : memref<10112x128xf32, #tpu.memory_space<vmem_shared>>) offsets(%arg10 : memref<128xi32, #tpu.memory_space<vmem>>) semaphore(%run_scoped3A : memref<!tpu.dma_semaphore, #tpu.memory_space<semaphore_mem>>) {add = true}
          %dma_wait3A_358 = arith.constant 0 : i32
          %dma_wait3A_359 = arith.constant 0 : i32
          %dma_wait3A_360 = tpu.memref_slice %arg13[%dma_wait3A_358, %dma_wait3A_359] : memref<10112x128xf32, #tpu.memory_space<vmem_shared>> -> memref<10112x128xf32, #tpu.memory_space<vmem_shared>>
          tpu.wait_indirect_dma semaphore(%run_scoped3A : memref<!tpu.dma_semaphore, #tpu.memory_space<semaphore_mem>>) src(%arg12 : memref<128x128xf32, #tpu.memory_space<vmem>>) dst(%dma_wait3A_360 : memref<10112x128xf32, #tpu.memory_space<vmem_shared>>)
          tpu.yield
        }) : () -> ()
        %add3A_347 = arith.constant 3 : i32
        %add3A_348 = arith.addi %mul3A_194, %add3A_347 : i32
        %dma_start3A_349 = arith.constant 0 : i32
        %dma_start3A_350 = tpu.memref_slice %arg7[%add3A_348, %dma_start3A_349] : memref<16x128xi32, #tpu.memory_space<vmem>> -> memref<1x128xi32, #tpu.memory_space<vmem>>
        %dma_start3A_351 = tpu.memref_squeeze %dma_start3A_350 : memref<1x128xi32, #tpu.memory_space<vmem>> -> memref<128xi32, #tpu.memory_space<vmem>>
        %dma_start3A_352 = arith.constant 0 : i32
        %dma_start3A_353 = arith.constant 0 : i32
        %dma_start3A_354 = tpu.memref_slice %arg2[%dma_start3A_352, %dma_start3A_353] : memref<10000x128xf32, #tpu.memory_space<hbm>> -> memref<10000x128xf32, #tpu.memory_space<hbm>>
        tpu.enqueue_indirect_dma source(%dma_start3A_354 : memref<10000x128xf32, #tpu.memory_space<hbm>>) target(%arg12 : memref<128x128xf32, #tpu.memory_space<vmem>>) offsets(%dma_start3A_351 : memref<128xi32, #tpu.memory_space<vmem>>) semaphore(%arg15 : memref<!tpu.dma_semaphore, #tpu.memory_space<semaphore_mem>>)
      }
      %scan3A_36 = arith.constant 7 : i32
      %dma_wait3A = arith.constant 14 : i32
      %dma_wait3A_37 = arith.constant 0 : i32
      %dma_wait3A_38 = tpu.memref_slice %arg7[%dma_wait3A, %dma_wait3A_37] : memref<16x128xi32, #tpu.memory_space<vmem>> -> memref<1x128xi32, #tpu.memory_space<vmem>>
      %dma_wait3A_39 = tpu.memref_squeeze %dma_wait3A_38 : memref<1x128xi32, #tpu.memory_space<vmem>> -> memref<128xi32, #tpu.memory_space<vmem>>
      %dma_wait3A_40 = arith.constant 0 : i32
      %dma_wait3A_41 = arith.constant 0 : i32
      %dma_wait3A_42 = tpu.memref_slice %arg2[%dma_wait3A_40, %dma_wait3A_41] : memref<10000x128xf32, #tpu.memory_space<hbm>> -> memref<10000x128xf32, #tpu.memory_space<hbm>>
      tpu.wait_indirect_dma semaphore(%arg14 : memref<!tpu.dma_semaphore, #tpu.memory_space<semaphore_mem>>) src(%dma_wait3A_42 : memref<10000x128xf32, #tpu.memory_space<hbm>>) dst(%arg11 : memref<128x128xf32, #tpu.memory_space<vmem>>)
      %get3A = arith.constant 14 : i32
      %get3A_43 = arith.index_cast %get3A : i32 to index
      %get3A_44 = arith.constant 0 : index
      %get3A_45 = tpu.vector_load %arg8[%get3A_43, %get3A_44] {strides = array<i32>} : memref<16x128xi32, #tpu.memory_space<vmem>>, vector<1x16xi32>,
      %get3A_46 = vector.shape_cast %get3A_45 : vector<1x16xi32> to vector<16xi32>
      %swap3A = arith.constant 0 : index
      %swap3A_47 = tpu.vector_load %arg9[%swap3A] {strides = array<i32>} : memref<128xi32, #tpu.memory_space<vmem>>, vector<16xi32>,
      %swap3A_48 = vector.shape_cast %swap3A_47 : vector<16xi32> to vector<16xi32>
      %swap3A_49 = vector.shape_cast %get3A_46 : vector<16xi32> to vector<16xi32>
      tpu.vector_store %arg9[%swap3A], %swap3A_49 {strides = array<i32>} : memref<128xi32, #tpu.memory_space<vmem>>, vector<16xi32>,
      %get3A_50 = arith.constant 14 : i32
      %get3A_51 = arith.index_cast %get3A_50 : i32 to index
      %get3A_52 = arith.constant 16 : index
      %get3A_53 = tpu.vector_load %arg8[%get3A_51, %get3A_52] {strides = array<i32>} : memref<16x128xi32, #tpu.memory_space<vmem>>, vector<1x16xi32>,
      %get3A_54 = vector.shape_cast %get3A_53 : vector<1x16xi32> to vector<16xi32>
      %swap3A_55 = arith.constant 16 : index
      %swap3A_56 = tpu.vector_load %arg9[%swap3A_55] {strides = array<i32>} : memref<128xi32, #tpu.memory_space<vmem>>, vector<16xi32>,
      %swap3A_57 = vector.shape_cast %swap3A_56 : vector<16xi32> to vector<16xi32>
      %swap3A_58 = vector.shape_cast %get3A_54 : vector<16xi32> to vector<16xi32>
      tpu.vector_store %arg9[%swap3A_55], %swap3A_58 {strides = array<i32>} : memref<128xi32, #tpu.memory_space<vmem>>, vector<16xi32>,
      %get3A_59 = arith.constant 14 : i32
      %get3A_60 = arith.index_cast %get3A_59 : i32 to index
      %get3A_61 = arith.constant 32 : index
      %get3A_62 = tpu.vector_load %arg8[%get3A_60, %get3A_61] {strides = array<i32>} : memref<16x128xi32, #tpu.memory_space<vmem>>, vector<1x16xi32>,
      %get3A_63 = vector.shape_cast %get3A_62 : vector<1x16xi32> to vector<16xi32>
      %swap3A_64 = arith.constant 32 : index
      %swap3A_65 = tpu.vector_load %arg9[%swap3A_64] {strides = array<i32>} : memref<128xi32, #tpu.memory_space<vmem>>, vector<16xi32>,
      %swap3A_66 = vector.shape_cast %swap3A_65 : vector<16xi32> to vector<16xi32>
      %swap3A_67 = vector.shape_cast %get3A_63 : vector<16xi32> to vector<16xi32>
      tpu.vector_store %arg9[%swap3A_64], %swap3A_67 {strides = array<i32>} : memref<128xi32, #tpu.memory_space<vmem>>, vector<16xi32>,
      %get3A_68 = arith.constant 14 : i32
      %get3A_69 = arith.index_cast %get3A_68 : i32 to index
      %get3A_70 = arith.constant 48 : index
      %get3A_71 = tpu.vector_load %arg8[%get3A_69, %get3A_70] {strides = array<i32>} : memref<16x128xi32, #tpu.memory_space<vmem>>, vector<1x16xi32>,
      %get3A_72 = vector.shape_cast %get3A_71 : vector<1x16xi32> to vector<16xi32>
      %swap3A_73 = arith.constant 48 : index
      %swap3A_74 = tpu.vector_load %arg9[%swap3A_73] {strides = array<i32>} : memref<128xi32, #tpu.memory_space<vmem>>, vector<16xi32>,
      %swap3A_75 = vector.shape_cast %swap3A_74 : vector<16xi32> to vector<16xi32>
      %swap3A_76 = vector.shape_cast %get3A_72 : vector<16xi32> to vector<16xi32>
      tpu.vector_store %arg9[%swap3A_73], %swap3A_76 {strides = array<i32>} : memref<128xi32, #tpu.memory_space<vmem>>, vector<16xi32>,
      %get3A_77 = arith.constant 14 : i32
      %get3A_78 = arith.index_cast %get3A_77 : i32 to index
      %get3A_79 = arith.constant 64 : index
      %get3A_80 = tpu.vector_load %arg8[%get3A_78, %get3A_79] {strides = array<i32>} : memref<16x128xi32, #tpu.memory_space<vmem>>, vector<1x16xi32>,
      %get3A_81 = vector.shape_cast %get3A_80 : vector<1x16xi32> to vector<16xi32>
      %swap3A_82 = arith.constant 64 : index
      %swap3A_83 = tpu.vector_load %arg9[%swap3A_82] {strides = array<i32>} : memref<128xi32, #tpu.memory_space<vmem>>, vector<16xi32>,
      %swap3A_84 = vector.shape_cast %swap3A_83 : vector<16xi32> to vector<16xi32>
      %swap3A_85 = vector.shape_cast %get3A_81 : vector<16xi32> to vector<16xi32>
      tpu.vector_store %arg9[%swap3A_82], %swap3A_85 {strides = array<i32>} : memref<128xi32, #tpu.memory_space<vmem>>, vector<16xi32>,
      %get3A_86 = arith.constant 14 : i32
      %get3A_87 = arith.index_cast %get3A_86 : i32 to index
      %get3A_88 = arith.constant 80 : index
      %get3A_89 = tpu.vector_load %arg8[%get3A_87, %get3A_88] {strides = array<i32>} : memref<16x128xi32, #tpu.memory_space<vmem>>, vector<1x16xi32>,
      %get3A_90 = vector.shape_cast %get3A_89 : vector<1x16xi32> to vector<16xi32>
      %swap3A_91 = arith.constant 80 : index
      %swap3A_92 = tpu.vector_load %arg9[%swap3A_91] {strides = array<i32>} : memref<128xi32, #tpu.memory_space<vmem>>, vector<16xi32>,
      %swap3A_93 = vector.shape_cast %swap3A_92 : vector<16xi32> to vector<16xi32>
      %swap3A_94 = vector.shape_cast %get3A_90 : vector<16xi32> to vector<16xi32>
      tpu.vector_store %arg9[%swap3A_91], %swap3A_94 {strides = array<i32>} : memref<128xi32, #tpu.memory_space<vmem>>, vector<16xi32>,
      %get3A_95 = arith.constant 14 : i32
      %get3A_96 = arith.index_cast %get3A_95 : i32 to index
      %get3A_97 = arith.constant 96 : index
      %get3A_98 = tpu.vector_load %arg8[%get3A_96, %get3A_97] {strides = array<i32>} : memref<16x128xi32, #tpu.memory_space<vmem>>, vector<1x16xi32>,
      %get3A_99 = vector.shape_cast %get3A_98 : vector<1x16xi32> to vector<16xi32>
      %swap3A_100 = arith.constant 96 : index
      %swap3A_101 = tpu.vector_load %arg9[%swap3A_100] {strides = array<i32>} : memref<128xi32, #tpu.memory_space<vmem>>, vector<16xi32>,
      %swap3A_102 = vector.shape_cast %swap3A_101 : vector<16xi32> to vector<16xi32>
      %swap3A_103 = vector.shape_cast %get3A_99 : vector<16xi32> to vector<16xi32>
      tpu.vector_store %arg9[%swap3A_100], %swap3A_103 {strides = array<i32>} : memref<128xi32, #tpu.memory_space<vmem>>, vector<16xi32>,
      %get3A_104 = arith.constant 14 : i32
      %get3A_105 = arith.index_cast %get3A_104 : i32 to index
      %get3A_106 = arith.constant 112 : index
      %get3A_107 = tpu.vector_load %arg8[%get3A_105, %get3A_106] {strides = array<i32>} : memref<16x128xi32, #tpu.memory_space<vmem>>, vector<1x16xi32>,
      %get3A_108 = vector.shape_cast %get3A_107 : vector<1x16xi32> to vector<16xi32>
      %swap3A_109 = arith.constant 112 : index
      %swap3A_110 = tpu.vector_load %arg9[%swap3A_109] {strides = array<i32>} : memref<128xi32, #tpu.memory_space<vmem>>, vector<16xi32>,
      %swap3A_111 = vector.shape_cast %swap3A_110 : vector<16xi32> to vector<16xi32>
      %swap3A_112 = vector.shape_cast %get3A_108 : vector<16xi32> to vector<16xi32>
      tpu.vector_store %arg9[%swap3A_109], %swap3A_112 {strides = array<i32>} : memref<128xi32, #tpu.memory_space<vmem>>, vector<16xi32>,
      "tpu.region"() ({
        %run_scoped3A = tpu.sem_alloc : memref<!tpu.dma_semaphore, #tpu.memory_space<semaphore_mem>>
        %dma_start3A_192 = arith.constant 0 : i32
        %dma_start3A_193 = arith.constant 0 : i32
        %dma_start3A_194 = tpu.memref_slice %arg13[%dma_start3A_192, %dma_start3A_193] : memref<10112x128xf32, #tpu.memory_space<vmem_shared>> -> memref<10112x128xf32, #tpu.memory_space<vmem_shared>>
        tpu.enqueue_indirect_dma source(%arg11 : memref<128x128xf32, #tpu.memory_space<vmem>>) target(%dma_start3A_194 : memref<10112x128xf32, #tpu.memory_space<vmem_shared>>) offsets(%arg9 : memref<128xi32, #tpu.memory_space<vmem>>) semaphore(%run_scoped3A : memref<!tpu.dma_semaphore, #tpu.memory_space<semaphore_mem>>) {add = true}
        %dma_wait3A_195 = arith.constant 0 : i32
        %dma_wait3A_196 = arith.constant 0 : i32
        %dma_wait3A_197 = tpu.memref_slice %arg13[%dma_wait3A_195, %dma_wait3A_196] : memref<10112x128xf32, #tpu.memory_space<vmem_shared>> -> memref<10112x128xf32, #tpu.memory_space<vmem_shared>>
        tpu.wait_indirect_dma semaphore(%run_scoped3A : memref<!tpu.dma_semaphore, #tpu.memory_space<semaphore_mem>>) src(%arg11 : memref<128x128xf32, #tpu.memory_space<vmem>>) dst(%dma_wait3A_197 : memref<10112x128xf32, #tpu.memory_space<vmem_shared>>)
        tpu.yield
      }) : () -> ()
      %dma_wait3A_113 = arith.constant 15 : i32
      %dma_wait3A_114 = arith.constant 0 : i32
      %dma_wait3A_115 = tpu.memref_slice %arg7[%dma_wait3A_113, %dma_wait3A_114] : memref<16x128xi32, #tpu.memory_space<vmem>> -> memref<1x128xi32, #tpu.memory_space<vmem>>
      %dma_wait3A_116 = tpu.memref_squeeze %dma_wait3A_115 : memref<1x128xi32, #tpu.memory_space<vmem>> -> memref<128xi32, #tpu.memory_space<vmem>>
      %dma_wait3A_117 = arith.constant 0 : i32
      %dma_wait3A_118 = arith.constant 0 : i32
      %dma_wait3A_119 = tpu.memref_slice %arg2[%dma_wait3A_117, %dma_wait3A_118] : memref<10000x128xf32, #tpu.memory_space<hbm>> -> memref<10000x128xf32, #tpu.memory_space<hbm>>
      tpu.wait_indirect_dma semaphore(%arg15 : memref<!tpu.dma_semaphore, #tpu.memory_space<semaphore_mem>>) src(%dma_wait3A_119 : memref<10000x128xf32, #tpu.memory_space<hbm>>) dst(%arg12 : memref<128x128xf32, #tpu.memory_space<vmem>>)
      %get3A_120 = arith.constant 15 : i32
      %get3A_121 = arith.index_cast %get3A_120 : i32 to index
      %get3A_122 = arith.constant 0 : index
      %get3A_123 = tpu.vector_load %arg8[%get3A_121, %get3A_122] {strides = array<i32>} : memref<16x128xi32, #tpu.memory_space<vmem>>, vector<1x16xi32>,
      %get3A_124 = vector.shape_cast %get3A_123 : vector<1x16xi32> to vector<16xi32>
      %swap3A_125 = arith.constant 0 : index
      %swap3A_126 = tpu.vector_load %arg10[%swap3A_125] {strides = array<i32>} : memref<128xi32, #tpu.memory_space<vmem>>, vector<16xi32>,
      %swap3A_127 = vector.shape_cast %swap3A_126 : vector<16xi32> to vector<16xi32>
      %swap3A_128 = vector.shape_cast %get3A_124 : vector<16xi32> to vector<16xi32>
      tpu.vector_store %arg10[%swap3A_125], %swap3A_128 {strides = array<i32>} : memref<128xi32, #tpu.memory_space<vmem>>, vector<16xi32>,
      %get3A_129 = arith.constant 15 : i32
      %get3A_130 = arith.index_cast %get3A_129 : i32 to index
      %get3A_131 = arith.constant 16 : index
      %get3A_132 = tpu.vector_load %arg8[%get3A_130, %get3A_131] {strides = array<i32>} : memref<16x128xi32, #tpu.memory_space<vmem>>, vector<1x16xi32>,
      %get3A_133 = vector.shape_cast %get3A_132 : vector<1x16xi32> to vector<16xi32>
      %swap3A_134 = arith.constant 16 : index
      %swap3A_135 = tpu.vector_load %arg10[%swap3A_134] {strides = array<i32>} : memref<128xi32, #tpu.memory_space<vmem>>, vector<16xi32>,
      %swap3A_136 = vector.shape_cast %swap3A_135 : vector<16xi32> to vector<16xi32>
      %swap3A_137 = vector.shape_cast %get3A_133 : vector<16xi32> to vector<16xi32>
      tpu.vector_store %arg10[%swap3A_134], %swap3A_137 {strides = array<i32>} : memref<128xi32, #tpu.memory_space<vmem>>, vector<16xi32>,
      %get3A_138 = arith.constant 15 : i32
      %get3A_139 = arith.index_cast %get3A_138 : i32 to index
      %get3A_140 = arith.constant 32 : index
      %get3A_141 = tpu.vector_load %arg8[%get3A_139, %get3A_140] {strides = array<i32>} : memref<16x128xi32, #tpu.memory_space<vmem>>, vector<1x16xi32>,
      %get3A_142 = vector.shape_cast %get3A_141 : vector<1x16xi32> to vector<16xi32>
      %swap3A_143 = arith.constant 32 : index
      %swap3A_144 = tpu.vector_load %arg10[%swap3A_143] {strides = array<i32>} : memref<128xi32, #tpu.memory_space<vmem>>, vector<16xi32>,
      %swap3A_145 = vector.shape_cast %swap3A_144 : vector<16xi32> to vector<16xi32>
      %swap3A_146 = vector.shape_cast %get3A_142 : vector<16xi32> to vector<16xi32>
      tpu.vector_store %arg10[%swap3A_143], %swap3A_146 {strides = array<i32>} : memref<128xi32, #tpu.memory_space<vmem>>, vector<16xi32>,
      %get3A_147 = arith.constant 15 : i32
      %get3A_148 = arith.index_cast %get3A_147 : i32 to index
      %get3A_149 = arith.constant 48 : index
      %get3A_150 = tpu.vector_load %arg8[%get3A_148, %get3A_149] {strides = array<i32>} : memref<16x128xi32, #tpu.memory_space<vmem>>, vector<1x16xi32>,
      %get3A_151 = vector.shape_cast %get3A_150 : vector<1x16xi32> to vector<16xi32>
      %swap3A_152 = arith.constant 48 : index
      %swap3A_153 = tpu.vector_load %arg10[%swap3A_152] {strides = array<i32>} : memref<128xi32, #tpu.memory_space<vmem>>, vector<16xi32>,
      %swap3A_154 = vector.shape_cast %swap3A_153 : vector<16xi32> to vector<16xi32>
      %swap3A_155 = vector.shape_cast %get3A_151 : vector<16xi32> to vector<16xi32>
      tpu.vector_store %arg10[%swap3A_152], %swap3A_155 {strides = array<i32>} : memref<128xi32, #tpu.memory_space<vmem>>, vector<16xi32>,
      %get3A_156 = arith.constant 15 : i32
      %get3A_157 = arith.index_cast %get3A_156 : i32 to index
      %get3A_158 = arith.constant 64 : index
      %get3A_159 = tpu.vector_load %arg8[%get3A_157, %get3A_158] {strides = array<i32>} : memref<16x128xi32, #tpu.memory_space<vmem>>, vector<1x16xi32>,
      %get3A_160 = vector.shape_cast %get3A_159 : vector<1x16xi32> to vector<16xi32>
      %swap3A_161 = arith.constant 64 : index
      %swap3A_162 = tpu.vector_load %arg10[%swap3A_161] {strides = array<i32>} : memref<128xi32, #tpu.memory_space<vmem>>, vector<16xi32>,
      %swap3A_163 = vector.shape_cast %swap3A_162 : vector<16xi32> to vector<16xi32>
      %swap3A_164 = vector.shape_cast %get3A_160 : vector<16xi32> to vector<16xi32>
      tpu.vector_store %arg10[%swap3A_161], %swap3A_164 {strides = array<i32>} : memref<128xi32, #tpu.memory_space<vmem>>, vector<16xi32>,
      %get3A_165 = arith.constant 15 : i32
      %get3A_166 = arith.index_cast %get3A_165 : i32 to index
      %get3A_167 = arith.constant 80 : index
      %get3A_168 = tpu.vector_load %arg8[%get3A_166, %get3A_167] {strides = array<i32>} : memref<16x128xi32, #tpu.memory_space<vmem>>, vector<1x16xi32>,
      %get3A_169 = vector.shape_cast %get3A_168 : vector<1x16xi32> to vector<16xi32>
      %swap3A_170 = arith.constant 80 : index
      %swap3A_171 = tpu.vector_load %arg10[%swap3A_170] {strides = array<i32>} : memref<128xi32, #tpu.memory_space<vmem>>, vector<16xi32>,
      %swap3A_172 = vector.shape_cast %swap3A_171 : vector<16xi32> to vector<16xi32>
      %swap3A_173 = vector.shape_cast %get3A_169 : vector<16xi32> to vector<16xi32>
      tpu.vector_store %arg10[%swap3A_170], %swap3A_173 {strides = array<i32>} : memref<128xi32, #tpu.memory_space<vmem>>, vector<16xi32>,
      %get3A_174 = arith.constant 15 : i32
      %get3A_175 = arith.index_cast %get3A_174 : i32 to index
      %get3A_176 = arith.constant 96 : index
      %get3A_177 = tpu.vector_load %arg8[%get3A_175, %get3A_176] {strides = array<i32>} : memref<16x128xi32, #tpu.memory_space<vmem>>, vector<1x16xi32>,
      %get3A_178 = vector.shape_cast %get3A_177 : vector<1x16xi32> to vector<16xi32>
      %swap3A_179 = arith.constant 96 : index
      %swap3A_180 = tpu.vector_load %arg10[%swap3A_179] {strides = array<i32>} : memref<128xi32, #tpu.memory_space<vmem>>, vector<16xi32>,
      %swap3A_181 = vector.shape_cast %swap3A_180 : vector<16xi32> to vector<16xi32>
      %swap3A_182 = vector.shape_cast %get3A_178 : vector<16xi32> to vector<16xi32>
      tpu.vector_store %arg10[%swap3A_179], %swap3A_182 {strides = array<i32>} : memref<128xi32, #tpu.memory_space<vmem>>, vector<16xi32>,
      %get3A_183 = arith.constant 15 : i32
      %get3A_184 = arith.index_cast %get3A_183 : i32 to index
      %get3A_185 = arith.constant 112 : index
      %get3A_186 = tpu.vector_load %arg8[%get3A_184, %get3A_185] {strides = array<i32>} : memref<16x128xi32, #tpu.memory_space<vmem>>, vector<1x16xi32>,
      %get3A_187 = vector.shape_cast %get3A_186 : vector<1x16xi32> to vector<16xi32>
      %swap3A_188 = arith.constant 112 : index
      %swap3A_189 = tpu.vector_load %arg10[%swap3A_188] {strides = array<i32>} : memref<128xi32, #tpu.memory_space<vmem>>, vector<16xi32>,
      %swap3A_190 = vector.shape_cast %swap3A_189 : vector<16xi32> to vector<16xi32>
      %swap3A_191 = vector.shape_cast %get3A_187 : vector<16xi32> to vector<16xi32>
      tpu.vector_store %arg10[%swap3A_188], %swap3A_191 {strides = array<i32>} : memref<128xi32, #tpu.memory_space<vmem>>, vector<16xi32>,
      "tpu.region"() ({
        %run_scoped3A = tpu.sem_alloc : memref<!tpu.dma_semaphore, #tpu.memory_space<semaphore_mem>>
        %dma_start3A_192 = arith.constant 0 : i32
        %dma_start3A_193 = arith.constant 0 : i32
        %dma_start3A_194 = tpu.memref_slice %arg13[%dma_start3A_192, %dma_start3A_193] : memref<10112x128xf32, #tpu.memory_space<vmem_shared>> -> memref<10112x128xf32, #tpu.memory_space<vmem_shared>>
        tpu.enqueue_indirect_dma source(%arg12 : memref<128x128xf32, #tpu.memory_space<vmem>>) target(%dma_start3A_194 : memref<10112x128xf32, #tpu.memory_space<vmem_shared>>) offsets(%arg10 : memref<128xi32, #tpu.memory_space<vmem>>) semaphore(%run_scoped3A : memref<!tpu.dma_semaphore, #tpu.memory_space<semaphore_mem>>) {add = true}
        %dma_wait3A_195 = arith.constant 0 : i32
        %dma_wait3A_196 = arith.constant 0 : i32
        %dma_wait3A_197 = tpu.memref_slice %arg13[%dma_wait3A_195, %dma_wait3A_196] : memref<10112x128xf32, #tpu.memory_space<vmem_shared>> -> memref<10112x128xf32, #tpu.memory_space<vmem_shared>>
        tpu.wait_indirect_dma semaphore(%run_scoped3A : memref<!tpu.dma_semaphore, #tpu.memory_space<semaphore_mem>>) src(%arg12 : memref<128x128xf32, #tpu.memory_space<vmem>>) dst(%dma_wait3A_197 : memref<10112x128xf32, #tpu.memory_space<vmem_shared>>)
        tpu.yield
      }) : () -> ()
    }
    %scan3A_7 = arith.constant 5 : i32
    %barrier3A_8 = arith.constant 0 : index
    tpu.barrier barrier_id(%barrier3A_8)
    %mul3A_9 = arith.constant 10112 : i32
    %mul3A_10 = arith.muli %arg0, %mul3A_9 : i32
    %add3A_11 = arith.addi %mul3A_10, %mul3A_2 : i32
    "tpu.region"() ({
      %run_scoped3A = tpu.sem_alloc : memref<!tpu.dma_semaphore, #tpu.memory_space<semaphore_mem>>
      %dma_start3A = arith.constant 0 : i32
      %dma_start3A_12 = tpu.memref_slice %arg6[%add3A_11, %dma_start3A] : memref<20224x128xf32, #tpu.memory_space<hbm>> -> memref<632x128xf32, #tpu.memory_space<hbm>>
      %dma_start3A_13 = arith.constant 0 : i32
      %dma_start3A_14 = tpu.memref_slice %arg13[%mul3A_2, %dma_start3A_13] : memref<10112x128xf32, #tpu.memory_space<vmem_shared>> -> memref<632x128xf32, #tpu.memory_space<vmem_shared>>
      tpu.enqueue_dma source(%dma_start3A_14 : memref<632x128xf32, #tpu.memory_space<vmem_shared>>) target(%dma_start3A_12 : memref<632x128xf32, #tpu.memory_space<hbm>>) target_semaphore(%run_scoped3A : memref<!tpu.dma_semaphore, #tpu.memory_space<semaphore_mem>>)
      %dma_wait3A = arith.constant 0 : i32
      %dma_wait3A_15 = tpu.memref_slice %arg6[%add3A_11, %dma_wait3A] : memref<20224x128xf32, #tpu.memory_space<hbm>> -> memref<632x128xf32, #tpu.memory_space<hbm>>
      %dma_wait3A_16 = arith.constant 0 : i32
      %dma_wait3A_17 = tpu.memref_slice %arg13[%mul3A_2, %dma_wait3A_16] : memref<10112x128xf32, #tpu.memory_space<vmem_shared>> -> memref<632x128xf32, #tpu.memory_space<vmem_shared>>
      tpu.wait_dma2 semaphore(%run_scoped3A : memref<!tpu.dma_semaphore, #tpu.memory_space<semaphore_mem>>) src(%dma_wait3A_17 : memref<632x128xf32, #tpu.memory_space<vmem_shared>>) dst(%dma_wait3A_15 : memref<632x128xf32, #tpu.memory_space<hbm>>)
      tpu.yield
    }) : () -> ()
    return
  }
}

#map = affine_map<(d0, d1) -> (0, 0)>
module attributes {stable_mosaic.version = 14 : i64} {
  func.func @_sc_segsum(%arg0: i32, %arg1: i32, %arg2: memref<10000x128xf32, #tpu.memory_space<hbm>>, %arg3: memref<2560x128xi32, #tpu.memory_space<hbm>>, %arg4: memref<2560x128xi32, #tpu.memory_space<hbm>>, %arg5: memref<10112x128xf32, #tpu.memory_space<hbm>>, %arg6: memref<20224x128xf32, #tpu.memory_space<hbm>>, %arg7: memref<16x128xi32, #tpu.memory_space<vmem>>, %arg8: memref<16x128xi32, #tpu.memory_space<vmem>>, %arg9: memref<128xi32, #tpu.memory_space<vmem>>, %arg10: memref<128xi32, #tpu.memory_space<vmem>>, %arg11: memref<128x128xf32, #tpu.memory_space<vmem>>, %arg12: memref<128x128xf32, #tpu.memory_space<vmem>>, %arg13: memref<10112x128xf32, #tpu.memory_space<vmem_shared>>, %arg14: memref<!tpu.dma_semaphore, #tpu.memory_space<semaphore_mem>>, %arg15: memref<!tpu.dma_semaphore, #tpu.memory_space<semaphore_mem>>, %arg16: memref<!tpu.dma_semaphore, #tpu.memory_space<semaphore_mem>>, %arg17: memref<!tpu.dma_semaphore, #tpu.memory_space<semaphore_mem>>) attributes {dimension_semantics = [#tpu.dimension_semantics<core_parallel>, #tpu.dimension_semantics<subcore_parallel>], iteration_bounds = array<i64: 2, 16>, scalar_prefetch = 0 : i64, scratch_operands = 11 : i64, tpu.core_type = #tpu.core_type<sc_vector_subcore>, window_params = [{transform_indices = #map}, {transform_indices = #map}, {transform_indices = #map}, {transform_indices = #map}, {transform_indices = #map}]} {
    %mul3A = arith.constant 16 : i32
    %mul3A_0 = arith.muli %arg0, %mul3A : i32
    %add3A = arith.addi %mul3A_0, %arg1 : i32
    %mul3A_1 = arith.constant 632 : i32
    %mul3A_2 = arith.muli %arg1, %mul3A_1 : i32
    "tpu.region"() ({
      %run_scoped3A = tpu.sem_alloc : memref<!tpu.dma_semaphore, #tpu.memory_space<semaphore_mem>>
      %dma_start3A = arith.constant 0 : i32
      %dma_start3A_12 = tpu.memref_slice %arg13[%mul3A_2, %dma_start3A] : memref<10112x128xf32, #tpu.memory_space<vmem_shared>> -> memref<632x128xf32, #tpu.memory_space<vmem_shared>>
      %dma_start3A_13 = arith.constant 0 : i32
      %dma_start3A_14 = tpu.memref_slice %arg5[%mul3A_2, %dma_start3A_13] : memref<10112x128xf32, #tpu.memory_space<hbm>> -> memref<632x128xf32, #tpu.memory_space<hbm>>
      tpu.enqueue_dma source(%dma_start3A_14 : memref<632x128xf32, #tpu.memory_space<hbm>>) target(%dma_start3A_12 : memref<632x128xf32, #tpu.memory_space<vmem_shared>>) target_semaphore(%run_scoped3A : memref<!tpu.dma_semaphore, #tpu.memory_space<semaphore_mem>>)
      %dma_wait3A = arith.constant 0 : i32
      %dma_wait3A_15 = tpu.memref_slice %arg13[%mul3A_2, %dma_wait3A] : memref<10112x128xf32, #tpu.memory_space<vmem_shared>> -> memref<632x128xf32, #tpu.memory_space<vmem_shared>>
      %dma_wait3A_16 = arith.constant 0 : i32
      %dma_wait3A_17 = tpu.memref_slice %arg5[%mul3A_2, %dma_wait3A_16] : memref<10112x128xf32, #tpu.memory_space<hbm>> -> memref<632x128xf32, #tpu.memory_space<hbm>>
      tpu.wait_dma2 semaphore(%run_scoped3A : memref<!tpu.dma_semaphore, #tpu.memory_space<semaphore_mem>>) src(%dma_wait3A_17 : memref<632x128xf32, #tpu.memory_space<hbm>>) dst(%dma_wait3A_15 : memref<632x128xf32, #tpu.memory_space<vmem_shared>>)
      tpu.yield
    }) : () -> ()
    %barrier3A = arith.constant 0 : index
    tpu.barrier barrier_id(%barrier3A)
    %scan3A = arith.constant 0 : i32
    %scan3A_3 = arith.constant 0 : i32
    %scan3A_4 = arith.constant 5 : i32
    %scan3A_5 = arith.addi %scan3A_3, %scan3A_4 : i32
    %scan3A_6 = arith.constant 1 : i32
    scf.for %scan3A_12 = %scan3A_3 to %scan3A_5 step %scan3A_6  : i32 {
      %mul3A_13 = arith.constant 80 : i32
      %mul3A_14 = arith.muli %add3A, %mul3A_13 : i32
      %mul3A_15 = arith.constant 16 : i32
      %mul3A_16 = arith.muli %scan3A_12, %mul3A_15 : i32
      %add3A_17 = arith.addi %mul3A_14, %mul3A_16 : i32
      "tpu.region"() ({
        %run_scoped3A = tpu.sem_alloc : memref<!tpu.dma_semaphore, #tpu.memory_space<semaphore_mem>>
        %dma_start3A_192 = arith.constant 0 : i32
        %dma_start3A_193 = tpu.memref_slice %arg3[%add3A_17, %dma_start3A_192] : memref<2560x128xi32, #tpu.memory_space<hbm>> -> memref<16x128xi32, #tpu.memory_space<hbm>>
        %dma_start3A_194 = arith.constant 0 : i32
        %dma_start3A_195 = tpu.memref_slice %arg3[%add3A_17, %dma_start3A_194] : memref<2560x128xi32, #tpu.memory_space<hbm>> -> memref<16x128xi32, #tpu.memory_space<hbm>>
        tpu.enqueue_dma source(%dma_start3A_195 : memref<16x128xi32, #tpu.memory_space<hbm>>) target(%arg7 : memref<16x128xi32, #tpu.memory_space<vmem>>) target_semaphore(%run_scoped3A : memref<!tpu.dma_semaphore, #tpu.memory_space<semaphore_mem>>)
        %dma_wait3A_196 = arith.constant 0 : i32
        %dma_wait3A_197 = tpu.memref_slice %arg3[%add3A_17, %dma_wait3A_196] : memref<2560x128xi32, #tpu.memory_space<hbm>> -> memref<16x128xi32, #tpu.memory_space<hbm>>
        %dma_wait3A_198 = arith.constant 0 : i32
        %dma_wait3A_199 = tpu.memref_slice %arg3[%add3A_17, %dma_wait3A_198] : memref<2560x128xi32, #tpu.memory_space<hbm>> -> memref<16x128xi32, #tpu.memory_space<hbm>>
        tpu.wait_dma2 semaphore(%run_scoped3A : memref<!tpu.dma_semaphore, #tpu.memory_space<semaphore_mem>>) src(%dma_wait3A_199 : memref<16x128xi32, #tpu.memory_space<hbm>>) dst(%arg7 : memref<16x128xi32, #tpu.memory_space<vmem>>)
        tpu.yield
      }) : () -> ()
      "tpu.region"() ({
        %run_scoped3A = tpu.sem_alloc : memref<!tpu.dma_semaphore, #tpu.memory_space<semaphore_mem>>
        %dma_start3A_192 = arith.constant 0 : i32
        %dma_start3A_193 = tpu.memref_slice %arg4[%add3A_17, %dma_start3A_192] : memref<2560x128xi32, #tpu.memory_space<hbm>> -> memref<16x128xi32, #tpu.memory_space<hbm>>
        %dma_start3A_194 = arith.constant 0 : i32
        %dma_start3A_195 = tpu.memref_slice %arg4[%add3A_17, %dma_start3A_194] : memref<2560x128xi32, #tpu.memory_space<hbm>> -> memref<16x128xi32, #tpu.memory_space<hbm>>
        tpu.enqueue_dma source(%dma_start3A_195 : memref<16x128xi32, #tpu.memory_space<hbm>>) target(%arg8 : memref<16x128xi32, #tpu.memory_space<vmem>>) target_semaphore(%run_scoped3A : memref<!tpu.dma_semaphore, #tpu.memory_space<semaphore_mem>>)
        %dma_wait3A_196 = arith.constant 0 : i32
        %dma_wait3A_197 = tpu.memref_slice %arg4[%add3A_17, %dma_wait3A_196] : memref<2560x128xi32, #tpu.memory_space<hbm>> -> memref<16x128xi32, #tpu.memory_space<hbm>>
        %dma_wait3A_198 = arith.constant 0 : i32
        %dma_wait3A_199 = tpu.memref_slice %arg4[%add3A_17, %dma_wait3A_198] : memref<2560x128xi32, #tpu.memory_space<hbm>> -> memref<16x128xi32, #tpu.memory_space<hbm>>
        tpu.wait_dma2 semaphore(%run_scoped3A : memref<!tpu.dma_semaphore, #tpu.memory_space<semaphore_mem>>) src(%dma_wait3A_199 : memref<16x128xi32, #tpu.memory_space<hbm>>) dst(%arg8 : memref<16x128xi32, #tpu.memory_space<vmem>>)
        tpu.yield
      }) : () -> ()
      %dma_start3A = arith.constant 0 : i32
      %dma_start3A_18 = arith.constant 0 : i32
      %dma_start3A_19 = tpu.memref_slice %arg7[%dma_start3A, %dma_start3A_18] : memref<16x128xi32, #tpu.memory_space<vmem>> -> memref<1x128xi32, #tpu.memory_space<vmem>>
      %dma_start3A_20 = tpu.memref_squeeze %dma_start3A_19 : memref<1x128xi32, #tpu.memory_space<vmem>> -> memref<128xi32, #tpu.memory_space<vmem>>
      %dma_start3A_21 = arith.constant 0 : i32
      %dma_start3A_22 = arith.constant 0 : i32
      %dma_start3A_23 = tpu.memref_slice %arg2[%dma_start3A_21, %dma_start3A_22] : memref<10000x128xf32, #tpu.memory_space<hbm>> -> memref<10000x128xf32, #tpu.memory_space<hbm>>
      tpu.enqueue_indirect_dma source(%dma_start3A_23 : memref<10000x128xf32, #tpu.memory_space<hbm>>) target(%arg11 : memref<128x128xf32, #tpu.memory_space<vmem>>) offsets(%dma_start3A_20 : memref<128xi32, #tpu.memory_space<vmem>>) semaphore(%arg14 : memref<!tpu.dma_semaphore, #tpu.memory_space<semaphore_mem>>)
      %dma_start3A_24 = arith.constant 1 : i32
      %dma_start3A_25 = arith.constant 0 : i32
      %dma_start3A_26 = tpu.memref_slice %arg7[%dma_start3A_24, %dma_start3A_25] : memref<16x128xi32, #tpu.memory_space<vmem>> -> memref<1x128xi32, #tpu.memory_space<vmem>>
      %dma_start3A_27 = tpu.memref_squeeze %dma_start3A_26 : memref<1x128xi32, #tpu.memory_space<vmem>> -> memref<128xi32, #tpu.memory_space<vmem>>
      %dma_start3A_28 = arith.constant 0 : i32
      %dma_start3A_29 = arith.constant 0 : i32
      %dma_start3A_30 = tpu.memref_slice %arg2[%dma_start3A_28, %dma_start3A_29] : memref<10000x128xf32, #tpu.memory_space<hbm>> -> memref<10000x128xf32, #tpu.memory_space<hbm>>
      tpu.enqueue_indirect_dma source(%dma_start3A_30 : memref<10000x128xf32, #tpu.memory_space<hbm>>) target(%arg12 : memref<128x128xf32, #tpu.memory_space<vmem>>) offsets(%dma_start3A_27 : memref<128xi32, #tpu.memory_space<vmem>>) semaphore(%arg15 : memref<!tpu.dma_semaphore, #tpu.memory_space<semaphore_mem>>)
      %scan3A_31 = arith.constant 0 : i32
      %scan3A_32 = arith.constant 0 : i32
      %scan3A_33 = arith.constant 7 : i32
      %scan3A_34 = arith.addi %scan3A_32, %scan3A_33 : i32
      %scan3A_35 = arith.constant 1 : i32
      scf.for %scan3A_192 = %scan3A_32 to %scan3A_34 step %scan3A_35  : i32 {
        %mul3A_193 = arith.constant 2 : i32
        %mul3A_194 = arith.muli %mul3A_193, %scan3A_192 : i32
        %dma_wait3A_195 = arith.constant 0 : i32
        %dma_wait3A_196 = tpu.memref_slice %arg7[%mul3A_194, %dma_wait3A_195] : memref<16x128xi32, #tpu.memory_space<vmem>> -> memref<1x128xi32, #tpu.memory_space<vmem>>
        %dma_wait3A_197 = tpu.memref_squeeze %dma_wait3A_196 : memref<1x128xi32, #tpu.memory_space<vmem>> -> memref<128xi32, #tpu.memory_space<vmem>>
        %dma_wait3A_198 = arith.constant 0 : i32
        %dma_wait3A_199 = arith.constant 0 : i32
        %dma_wait3A_200 = tpu.memref_slice %arg2[%dma_wait3A_198, %dma_wait3A_199] : memref<10000x128xf32, #tpu.memory_space<hbm>> -> memref<10000x128xf32, #tpu.memory_space<hbm>>
        tpu.wait_indirect_dma semaphore(%arg14 : memref<!tpu.dma_semaphore, #tpu.memory_space<semaphore_mem>>) src(%dma_wait3A_200 : memref<10000x128xf32, #tpu.memory_space<hbm>>) dst(%arg11 : memref<128x128xf32, #tpu.memory_space<vmem>>)
        %get3A_201 = arith.index_cast %mul3A_194 : i32 to index
        %get3A_202 = arith.constant 0 : index
        %get3A_203 = tpu.vector_load %arg8[%get3A_201, %get3A_202] {strides = array<i32>} : memref<16x128xi32, #tpu.memory_space<vmem>>, vector<1x16xi32>,
        %get3A_204 = vector.shape_cast %get3A_203 : vector<1x16xi32> to vector<16xi32>
        %swap3A_205 = arith.constant 0 : index
        %swap3A_206 = tpu.vector_load %arg9[%swap3A_205] {strides = array<i32>} : memref<128xi32, #tpu.memory_space<vmem>>, vector<16xi32>,
        %swap3A_207 = vector.shape_cast %swap3A_206 : vector<16xi32> to vector<16xi32>
        %swap3A_208 = vector.shape_cast %get3A_204 : vector<16xi32> to vector<16xi32>
        tpu.vector_store %arg9[%swap3A_205], %swap3A_208 {strides = array<i32>} : memref<128xi32, #tpu.memory_space<vmem>>, vector<16xi32>,
        %get3A_209 = arith.index_cast %mul3A_194 : i32 to index
        %get3A_210 = arith.constant 16 : index
        %get3A_211 = tpu.vector_load %arg8[%get3A_209, %get3A_210] {strides = array<i32>} : memref<16x128xi32, #tpu.memory_space<vmem>>, vector<1x16xi32>,
        %get3A_212 = vector.shape_cast %get3A_211 : vector<1x16xi32> to vector<16xi32>
        %swap3A_213 = arith.constant 16 : index
        %swap3A_214 = tpu.vector_load %arg9[%swap3A_213] {strides = array<i32>} : memref<128xi32, #tpu.memory_space<vmem>>, vector<16xi32>,
        %swap3A_215 = vector.shape_cast %swap3A_214 : vector<16xi32> to vector<16xi32>
        %swap3A_216 = vector.shape_cast %get3A_212 : vector<16xi32> to vector<16xi32>
        tpu.vector_store %arg9[%swap3A_213], %swap3A_216 {strides = array<i32>} : memref<128xi32, #tpu.memory_space<vmem>>, vector<16xi32>,
        %get3A_217 = arith.index_cast %mul3A_194 : i32 to index
        %get3A_218 = arith.constant 32 : index
        %get3A_219 = tpu.vector_load %arg8[%get3A_217, %get3A_218] {strides = array<i32>} : memref<16x128xi32, #tpu.memory_space<vmem>>, vector<1x16xi32>,
        %get3A_220 = vector.shape_cast %get3A_219 : vector<1x16xi32> to vector<16xi32>
        %swap3A_221 = arith.constant 32 : index
        %swap3A_222 = tpu.vector_load %arg9[%swap3A_221] {strides = array<i32>} : memref<128xi32, #tpu.memory_space<vmem>>, vector<16xi32>,
        %swap3A_223 = vector.shape_cast %swap3A_222 : vector<16xi32> to vector<16xi32>
        %swap3A_224 = vector.shape_cast %get3A_220 : vector<16xi32> to vector<16xi32>
        tpu.vector_store %arg9[%swap3A_221], %swap3A_224 {strides = array<i32>} : memref<128xi32, #tpu.memory_space<vmem>>, vector<16xi32>,
        %get3A_225 = arith.index_cast %mul3A_194 : i32 to index
        %get3A_226 = arith.constant 48 : index
        %get3A_227 = tpu.vector_load %arg8[%get3A_225, %get3A_226] {strides = array<i32>} : memref<16x128xi32, #tpu.memory_space<vmem>>, vector<1x16xi32>,
        %get3A_228 = vector.shape_cast %get3A_227 : vector<1x16xi32> to vector<16xi32>
        %swap3A_229 = arith.constant 48 : index
        %swap3A_230 = tpu.vector_load %arg9[%swap3A_229] {strides = array<i32>} : memref<128xi32, #tpu.memory_space<vmem>>, vector<16xi32>,
        %swap3A_231 = vector.shape_cast %swap3A_230 : vector<16xi32> to vector<16xi32>
        %swap3A_232 = vector.shape_cast %get3A_228 : vector<16xi32> to vector<16xi32>
        tpu.vector_store %arg9[%swap3A_229], %swap3A_232 {strides = array<i32>} : memref<128xi32, #tpu.memory_space<vmem>>, vector<16xi32>,
        %get3A_233 = arith.index_cast %mul3A_194 : i32 to index
        %get3A_234 = arith.constant 64 : index
        %get3A_235 = tpu.vector_load %arg8[%get3A_233, %get3A_234] {strides = array<i32>} : memref<16x128xi32, #tpu.memory_space<vmem>>, vector<1x16xi32>,
        %get3A_236 = vector.shape_cast %get3A_235 : vector<1x16xi32> to vector<16xi32>
        %swap3A_237 = arith.constant 64 : index
        %swap3A_238 = tpu.vector_load %arg9[%swap3A_237] {strides = array<i32>} : memref<128xi32, #tpu.memory_space<vmem>>, vector<16xi32>,
        %swap3A_239 = vector.shape_cast %swap3A_238 : vector<16xi32> to vector<16xi32>
        %swap3A_240 = vector.shape_cast %get3A_236 : vector<16xi32> to vector<16xi32>
        tpu.vector_store %arg9[%swap3A_237], %swap3A_240 {strides = array<i32>} : memref<128xi32, #tpu.memory_space<vmem>>, vector<16xi32>,
        %get3A_241 = arith.index_cast %mul3A_194 : i32 to index
        %get3A_242 = arith.constant 80 : index
        %get3A_243 = tpu.vector_load %arg8[%get3A_241, %get3A_242] {strides = array<i32>} : memref<16x128xi32, #tpu.memory_space<vmem>>, vector<1x16xi32>,
        %get3A_244 = vector.shape_cast %get3A_243 : vector<1x16xi32> to vector<16xi32>
        %swap3A_245 = arith.constant 80 : index
        %swap3A_246 = tpu.vector_load %arg9[%swap3A_245] {strides = array<i32>} : memref<128xi32, #tpu.memory_space<vmem>>, vector<16xi32>,
        %swap3A_247 = vector.shape_cast %swap3A_246 : vector<16xi32> to vector<16xi32>
        %swap3A_248 = vector.shape_cast %get3A_244 : vector<16xi32> to vector<16xi32>
        tpu.vector_store %arg9[%swap3A_245], %swap3A_248 {strides = array<i32>} : memref<128xi32, #tpu.memory_space<vmem>>, vector<16xi32>,
        %get3A_249 = arith.index_cast %mul3A_194 : i32 to index
        %get3A_250 = arith.constant 96 : index
        %get3A_251 = tpu.vector_load %arg8[%get3A_249, %get3A_250] {strides = array<i32>} : memref<16x128xi32, #tpu.memory_space<vmem>>, vector<1x16xi32>,
        %get3A_252 = vector.shape_cast %get3A_251 : vector<1x16xi32> to vector<16xi32>
        %swap3A_253 = arith.constant 96 : index
        %swap3A_254 = tpu.vector_load %arg9[%swap3A_253] {strides = array<i32>} : memref<128xi32, #tpu.memory_space<vmem>>, vector<16xi32>,
        %swap3A_255 = vector.shape_cast %swap3A_254 : vector<16xi32> to vector<16xi32>
        %swap3A_256 = vector.shape_cast %get3A_252 : vector<16xi32> to vector<16xi32>
        tpu.vector_store %arg9[%swap3A_253], %swap3A_256 {strides = array<i32>} : memref<128xi32, #tpu.memory_space<vmem>>, vector<16xi32>,
        %get3A_257 = arith.index_cast %mul3A_194 : i32 to index
        %get3A_258 = arith.constant 112 : index
        %get3A_259 = tpu.vector_load %arg8[%get3A_257, %get3A_258] {strides = array<i32>} : memref<16x128xi32, #tpu.memory_space<vmem>>, vector<1x16xi32>,
        %get3A_260 = vector.shape_cast %get3A_259 : vector<1x16xi32> to vector<16xi32>
        %swap3A_261 = arith.constant 112 : index
        %swap3A_262 = tpu.vector_load %arg9[%swap3A_261] {strides = array<i32>} : memref<128xi32, #tpu.memory_space<vmem>>, vector<16xi32>,
        %swap3A_263 = vector.shape_cast %swap3A_262 : vector<16xi32> to vector<16xi32>
        %swap3A_264 = vector.shape_cast %get3A_260 : vector<16xi32> to vector<16xi32>
        tpu.vector_store %arg9[%swap3A_261], %swap3A_264 {strides = array<i32>} : memref<128xi32, #tpu.memory_space<vmem>>, vector<16xi32>,
        "tpu.region"() ({
          %run_scoped3A = tpu.sem_alloc : memref<!tpu.dma_semaphore, #tpu.memory_space<semaphore_mem>>
          %dma_start3A_355 = arith.constant 0 : i32
          %dma_start3A_356 = arith.constant 0 : i32
          %dma_start3A_357 = tpu.memref_slice %arg13[%dma_start3A_355, %dma_start3A_356] : memref<10112x128xf32, #tpu.memory_space<vmem_shared>> -> memref<10112x128xf32, #tpu.memory_space<vmem_shared>>
          tpu.enqueue_indirect_dma source(%arg11 : memref<128x128xf32, #tpu.memory_space<vmem>>) target(%dma_start3A_357 : memref<10112x128xf32, #tpu.memory_space<vmem_shared>>) offsets(%arg9 : memref<128xi32, #tpu.memory_space<vmem>>) semaphore(%run_scoped3A : memref<!tpu.dma_semaphore, #tpu.memory_space<semaphore_mem>>) {add = true}
          %dma_wait3A_358 = arith.constant 0 : i32
          %dma_wait3A_359 = arith.constant 0 : i32
          %dma_wait3A_360 = tpu.memref_slice %arg13[%dma_wait3A_358, %dma_wait3A_359] : memref<10112x128xf32, #tpu.memory_space<vmem_shared>> -> memref<10112x128xf32, #tpu.memory_space<vmem_shared>>
          tpu.wait_indirect_dma semaphore(%run_scoped3A : memref<!tpu.dma_semaphore, #tpu.memory_space<semaphore_mem>>) src(%arg11 : memref<128x128xf32, #tpu.memory_space<vmem>>) dst(%dma_wait3A_360 : memref<10112x128xf32, #tpu.memory_space<vmem_shared>>)
          tpu.yield
        }) : () -> ()
        %add3A_265 = arith.constant 2 : i32
        %add3A_266 = arith.addi %mul3A_194, %add3A_265 : i32
        %dma_start3A_267 = arith.constant 0 : i32
        %dma_start3A_268 = tpu.memref_slice %arg7[%add3A_266, %dma_start3A_267] : memref<16x128xi32, #tpu.memory_space<vmem>> -> memref<1x128xi32, #tpu.memory_space<vmem>>
        %dma_start3A_269 = tpu.memref_squeeze %dma_start3A_268 : memref<1x128xi32, #tpu.memory_space<vmem>> -> memref<128xi32, #tpu.memory_space<vmem>>
        %dma_start3A_270 = arith.constant 0 : i32
        %dma_start3A_271 = arith.constant 0 : i32
        %dma_start3A_272 = tpu.memref_slice %arg2[%dma_start3A_270, %dma_start3A_271] : memref<10000x128xf32, #tpu.memory_space<hbm>> -> memref<10000x128xf32, #tpu.memory_space<hbm>>
        tpu.enqueue_indirect_dma source(%dma_start3A_272 : memref<10000x128xf32, #tpu.memory_space<hbm>>) target(%arg11 : memref<128x128xf32, #tpu.memory_space<vmem>>) offsets(%dma_start3A_269 : memref<128xi32, #tpu.memory_space<vmem>>) semaphore(%arg14 : memref<!tpu.dma_semaphore, #tpu.memory_space<semaphore_mem>>)
        %add3A_273 = arith.constant 1 : i32
        %add3A_274 = arith.addi %mul3A_194, %add3A_273 : i32
        %dma_wait3A_275 = arith.constant 0 : i32
        %dma_wait3A_276 = tpu.memref_slice %arg7[%add3A_274, %dma_wait3A_275] : memref<16x128xi32, #tpu.memory_space<vmem>> -> memref<1x128xi32, #tpu.memory_space<vmem>>
        %dma_wait3A_277 = tpu.memref_squeeze %dma_wait3A_276 : memref<1x128xi32, #tpu.memory_space<vmem>> -> memref<128xi32, #tpu.memory_space<vmem>>
        %dma_wait3A_278 = arith.constant 0 : i32
        %dma_wait3A_279 = arith.constant 0 : i32
        %dma_wait3A_280 = tpu.memref_slice %arg2[%dma_wait3A_278, %dma_wait3A_279] : memref<10000x128xf32, #tpu.memory_space<hbm>> -> memref<10000x128xf32, #tpu.memory_space<hbm>>
        tpu.wait_indirect_dma semaphore(%arg15 : memref<!tpu.dma_semaphore, #tpu.memory_space<semaphore_mem>>) src(%dma_wait3A_280 : memref<10000x128xf32, #tpu.memory_space<hbm>>) dst(%arg12 : memref<128x128xf32, #tpu.memory_space<vmem>>)
        %add3A_281 = arith.constant 1 : i32
        %add3A_282 = arith.addi %mul3A_194, %add3A_281 : i32
        %get3A_283 = arith.index_cast %add3A_282 : i32 to index
        %get3A_284 = arith.constant 0 : index
        %get3A_285 = tpu.vector_load %arg8[%get3A_283, %get3A_284] {strides = array<i32>} : memref<16x128xi32, #tpu.memory_space<vmem>>, vector<1x16xi32>,
        %get3A_286 = vector.shape_cast %get3A_285 : vector<1x16xi32> to vector<16xi32>
        %swap3A_287 = arith.constant 0 : index
        %swap3A_288 = tpu.vector_load %arg10[%swap3A_287] {strides = array<i32>} : memref<128xi32, #tpu.memory_space<vmem>>, vector<16xi32>,
        %swap3A_289 = vector.shape_cast %swap3A_288 : vector<16xi32> to vector<16xi32>
        %swap3A_290 = vector.shape_cast %get3A_286 : vector<16xi32> to vector<16xi32>
        tpu.vector_store %arg10[%swap3A_287], %swap3A_290 {strides = array<i32>} : memref<128xi32, #tpu.memory_space<vmem>>, vector<16xi32>,
        %get3A_291 = arith.index_cast %add3A_282 : i32 to index
        %get3A_292 = arith.constant 16 : index
        %get3A_293 = tpu.vector_load %arg8[%get3A_291, %get3A_292] {strides = array<i32>} : memref<16x128xi32, #tpu.memory_space<vmem>>, vector<1x16xi32>,
        %get3A_294 = vector.shape_cast %get3A_293 : vector<1x16xi32> to vector<16xi32>
        %swap3A_295 = arith.constant 16 : index
        %swap3A_296 = tpu.vector_load %arg10[%swap3A_295] {strides = array<i32>} : memref<128xi32, #tpu.memory_space<vmem>>, vector<16xi32>,
        %swap3A_297 = vector.shape_cast %swap3A_296 : vector<16xi32> to vector<16xi32>
        %swap3A_298 = vector.shape_cast %get3A_294 : vector<16xi32> to vector<16xi32>
        tpu.vector_store %arg10[%swap3A_295], %swap3A_298 {strides = array<i32>} : memref<128xi32, #tpu.memory_space<vmem>>, vector<16xi32>,
        %get3A_299 = arith.index_cast %add3A_282 : i32 to index
        %get3A_300 = arith.constant 32 : index
        %get3A_301 = tpu.vector_load %arg8[%get3A_299, %get3A_300] {strides = array<i32>} : memref<16x128xi32, #tpu.memory_space<vmem>>, vector<1x16xi32>,
        %get3A_302 = vector.shape_cast %get3A_301 : vector<1x16xi32> to vector<16xi32>
        %swap3A_303 = arith.constant 32 : index
        %swap3A_304 = tpu.vector_load %arg10[%swap3A_303] {strides = array<i32>} : memref<128xi32, #tpu.memory_space<vmem>>, vector<16xi32>,
        %swap3A_305 = vector.shape_cast %swap3A_304 : vector<16xi32> to vector<16xi32>
        %swap3A_306 = vector.shape_cast %get3A_302 : vector<16xi32> to vector<16xi32>
        tpu.vector_store %arg10[%swap3A_303], %swap3A_306 {strides = array<i32>} : memref<128xi32, #tpu.memory_space<vmem>>, vector<16xi32>,
        %get3A_307 = arith.index_cast %add3A_282 : i32 to index
        %get3A_308 = arith.constant 48 : index
        %get3A_309 = tpu.vector_load %arg8[%get3A_307, %get3A_308] {strides = array<i32>} : memref<16x128xi32, #tpu.memory_space<vmem>>, vector<1x16xi32>,
        %get3A_310 = vector.shape_cast %get3A_309 : vector<1x16xi32> to vector<16xi32>
        %swap3A_311 = arith.constant 48 : index
        %swap3A_312 = tpu.vector_load %arg10[%swap3A_311] {strides = array<i32>} : memref<128xi32, #tpu.memory_space<vmem>>, vector<16xi32>,
        %swap3A_313 = vector.shape_cast %swap3A_312 : vector<16xi32> to vector<16xi32>
        %swap3A_314 = vector.shape_cast %get3A_310 : vector<16xi32> to vector<16xi32>
        tpu.vector_store %arg10[%swap3A_311], %swap3A_314 {strides = array<i32>} : memref<128xi32, #tpu.memory_space<vmem>>, vector<16xi32>,
        %get3A_315 = arith.index_cast %add3A_282 : i32 to index
        %get3A_316 = arith.constant 64 : index
        %get3A_317 = tpu.vector_load %arg8[%get3A_315, %get3A_316] {strides = array<i32>} : memref<16x128xi32, #tpu.memory_space<vmem>>, vector<1x16xi32>,
        %get3A_318 = vector.shape_cast %get3A_317 : vector<1x16xi32> to vector<16xi32>
        %swap3A_319 = arith.constant 64 : index
        %swap3A_320 = tpu.vector_load %arg10[%swap3A_319] {strides = array<i32>} : memref<128xi32, #tpu.memory_space<vmem>>, vector<16xi32>,
        %swap3A_321 = vector.shape_cast %swap3A_320 : vector<16xi32> to vector<16xi32>
        %swap3A_322 = vector.shape_cast %get3A_318 : vector<16xi32> to vector<16xi32>
        tpu.vector_store %arg10[%swap3A_319], %swap3A_322 {strides = array<i32>} : memref<128xi32, #tpu.memory_space<vmem>>, vector<16xi32>,
        %get3A_323 = arith.index_cast %add3A_282 : i32 to index
        %get3A_324 = arith.constant 80 : index
        %get3A_325 = tpu.vector_load %arg8[%get3A_323, %get3A_324] {strides = array<i32>} : memref<16x128xi32, #tpu.memory_space<vmem>>, vector<1x16xi32>,
        %get3A_326 = vector.shape_cast %get3A_325 : vector<1x16xi32> to vector<16xi32>
        %swap3A_327 = arith.constant 80 : index
        %swap3A_328 = tpu.vector_load %arg10[%swap3A_327] {strides = array<i32>} : memref<128xi32, #tpu.memory_space<vmem>>, vector<16xi32>,
        %swap3A_329 = vector.shape_cast %swap3A_328 : vector<16xi32> to vector<16xi32>
        %swap3A_330 = vector.shape_cast %get3A_326 : vector<16xi32> to vector<16xi32>
        tpu.vector_store %arg10[%swap3A_327], %swap3A_330 {strides = array<i32>} : memref<128xi32, #tpu.memory_space<vmem>>, vector<16xi32>,
        %get3A_331 = arith.index_cast %add3A_282 : i32 to index
        %get3A_332 = arith.constant 96 : index
        %get3A_333 = tpu.vector_load %arg8[%get3A_331, %get3A_332] {strides = array<i32>} : memref<16x128xi32, #tpu.memory_space<vmem>>, vector<1x16xi32>,
        %get3A_334 = vector.shape_cast %get3A_333 : vector<1x16xi32> to vector<16xi32>
        %swap3A_335 = arith.constant 96 : index
        %swap3A_336 = tpu.vector_load %arg10[%swap3A_335] {strides = array<i32>} : memref<128xi32, #tpu.memory_space<vmem>>, vector<16xi32>,
        %swap3A_337 = vector.shape_cast %swap3A_336 : vector<16xi32> to vector<16xi32>
        %swap3A_338 = vector.shape_cast %get3A_334 : vector<16xi32> to vector<16xi32>
        tpu.vector_store %arg10[%swap3A_335], %swap3A_338 {strides = array<i32>} : memref<128xi32, #tpu.memory_space<vmem>>, vector<16xi32>,
        %get3A_339 = arith.index_cast %add3A_282 : i32 to index
        %get3A_340 = arith.constant 112 : index
        %get3A_341 = tpu.vector_load %arg8[%get3A_339, %get3A_340] {strides = array<i32>} : memref<16x128xi32, #tpu.memory_space<vmem>>, vector<1x16xi32>,
        %get3A_342 = vector.shape_cast %get3A_341 : vector<1x16xi32> to vector<16xi32>
        %swap3A_343 = arith.constant 112 : index
        %swap3A_344 = tpu.vector_load %arg10[%swap3A_343] {strides = array<i32>} : memref<128xi32, #tpu.memory_space<vmem>>, vector<16xi32>,
        %swap3A_345 = vector.shape_cast %swap3A_344 : vector<16xi32> to vector<16xi32>
        %swap3A_346 = vector.shape_cast %get3A_342 : vector<16xi32> to vector<16xi32>
        tpu.vector_store %arg10[%swap3A_343], %swap3A_346 {strides = array<i32>} : memref<128xi32, #tpu.memory_space<vmem>>, vector<16xi32>,
        "tpu.region"() ({
          %run_scoped3A = tpu.sem_alloc : memref<!tpu.dma_semaphore, #tpu.memory_space<semaphore_mem>>
          %dma_start3A_355 = arith.constant 0 : i32
          %dma_start3A_356 = arith.constant 0 : i32
          %dma_start3A_357 = tpu.memref_slice %arg13[%dma_start3A_355, %dma_start3A_356] : memref<10112x128xf32, #tpu.memory_space<vmem_shared>> -> memref<10112x128xf32, #tpu.memory_space<vmem_shared>>
          tpu.enqueue_indirect_dma source(%arg12 : memref<128x128xf32, #tpu.memory_space<vmem>>) target(%dma_start3A_357 : memref<10112x128xf32, #tpu.memory_space<vmem_shared>>) offsets(%arg10 : memref<128xi32, #tpu.memory_space<vmem>>) semaphore(%run_scoped3A : memref<!tpu.dma_semaphore, #tpu.memory_space<semaphore_mem>>) {add = true}
          %dma_wait3A_358 = arith.constant 0 : i32
          %dma_wait3A_359 = arith.constant 0 : i32
          %dma_wait3A_360 = tpu.memref_slice %arg13[%dma_wait3A_358, %dma_wait3A_359] : memref<10112x128xf32, #tpu.memory_space<vmem_shared>> -> memref<10112x128xf32, #tpu.memory_space<vmem_shared>>
          tpu.wait_indirect_dma semaphore(%run_scoped3A : memref<!tpu.dma_semaphore, #tpu.memory_space<semaphore_mem>>) src(%arg12 : memref<128x128xf32, #tpu.memory_space<vmem>>) dst(%dma_wait3A_360 : memref<10112x128xf32, #tpu.memory_space<vmem_shared>>)
          tpu.yield
        }) : () -> ()
        %add3A_347 = arith.constant 3 : i32
        %add3A_348 = arith.addi %mul3A_194, %add3A_347 : i32
        %dma_start3A_349 = arith.constant 0 : i32
        %dma_start3A_350 = tpu.memref_slice %arg7[%add3A_348, %dma_start3A_349] : memref<16x128xi32, #tpu.memory_space<vmem>> -> memref<1x128xi32, #tpu.memory_space<vmem>>
        %dma_start3A_351 = tpu.memref_squeeze %dma_start3A_350 : memref<1x128xi32, #tpu.memory_space<vmem>> -> memref<128xi32, #tpu.memory_space<vmem>>
        %dma_start3A_352 = arith.constant 0 : i32
        %dma_start3A_353 = arith.constant 0 : i32
        %dma_start3A_354 = tpu.memref_slice %arg2[%dma_start3A_352, %dma_start3A_353] : memref<10000x128xf32, #tpu.memory_space<hbm>> -> memref<10000x128xf32, #tpu.memory_space<hbm>>
        tpu.enqueue_indirect_dma source(%dma_start3A_354 : memref<10000x128xf32, #tpu.memory_space<hbm>>) target(%arg12 : memref<128x128xf32, #tpu.memory_space<vmem>>) offsets(%dma_start3A_351 : memref<128xi32, #tpu.memory_space<vmem>>) semaphore(%arg15 : memref<!tpu.dma_semaphore, #tpu.memory_space<semaphore_mem>>)
      }
      %scan3A_36 = arith.constant 7 : i32
      %dma_wait3A = arith.constant 14 : i32
      %dma_wait3A_37 = arith.constant 0 : i32
      %dma_wait3A_38 = tpu.memref_slice %arg7[%dma_wait3A, %dma_wait3A_37] : memref<16x128xi32, #tpu.memory_space<vmem>> -> memref<1x128xi32, #tpu.memory_space<vmem>>
      %dma_wait3A_39 = tpu.memref_squeeze %dma_wait3A_38 : memref<1x128xi32, #tpu.memory_space<vmem>> -> memref<128xi32, #tpu.memory_space<vmem>>
      %dma_wait3A_40 = arith.constant 0 : i32
      %dma_wait3A_41 = arith.constant 0 : i32
      %dma_wait3A_42 = tpu.memref_slice %arg2[%dma_wait3A_40, %dma_wait3A_41] : memref<10000x128xf32, #tpu.memory_space<hbm>> -> memref<10000x128xf32, #tpu.memory_space<hbm>>
      tpu.wait_indirect_dma semaphore(%arg14 : memref<!tpu.dma_semaphore, #tpu.memory_space<semaphore_mem>>) src(%dma_wait3A_42 : memref<10000x128xf32, #tpu.memory_space<hbm>>) dst(%arg11 : memref<128x128xf32, #tpu.memory_space<vmem>>)
      %get3A = arith.constant 14 : i32
      %get3A_43 = arith.index_cast %get3A : i32 to index
      %get3A_44 = arith.constant 0 : index
      %get3A_45 = tpu.vector_load %arg8[%get3A_43, %get3A_44] {strides = array<i32>} : memref<16x128xi32, #tpu.memory_space<vmem>>, vector<1x16xi32>,
      %get3A_46 = vector.shape_cast %get3A_45 : vector<1x16xi32> to vector<16xi32>
      %swap3A = arith.constant 0 : index
      %swap3A_47 = tpu.vector_load %arg9[%swap3A] {strides = array<i32>} : memref<128xi32, #tpu.memory_space<vmem>>, vector<16xi32>,
      %swap3A_48 = vector.shape_cast %swap3A_47 : vector<16xi32> to vector<16xi32>
      %swap3A_49 = vector.shape_cast %get3A_46 : vector<16xi32> to vector<16xi32>
      tpu.vector_store %arg9[%swap3A], %swap3A_49 {strides = array<i32>} : memref<128xi32, #tpu.memory_space<vmem>>, vector<16xi32>,
      %get3A_50 = arith.constant 14 : i32
      %get3A_51 = arith.index_cast %get3A_50 : i32 to index
      %get3A_52 = arith.constant 16 : index
      %get3A_53 = tpu.vector_load %arg8[%get3A_51, %get3A_52] {strides = array<i32>} : memref<16x128xi32, #tpu.memory_space<vmem>>, vector<1x16xi32>,
      %get3A_54 = vector.shape_cast %get3A_53 : vector<1x16xi32> to vector<16xi32>
      %swap3A_55 = arith.constant 16 : index
      %swap3A_56 = tpu.vector_load %arg9[%swap3A_55] {strides = array<i32>} : memref<128xi32, #tpu.memory_space<vmem>>, vector<16xi32>,
      %swap3A_57 = vector.shape_cast %swap3A_56 : vector<16xi32> to vector<16xi32>
      %swap3A_58 = vector.shape_cast %get3A_54 : vector<16xi32> to vector<16xi32>
      tpu.vector_store %arg9[%swap3A_55], %swap3A_58 {strides = array<i32>} : memref<128xi32, #tpu.memory_space<vmem>>, vector<16xi32>,
      %get3A_59 = arith.constant 14 : i32
      %get3A_60 = arith.index_cast %get3A_59 : i32 to index
      %get3A_61 = arith.constant 32 : index
      %get3A_62 = tpu.vector_load %arg8[%get3A_60, %get3A_61] {strides = array<i32>} : memref<16x128xi32, #tpu.memory_space<vmem>>, vector<1x16xi32>,
      %get3A_63 = vector.shape_cast %get3A_62 : vector<1x16xi32> to vector<16xi32>
      %swap3A_64 = arith.constant 32 : index
      %swap3A_65 = tpu.vector_load %arg9[%swap3A_64] {strides = array<i32>} : memref<128xi32, #tpu.memory_space<vmem>>, vector<16xi32>,
      %swap3A_66 = vector.shape_cast %swap3A_65 : vector<16xi32> to vector<16xi32>
      %swap3A_67 = vector.shape_cast %get3A_63 : vector<16xi32> to vector<16xi32>
      tpu.vector_store %arg9[%swap3A_64], %swap3A_67 {strides = array<i32>} : memref<128xi32, #tpu.memory_space<vmem>>, vector<16xi32>,
      %get3A_68 = arith.constant 14 : i32
      %get3A_69 = arith.index_cast %get3A_68 : i32 to index
      %get3A_70 = arith.constant 48 : index
      %get3A_71 = tpu.vector_load %arg8[%get3A_69, %get3A_70] {strides = array<i32>} : memref<16x128xi32, #tpu.memory_space<vmem>>, vector<1x16xi32>,
      %get3A_72 = vector.shape_cast %get3A_71 : vector<1x16xi32> to vector<16xi32>
      %swap3A_73 = arith.constant 48 : index
      %swap3A_74 = tpu.vector_load %arg9[%swap3A_73] {strides = array<i32>} : memref<128xi32, #tpu.memory_space<vmem>>, vector<16xi32>,
      %swap3A_75 = vector.shape_cast %swap3A_74 : vector<16xi32> to vector<16xi32>
      %swap3A_76 = vector.shape_cast %get3A_72 : vector<16xi32> to vector<16xi32>
      tpu.vector_store %arg9[%swap3A_73], %swap3A_76 {strides = array<i32>} : memref<128xi32, #tpu.memory_space<vmem>>, vector<16xi32>,
      %get3A_77 = arith.constant 14 : i32
      %get3A_78 = arith.index_cast %get3A_77 : i32 to index
      %get3A_79 = arith.constant 64 : index
      %get3A_80 = tpu.vector_load %arg8[%get3A_78, %get3A_79] {strides = array<i32>} : memref<16x128xi32, #tpu.memory_space<vmem>>, vector<1x16xi32>,
      %get3A_81 = vector.shape_cast %get3A_80 : vector<1x16xi32> to vector<16xi32>
      %swap3A_82 = arith.constant 64 : index
      %swap3A_83 = tpu.vector_load %arg9[%swap3A_82] {strides = array<i32>} : memref<128xi32, #tpu.memory_space<vmem>>, vector<16xi32>,
      %swap3A_84 = vector.shape_cast %swap3A_83 : vector<16xi32> to vector<16xi32>
      %swap3A_85 = vector.shape_cast %get3A_81 : vector<16xi32> to vector<16xi32>
      tpu.vector_store %arg9[%swap3A_82], %swap3A_85 {strides = array<i32>} : memref<128xi32, #tpu.memory_space<vmem>>, vector<16xi32>,
      %get3A_86 = arith.constant 14 : i32
      %get3A_87 = arith.index_cast %get3A_86 : i32 to index
      %get3A_88 = arith.constant 80 : index
      %get3A_89 = tpu.vector_load %arg8[%get3A_87, %get3A_88] {strides = array<i32>} : memref<16x128xi32, #tpu.memory_space<vmem>>, vector<1x16xi32>,
      %get3A_90 = vector.shape_cast %get3A_89 : vector<1x16xi32> to vector<16xi32>
      %swap3A_91 = arith.constant 80 : index
      %swap3A_92 = tpu.vector_load %arg9[%swap3A_91] {strides = array<i32>} : memref<128xi32, #tpu.memory_space<vmem>>, vector<16xi32>,
      %swap3A_93 = vector.shape_cast %swap3A_92 : vector<16xi32> to vector<16xi32>
      %swap3A_94 = vector.shape_cast %get3A_90 : vector<16xi32> to vector<16xi32>
      tpu.vector_store %arg9[%swap3A_91], %swap3A_94 {strides = array<i32>} : memref<128xi32, #tpu.memory_space<vmem>>, vector<16xi32>,
      %get3A_95 = arith.constant 14 : i32
      %get3A_96 = arith.index_cast %get3A_95 : i32 to index
      %get3A_97 = arith.constant 96 : index
      %get3A_98 = tpu.vector_load %arg8[%get3A_96, %get3A_97] {strides = array<i32>} : memref<16x128xi32, #tpu.memory_space<vmem>>, vector<1x16xi32>,
      %get3A_99 = vector.shape_cast %get3A_98 : vector<1x16xi32> to vector<16xi32>
      %swap3A_100 = arith.constant 96 : index
      %swap3A_101 = tpu.vector_load %arg9[%swap3A_100] {strides = array<i32>} : memref<128xi32, #tpu.memory_space<vmem>>, vector<16xi32>,
      %swap3A_102 = vector.shape_cast %swap3A_101 : vector<16xi32> to vector<16xi32>
      %swap3A_103 = vector.shape_cast %get3A_99 : vector<16xi32> to vector<16xi32>
      tpu.vector_store %arg9[%swap3A_100], %swap3A_103 {strides = array<i32>} : memref<128xi32, #tpu.memory_space<vmem>>, vector<16xi32>,
      %get3A_104 = arith.constant 14 : i32
      %get3A_105 = arith.index_cast %get3A_104 : i32 to index
      %get3A_106 = arith.constant 112 : index
      %get3A_107 = tpu.vector_load %arg8[%get3A_105, %get3A_106] {strides = array<i32>} : memref<16x128xi32, #tpu.memory_space<vmem>>, vector<1x16xi32>,
      %get3A_108 = vector.shape_cast %get3A_107 : vector<1x16xi32> to vector<16xi32>
      %swap3A_109 = arith.constant 112 : index
      %swap3A_110 = tpu.vector_load %arg9[%swap3A_109] {strides = array<i32>} : memref<128xi32, #tpu.memory_space<vmem>>, vector<16xi32>,
      %swap3A_111 = vector.shape_cast %swap3A_110 : vector<16xi32> to vector<16xi32>
      %swap3A_112 = vector.shape_cast %get3A_108 : vector<16xi32> to vector<16xi32>
      tpu.vector_store %arg9[%swap3A_109], %swap3A_112 {strides = array<i32>} : memref<128xi32, #tpu.memory_space<vmem>>, vector<16xi32>,
      "tpu.region"() ({
        %run_scoped3A = tpu.sem_alloc : memref<!tpu.dma_semaphore, #tpu.memory_space<semaphore_mem>>
        %dma_start3A_192 = arith.constant 0 : i32
        %dma_start3A_193 = arith.constant 0 : i32
        %dma_start3A_194 = tpu.memref_slice %arg13[%dma_start3A_192, %dma_start3A_193] : memref<10112x128xf32, #tpu.memory_space<vmem_shared>> -> memref<10112x128xf32, #tpu.memory_space<vmem_shared>>
        tpu.enqueue_indirect_dma source(%arg11 : memref<128x128xf32, #tpu.memory_space<vmem>>) target(%dma_start3A_194 : memref<10112x128xf32, #tpu.memory_space<vmem_shared>>) offsets(%arg9 : memref<128xi32, #tpu.memory_space<vmem>>) semaphore(%run_scoped3A : memref<!tpu.dma_semaphore, #tpu.memory_space<semaphore_mem>>) {add = true}
        %dma_wait3A_195 = arith.constant 0 : i32
        %dma_wait3A_196 = arith.constant 0 : i32
        %dma_wait3A_197 = tpu.memref_slice %arg13[%dma_wait3A_195, %dma_wait3A_196] : memref<10112x128xf32, #tpu.memory_space<vmem_shared>> -> memref<10112x128xf32, #tpu.memory_space<vmem_shared>>
        tpu.wait_indirect_dma semaphore(%run_scoped3A : memref<!tpu.dma_semaphore, #tpu.memory_space<semaphore_mem>>) src(%arg11 : memref<128x128xf32, #tpu.memory_space<vmem>>) dst(%dma_wait3A_197 : memref<10112x128xf32, #tpu.memory_space<vmem_shared>>)
        tpu.yield
      }) : () -> ()
      %dma_wait3A_113 = arith.constant 15 : i32
      %dma_wait3A_114 = arith.constant 0 : i32
      %dma_wait3A_115 = tpu.memref_slice %arg7[%dma_wait3A_113, %dma_wait3A_114] : memref<16x128xi32, #tpu.memory_space<vmem>> -> memref<1x128xi32, #tpu.memory_space<vmem>>
      %dma_wait3A_116 = tpu.memref_squeeze %dma_wait3A_115 : memref<1x128xi32, #tpu.memory_space<vmem>> -> memref<128xi32, #tpu.memory_space<vmem>>
      %dma_wait3A_117 = arith.constant 0 : i32
      %dma_wait3A_118 = arith.constant 0 : i32
      %dma_wait3A_119 = tpu.memref_slice %arg2[%dma_wait3A_117, %dma_wait3A_118] : memref<10000x128xf32, #tpu.memory_space<hbm>> -> memref<10000x128xf32, #tpu.memory_space<hbm>>
      tpu.wait_indirect_dma semaphore(%arg15 : memref<!tpu.dma_semaphore, #tpu.memory_space<semaphore_mem>>) src(%dma_wait3A_119 : memref<10000x128xf32, #tpu.memory_space<hbm>>) dst(%arg12 : memref<128x128xf32, #tpu.memory_space<vmem>>)
      %get3A_120 = arith.constant 15 : i32
      %get3A_121 = arith.index_cast %get3A_120 : i32 to index
      %get3A_122 = arith.constant 0 : index
      %get3A_123 = tpu.vector_load %arg8[%get3A_121, %get3A_122] {strides = array<i32>} : memref<16x128xi32, #tpu.memory_space<vmem>>, vector<1x16xi32>,
      %get3A_124 = vector.shape_cast %get3A_123 : vector<1x16xi32> to vector<16xi32>
      %swap3A_125 = arith.constant 0 : index
      %swap3A_126 = tpu.vector_load %arg10[%swap3A_125] {strides = array<i32>} : memref<128xi32, #tpu.memory_space<vmem>>, vector<16xi32>,
      %swap3A_127 = vector.shape_cast %swap3A_126 : vector<16xi32> to vector<16xi32>
      %swap3A_128 = vector.shape_cast %get3A_124 : vector<16xi32> to vector<16xi32>
      tpu.vector_store %arg10[%swap3A_125], %swap3A_128 {strides = array<i32>} : memref<128xi32, #tpu.memory_space<vmem>>, vector<16xi32>,
      %get3A_129 = arith.constant 15 : i32
      %get3A_130 = arith.index_cast %get3A_129 : i32 to index
      %get3A_131 = arith.constant 16 : index
      %get3A_132 = tpu.vector_load %arg8[%get3A_130, %get3A_131] {strides = array<i32>} : memref<16x128xi32, #tpu.memory_space<vmem>>, vector<1x16xi32>,
      %get3A_133 = vector.shape_cast %get3A_132 : vector<1x16xi32> to vector<16xi32>
      %swap3A_134 = arith.constant 16 : index
      %swap3A_135 = tpu.vector_load %arg10[%swap3A_134] {strides = array<i32>} : memref<128xi32, #tpu.memory_space<vmem>>, vector<16xi32>,
      %swap3A_136 = vector.shape_cast %swap3A_135 : vector<16xi32> to vector<16xi32>
      %swap3A_137 = vector.shape_cast %get3A_133 : vector<16xi32> to vector<16xi32>
      tpu.vector_store %arg10[%swap3A_134], %swap3A_137 {strides = array<i32>} : memref<128xi32, #tpu.memory_space<vmem>>, vector<16xi32>,
      %get3A_138 = arith.constant 15 : i32
      %get3A_139 = arith.index_cast %get3A_138 : i32 to index
      %get3A_140 = arith.constant 32 : index
      %get3A_141 = tpu.vector_load %arg8[%get3A_139, %get3A_140] {strides = array<i32>} : memref<16x128xi32, #tpu.memory_space<vmem>>, vector<1x16xi32>,
      %get3A_142 = vector.shape_cast %get3A_141 : vector<1x16xi32> to vector<16xi32>
      %swap3A_143 = arith.constant 32 : index
      %swap3A_144 = tpu.vector_load %arg10[%swap3A_143] {strides = array<i32>} : memref<128xi32, #tpu.memory_space<vmem>>, vector<16xi32>,
      %swap3A_145 = vector.shape_cast %swap3A_144 : vector<16xi32> to vector<16xi32>
      %swap3A_146 = vector.shape_cast %get3A_142 : vector<16xi32> to vector<16xi32>
      tpu.vector_store %arg10[%swap3A_143], %swap3A_146 {strides = array<i32>} : memref<128xi32, #tpu.memory_space<vmem>>, vector<16xi32>,
      %get3A_147 = arith.constant 15 : i32
      %get3A_148 = arith.index_cast %get3A_147 : i32 to index
      %get3A_149 = arith.constant 48 : index
      %get3A_150 = tpu.vector_load %arg8[%get3A_148, %get3A_149] {strides = array<i32>} : memref<16x128xi32, #tpu.memory_space<vmem>>, vector<1x16xi32>,
      %get3A_151 = vector.shape_cast %get3A_150 : vector<1x16xi32> to vector<16xi32>
      %swap3A_152 = arith.constant 48 : index
      %swap3A_153 = tpu.vector_load %arg10[%swap3A_152] {strides = array<i32>} : memref<128xi32, #tpu.memory_space<vmem>>, vector<16xi32>,
      %swap3A_154 = vector.shape_cast %swap3A_153 : vector<16xi32> to vector<16xi32>
      %swap3A_155 = vector.shape_cast %get3A_151 : vector<16xi32> to vector<16xi32>
      tpu.vector_store %arg10[%swap3A_152], %swap3A_155 {strides = array<i32>} : memref<128xi32, #tpu.memory_space<vmem>>, vector<16xi32>,
      %get3A_156 = arith.constant 15 : i32
      %get3A_157 = arith.index_cast %get3A_156 : i32 to index
      %get3A_158 = arith.constant 64 : index
      %get3A_159 = tpu.vector_load %arg8[%get3A_157, %get3A_158] {strides = array<i32>} : memref<16x128xi32, #tpu.memory_space<vmem>>, vector<1x16xi32>,
      %get3A_160 = vector.shape_cast %get3A_159 : vector<1x16xi32> to vector<16xi32>
      %swap3A_161 = arith.constant 64 : index
      %swap3A_162 = tpu.vector_load %arg10[%swap3A_161] {strides = array<i32>} : memref<128xi32, #tpu.memory_space<vmem>>, vector<16xi32>,
      %swap3A_163 = vector.shape_cast %swap3A_162 : vector<16xi32> to vector<16xi32>
      %swap3A_164 = vector.shape_cast %get3A_160 : vector<16xi32> to vector<16xi32>
      tpu.vector_store %arg10[%swap3A_161], %swap3A_164 {strides = array<i32>} : memref<128xi32, #tpu.memory_space<vmem>>, vector<16xi32>,
      %get3A_165 = arith.constant 15 : i32
      %get3A_166 = arith.index_cast %get3A_165 : i32 to index
      %get3A_167 = arith.constant 80 : index
      %get3A_168 = tpu.vector_load %arg8[%get3A_166, %get3A_167] {strides = array<i32>} : memref<16x128xi32, #tpu.memory_space<vmem>>, vector<1x16xi32>,
      %get3A_169 = vector.shape_cast %get3A_168 : vector<1x16xi32> to vector<16xi32>
      %swap3A_170 = arith.constant 80 : index
      %swap3A_171 = tpu.vector_load %arg10[%swap3A_170] {strides = array<i32>} : memref<128xi32, #tpu.memory_space<vmem>>, vector<16xi32>,
      %swap3A_172 = vector.shape_cast %swap3A_171 : vector<16xi32> to vector<16xi32>
      %swap3A_173 = vector.shape_cast %get3A_169 : vector<16xi32> to vector<16xi32>
      tpu.vector_store %arg10[%swap3A_170], %swap3A_173 {strides = array<i32>} : memref<128xi32, #tpu.memory_space<vmem>>, vector<16xi32>,
      %get3A_174 = arith.constant 15 : i32
      %get3A_175 = arith.index_cast %get3A_174 : i32 to index
      %get3A_176 = arith.constant 96 : index
      %get3A_177 = tpu.vector_load %arg8[%get3A_175, %get3A_176] {strides = array<i32>} : memref<16x128xi32, #tpu.memory_space<vmem>>, vector<1x16xi32>,
      %get3A_178 = vector.shape_cast %get3A_177 : vector<1x16xi32> to vector<16xi32>
      %swap3A_179 = arith.constant 96 : index
      %swap3A_180 = tpu.vector_load %arg10[%swap3A_179] {strides = array<i32>} : memref<128xi32, #tpu.memory_space<vmem>>, vector<16xi32>,
      %swap3A_181 = vector.shape_cast %swap3A_180 : vector<16xi32> to vector<16xi32>
      %swap3A_182 = vector.shape_cast %get3A_178 : vector<16xi32> to vector<16xi32>
      tpu.vector_store %arg10[%swap3A_179], %swap3A_182 {strides = array<i32>} : memref<128xi32, #tpu.memory_space<vmem>>, vector<16xi32>,
      %get3A_183 = arith.constant 15 : i32
      %get3A_184 = arith.index_cast %get3A_183 : i32 to index
      %get3A_185 = arith.constant 112 : index
      %get3A_186 = tpu.vector_load %arg8[%get3A_184, %get3A_185] {strides = array<i32>} : memref<16x128xi32, #tpu.memory_space<vmem>>, vector<1x16xi32>,
      %get3A_187 = vector.shape_cast %get3A_186 : vector<1x16xi32> to vector<16xi32>
      %swap3A_188 = arith.constant 112 : index
      %swap3A_189 = tpu.vector_load %arg10[%swap3A_188] {strides = array<i32>} : memref<128xi32, #tpu.memory_space<vmem>>, vector<16xi32>,
      %swap3A_190 = vector.shape_cast %swap3A_189 : vector<16xi32> to vector<16xi32>
      %swap3A_191 = vector.shape_cast %get3A_187 : vector<16xi32> to vector<16xi32>
      tpu.vector_store %arg10[%swap3A_188], %swap3A_191 {strides = array<i32>} : memref<128xi32, #tpu.memory_space<vmem>>, vector<16xi32>,
      "tpu.region"() ({
        %run_scoped3A = tpu.sem_alloc : memref<!tpu.dma_semaphore, #tpu.memory_space<semaphore_mem>>
        %dma_start3A_192 = arith.constant 0 : i32
        %dma_start3A_193 = arith.constant 0 : i32
        %dma_start3A_194 = tpu.memref_slice %arg13[%dma_start3A_192, %dma_start3A_193] : memref<10112x128xf32, #tpu.memory_space<vmem_shared>> -> memref<10112x128xf32, #tpu.memory_space<vmem_shared>>
        tpu.enqueue_indirect_dma source(%arg12 : memref<128x128xf32, #tpu.memory_space<vmem>>) target(%dma_start3A_194 : memref<10112x128xf32, #tpu.memory_space<vmem_shared>>) offsets(%arg10 : memref<128xi32, #tpu.memory_space<vmem>>) semaphore(%run_scoped3A : memref<!tpu.dma_semaphore, #tpu.memory_space<semaphore_mem>>) {add = true}
        %dma_wait3A_195 = arith.constant 0 : i32
        %dma_wait3A_196 = arith.constant 0 : i32
        %dma_wait3A_197 = tpu.memref_slice %arg13[%dma_wait3A_195, %dma_wait3A_196] : memref<10112x128xf32, #tpu.memory_space<vmem_shared>> -> memref<10112x128xf32, #tpu.memory_space<vmem_shared>>
        tpu.wait_indirect_dma semaphore(%run_scoped3A : memref<!tpu.dma_semaphore, #tpu.memory_space<semaphore_mem>>) src(%arg12 : memref<128x128xf32, #tpu.memory_space<vmem>>) dst(%dma_wait3A_197 : memref<10112x128xf32, #tpu.memory_space<vmem_shared>>)
        tpu.yield
      }) : () -> ()
    }
    %scan3A_7 = arith.constant 5 : i32
    %barrier3A_8 = arith.constant 0 : index
    tpu.barrier barrier_id(%barrier3A_8)
    %mul3A_9 = arith.constant 10112 : i32
    %mul3A_10 = arith.muli %arg0, %mul3A_9 : i32
    %add3A_11 = arith.addi %mul3A_10, %mul3A_2 : i32
    "tpu.region"() ({
      %run_scoped3A = tpu.sem_alloc : memref<!tpu.dma_semaphore, #tpu.memory_space<semaphore_mem>>
      %dma_start3A = arith.constant 0 : i32
      %dma_start3A_12 = tpu.memref_slice %arg6[%add3A_11, %dma_start3A] : memref<20224x128xf32, #tpu.memory_space<hbm>> -> memref<632x128xf32, #tpu.memory_space<hbm>>
      %dma_start3A_13 = arith.constant 0 : i32
      %dma_start3A_14 = tpu.memref_slice %arg13[%mul3A_2, %dma_start3A_13] : memref<10112x128xf32, #tpu.memory_space<vmem_shared>> -> memref<632x128xf32, #tpu.memory_space<vmem_shared>>
      tpu.enqueue_dma source(%dma_start3A_14 : memref<632x128xf32, #tpu.memory_space<vmem_shared>>) target(%dma_start3A_12 : memref<632x128xf32, #tpu.memory_space<hbm>>) target_semaphore(%run_scoped3A : memref<!tpu.dma_semaphore, #tpu.memory_space<semaphore_mem>>)
      %dma_wait3A = arith.constant 0 : i32
      %dma_wait3A_15 = tpu.memref_slice %arg6[%add3A_11, %dma_wait3A] : memref<20224x128xf32, #tpu.memory_space<hbm>> -> memref<632x128xf32, #tpu.memory_space<hbm>>
      %dma_wait3A_16 = arith.constant 0 : i32
      %dma_wait3A_17 = tpu.memref_slice %arg13[%mul3A_2, %dma_wait3A_16] : memref<10112x128xf32, #tpu.memory_space<vmem_shared>> -> memref<632x128xf32, #tpu.memory_space<vmem_shared>>
      tpu.wait_dma2 semaphore(%run_scoped3A : memref<!tpu.dma_semaphore, #tpu.memory_space<semaphore_mem>>) src(%dma_wait3A_17 : memref<632x128xf32, #tpu.memory_space<vmem_shared>>) dst(%dma_wait3A_15 : memref<632x128xf32, #tpu.memory_space<hbm>>)
      tpu.yield
    }) : () -> ()
    return
  }
}

module attributes {stable_mosaic.version = 14 : i64} {
  func.func @_rdeg_body(%arg0: memref<20224x128xf32, #tpu.memory_space<vmem>>, %arg1: memref<10112x1xf32, #tpu.memory_space<vmem>>) attributes {dimension_semantics = [], scalar_prefetch = 0 : i64, scratch_operands = 0 : i64, tpu.core_type = #tpu.core_type<tc>} {
    %get3A = arith.constant 0 : index
    %get3A_0 = arith.constant 0 : index
    %get3A_1 = vector.load %arg0[%get3A, %get3A_0] : memref<20224x128xf32, #tpu.memory_space<vmem>>, vector<10112x1xf32>
    %get3A_2 = arith.constant 10112 : index
    %get3A_3 = arith.constant 0 : index
    %get3A_4 = vector.load %arg0[%get3A_2, %get3A_3] : memref<20224x128xf32, #tpu.memory_space<vmem>>, vector<10112x1xf32>
    %add3A = arith.addf %get3A_1, %get3A_4 : vector<10112x1xf32>
    %max3A = arith.constant 1.000000e+00 : f32
    %max3A_5 = vector.broadcast %max3A : f32 to vector<10112x1xf32>
    %max3A_6 = arith.maximumf %add3A, %max3A_5 : vector<10112x1xf32>
    %div3A = arith.constant 1.000000e+00 : f32
    %div3A_7 = vector.broadcast %div3A : f32 to vector<10112x1xf32>
    %div3A_8 = arith.divf %div3A_7, %max3A_6 : vector<10112x1xf32>
    %swap3A = arith.constant 0 : index
    %swap3A_9 = arith.constant 0 : index
    %swap3A_10 = vector.load %arg1[%swap3A, %swap3A_9] : memref<10112x1xf32, #tpu.memory_space<vmem>>, vector<10112x1xf32>
    tpu.vector_store %arg1[%swap3A, %swap3A_9], %div3A_8 {strides = array<i32>} : memref<10112x1xf32, #tpu.memory_space<vmem>>, vector<10112x1xf32>,
    return
  }
}

module attributes {stable_mosaic.version = 14 : i64} {
  func.func @_layer_body(%arg0: memref<10112x128xf32, #tpu.memory_space<vmem>>, %arg1: memref<10112x128xf32, #tpu.memory_space<vmem>>, %arg2: memref<10112x1xf32, #tpu.memory_space<vmem>>, %arg3: memref<10000x128xf32, #tpu.memory_space<vmem>>, %arg4: memref<128x128xf32, #tpu.memory_space<vmem>>, %arg5: memref<128x128xf32, #tpu.memory_space<vmem>>, %arg6: memref<1x128xf32, #tpu.memory_space<vmem>>, %arg7: memref<1x128xf32, #tpu.memory_space<vmem>>, %arg8: memref<1x128xf32, #tpu.memory_space<vmem>>, %arg9: memref<1x128xf32, #tpu.memory_space<vmem>>, %arg10: memref<10000x128xf32, #tpu.memory_space<vmem>>) attributes {dimension_semantics = [], scalar_prefetch = 0 : i64, scratch_operands = 0 : i64, tpu.core_type = #tpu.core_type<tc>} {
    %get3A = arith.constant 0 : index
    %get3A_0 = arith.constant 0 : index
    %get3A_1 = vector.load %arg0[%get3A, %get3A_0] : memref<10112x128xf32, #tpu.memory_space<vmem>>, vector<10112x128xf32>
    %get3A_2 = arith.constant 0 : index
    %get3A_3 = arith.constant 0 : index
    %get3A_4 = vector.load %arg1[%get3A_2, %get3A_3] : memref<10112x128xf32, #tpu.memory_space<vmem>>, vector<10112x128xf32>
    %add3A = arith.addf %get3A_1, %get3A_4 : vector<10112x128xf32>
    %slice3A = vector.extract_strided_slice %add3A {offsets = [0, 0], sizes = [10000, 128], strides = [1, 1]} : vector<10112x128xf32> to vector<10000x128xf32>
    %get3A_5 = arith.constant 0 : index
    %get3A_6 = arith.constant 0 : index
    %get3A_7 = vector.load %arg2[%get3A_5, %get3A_6] : memref<10112x1xf32, #tpu.memory_space<vmem>>, vector<10112x1xf32>
    %slice3A_8 = vector.extract_strided_slice %get3A_7 {offsets = [0, 0], sizes = [10000, 1], strides = [1, 1]} : vector<10112x1xf32> to vector<10000x1xf32>
    %mul3A = vector.broadcast %slice3A_8 : vector<10000x1xf32> to vector<10000x128xf32>
    %mul3A_9 = arith.mulf %slice3A, %mul3A : vector<10000x128xf32>
    %get3A_10 = arith.constant 0 : index
    %get3A_11 = arith.constant 0 : index
    %get3A_12 = vector.load %arg4[%get3A_10, %get3A_11] : memref<128x128xf32, #tpu.memory_space<vmem>>, vector<128x128xf32>
    %dot_general3A = arith.constant dense<0.000000e+00> : vector<10000x128xf32>
    %dot_general3A_13 = tpu.matmul %mul3A_9, %get3A_12, %dot_general3A {dimension_numbers = #tpu.dot_dimension_numbers<[1], [0], [0], [1], [0, 0, 1, 1], [], []>, transpose_lhs_hint = false} : vector<10000x128xf32>, vector<128x128xf32>, vector<10000x128xf32> -> vector<10000x128xf32>
    %get3A_14 = arith.constant 0 : index
    %get3A_15 = arith.constant 0 : index
    %get3A_16 = vector.load %arg3[%get3A_14, %get3A_15] : memref<10000x128xf32, #tpu.memory_space<vmem>>, vector<10000x128xf32>
    %get3A_17 = arith.constant 0 : index
    %get3A_18 = arith.constant 0 : index
    %get3A_19 = vector.load %arg5[%get3A_17, %get3A_18] : memref<128x128xf32, #tpu.memory_space<vmem>>, vector<128x128xf32>
    %dot_general3A_20 = arith.constant dense<0.000000e+00> : vector<10000x128xf32>
    %dot_general3A_21 = tpu.matmul %get3A_16, %get3A_19, %dot_general3A_20 {dimension_numbers = #tpu.dot_dimension_numbers<[1], [0], [0], [1], [0, 0, 1, 1], [], []>, transpose_lhs_hint = false} : vector<10000x128xf32>, vector<128x128xf32>, vector<10000x128xf32> -> vector<10000x128xf32>
    %add3A_22 = arith.addf %dot_general3A_13, %dot_general3A_21 : vector<10000x128xf32>
    %get3A_23 = arith.constant 0 : index
    %get3A_24 = arith.constant 0 : index
    %get3A_25 = vector.load %arg6[%get3A_23, %get3A_24] : memref<1x128xf32, #tpu.memory_space<vmem>>, vector<1x128xf32>
    %add3A_26 = vector.broadcast %get3A_25 : vector<1x128xf32> to vector<10000x128xf32>
    %add3A_27 = arith.addf %add3A_22, %add3A_26 : vector<10000x128xf32>
    %reduce_sum3A = arith.constant dense<0.000000e+00> : vector<128xf32>
    %reduce_sum3A_28 = vector.multi_reduction <add>, %add3A_27, %reduce_sum3A [0] : vector<10000x128xf32> to vector<128xf32>
    %broadcast_in_dim3A = vector.shape_cast %reduce_sum3A_28 : vector<128xf32> to vector<1x128xf32>
    %div3A = arith.constant 1.000000e+04 : f32
    %div3A_29 = vector.broadcast %div3A : f32 to vector<1x128xf32>
    %div3A_30 = arith.divf %broadcast_in_dim3A, %div3A_29 : vector<1x128xf32>
    %get3A_31 = arith.constant 0 : index
    %get3A_32 = arith.constant 0 : index
    %get3A_33 = vector.load %arg9[%get3A_31, %get3A_32] : memref<1x128xf32, #tpu.memory_space<vmem>>, vector<1x128xf32>
    %mul3A_34 = arith.mulf %get3A_33, %div3A_30 : vector<1x128xf32>
    %sub3A = vector.broadcast %mul3A_34 : vector<1x128xf32> to vector<10000x128xf32>
    %sub3A_35 = arith.subf %add3A_27, %sub3A : vector<10000x128xf32>
    %mul3A_36 = arith.mulf %sub3A_35, %sub3A_35 : vector<10000x128xf32>
    %reduce_sum3A_37 = arith.constant dense<0.000000e+00> : vector<128xf32>
    %reduce_sum3A_38 = vector.multi_reduction <add>, %mul3A_36, %reduce_sum3A_37 [0] : vector<10000x128xf32> to vector<128xf32>
    %broadcast_in_dim3A_39 = vector.shape_cast %reduce_sum3A_38 : vector<128xf32> to vector<1x128xf32>
    %div3A_40 = arith.constant 1.000000e+04 : f32
    %div3A_41 = vector.broadcast %div3A_40 : f32 to vector<1x128xf32>
    %div3A_42 = arith.divf %broadcast_in_dim3A_39, %div3A_41 : vector<1x128xf32>
    %get3A_43 = arith.constant 0 : index
    %get3A_44 = arith.constant 0 : index
    %get3A_45 = vector.load %arg7[%get3A_43, %get3A_44] : memref<1x128xf32, #tpu.memory_space<vmem>>, vector<1x128xf32>
    %mul3A_46 = vector.broadcast %get3A_45 : vector<1x128xf32> to vector<10000x128xf32>
    %mul3A_47 = arith.mulf %mul3A_46, %sub3A_35 : vector<10000x128xf32>
    %add3A_48 = arith.constant 9.99999974E-6 : f32
    %add3A_49 = vector.broadcast %add3A_48 : f32 to vector<1x128xf32>
    %add3A_50 = arith.addf %div3A_42, %add3A_49 : vector<1x128xf32>
    %rsqrt3A = math.rsqrt %add3A_50 : vector<1x128xf32>
    %mul3A_51 = vector.broadcast %rsqrt3A : vector<1x128xf32> to vector<10000x128xf32>
    %mul3A_52 = arith.mulf %mul3A_47, %mul3A_51 : vector<10000x128xf32>
    %get3A_53 = arith.constant 0 : index
    %get3A_54 = arith.constant 0 : index
    %get3A_55 = vector.load %arg8[%get3A_53, %get3A_54] : memref<1x128xf32, #tpu.memory_space<vmem>>, vector<1x128xf32>
    %add3A_56 = vector.broadcast %get3A_55 : vector<1x128xf32> to vector<10000x128xf32>
    %add3A_57 = arith.addf %mul3A_52, %add3A_56 : vector<10000x128xf32>
    %max3A = arith.constant 0.000000e+00 : f32
    %max3A_58 = vector.broadcast %max3A : f32 to vector<10000x128xf32>
    %max3A_59 = arith.maximumf %add3A_57, %max3A_58 : vector<10000x128xf32>
    %swap3A = arith.constant 0 : index
    %swap3A_60 = arith.constant 0 : index
    %swap3A_61 = vector.load %arg10[%swap3A, %swap3A_60] : memref<10000x128xf32, #tpu.memory_space<vmem>>, vector<10000x128xf32>
    tpu.vector_store %arg10[%swap3A, %swap3A_60], %max3A_59 {strides = array<i32>} : memref<10000x128xf32, #tpu.memory_space<vmem>>, vector<10000x128xf32>,
    return
  }
}

module attributes {stable_mosaic.version = 14 : i64} {
  func.func @_heads_body(%arg0: i32, %arg1: memref<2000x128xf32, #tpu.memory_space<vmem>>, %arg2: memref<5x128x256xf32, #tpu.memory_space<vmem>>, %arg3: memref<5x256xf32, #tpu.memory_space<vmem>>, %arg4: memref<5x256x128xf32, #tpu.memory_space<vmem>>, %arg5: memref<5x128xf32, #tpu.memory_space<vmem>>, %arg6: memref<128x7xf32, #tpu.memory_space<vmem>>, %arg7: memref<128x2xf32, #tpu.memory_space<vmem>>, %arg8: memref<128x5xf32, #tpu.memory_space<vmem>>, %arg9: memref<128x4xf32, #tpu.memory_space<vmem>>, %arg10: memref<128x4xf32, #tpu.memory_space<vmem>>, %arg11: memref<1x7xf32, #tpu.memory_space<vmem>>, %arg12: memref<1x2xf32, #tpu.memory_space<vmem>>, %arg13: memref<1x5xf32, #tpu.memory_space<vmem>>, %arg14: memref<1x4xf32, #tpu.memory_space<vmem>>, %arg15: memref<1x4xf32, #tpu.memory_space<vmem>>, %arg16: memref<2000x7xf32, #tpu.memory_space<vmem>>, %arg17: memref<2000x2xf32, #tpu.memory_space<vmem>>, %arg18: memref<2000x5xf32, #tpu.memory_space<vmem>>, %arg19: memref<2000x4xf32, #tpu.memory_space<vmem>>, %arg20: memref<2000x4xf32, #tpu.memory_space<vmem>>) attributes {dimension_semantics = [#tpu.dimension_semantics<arbitrary>], iteration_bounds = array<i64: 5>, scalar_prefetch = 0 : i64, scratch_operands = 0 : i64, tpu.core_type = #tpu.core_type<tc>, window_params = [{transform_indices = @transform_0, window_bounds = array<i64: 2000, 128>}, {pipeline_mode = #tpu.pipeline_mode<synchronous>, transform_indices = @transform_1, window_bounds = array<i64: 5, 128, 256>}, {pipeline_mode = #tpu.pipeline_mode<synchronous>, transform_indices = @transform_2, window_bounds = array<i64: 5, 256>}, {pipeline_mode = #tpu.pipeline_mode<synchronous>, transform_indices = @transform_3, window_bounds = array<i64: 5, 256, 128>}, {pipeline_mode = #tpu.pipeline_mode<synchronous>, transform_indices = @transform_4, window_bounds = array<i64: 5, 128>}, {pipeline_mode = #tpu.pipeline_mode<synchronous>, transform_indices = @transform_5, window_bounds = array<i64: 128, 7>}, {pipeline_mode = #tpu.pipeline_mode<synchronous>, transform_indices = @transform_6, window_bounds = array<i64: 128, 2>}, {pipeline_mode = #tpu.pipeline_mode<synchronous>, transform_indices = @transform_7, window_bounds = array<i64: 128, 5>}, {pipeline_mode = #tpu.pipeline_mode<synchronous>, transform_indices = @transform_8, window_bounds = array<i64: 128, 4>}, {pipeline_mode = #tpu.pipeline_mode<synchronous>, transform_indices = @transform_9, window_bounds = array<i64: 128, 4>}, {pipeline_mode = #tpu.pipeline_mode<synchronous>, transform_indices = @transform_10, window_bounds = array<i64: 1, 7>}, {pipeline_mode = #tpu.pipeline_mode<synchronous>, transform_indices = @transform_11, window_bounds = array<i64: 1, 2>}, {pipeline_mode = #tpu.pipeline_mode<synchronous>, transform_indices = @transform_12, window_bounds = array<i64: 1, 5>}, {pipeline_mode = #tpu.pipeline_mode<synchronous>, transform_indices = @transform_13, window_bounds = array<i64: 1, 4>}, {pipeline_mode = #tpu.pipeline_mode<synchronous>, transform_indices = @transform_14, window_bounds = array<i64: 1, 4>}, {transform_indices = @transform_15, window_bounds = array<i64: 2000, 7>}, {transform_indices = @transform_16, window_bounds = array<i64: 2000, 2>}, {transform_indices = @transform_17, window_bounds = array<i64: 2000, 5>}, {transform_indices = @transform_18, window_bounds = array<i64: 2000, 4>}, {transform_indices = @transform_19, window_bounds = array<i64: 2000, 4>}]} {
    %get3A = arith.constant 0 : index
    %get3A_0 = arith.constant 0 : index
    %get3A_1 = vector.load %arg1[%get3A, %get3A_0] : memref<2000x128xf32, #tpu.memory_space<vmem>>, vector<2000x128xf32>
    %get3A_2 = arith.constant 0 : index
    %get3A_3 = arith.constant 0 : index
    %get3A_4 = arith.constant 0 : index
    %get3A_5 = vector.load %arg2[%get3A_2, %get3A_3, %get3A_4] : memref<5x128x256xf32, #tpu.memory_space<vmem>>, vector<1x128x256xf32>
    %get3A_6 = vector.shape_cast %get3A_5 : vector<1x128x256xf32> to vector<128x256xf32>
    %dot_general3A = arith.constant dense<0.000000e+00> : vector<2000x256xf32>
    %dot_general3A_7 = tpu.matmul %get3A_1, %get3A_6, %dot_general3A {dimension_numbers = #tpu.dot_dimension_numbers<[1], [0], [0], [1], [0, 0, 1, 1], [], []>, transpose_lhs_hint = false} : vector<2000x128xf32>, vector<128x256xf32>, vector<2000x256xf32> -> vector<2000x256xf32>
    %get3A_8 = arith.constant 0 : index
    %get3A_9 = arith.constant 0 : index
    %get3A_10 = vector.load %arg3[%get3A_8, %get3A_9] : memref<5x256xf32, #tpu.memory_space<vmem>>, vector<1x256xf32>
    %get3A_11 = vector.shape_cast %get3A_10 : vector<1x256xf32> to vector<256xf32>
    %broadcast_in_dim3A = vector.shape_cast %get3A_11 : vector<256xf32> to vector<1x256xf32>
    %add3A = vector.broadcast %broadcast_in_dim3A : vector<1x256xf32> to vector<2000x256xf32>
    %add3A_12 = arith.addf %dot_general3A_7, %add3A : vector<2000x256xf32>
    %max3A = arith.constant 0.000000e+00 : f32
    %max3A_13 = vector.broadcast %max3A : f32 to vector<2000x256xf32>
    %max3A_14 = arith.maximumf %add3A_12, %max3A_13 : vector<2000x256xf32>
    %get3A_15 = arith.constant 0 : index
    %get3A_16 = arith.constant 0 : index
    %get3A_17 = arith.constant 0 : index
    %get3A_18 = vector.load %arg4[%get3A_15, %get3A_16, %get3A_17] : memref<5x256x128xf32, #tpu.memory_space<vmem>>, vector<1x256x128xf32>
    %get3A_19 = vector.shape_cast %get3A_18 : vector<1x256x128xf32> to vector<256x128xf32>
    %dot_general3A_20 = arith.constant dense<0.000000e+00> : vector<2000x128xf32>
    %dot_general3A_21 = tpu.matmul %max3A_14, %get3A_19, %dot_general3A_20 {dimension_numbers = #tpu.dot_dimension_numbers<[1], [0], [0], [1], [0, 0, 1, 1], [], []>, transpose_lhs_hint = false} : vector<2000x256xf32>, vector<256x128xf32>, vector<2000x128xf32> -> vector<2000x128xf32>
    %get3A_22 = arith.constant 0 : index
    %get3A_23 = arith.constant 0 : index
    %get3A_24 = vector.load %arg5[%get3A_22, %get3A_23] : memref<5x128xf32, #tpu.memory_space<vmem>>, vector<1x128xf32>
    %get3A_25 = vector.shape_cast %get3A_24 : vector<1x128xf32> to vector<128xf32>
    %broadcast_in_dim3A_26 = vector.shape_cast %get3A_25 : vector<128xf32> to vector<1x128xf32>
    %add3A_27 = vector.broadcast %broadcast_in_dim3A_26 : vector<1x128xf32> to vector<2000x128xf32>
    %add3A_28 = arith.addf %dot_general3A_21, %add3A_27 : vector<2000x128xf32>
    %max3A_29 = arith.constant 0.000000e+00 : f32
    %max3A_30 = vector.broadcast %max3A_29 : f32 to vector<2000x128xf32>
    %max3A_31 = arith.maximumf %add3A_28, %max3A_30 : vector<2000x128xf32>
    %get3A_32 = arith.constant 0 : index
    %get3A_33 = arith.constant 0 : index
    %get3A_34 = vector.load %arg6[%get3A_32, %get3A_33] : memref<128x7xf32, #tpu.memory_space<vmem>>, vector<128x7xf32>
    %dot_general3A_35 = arith.constant dense<0.000000e+00> : vector<2000x7xf32>
    %dot_general3A_36 = tpu.matmul %max3A_31, %get3A_34, %dot_general3A_35 {dimension_numbers = #tpu.dot_dimension_numbers<[1], [0], [0], [1], [0, 0, 1, 1], [], []>, transpose_lhs_hint = false} : vector<2000x128xf32>, vector<128x7xf32>, vector<2000x7xf32> -> vector<2000x7xf32>
    %get3A_37 = arith.constant 0 : index
    %get3A_38 = arith.constant 0 : index
    %get3A_39 = vector.load %arg11[%get3A_37, %get3A_38] : memref<1x7xf32, #tpu.memory_space<vmem>>, vector<1x7xf32>
    %add3A_40 = vector.broadcast %get3A_39 : vector<1x7xf32> to vector<2000x7xf32>
    %add3A_41 = arith.addf %dot_general3A_36, %add3A_40 : vector<2000x7xf32>
    %swap3A = arith.constant 0 : index
    %swap3A_42 = arith.constant 0 : index
    %swap3A_43 = vector.load %arg16[%swap3A, %swap3A_42] : memref<2000x7xf32, #tpu.memory_space<vmem>>, vector<2000x7xf32>
    tpu.vector_store %arg16[%swap3A, %swap3A_42], %add3A_41 {strides = array<i32>} : memref<2000x7xf32, #tpu.memory_space<vmem>>, vector<2000x7xf32>,
    %get3A_44 = arith.constant 1 : index
    %get3A_45 = arith.constant 0 : index
    %get3A_46 = arith.constant 0 : index
    %get3A_47 = vector.load %arg2[%get3A_44, %get3A_45, %get3A_46] : memref<5x128x256xf32, #tpu.memory_space<vmem>>, vector<1x128x256xf32>
    %get3A_48 = vector.shape_cast %get3A_47 : vector<1x128x256xf32> to vector<128x256xf32>
    %dot_general3A_49 = arith.constant dense<0.000000e+00> : vector<2000x256xf32>
    %dot_general3A_50 = tpu.matmul %get3A_1, %get3A_48, %dot_general3A_49 {dimension_numbers = #tpu.dot_dimension_numbers<[1], [0], [0], [1], [0, 0, 1, 1], [], []>, transpose_lhs_hint = false} : vector<2000x128xf32>, vector<128x256xf32>, vector<2000x256xf32> -> vector<2000x256xf32>
    %get3A_51 = arith.constant 1 : index
    %get3A_52 = arith.constant 0 : index
    %get3A_53 = vector.load %arg3[%get3A_51, %get3A_52] : memref<5x256xf32, #tpu.memory_space<vmem>>, vector<1x256xf32>
    %get3A_54 = vector.shape_cast %get3A_53 : vector<1x256xf32> to vector<256xf32>
    %broadcast_in_dim3A_55 = vector.shape_cast %get3A_54 : vector<256xf32> to vector<1x256xf32>
    %add3A_56 = vector.broadcast %broadcast_in_dim3A_55 : vector<1x256xf32> to vector<2000x256xf32>
    %add3A_57 = arith.addf %dot_general3A_50, %add3A_56 : vector<2000x256xf32>
    %max3A_58 = arith.constant 0.000000e+00 : f32
    %max3A_59 = vector.broadcast %max3A_58 : f32 to vector<2000x256xf32>
    %max3A_60 = arith.maximumf %add3A_57, %max3A_59 : vector<2000x256xf32>
    %get3A_61 = arith.constant 1 : index
    %get3A_62 = arith.constant 0 : index
    %get3A_63 = arith.constant 0 : index
    %get3A_64 = vector.load %arg4[%get3A_61, %get3A_62, %get3A_63] : memref<5x256x128xf32, #tpu.memory_space<vmem>>, vector<1x256x128xf32>
    %get3A_65 = vector.shape_cast %get3A_64 : vector<1x256x128xf32> to vector<256x128xf32>
    %dot_general3A_66 = arith.constant dense<0.000000e+00> : vector<2000x128xf32>
    %dot_general3A_67 = tpu.matmul %max3A_60, %get3A_65, %dot_general3A_66 {dimension_numbers = #tpu.dot_dimension_numbers<[1], [0], [0], [1], [0, 0, 1, 1], [], []>, transpose_lhs_hint = false} : vector<2000x256xf32>, vector<256x128xf32>, vector<2000x128xf32> -> vector<2000x128xf32>
    %get3A_68 = arith.constant 1 : index
    %get3A_69 = arith.constant 0 : index
    %get3A_70 = vector.load %arg5[%get3A_68, %get3A_69] : memref<5x128xf32, #tpu.memory_space<vmem>>, vector<1x128xf32>
    %get3A_71 = vector.shape_cast %get3A_70 : vector<1x128xf32> to vector<128xf32>
    %broadcast_in_dim3A_72 = vector.shape_cast %get3A_71 : vector<128xf32> to vector<1x128xf32>
    %add3A_73 = vector.broadcast %broadcast_in_dim3A_72 : vector<1x128xf32> to vector<2000x128xf32>
    %add3A_74 = arith.addf %dot_general3A_67, %add3A_73 : vector<2000x128xf32>
    %max3A_75 = arith.constant 0.000000e+00 : f32
    %max3A_76 = vector.broadcast %max3A_75 : f32 to vector<2000x128xf32>
    %max3A_77 = arith.maximumf %add3A_74, %max3A_76 : vector<2000x128xf32>
    %get3A_78 = arith.constant 0 : index
    %get3A_79 = arith.constant 0 : index
    %get3A_80 = vector.load %arg7[%get3A_78, %get3A_79] : memref<128x2xf32, #tpu.memory_space<vmem>>, vector<128x2xf32>
    %dot_general3A_81 = arith.constant dense<0.000000e+00> : vector<2000x2xf32>
    %dot_general3A_82 = tpu.matmul %max3A_77, %get3A_80, %dot_general3A_81 {dimension_numbers = #tpu.dot_dimension_numbers<[1], [0], [0], [1], [0, 0, 1, 1], [], []>, transpose_lhs_hint = false} : vector<2000x128xf32>, vector<128x2xf32>, vector<2000x2xf32> -> vector<2000x2xf32>
    %get3A_83 = arith.constant 0 : index
    %get3A_84 = arith.constant 0 : index
    %get3A_85 = vector.load %arg12[%get3A_83, %get3A_84] : memref<1x2xf32, #tpu.memory_space<vmem>>, vector<1x2xf32>
    %add3A_86 = vector.broadcast %get3A_85 : vector<1x2xf32> to vector<2000x2xf32>
    %add3A_87 = arith.addf %dot_general3A_82, %add3A_86 : vector<2000x2xf32>
    %swap3A_88 = arith.constant 0 : index
    %swap3A_89 = arith.constant 0 : index
    %swap3A_90 = vector.load %arg17[%swap3A_88, %swap3A_89] : memref<2000x2xf32, #tpu.memory_space<vmem>>, vector<2000x2xf32>
    tpu.vector_store %arg17[%swap3A_88, %swap3A_89], %add3A_87 {strides = array<i32>} : memref<2000x2xf32, #tpu.memory_space<vmem>>, vector<2000x2xf32>,
    %get3A_91 = arith.constant 2 : index
    %get3A_92 = arith.constant 0 : index
    %get3A_93 = arith.constant 0 : index
    %get3A_94 = vector.load %arg2[%get3A_91, %get3A_92, %get3A_93] : memref<5x128x256xf32, #tpu.memory_space<vmem>>, vector<1x128x256xf32>
    %get3A_95 = vector.shape_cast %get3A_94 : vector<1x128x256xf32> to vector<128x256xf32>
    %dot_general3A_96 = arith.constant dense<0.000000e+00> : vector<2000x256xf32>
    %dot_general3A_97 = tpu.matmul %get3A_1, %get3A_95, %dot_general3A_96 {dimension_numbers = #tpu.dot_dimension_numbers<[1], [0], [0], [1], [0, 0, 1, 1], [], []>, transpose_lhs_hint = false} : vector<2000x128xf32>, vector<128x256xf32>, vector<2000x256xf32> -> vector<2000x256xf32>
    %get3A_98 = arith.constant 2 : index
    %get3A_99 = arith.constant 0 : index
    %get3A_100 = vector.load %arg3[%get3A_98, %get3A_99] : memref<5x256xf32, #tpu.memory_space<vmem>>, vector<1x256xf32>
    %get3A_101 = vector.shape_cast %get3A_100 : vector<1x256xf32> to vector<256xf32>
    %broadcast_in_dim3A_102 = vector.shape_cast %get3A_101 : vector<256xf32> to vector<1x256xf32>
    %add3A_103 = vector.broadcast %broadcast_in_dim3A_102 : vector<1x256xf32> to vector<2000x256xf32>
    %add3A_104 = arith.addf %dot_general3A_97, %add3A_103 : vector<2000x256xf32>
    %max3A_105 = arith.constant 0.000000e+00 : f32
    %max3A_106 = vector.broadcast %max3A_105 : f32 to vector<2000x256xf32>
    %max3A_107 = arith.maximumf %add3A_104, %max3A_106 : vector<2000x256xf32>
    %get3A_108 = arith.constant 2 : index
    %get3A_109 = arith.constant 0 : index
    %get3A_110 = arith.constant 0 : index
    %get3A_111 = vector.load %arg4[%get3A_108, %get3A_109, %get3A_110] : memref<5x256x128xf32, #tpu.memory_space<vmem>>, vector<1x256x128xf32>
    %get3A_112 = vector.shape_cast %get3A_111 : vector<1x256x128xf32> to vector<256x128xf32>
    %dot_general3A_113 = arith.constant dense<0.000000e+00> : vector<2000x128xf32>
    %dot_general3A_114 = tpu.matmul %max3A_107, %get3A_112, %dot_general3A_113 {dimension_numbers = #tpu.dot_dimension_numbers<[1], [0], [0], [1], [0, 0, 1, 1], [], []>, transpose_lhs_hint = false} : vector<2000x256xf32>, vector<256x128xf32>, vector<2000x128xf32> -> vector<2000x128xf32>
    %get3A_115 = arith.constant 2 : index
    %get3A_116 = arith.constant 0 : index
    %get3A_117 = vector.load %arg5[%get3A_115, %get3A_116] : memref<5x128xf32, #tpu.memory_space<vmem>>, vector<1x128xf32>
    %get3A_118 = vector.shape_cast %get3A_117 : vector<1x128xf32> to vector<128xf32>
    %broadcast_in_dim3A_119 = vector.shape_cast %get3A_118 : vector<128xf32> to vector<1x128xf32>
    %add3A_120 = vector.broadcast %broadcast_in_dim3A_119 : vector<1x128xf32> to vector<2000x128xf32>
    %add3A_121 = arith.addf %dot_general3A_114, %add3A_120 : vector<2000x128xf32>
    %max3A_122 = arith.constant 0.000000e+00 : f32
    %max3A_123 = vector.broadcast %max3A_122 : f32 to vector<2000x128xf32>
    %max3A_124 = arith.maximumf %add3A_121, %max3A_123 : vector<2000x128xf32>
    %get3A_125 = arith.constant 0 : index
    %get3A_126 = arith.constant 0 : index
    %get3A_127 = vector.load %arg8[%get3A_125, %get3A_126] : memref<128x5xf32, #tpu.memory_space<vmem>>, vector<128x5xf32>
    %dot_general3A_128 = arith.constant dense<0.000000e+00> : vector<2000x5xf32>
    %dot_general3A_129 = tpu.matmul %max3A_124, %get3A_127, %dot_general3A_128 {dimension_numbers = #tpu.dot_dimension_numbers<[1], [0], [0], [1], [0, 0, 1, 1], [], []>, transpose_lhs_hint = false} : vector<2000x128xf32>, vector<128x5xf32>, vector<2000x5xf32> -> vector<2000x5xf32>
    %get3A_130 = arith.constant 0 : index
    %get3A_131 = arith.constant 0 : index
    %get3A_132 = vector.load %arg13[%get3A_130, %get3A_131] : memref<1x5xf32, #tpu.memory_space<vmem>>, vector<1x5xf32>
    %add3A_133 = vector.broadcast %get3A_132 : vector<1x5xf32> to vector<2000x5xf32>
    %add3A_134 = arith.addf %dot_general3A_129, %add3A_133 : vector<2000x5xf32>
    %swap3A_135 = arith.constant 0 : index
    %swap3A_136 = arith.constant 0 : index
    %swap3A_137 = vector.load %arg18[%swap3A_135, %swap3A_136] : memref<2000x5xf32, #tpu.memory_space<vmem>>, vector<2000x5xf32>
    tpu.vector_store %arg18[%swap3A_135, %swap3A_136], %add3A_134 {strides = array<i32>} : memref<2000x5xf32, #tpu.memory_space<vmem>>, vector<2000x5xf32>,
    %get3A_138 = arith.constant 3 : index
    %get3A_139 = arith.constant 0 : index
    %get3A_140 = arith.constant 0 : index
    %get3A_141 = vector.load %arg2[%get3A_138, %get3A_139, %get3A_140] : memref<5x128x256xf32, #tpu.memory_space<vmem>>, vector<1x128x256xf32>
    %get3A_142 = vector.shape_cast %get3A_141 : vector<1x128x256xf32> to vector<128x256xf32>
    %dot_general3A_143 = arith.constant dense<0.000000e+00> : vector<2000x256xf32>
    %dot_general3A_144 = tpu.matmul %get3A_1, %get3A_142, %dot_general3A_143 {dimension_numbers = #tpu.dot_dimension_numbers<[1], [0], [0], [1], [0, 0, 1, 1], [], []>, transpose_lhs_hint = false} : vector<2000x128xf32>, vector<128x256xf32>, vector<2000x256xf32> -> vector<2000x256xf32>
    %get3A_145 = arith.constant 3 : index
    %get3A_146 = arith.constant 0 : index
    %get3A_147 = vector.load %arg3[%get3A_145, %get3A_146] : memref<5x256xf32, #tpu.memory_space<vmem>>, vector<1x256xf32>
    %get3A_148 = vector.shape_cast %get3A_147 : vector<1x256xf32> to vector<256xf32>
    %broadcast_in_dim3A_149 = vector.shape_cast %get3A_148 : vector<256xf32> to vector<1x256xf32>
    %add3A_150 = vector.broadcast %broadcast_in_dim3A_149 : vector<1x256xf32> to vector<2000x256xf32>
    %add3A_151 = arith.addf %dot_general3A_144, %add3A_150 : vector<2000x256xf32>
    %max3A_152 = arith.constant 0.000000e+00 : f32
    %max3A_153 = vector.broadcast %max3A_152 : f32 to vector<2000x256xf32>
    %max3A_154 = arith.maximumf %add3A_151, %max3A_153 : vector<2000x256xf32>
    %get3A_155 = arith.constant 3 : index
    %get3A_156 = arith.constant 0 : index
    %get3A_157 = arith.constant 0 : index
    %get3A_158 = vector.load %arg4[%get3A_155, %get3A_156, %get3A_157] : memref<5x256x128xf32, #tpu.memory_space<vmem>>, vector<1x256x128xf32>
    %get3A_159 = vector.shape_cast %get3A_158 : vector<1x256x128xf32> to vector<256x128xf32>
    %dot_general3A_160 = arith.constant dense<0.000000e+00> : vector<2000x128xf32>
    %dot_general3A_161 = tpu.matmul %max3A_154, %get3A_159, %dot_general3A_160 {dimension_numbers = #tpu.dot_dimension_numbers<[1], [0], [0], [1], [0, 0, 1, 1], [], []>, transpose_lhs_hint = false} : vector<2000x256xf32>, vector<256x128xf32>, vector<2000x128xf32> -> vector<2000x128xf32>
    %get3A_162 = arith.constant 3 : index
    %get3A_163 = arith.constant 0 : index
    %get3A_164 = vector.load %arg5[%get3A_162, %get3A_163] : memref<5x128xf32, #tpu.memory_space<vmem>>, vector<1x128xf32>
    %get3A_165 = vector.shape_cast %get3A_164 : vector<1x128xf32> to vector<128xf32>
    %broadcast_in_dim3A_166 = vector.shape_cast %get3A_165 : vector<128xf32> to vector<1x128xf32>
    %add3A_167 = vector.broadcast %broadcast_in_dim3A_166 : vector<1x128xf32> to vector<2000x128xf32>
    %add3A_168 = arith.addf %dot_general3A_161, %add3A_167 : vector<2000x128xf32>
    %max3A_169 = arith.constant 0.000000e+00 : f32
    %max3A_170 = vector.broadcast %max3A_169 : f32 to vector<2000x128xf32>
    %max3A_171 = arith.maximumf %add3A_168, %max3A_170 : vector<2000x128xf32>
    %get3A_172 = arith.constant 0 : index
    %get3A_173 = arith.constant 0 : index
    %get3A_174 = vector.load %arg9[%get3A_172, %get3A_173] : memref<128x4xf32, #tpu.memory_space<vmem>>, vector<128x4xf32>
    %dot_general3A_175 = arith.constant dense<0.000000e+00> : vector<2000x4xf32>
    %dot_general3A_176 = tpu.matmul %max3A_171, %get3A_174, %dot_general3A_175 {dimension_numbers = #tpu.dot_dimension_numbers<[1], [0], [0], [1], [0, 0, 1, 1], [], []>, transpose_lhs_hint = false} : vector<2000x128xf32>, vector<128x4xf32>, vector<2000x4xf32> -> vector<2000x4xf32>
    %get3A_177 = arith.constant 0 : index
    %get3A_178 = arith.constant 0 : index
    %get3A_179 = vector.load %arg14[%get3A_177, %get3A_178] : memref<1x4xf32, #tpu.memory_space<vmem>>, vector<1x4xf32>
    %add3A_180 = vector.broadcast %get3A_179 : vector<1x4xf32> to vector<2000x4xf32>
    %add3A_181 = arith.addf %dot_general3A_176, %add3A_180 : vector<2000x4xf32>
    %swap3A_182 = arith.constant 0 : index
    %swap3A_183 = arith.constant 0 : index
    %swap3A_184 = vector.load %arg19[%swap3A_182, %swap3A_183] : memref<2000x4xf32, #tpu.memory_space<vmem>>, vector<2000x4xf32>
    tpu.vector_store %arg19[%swap3A_182, %swap3A_183], %add3A_181 {strides = array<i32>} : memref<2000x4xf32, #tpu.memory_space<vmem>>, vector<2000x4xf32>,
    %get3A_185 = arith.constant 4 : index
    %get3A_186 = arith.constant 0 : index
    %get3A_187 = arith.constant 0 : index
    %get3A_188 = vector.load %arg2[%get3A_185, %get3A_186, %get3A_187] : memref<5x128x256xf32, #tpu.memory_space<vmem>>, vector<1x128x256xf32>
    %get3A_189 = vector.shape_cast %get3A_188 : vector<1x128x256xf32> to vector<128x256xf32>
    %dot_general3A_190 = arith.constant dense<0.000000e+00> : vector<2000x256xf32>
    %dot_general3A_191 = tpu.matmul %get3A_1, %get3A_189, %dot_general3A_190 {dimension_numbers = #tpu.dot_dimension_numbers<[1], [0], [0], [1], [0, 0, 1, 1], [], []>, transpose_lhs_hint = false} : vector<2000x128xf32>, vector<128x256xf32>, vector<2000x256xf32> -> vector<2000x256xf32>
    %get3A_192 = arith.constant 4 : index
    %get3A_193 = arith.constant 0 : index
    %get3A_194 = vector.load %arg3[%get3A_192, %get3A_193] : memref<5x256xf32, #tpu.memory_space<vmem>>, vector<1x256xf32>
    %get3A_195 = vector.shape_cast %get3A_194 : vector<1x256xf32> to vector<256xf32>
    %broadcast_in_dim3A_196 = vector.shape_cast %get3A_195 : vector<256xf32> to vector<1x256xf32>
    %add3A_197 = vector.broadcast %broadcast_in_dim3A_196 : vector<1x256xf32> to vector<2000x256xf32>
    %add3A_198 = arith.addf %dot_general3A_191, %add3A_197 : vector<2000x256xf32>
    %max3A_199 = arith.constant 0.000000e+00 : f32
    %max3A_200 = vector.broadcast %max3A_199 : f32 to vector<2000x256xf32>
    %max3A_201 = arith.maximumf %add3A_198, %max3A_200 : vector<2000x256xf32>
    %get3A_202 = arith.constant 4 : index
    %get3A_203 = arith.constant 0 : index
    %get3A_204 = arith.constant 0 : index
    %get3A_205 = vector.load %arg4[%get3A_202, %get3A_203, %get3A_204] : memref<5x256x128xf32, #tpu.memory_space<vmem>>, vector<1x256x128xf32>
    %get3A_206 = vector.shape_cast %get3A_205 : vector<1x256x128xf32> to vector<256x128xf32>
    %dot_general3A_207 = arith.constant dense<0.000000e+00> : vector<2000x128xf32>
    %dot_general3A_208 = tpu.matmul %max3A_201, %get3A_206, %dot_general3A_207 {dimension_numbers = #tpu.dot_dimension_numbers<[1], [0], [0], [1], [0, 0, 1, 1], [], []>, transpose_lhs_hint = false} : vector<2000x256xf32>, vector<256x128xf32>, vector<2000x128xf32> -> vector<2000x128xf32>
    %get3A_209 = arith.constant 4 : index
    %get3A_210 = arith.constant 0 : index
    %get3A_211 = vector.load %arg5[%get3A_209, %get3A_210] : memref<5x128xf32, #tpu.memory_space<vmem>>, vector<1x128xf32>
    %get3A_212 = vector.shape_cast %get3A_211 : vector<1x128xf32> to vector<128xf32>
    %broadcast_in_dim3A_213 = vector.shape_cast %get3A_212 : vector<128xf32> to vector<1x128xf32>
    %add3A_214 = vector.broadcast %broadcast_in_dim3A_213 : vector<1x128xf32> to vector<2000x128xf32>
    %add3A_215 = arith.addf %dot_general3A_208, %add3A_214 : vector<2000x128xf32>
    %max3A_216 = arith.constant 0.000000e+00 : f32
    %max3A_217 = vector.broadcast %max3A_216 : f32 to vector<2000x128xf32>
    %max3A_218 = arith.maximumf %add3A_215, %max3A_217 : vector<2000x128xf32>
    %get3A_219 = arith.constant 0 : index
    %get3A_220 = arith.constant 0 : index
    %get3A_221 = vector.load %arg10[%get3A_219, %get3A_220] : memref<128x4xf32, #tpu.memory_space<vmem>>, vector<128x4xf32>
    %dot_general3A_222 = arith.constant dense<0.000000e+00> : vector<2000x4xf32>
    %dot_general3A_223 = tpu.matmul %max3A_218, %get3A_221, %dot_general3A_222 {dimension_numbers = #tpu.dot_dimension_numbers<[1], [0], [0], [1], [0, 0, 1, 1], [], []>, transpose_lhs_hint = false} : vector<2000x128xf32>, vector<128x4xf32>, vector<2000x4xf32> -> vector<2000x4xf32>
    %get3A_224 = arith.constant 0 : index
    %get3A_225 = arith.constant 0 : index
    %get3A_226 = vector.load %arg15[%get3A_224, %get3A_225] : memref<1x4xf32, #tpu.memory_space<vmem>>, vector<1x4xf32>
    %add3A_227 = vector.broadcast %get3A_226 : vector<1x4xf32> to vector<2000x4xf32>
    %add3A_228 = arith.addf %dot_general3A_223, %add3A_227 : vector<2000x4xf32>
    %swap3A_229 = arith.constant 0 : index
    %swap3A_230 = arith.constant 0 : index
    %swap3A_231 = vector.load %arg20[%swap3A_229, %swap3A_230] : memref<2000x4xf32, #tpu.memory_space<vmem>>, vector<2000x4xf32>
    tpu.vector_store %arg20[%swap3A_229, %swap3A_230], %add3A_228 {strides = array<i32>} : memref<2000x4xf32, #tpu.memory_space<vmem>>, vector<2000x4xf32>,
    return
  }
  func.func @transform_0(%arg0: i32) -> (i32, i32) {
    %c0_i32 = arith.constant 0 : i32
    %c0_i32_0 = arith.constant 0 : i32
    return %arg0, %c0_i32 : i32, i32
  }
  func.func @transform_1(%arg0: i32) -> (i32, i32, i32) {
    %c0_i32 = arith.constant 0 : i32
    %c0_i32_0 = arith.constant 0 : i32
    %c0_i32_1 = arith.constant 0 : i32
    %c0_i32_2 = arith.constant 0 : i32
    return %c0_i32, %c0_i32_0, %c0_i32_1 : i32, i32, i32
  }
  func.func @transform_2(%arg0: i32) -> (i32, i32) {
    %c0_i32 = arith.constant 0 : i32
    %c0_i32_0 = arith.constant 0 : i32
    %c0_i32_1 = arith.constant 0 : i32
    return %c0_i32, %c0_i32_0 : i32, i32
  }
  func.func @transform_3(%arg0: i32) -> (i32, i32, i32) {
    %c0_i32 = arith.constant 0 : i32
    %c0_i32_0 = arith.constant 0 : i32
    %c0_i32_1 = arith.constant 0 : i32
    %c0_i32_2 = arith.constant 0 : i32
    return %c0_i32, %c0_i32_0, %c0_i32_1 : i32, i32, i32
  }
  func.func @transform_4(%arg0: i32) -> (i32, i32) {
    %c0_i32 = arith.constant 0 : i32
    %c0_i32_0 = arith.constant 0 : i32
    %c0_i32_1 = arith.constant 0 : i32
    return %c0_i32, %c0_i32_0 : i32, i32
  }
  func.func @transform_5(%arg0: i32) -> (i32, i32) {
    %c0_i32 = arith.constant 0 : i32
    %c0_i32_0 = arith.constant 0 : i32
    %c0_i32_1 = arith.constant 0 : i32
    return %c0_i32, %c0_i32_0 : i32, i32
  }
  func.func @transform_6(%arg0: i32) -> (i32, i32) {
    %c0_i32 = arith.constant 0 : i32
    %c0_i32_0 = arith.constant 0 : i32
    %c0_i32_1 = arith.constant 0 : i32
    return %c0_i32, %c0_i32_0 : i32, i32
  }
  func.func @transform_7(%arg0: i32) -> (i32, i32) {
    %c0_i32 = arith.constant 0 : i32
    %c0_i32_0 = arith.constant 0 : i32
    %c0_i32_1 = arith.constant 0 : i32
    return %c0_i32, %c0_i32_0 : i32, i32
  }
  func.func @transform_8(%arg0: i32) -> (i32, i32) {
    %c0_i32 = arith.constant 0 : i32
    %c0_i32_0 = arith.constant 0 : i32
    %c0_i32_1 = arith.constant 0 : i32
    return %c0_i32, %c0_i32_0 : i32, i32
  }
  func.func @transform_9(%arg0: i32) -> (i32, i32) {
    %c0_i32 = arith.constant 0 : i32
    %c0_i32_0 = arith.constant 0 : i32
    %c0_i32_1 = arith.constant 0 : i32
    return %c0_i32, %c0_i32_0 : i32, i32
  }
  func.func @transform_10(%arg0: i32) -> (i32, i32) {
    %c0_i32 = arith.constant 0 : i32
    %c0_i32_0 = arith.constant 0 : i32
    %c0_i32_1 = arith.constant 0 : i32
    return %c0_i32, %c0_i32_0 : i32, i32
  }
  func.func @transform_11(%arg0: i32) -> (i32, i32) {
    %c0_i32 = arith.constant 0 : i32
    %c0_i32_0 = arith.constant 0 : i32
    %c0_i32_1 = arith.constant 0 : i32
    return %c0_i32, %c0_i32_0 : i32, i32
  }
  func.func @transform_12(%arg0: i32) -> (i32, i32) {
    %c0_i32 = arith.constant 0 : i32
    %c0_i32_0 = arith.constant 0 : i32
    %c0_i32_1 = arith.constant 0 : i32
    return %c0_i32, %c0_i32_0 : i32, i32
  }
  func.func @transform_13(%arg0: i32) -> (i32, i32) {
    %c0_i32 = arith.constant 0 : i32
    %c0_i32_0 = arith.constant 0 : i32
    %c0_i32_1 = arith.constant 0 : i32
    return %c0_i32, %c0_i32_0 : i32, i32
  }
  func.func @transform_14(%arg0: i32) -> (i32, i32) {
    %c0_i32 = arith.constant 0 : i32
    %c0_i32_0 = arith.constant 0 : i32
    %c0_i32_1 = arith.constant 0 : i32
    return %c0_i32, %c0_i32_0 : i32, i32
  }
  func.func @transform_15(%arg0: i32) -> (i32, i32) {
    %c0_i32 = arith.constant 0 : i32
    %c0_i32_0 = arith.constant 0 : i32
    return %arg0, %c0_i32 : i32, i32
  }
  func.func @transform_16(%arg0: i32) -> (i32, i32) {
    %c0_i32 = arith.constant 0 : i32
    %c0_i32_0 = arith.constant 0 : i32
    return %arg0, %c0_i32 : i32, i32
  }
  func.func @transform_17(%arg0: i32) -> (i32, i32) {
    %c0_i32 = arith.constant 0 : i32
    %c0_i32_0 = arith.constant 0 : i32
    return %arg0, %c0_i32 : i32, i32
  }
  func.func @transform_18(%arg0: i32) -> (i32, i32) {
    %c0_i32 = arith.constant 0 : i32
    %c0_i32_0 = arith.constant 0 : i32
    return %arg0, %c0_i32 : i32, i32
  }
  func.func @transform_19(%arg0: i32) -> (i32, i32) {
    %c0_i32 = arith.constant 0 : i32
    %c0_i32_0 = arith.constant 0 : i32
    return %arg0, %c0_i32 : i32, i32
  }
}

</mosaic_0001>

<sc_bundles>
// kernel: kernel.15.cloned.1.call-start
scs
__scs_entry_jumppad:
0x0: {  	(pc) =	sbr.rel $0x88, $3  }
0x1: {  	(tag) =	ssettag $0x0;
	lr =	simm.s32 $0x1  }
0x2: {  	[smem:$0x3F8B] =	sst lr;
	_ =	strace $0xD0000000  }
0x3: {  	_ = 	snop  }
0x4: {  	_ = 	snop  }
0x5: {  	_ = 	snop  }
0x6: {  	_ = 	snop  }
0x7: {  	_ = 	snop  }
__scs_overlays_trampoline_lowered:
0x8: {  	[smem:$0x3F9A] =	sst s0  }
0x9: {  	[smem:$0x3F9B] =	sst s1  }
0xa: {  	[smem:$0x3F9C] =	sst s2  }
0xb: {  	[smem:$0x3F9D] =	sst s3  }
0xc: {  	[smem:$0x3F9E] =	sst s4  }
0xd: {  	[smem:$0x3F9F] =	sst s5  }
0xe: {  	[smem:$0x3FA0] =	sst s6  }
0xf: {  	[smem:$0x3FA1] =	sst s7  }
0x10: {  	[smem:$0x3FA2] =	sst s8  }
0x11: {  	[smem:$0x3FA3] =	sst s9;
	s0 =	simm.s32 @!p0 $0x0  }
0x12: {  	s1 =	sld [smem:$0x3F89];
	s0 =	simm.s32 @p0 $0x1  }
0x13: {  	[smem:$0x3FA4] =	sst s0;
	s0 =	simm.s32 @!p1 $0x0  }
0x14: {  	s2 =	sld [smem:$0x3F88];
	s0 =	simm.s32 @p1 $0x1  }
0x15: {  	[smem:$0x3FA5] =	sst s0;
	s0 =	simm.s32 @!p2 $0x0  }
0x16: {  	s3 =	sld [smem:$0x3FDB];
	s0 =	simm.s32 @p2 $0x1  }
0x17: {  	s4 =	simm.s32 $0x1BF5;
	[smem:$0x3FA7] =	sst s0  }
0x18: {  	s0 =	sld [smem:$0x3F8A];
	_ =	swait.ge [sflag:s4], $0x0  }
0x19: {  	s7 =	sld [smem:$0x3F8B]  }
0x1a: {  	s8 =	sadd.s32 $0xFFFFE003, lr  }
0x1b: {  	s9 =	sadd.s32 $0xFFFFFEF7, lr;
	s5 =	simm.s32 $0xFFFFFFFF;
	p2 =	slt.u32 s8, $0xFFFFF086  }
0x1c: {  	p1 =	slt.u32 s9, $0xF7A;
	s5 =	simm.s32 @!p2 $0x0  }
0x1d: {  	s5 =	simm.s32 @p1 $0x1;
	p0 =	seq.s32 s7, s2  }
0x1e: {  	s7 =	smul.u32 @!p0 $0xF7A, s2;
	p2 =	seq.s32 @!p0 s5, $0x0  }
0x1f: {  	s9 =	smul.u32 $0xF7A, s1;
	s8 =	simm.s32 @!p0 $0x1BF5;
	p2 =	por !p2, p0  }
0x20: {  	[sflag:s8] =	ssyncset.s32 @!p0 $0xFFFFF086;
	s6 =	sadd.s32 @!p0 s3, s7;
	s7 =	simm.s32 @!p0 $0x108  }
0x21: {  	s3 =	sadd.s32 s3, s9;
	s6 =	sadd.s32 @!p0 $0x88, s6;
	s7 =	simm.s32 @p2 $0x1082  }
0x22: {  	[simem:s7], [sflag:s8] =	dma.local @!p0 [hbm:s6], $0xF7A  }
0x23: {  	s9 =	sor.u32 $0xD0000000, s2;
	s6 =	simm.s32 $0x108;
	_ =	swait.ge @!p0 [sflag:s8], $0x0  }
0x24: {  	s3 =	sadd.s32 $0x88, s3;
	s6 =	simm.s32 @!p1 $0x1082;
	[sflag:s4] =	ssyncset.s32 $0xFFFFF086  }
0x25: {  	[simem:s6], [sflag:s4] =	dma.local [hbm:s3], $0xF7A  }
0x26: {  	[smem:$0x3F8B] =	sst s1;
	(tag) =	ssettag s2;
	_ =	strace s9  }
0x27: {  	s1 =	sld [smem:$0x3F9B]  }
0x28: {  	s2 =	sld [smem:$0x3F9C]  }
0x29: {  	s4 =	sld [smem:$0x3F9E]  }
0x2a: {  	p0 =	seq.s32 s5, $0x0;
	s5 =	sld [smem:$0x3F9F]  }
0x2b: {  	s6 =	sld [smem:$0x3FA0]  }
0x2c: {  	s7 =	sld [smem:$0x3FA1]  }
0x2d: {  	s3 =	simm.s32 $0x108;
	s8 =	sld [smem:$0x3FA2]  }
0x2e: {  	s3 =	simm.s32 @!p0 $0x1082;
	s9 =	sld [smem:$0x3FA3]  }
0x2f: {  	lr =	sadd.s32 s0, s3;
	s0 =	sld [smem:$0x3F9A]  }
0x30: {  	s3 =	sld [smem:$0x3F9D]  }
0x31: {  	[smem:$0x3FA6] =	sst s10  }
0x32: {  	s10 =	sld [smem:$0x3FA4];
	_ =	sdelay $0x3  }
0x33: {  	p0 =	seq.s32 s10, $0x1;
	s10 =	sld [smem:$0x3FA6];
	_ =	sdelay $0x3  }
0x34: {  	[smem:$0x3FA6] =	sst s10  }
0x35: {  	s10 =	sld [smem:$0x3FA5];
	_ =	sdelay $0x3  }
0x36: {  	p1 =	seq.s32 s10, $0x1;
	s10 =	sld [smem:$0x3FA6];
	_ =	sdelay $0x3  }
0x37: {  	[smem:$0x3FA6] =	sst s10  }
0x38: {  	s10 =	sld [smem:$0x3FA7]  }
0x39: {  	_ = 	snop;
	(pc) =	sbr.ind lr, $3  }
0x3a: {  	_ = 	snop  }
0x3b: {  	_ = 	snop  }
0x3c: {  	p2 =	seq.s32 s10, $0x1;
	s10 =	sld [smem:$0x3FA6]  }
0x3d: {  	_ =	shalt  }
0x3e: {  	_ =	shalt  }
0x3f: {  	_ =	shalt  }
0x40: {  	_ =	shalt  }
0x41: {  	_ =	shalt  }
0x42: {  	_ =	shalt  }
0x43: {  	_ =	shalt  }
0x44: {  	_ =	shalt  }
0x45: {  	_ =	shalt  }
0x46: {  	_ =	shalt  }
0x47: {  	_ =	shalt  }
0x48: {  	_ =	shalt  }
0x49: {  	_ =	shalt  }
0x4a: {  	_ =	shalt  }
0x4b: {  	_ =	shalt  }
0x4c: {  	_ =	shalt  }
0x4d: {  	_ =	shalt  }
0x4e: {  	_ =	shalt  }
0x4f: {  	_ =	shalt  }
0x50: {  	_ =	shalt  }
0x51: {  	_ =	shalt  }
0x52: {  	_ =	shalt  }
0x53: {  	_ =	shalt  }
0x54: {  	_ =	shalt  }
0x55: {  	_ =	shalt  }
0x56: {  	_ =	shalt  }
0x57: {  	_ =	shalt  }
0x58: {  	_ =	shalt  }
0x59: {  	_ =	shalt  }
0x5a: {  	_ =	shalt  }
0x5b: {  	_ =	shalt  }
0x5c: {  	_ =	shalt  }
0x5d: {  	_ =	shalt  }
0x5e: {  	_ =	shalt  }
0x5f: {  	_ =	shalt  }
0x60: {  	_ =	shalt  }
0x61: {  	_ =	shalt  }
0x62: {  	_ =	shalt  }
0x63: {  	_ =	shalt  }
0x64: {  	_ =	shalt  }
0x65: {  	_ =	shalt  }
0x66: {  	_ =	shalt  }
0x67: {  	_ =	shalt  }
0x68: {  	_ =	shalt  }
0x69: {  	_ =	shalt  }
0x6a: {  	_ =	shalt  }
0x6b: {  	_ =	shalt  }
0x6c: {  	_ =	shalt  }
0x6d: {  	_ =	shalt  }
0x6e: {  	_ =	shalt  }
0x6f: {  	_ =	shalt  }
0x70: {  	_ =	shalt  }
0x71: {  	_ =	shalt  }
0x72: {  	_ =	shalt  }
0x73: {  	_ =	shalt  }
0x74: {  	_ =	shalt  }
0x75: {  	_ =	shalt  }
0x76: {  	_ =	shalt  }
0x77: {  	_ =	shalt  }
0x78: {  	_ =	shalt  }
0x79: {  	_ =	shalt  }
0x7a: {  	_ =	shalt  }
0x7b: {  	_ =	shalt  }
0x7c: {  	_ =	shalt  }
0x7d: {  	_ =	shalt  }
0x7e: {  	_ =	shalt  }
0x7f: {  	_ =	shalt  }
0x80: {  	_ =	shalt  }
0x81: {  	_ =	shalt  }
0x82: {  	_ =	shalt  }
0x83: {  	_ =	shalt  }
0x84: {  	_ =	shalt  }
0x85: {  	_ =	shalt  }
0x86: {  	_ =	shalt  }
0x87: {  	_ =	shalt  }
.Lfunc_end0:
.L_simem_size_0:
called_computation_lowered:
.L_overlay_start_0:
0x88: {  	s2 =	sld [smem:$0x3FD9]  }
0x89: {  	s3 =	sld [smem:$0x3FFE];
	_ =	sdelay $0x1  }
0x8a: {  	s1 =	srdreg.scid  }
0x8b: {  	s0 =	sand.u32 $0x1, s1  }
0x8c: {  	s15 =	sshll.u32 s0, $0xA;
	s2 =	sadd.s32 s3, s2  }
0x8d: {  	s2 =	sadd.s32 s2, s15  }
0x8e: {  	[smem:$0x3FB2] =	sst s2  }
0x8f: {  	_ = 	snop  }
0x90: {  	s2 =	sld [smem:$0x3FD0];
	_ =	sdelay $0x2  }
0x91: {  	s16 =	simm.s32 $0xB;
	s4 =	simm.s32 $0x10  }
0x92: {  	[smem:s4], [sflag:s16] =	dma.local [hbm:s2], $0x1  }
0x93: {  	_ =	swait.eq [sflag:s16], $0x1  }
0x94: {  	[sflag:s16] =	ssyncset.done $0x0  }
0x95: {  	[sflag:s16] =	ssyncadd.s32 $0xFFFFFFFF  }
0x96: {  	s17 =	sld [smem:$0x11];
	(tm) =	ssettm $0x1  }
0x97: {  	s18 =	sld [smem:$0x3FFB];
	_ =	sdelay $0x3  }
0x98: {  	_ =	strace s18  }
0x99: {  	s2 =	sld [smem:$0x3FFC];
	_ =	sdelay $0x3  }
0x9a: {  	_ =	strace s2  }
0x9b: {  	s2 =	sld [smem:$0x3FFD];
	_ =	sdelay $0x3  }
0x9c: {  	_ =	strace s2  }
0x9d: {  	_ =	strace $0x8FFFFFFF  }
0x9e: {  	s19 =	sld [smem:$0x3FDB];
	_ =	sdelay $0x1  }
0x9f: {  	s20 =	simm.s32 $_scs_section_size  }
0xa0: {  	s5 =	simm.s32 $_size__tile_overlayer_lowered;
	s6 =	simm.s32 $_tile_overlayer_lowered  }
0xa1: {  	s7 =	simm.s32 $0x1BFF;
	s21 =	sshll.u32 s6, $0x1;
	s4 =	sadd.s32 s20, s19  }
0xa2: {  	s22 =	simm.s32 $0x0;
	s5 =	sshll.u32 s5, $0x1;
	s6 =	sadd.s32 s21, s4  }
0xa3: {  	[timem:s22], [sflag:s7] =	dma.local [hbm:s6], s5  }
0xa4: {  	_ =	swait.ge [sflag:s7], s5  }
0xa5: {  	s5 =	ssub.s32 $0x0, s5;
	[sflag:s7] =	ssyncset.done $0x0  }
0xa6: {  	[sflag:s7] =	ssyncadd.s32 s5;
	_ =	sdelay $0x1  }
0xa7: {  	s23 =	simm.s32 $0x1B8B  }
0xa8: {  	_ =	swait.ge [sflag:s23], $0x1  }
0xa9: {  	[sflag:s23] =	ssyncset.done $0x0  }
0xaa: {  	[sflag:s23] =	ssyncadd.s32 $0xFFFFFFFF  }
0xab: {  	s5 =	sld [smem:$0x0]  }
0xac: {  	s6 =	sand.u32 $0xFFFFFFFE, s1  }
0xad: {  	p0 =	sne.s32 s1, s6  }
0xae: {  	s6 =	sshll.u32 @p0 s6, $0xE  }
0xaf: {  	s6 =	sadd.s32 @p0 $0x11B8D, s6;
	s7 =	sshll.u32 @p0 s5, $0x11  }
0xb0: {  	s6 =	sor.u32 @p0 s7, s6  }
0xb1: {  	[sflag:s6] =	ssyncadd.remote.s32 @p0 $0x1;
	_ =	sdelay $0x1  }
0xb2: {  	s6 =	simm.s32 @p0 $0x1B8D  }
0xb3: {  	_ =	swait.eq @p0 [sflag:s6], $0x1  }
0xb4: {  	[sflag:s6] =	ssyncadd.s32 @p0 $0xFFFFFFFF  }
0xb5: {  	s7 =	sshll.u32 @!p0 s1, $0xE  }
0xb6: {  	s7 =	sor.u32 @!p0 $0x4000, s7;
	s6 =	simm.s32 @!p0 $0x1B8D  }
0xb7: {  	s5 =	sshll.u32 @!p0 s5, $0x11;
	s7 =	sadd.s32 @!p0 $0x11B8D, s7;
	_ =	swait.eq @!p0 [sflag:s6], $0x1  }
0xb8: {  	s5 =	sor.u32 @!p0 s5, s7;
	[sflag:s6] =	ssyncadd.s32 @!p0 $0xFFFFFFFF  }
0xb9: {  	s25 =	simm.s32 $0x1B8E;
	s24 =	sld [smem:$0x3FFE];
	[sflag:s5] =	ssyncadd.remote.s32 @!p0 $0x1  }
0xba: {  	s26 =	simm.s32 $execute0_lowered;
	[smem:$0x3FD2] =	sst s25  }
0xbb: {  	s6 =	sshll.u32 s26, $0x1;
	_ =	strace $0x80000049;
	[dreg:$0x1] =	wrdreg $0xFFFFFFFF  }
0xbc: {  	s28 =	simm.s32 $_size_execute0_lowered;
	s4 =	sadd.s32 s4, s6;
	[dreg:$0x0] =	wrdreg $0x0  }
0xbd: {  	s6 =	sshll.u32 s28, $0x1;
	[dreg:$0x2] =	wrdreg s4  }
0xbe: {  	[dreg:$0x3] =	wrdreg s6  }
0xbf: {  	[dreg:$0x4] =	wrdreg $0xC0  }
0xc0: {  	_ =	task [dreg:s22], $0x5FFFF  }
0xc1: {  	[dreg:$0x1] =	wrdreg $0xFFFFFFFF  }
0xc2: {  	[dreg:$0x0] =	wrdreg $0x60  }
0xc3: {  	[dreg:$0x2] =	wrdreg s24  }
0xc4: {  	[dreg:$0x3] =	wrdreg s17  }
0xc5: {  	[dreg:$0x4] =	wrdreg $0x48800  }
0xc6: {  	[dreg:$0x5] =	wrdreg $0x9  }
0xc7: {  	_ =	task.clear_ibuf [dreg:s22], $0x6FFFF;
	_ =	strace $0x90000049  }
0xc8: {  	s29 =	simm.s32 $0x9;
	_ =	strace $0x8000004B  }
0xc9: {  	_ =	swait.ge [sflag:s29], $0x1  }
0xca: {  	[sflag:s29] =	ssyncadd.s32 $0xFFFFFFFF  }
0xcb: {  	_ =	strace $0x9000004B  }
0xcc: {  	_ =	sfence  }
0xcd: {  	s30 =	sld [smem:$0x0];
	_ =	sdelay $0x2  }
0xce: {  	s31 =	sshll.u32 s1, $0xD;
	s1 =	sshrl.u32 s1, $0x2  }
0xcf: {  	s4 =	sand.u32 $0x4000, s31;
	s1 =	sadd.s32 s1, s30  }
0xd0: {  	s0 =	sor.u32 s4, s0;
	s1 =	sshll.u32 s1, $0x11  }
0xd1: {  	s0 =	sor.u32 s1, s0  }
0xd2: {  	s0 =	sadd.s32 $0x8F2B, s0  }
0xd3: {  	[sflag:s0] =	ssyncadd.remote.s32 $0x1  }
0xd4: {  	_ =	sfence.sel $0xFFFF  }
0xd5: {  	[dreg:$0x0] =	wrdreg $0xFFFFFFFF;
	(pc) =	sbr.abs _section_cstart, $3  }
0xd6: {  	[dreg:$0x1] =	wrdreg $0xFFFFFFFF  }
0xd7: {  	_ =	task.clear_ibuf [dreg:s22], $0x2FFFF;
	_ =	strace $0x9FFFFFFF  }
0xd8: {  	(tm) =	ssettm $0x7FFFFFFF  }
0xd9: {  	_ =	shalt  }
tec
execute0_lowered:
.L_overlay_start_1:
0x0: {  	(tag) =	ssettag $0x1  }
0x1: {  	s6 =	rddreg [dreg:$0x0]  }
0x2: {  	s2 =	rddreg [dreg:$0x1]  }
0x3: {  	s3 =	rddreg [dreg:$0x2]  }
0x4: {  	s0 =	rddreg [dreg:$0x3];
	s4 =	simm.s32 $0x0;
	s1 =	stileid.u32  }
0x5: {  	s5 =	srdreg.scid;
	s14 =	simm.s32 $0x80;
	s15 =	simm.s32 $0x800  }
0x6: {  	s16 =	simm.s32 $0x0;
	[smem:$0x7FF] =	sst s4;
	s7 =	smul.u32 $0x2780, s1  }
0x7: {  	s8 =	sand.u32 $0x1, s5;
	s5 =	sadd.s32 $0x9000, s6;
	s12 =	smul.u32 $0x4F000, s1  }
0x8: {  	s31 =	sshll.u32 s1, $0x6;
	_ =	strace $0x8000004A;
	s9 =	smul.u32 $0x27800, s8  }
0x9: {  	s11 =	ssub.s32 $0x2, s8;
	s29 =	sshll.u32 s8, $0x4;
	s10 =	sadd.s32 s7, s6  }
0xa: {  	s28 =	sshrl.u32 s11, $0x1;
	s8 =	sor.u32 s1, s29;
	s30 =	sshrl.u32 s12, $0x2  }
0xb: {  	s7 =	sadd.s32 s7, s9;
	s11 =	ssub.s32 s11, s28;
	s12 =	sadd.s32 s30, s3  }
0xc: {  	s8 =	smul.u32 $0x2800, s8;
	s13 =	sadd.s32 s7, s6;
	s6 =	sadd.s32 $0x1D000, s10  }
0xd: {  	s7 =	sor.u32 $0x1C01, s31;
	s10 =	smax.u32 s11, $0x1;
	s11 =	sshrl.u32 s12, $0x3  }
0xe: {  	s12 =	simm.s32 $0x1;
	s9 =	sadd.s32 $0x93800, s13;
	s13 =	simm.s32 $0x880  }
.LBB2_1:
0xf: {  	[spmem:s11], [sflag:s7] =	dma.local [hbm:s6], $0x2780  }
0x10: {  	_ =	swait.ge [sflag:s12], $0x2780  }
0x11: {  	[sflag:s12] =	ssyncset.done $0x0  }
0x12: {  	[sflag:s12] =	ssyncadd.s32 $0xFFFFD880  }
0x13: {  	[bflag:$0x0] =	sbarrier.arrive $0xFFFF  }
0x14: {  	[tilespmem:s13], [sflag:$0x1] =	stream.linear.gather [hbm4b:s2+s4], $0x4000, $0x38;
	[tilespmem:$0x18480] =	vst v63  }
0x15: {  	_ =	swait.ge [sflag:s12], $0x4000  }
0x16: {  	[sflag:s12] =	ssyncset.done $0x0  }
0x17: {  	s17 =	simm.s32 $0x0;
	[sflag:s12] =	ssyncadd.s32 $0xFFFFC000  }
.LBB2_2:
0x18: {  	s18 =	sshll.u32 s17, $0xB  }
0x19: {  	s18 =	sadd.s32 s8, s18  }
0x1a: {  	s18 =	sshrl.u32 s18, $0x3  }
0x1b: {  	s19 =	simm.s32 $0x0;
	s18 =	sadd.s32 s5, s18  }
0x1c: {  	[tilespmem:s19], [sflag:$0x1] =	stream.linear.gather [hbm4b:s18+s19], $0x800, $0x38;
	[tilespmem:$0x18480] =	vst v63  }
0x1d: {  	_ =	swait.ge [sflag:s12], $0x800  }
0x1e: {  	[sflag:s12] =	ssyncset.done $0x0  }
0x1f: {  	s31 =	simm.s32 $0x0;
	[sflag:s12] =	ssyncadd.s32 $0xFFFFF800  }
0x20: {  	v0 =	vld [tilespmem:s31+$0x0];
	_ =	sdelay $0x4  }
0x21: {  	[tilespmem:$0x800] =	vst v0  }
0x22: {  	v0 =	vld [tilespmem:s31+$0x10];
	_ =	sdelay $0x4  }
0x23: {  	[tilespmem:$0x810] =	vst v0  }
0x24: {  	v0 =	vld [tilespmem:s31+$0x20];
	_ =	sdelay $0x4  }
0x25: {  	[tilespmem:$0x820] =	vst v0  }
0x26: {  	v0 =	vld [tilespmem:s31+$0x30];
	_ =	sdelay $0x4  }
0x27: {  	[tilespmem:$0x830] =	vst v0  }
0x28: {  	v0 =	vld [tilespmem:s31+$0x40];
	_ =	sdelay $0x4  }
0x29: {  	[tilespmem:$0x840] =	vst v0  }
0x2a: {  	v0 =	vld [tilespmem:s31+$0x50];
	_ =	sdelay $0x4  }
0x2b: {  	[tilespmem:$0x850] =	vst v0  }
0x2c: {  	v0 =	vld [tilespmem:s31+$0x60];
	_ =	sdelay $0x4  }
0x2d: {  	[tilespmem:$0x860] =	vst v0  }
0x2e: {  	v0 =	vld [tilespmem:s31+$0x70];
	_ =	sdelay $0x4  }
0x2f: {  	[tilespmem:$0x870] =	vst v0  }
0x30: {  	[spmem:s3] =	stream.indirect.scatter.add.f32 [tilespmem:s13], [sflag:$0x1], $0x80, s15, s14, $0xb8;
	[tilespmem:$0x18480] =	vst v63  }
0x31: {  	_ =	swait.ge [sflag:s12], $0x4000  }
0x32: {  	s20 =	simm.s32 $0x400;
	s18 =	simm.s32 $0x200;
	[sflag:s12] =	ssyncset.done $0x0  }
.LBB2_3:
0x33: {  	s21 =	sshra.s32 s18, $0x2  }
0x34: {  	[sflag:s12] =	ssyncadd.s32 $0xFFFFC000;
	s18 =	smov.u32 s20;
	s19 =	sadd.s32 $0x200, s20  }
0x35: {  	p0 =	sne.s32 s20, $0x1E00;
	v0 =	vld [tilespmem:s21+$0x0];
	_ =	sdelay $0x4  }
0x36: {  	[tilespmem:$0x800] =	vst v0  }
0x37: {  	v0 =	vld [tilespmem:s21+$0x10];
	_ =	sdelay $0x4  }
0x38: {  	[tilespmem:$0x810] =	vst v0  }
0x39: {  	v0 =	vld [tilespmem:s21+$0x20];
	_ =	sdelay $0x4  }
0x3a: {  	[tilespmem:$0x820] =	vst v0  }
0x3b: {  	v0 =	vld [tilespmem:s21+$0x30];
	_ =	sdelay $0x4  }
0x3c: {  	[tilespmem:$0x830] =	vst v0  }
0x3d: {  	v0 =	vld [tilespmem:s21+$0x40];
	_ =	sdelay $0x4  }
0x3e: {  	[tilespmem:$0x840] =	vst v0  }
0x3f: {  	v0 =	vld [tilespmem:s21+$0x50];
	_ =	sdelay $0x4  }
0x40: {  	[tilespmem:$0x850] =	vst v0  }
0x41: {  	v0 =	vld [tilespmem:s21+$0x60];
	_ =	sdelay $0x4  }
0x42: {  	[tilespmem:$0x860] =	vst v0  }
0x43: {  	v0 =	vld [tilespmem:s21+$0x70];
	_ =	sdelay $0x3  }
.Ltmp0:
0x44: {  	(pc) =	sbr.rel @p0 .LBB2_3-.Ltmp0, $4  }
0x45: {  	[tilespmem:$0x870] =	vst v0  }
0x46: {  	[spmem:s3] =	stream.indirect.scatter.add.f32 [tilespmem:s13], [sflag:$0x1], $0x80, s15, s14, $0xb8;
	[tilespmem:$0x18480] =	vst v63  }
0x47: {  	_ =	swait.ge [sflag:s12], $0x4000  }
0x48: {  	s20 =	smov.u32 s19;
	[sflag:s12] =	ssyncset.done $0x0  }
0x49: {  	s18 =	sshra.s32 s18, $0x2;
	[sflag:s12] =	ssyncadd.s32 $0xFFFFC000  }
0x4a: {  	v0 =	vld [tilespmem:s18+$0x0];
	_ =	sdelay $0x4  }
0x4b: {  	[tilespmem:$0x800] =	vst v0  }
0x4c: {  	v0 =	vld [tilespmem:s18+$0x10];
	_ =	sdelay $0x4  }
0x4d: {  	[tilespmem:$0x810] =	vst v0  }
0x4e: {  	v0 =	vld [tilespmem:s18+$0x20];
	_ =	sdelay $0x4  }
0x4f: {  	[tilespmem:$0x820] =	vst v0  }
0x50: {  	v0 =	vld [tilespmem:s18+$0x30];
	_ =	sdelay $0x4  }
0x51: {  	[tilespmem:$0x830] =	vst v0  }
0x52: {  	v0 =	vld [tilespmem:s18+$0x40];
	_ =	sdelay $0x4  }
0x53: {  	[tilespmem:$0x840] =	vst v0  }
0x54: {  	v0 =	vld [tilespmem:s18+$0x50];
	_ =	sdelay $0x4  }
0x55: {  	[tilespmem:$0x850] =	vst v0  }
0x56: {  	v0 =	vld [tilespmem:s18+$0x60];
	_ =	sdelay $0x4  }
0x57: {  	[tilespmem:$0x860] =	vst v0  }
0x58: {  	v0 =	vld [tilespmem:s18+$0x70];
	_ =	sdelay $0x2  }
0x59: {  	s17 =	sadd.s32 $0x1, s17  }
0x5a: {  	p0 =	sne.s32 s17, $0x5  }
.Ltmp1:
0x5b: {  	[tilespmem:$0x870] =	vst v0;
	(pc) =	sbr.rel @p0 .LBB2_2-.Ltmp1, $4  }
0x5c: {  	[spmem:s3] =	stream.indirect.scatter.add.f32 [tilespmem:s13], [sflag:$0x1], $0x80, s15, s14, $0xb8;
	[tilespmem:$0x18480] =	vst v63  }
0x5d: {  	_ =	swait.ge [sflag:s12], $0x4000  }
0x5e: {  	[sflag:s12] =	ssyncset.done $0x0  }
0x5f: {  	[sflag:s12] =	ssyncadd.s32 $0xFFFFC000  }
0x60: {  	s16 =	sadd.s32 $0x1, s16  }
0x61: {  	p0 =	sne.s32 s16, s10  }
.Ltmp2:
0x62: {  	[bflag:$0x0] =	sbarrier.arrive $0xFFFF;
	(pc) =	sbr.rel @p0 .LBB2_1-.Ltmp2, $4  }
0x63: {  	[hbm:s9], [sflag:s7] =	dma.local [spmem:s11], $0x2780  }
0x64: {  	_ =	swait.ge [sflag:s12], $0x2780  }
0x65: {  	[sflag:s12] =	ssyncset.done $0x0  }
0x66: {  	[sflag:s12] =	ssyncadd.s32 $0xFFFFD880  }
0x67: {  	_ =	sfence.sel $0x180000  }
0x68: {  	[bflag:$0x0] =	sbarrier.arrive $0xFFFF  }
0x69: {  	p0 =	sne.s32 s1, $0x0;
	_ =	strace $0x9000004A  }
0x6a: {  	s0 =	sadd.s32 @!p0 $0x100000, s0;
	[bflag:$0x2] =	sbarrier.arrive $0xFFFF  }
0x6b: {  	[sflag:s0] =	ssyncadd.tile.s32 @!p0 $0x1;
	_ =	shalt  }
.Lfunc_end2:
_tile_overlayer_lowered:
.L_overlay_start_2:
0x6c: {  	(tag) =	ssettag $0x2  }
0x6d: {  	s0 =	rddreg [dreg:$0x0];
	s2 =	stileid.u32  }
0x6e: {  	s1 =	rddreg [dreg:$0x1];
	p0 =	sne.s32 s2, $0x0  }
0x6f: {  	s3 =	rddreg [dreg:$0x2];
	[bflag:$0x3] =	sbarrier.arrive $0xFFFF;
	s2 =	simm.s32 @!p0 $0x1C01  }
0x70: {  	[timem:s3], [sflag:s2] =	dma.local @!p0 [hbm:s0], s1  }
0x71: {  	s0 =	simm.s32 @!p0 $0x1  }
0x72: {  	_ =	swait.ge @!p0 [sflag:s0], s1  }
0x73: {  	s1 =	ssub.s32 @!p0 $0x0, s1;
	[sflag:s0] =	ssyncset.done @!p0 $0x0  }
0x74: {  	[sflag:s0] =	ssyncadd.s32 @!p0 s1  }
0x75: {  	[bflag:$0x3] =	sbarrier.arrive $0xFFFF  }
0x76: {  	_ =	shalt  }

// kernel: kernel.18.cloned.1.call-start
scs
__scs_entry_jumppad:
0x0: {  	(pc) =	sbr.rel $0x88, $3  }
0x1: {  	(tag) =	ssettag $0x0;
	lr =	simm.s32 $0x1  }
0x2: {  	[smem:$0x3F8B] =	sst lr;
	_ =	strace $0xD0000000  }
0x3: {  	_ = 	snop  }
0x4: {  	_ = 	snop  }
0x5: {  	_ = 	snop  }
0x6: {  	_ = 	snop  }
0x7: {  	_ = 	snop  }
__scs_overlays_trampoline_lowered:
0x8: {  	[smem:$0x3F9A] =	sst s0  }
0x9: {  	[smem:$0x3F9B] =	sst s1  }
0xa: {  	[smem:$0x3F9C] =	sst s2  }
0xb: {  	[smem:$0x3F9D] =	sst s3  }
0xc: {  	[smem:$0x3F9E] =	sst s4  }
0xd: {  	[smem:$0x3F9F] =	sst s5  }
0xe: {  	[smem:$0x3FA0] =	sst s6  }
0xf: {  	[smem:$0x3FA1] =	sst s7  }
0x10: {  	[smem:$0x3FA2] =	sst s8  }
0x11: {  	[smem:$0x3FA3] =	sst s9;
	s0 =	simm.s32 @!p0 $0x0  }
0x12: {  	s1 =	sld [smem:$0x3F89];
	s0 =	simm.s32 @p0 $0x1  }
0x13: {  	[smem:$0x3FA4] =	sst s0;
	s0 =	simm.s32 @!p1 $0x0  }
0x14: {  	s2 =	sld [smem:$0x3F88];
	s0 =	simm.s32 @p1 $0x1  }
0x15: {  	[smem:$0x3FA5] =	sst s0;
	s0 =	simm.s32 @!p2 $0x0  }
0x16: {  	s3 =	sld [smem:$0x3FDB];
	s0 =	simm.s32 @p2 $0x1  }
0x17: {  	s4 =	simm.s32 $0x1BF5;
	[smem:$0x3FA7] =	sst s0  }
0x18: {  	s0 =	sld [smem:$0x3F8A];
	_ =	swait.ge [sflag:s4], $0x0  }
0x19: {  	s7 =	sld [smem:$0x3F8B]  }
0x1a: {  	s8 =	sadd.s32 $0xFFFFE003, lr  }
0x1b: {  	s9 =	sadd.s32 $0xFFFFFEF7, lr;
	s5 =	simm.s32 $0xFFFFFFFF;
	p2 =	slt.u32 s8, $0xFFFFF086  }
0x1c: {  	p1 =	slt.u32 s9, $0xF7A;
	s5 =	simm.s32 @!p2 $0x0  }
0x1d: {  	s5 =	simm.s32 @p1 $0x1;
	p0 =	seq.s32 s7, s2  }
0x1e: {  	s7 =	smul.u32 @!p0 $0xF7A, s2;
	p2 =	seq.s32 @!p0 s5, $0x0  }
0x1f: {  	s9 =	smul.u32 $0xF7A, s1;
	s8 =	simm.s32 @!p0 $0x1BF5;
	p2 =	por !p2, p0  }
0x20: {  	[sflag:s8] =	ssyncset.s32 @!p0 $0xFFFFF086;
	s6 =	sadd.s32 @!p0 s3, s7;
	s7 =	simm.s32 @!p0 $0x108  }
0x21: {  	s3 =	sadd.s32 s3, s9;
	s6 =	sadd.s32 @!p0 $0x88, s6;
	s7 =	simm.s32 @p2 $0x1082  }
0x22: {  	[simem:s7], [sflag:s8] =	dma.local @!p0 [hbm:s6], $0xF7A  }
0x23: {  	s9 =	sor.u32 $0xD0000000, s2;
	s6 =	simm.s32 $0x108;
	_ =	swait.ge @!p0 [sflag:s8], $0x0  }
0x24: {  	s3 =	sadd.s32 $0x88, s3;
	s6 =	simm.s32 @!p1 $0x1082;
	[sflag:s4] =	ssyncset.s32 $0xFFFFF086  }
0x25: {  	[simem:s6], [sflag:s4] =	dma.local [hbm:s3], $0xF7A  }
0x26: {  	[smem:$0x3F8B] =	sst s1;
	(tag) =	ssettag s2;
	_ =	strace s9  }
0x27: {  	s1 =	sld [smem:$0x3F9B]  }
0x28: {  	s2 =	sld [smem:$0x3F9C]  }
0x29: {  	s4 =	sld [smem:$0x3F9E]  }
0x2a: {  	p0 =	seq.s32 s5, $0x0;
	s5 =	sld [smem:$0x3F9F]  }
0x2b: {  	s6 =	sld [smem:$0x3FA0]  }
0x2c: {  	s7 =	sld [smem:$0x3FA1]  }
0x2d: {  	s3 =	simm.s32 $0x108;
	s8 =	sld [smem:$0x3FA2]  }
0x2e: {  	s3 =	simm.s32 @!p0 $0x1082;
	s9 =	sld [smem:$0x3FA3]  }
0x2f: {  	lr =	sadd.s32 s0, s3;
	s0 =	sld [smem:$0x3F9A]  }
0x30: {  	s3 =	sld [smem:$0x3F9D]  }
0x31: {  	[smem:$0x3FA6] =	sst s10  }
0x32: {  	s10 =	sld [smem:$0x3FA4];
	_ =	sdelay $0x3  }
0x33: {  	p0 =	seq.s32 s10, $0x1;
	s10 =	sld [smem:$0x3FA6];
	_ =	sdelay $0x3  }
0x34: {  	[smem:$0x3FA6] =	sst s10  }
0x35: {  	s10 =	sld [smem:$0x3FA5];
	_ =	sdelay $0x3  }
0x36: {  	p1 =	seq.s32 s10, $0x1;
	s10 =	sld [smem:$0x3FA6];
	_ =	sdelay $0x3  }
0x37: {  	[smem:$0x3FA6] =	sst s10  }
0x38: {  	s10 =	sld [smem:$0x3FA7]  }
0x39: {  	_ = 	snop;
	(pc) =	sbr.ind lr, $3  }
0x3a: {  	_ = 	snop  }
0x3b: {  	_ = 	snop  }
0x3c: {  	p2 =	seq.s32 s10, $0x1;
	s10 =	sld [smem:$0x3FA6]  }
0x3d: {  	_ =	shalt  }
0x3e: {  	_ =	shalt  }
0x3f: {  	_ =	shalt  }
0x40: {  	_ =	shalt  }
0x41: {  	_ =	shalt  }
0x42: {  	_ =	shalt  }
0x43: {  	_ =	shalt  }
0x44: {  	_ =	shalt  }
0x45: {  	_ =	shalt  }
0x46: {  	_ =	shalt  }
0x47: {  	_ =	shalt  }
0x48: {  	_ =	shalt  }
0x49: {  	_ =	shalt  }
0x4a: {  	_ =	shalt  }
0x4b: {  	_ =	shalt  }
0x4c: {  	_ =	shalt  }
0x4d: {  	_ =	shalt  }
0x4e: {  	_ =	shalt  }
0x4f: {  	_ =	shalt  }
0x50: {  	_ =	shalt  }
0x51: {  	_ =	shalt  }
0x52: {  	_ =	shalt  }
0x53: {  	_ =	shalt  }
0x54: {  	_ =	shalt  }
0x55: {  	_ =	shalt  }
0x56: {  	_ =	shalt  }
0x57: {  	_ =	shalt  }
0x58: {  	_ =	shalt  }
0x59: {  	_ =	shalt  }
0x5a: {  	_ =	shalt  }
0x5b: {  	_ =	shalt  }
0x5c: {  	_ =	shalt  }
0x5d: {  	_ =	shalt  }
0x5e: {  	_ =	shalt  }
0x5f: {  	_ =	shalt  }
0x60: {  	_ =	shalt  }
0x61: {  	_ =	shalt  }
0x62: {  	_ =	shalt  }
0x63: {  	_ =	shalt  }
0x64: {  	_ =	shalt  }
0x65: {  	_ =	shalt  }
0x66: {  	_ =	shalt  }
0x67: {  	_ =	shalt  }
0x68: {  	_ =	shalt  }
0x69: {  	_ =	shalt  }
0x6a: {  	_ =	shalt  }
0x6b: {  	_ =	shalt  }
0x6c: {  	_ =	shalt  }
0x6d: {  	_ =	shalt  }
0x6e: {  	_ =	shalt  }
0x6f: {  	_ =	shalt  }
0x70: {  	_ =	shalt  }
0x71: {  	_ =	shalt  }
0x72: {  	_ =	shalt  }
0x73: {  	_ =	shalt  }
0x74: {  	_ =	shalt  }
0x75: {  	_ =	shalt  }
0x76: {  	_ =	shalt  }
0x77: {  	_ =	shalt  }
0x78: {  	_ =	shalt  }
0x79: {  	_ =	shalt  }
0x7a: {  	_ =	shalt  }
0x7b: {  	_ =	shalt  }
0x7c: {  	_ =	shalt  }
0x7d: {  	_ =	shalt  }
0x7e: {  	_ =	shalt  }
0x7f: {  	_ =	shalt  }
0x80: {  	_ =	shalt  }
0x81: {  	_ =	shalt  }
0x82: {  	_ =	shalt  }
0x83: {  	_ =	shalt  }
0x84: {  	_ =	shalt  }
0x85: {  	_ =	shalt  }
0x86: {  	_ =	shalt  }
0x87: {  	_ =	shalt  }
.Lfunc_end0:
.L_simem_size_0:
called_computation.1_lowered:
.L_overlay_start_0:
0x88: {  	s2 =	sld [smem:$0x3FD9]  }
0x89: {  	s3 =	sld [smem:$0x3FFE];
	_ =	sdelay $0x1  }
0x8a: {  	s1 =	srdreg.scid  }
0x8b: {  	s0 =	sand.u32 $0x1, s1  }
0x8c: {  	s17 =	sshll.u32 s0, $0xA;
	s2 =	sadd.s32 s3, s2  }
0x8d: {  	s2 =	sadd.s32 s2, s17  }
0x8e: {  	[smem:$0x3FB2] =	sst s2  }
0x8f: {  	_ = 	snop  }
0x90: {  	s2 =	sld [smem:$0x3FC9];
	(tm) =	ssettm $0x1  }
0x91: {  	s18 =	sld [smem:$0x3FFB];
	_ =	sdelay $0x3  }
0x92: {  	_ =	strace s18  }
0x93: {  	s3 =	sld [smem:$0x3FFC];
	_ =	sdelay $0x3  }
0x94: {  	_ =	strace s3  }
0x95: {  	s3 =	sld [smem:$0x3FFD];
	_ =	sdelay $0x3  }
0x96: {  	_ =	strace s3  }
0x97: {  	_ =	strace $0x8FFFFFFF  }
0x98: {  	s19 =	sld [smem:$0x3FDB];
	_ =	sdelay $0x1  }
0x99: {  	s4 =	simm.s32 $_scs_section_size  }
0x9a: {  	s5 =	simm.s32 $_size__tile_overlayer_lowered;
	s6 =	simm.s32 $_tile_overlayer_lowered  }
0x9b: {  	s22 =	simm.s32 $0x1BFF;
	s21 =	sshll.u32 s6, $0x1;
	s3 =	sadd.s32 s4, s19  }
0x9c: {  	s7 =	simm.s32 $0x0;
	s20 =	sshll.u32 s5, $0x1;
	s5 =	sadd.s32 s21, s3  }
0x9d: {  	[timem:s7], [sflag:s22] =	dma.local [hbm:s5], s20  }
0x9e: {  	_ =	swait.ge [sflag:s22], s20  }
0x9f: {  	s4 =	ssub.s32 $0x0, s20;
	[sflag:s22] =	ssyncset.done $0x0  }
0xa0: {  	[sflag:s22] =	ssyncadd.s32 s4;
	_ =	sdelay $0x1  }
0xa1: {  	s23 =	simm.s32 $0x1B8B  }
0xa2: {  	_ =	swait.ge [sflag:s23], $0x1  }
0xa3: {  	[sflag:s23] =	ssyncset.done $0x0  }
0xa4: {  	s25 =	simm.s32 $0x1B8E;
	s24 =	sld [smem:$0x3FFE];
	[sflag:s23] =	ssyncadd.s32 $0xFFFFFFFF  }
0xa5: {  	s26 =	simm.s32 $execute0_lowered;
	[smem:$0x3FD2] =	sst s25  }
0xa6: {  	s5 =	sshll.u32 s26, $0x1;
	_ =	strace $0x80000046;
	[dreg:$0x1] =	wrdreg $0xFFFFFFFF  }
0xa7: {  	s28 =	simm.s32 $_size_execute0_lowered;
	s3 =	sadd.s32 s3, s5;
	[dreg:$0x0] =	wrdreg $0x0  }
0xa8: {  	s5 =	sshll.u32 s28, $0x1;
	[dreg:$0x2] =	wrdreg s3  }
0xa9: {  	[dreg:$0x3] =	wrdreg s5  }
0xaa: {  	[dreg:$0x4] =	wrdreg $0xC0  }
0xab: {  	_ =	task [dreg:s7], $0x5FFFF  }
0xac: {  	[dreg:$0x1] =	wrdreg $0xFFFFFFFF  }
0xad: {  	[dreg:$0x0] =	wrdreg $0x60  }
0xae: {  	[dreg:$0x2] =	wrdreg s2  }
0xaf: {  	[dreg:$0x3] =	wrdreg s24  }
0xb0: {  	[dreg:$0x4] =	wrdreg $0x91000  }
0xb1: {  	[dreg:$0x5] =	wrdreg $0xA  }
0xb2: {  	_ =	task.clear_ibuf [dreg:s7], $0x6FFFF;
	_ =	strace $0x90000046  }
0xb3: {  	s29 =	simm.s32 $0xA;
	_ =	strace $0x80000048  }
0xb4: {  	_ =	swait.ge [sflag:s29], $0x1  }
0xb5: {  	[sflag:s29] =	ssyncadd.s32 $0xFFFFFFFF  }
0xb6: {  	_ =	strace $0x90000048  }
0xb7: {  	_ =	sfence  }
0xb8: {  	s30 =	sld [smem:$0x0];
	_ =	sdelay $0x2  }
0xb9: {  	s31 =	sshll.u32 s1, $0xD;
	s1 =	sshrl.u32 s1, $0x2  }
0xba: {  	s3 =	sand.u32 $0x4000, s31;
	s1 =	sadd.s32 s1, s30  }
0xbb: {  	s0 =	sor.u32 s3, s0;
	s1 =	sshll.u32 s1, $0x11  }
0xbc: {  	s0 =	sor.u32 s1, s0  }
0xbd: {  	s0 =	sadd.s32 $0x8F2B, s0  }
0xbe: {  	[sflag:s0] =	ssyncadd.remote.s32 $0x1  }
0xbf: {  	_ =	sfence.sel $0xFFFF  }
0xc0: {  	[dreg:$0x0] =	wrdreg $0xFFFFFFFF;
	(pc) =	sbr.abs _section_cstart, $3  }
0xc1: {  	[dreg:$0x1] =	wrdreg $0xFFFFFFFF  }
0xc2: {  	_ =	task.clear_ibuf [dreg:s7], $0x2FFFF;
	_ =	strace $0x9FFFFFFF  }
0xc3: {  	(tm) =	ssettm $0x7FFFFFFF  }
tec
execute0_lowered:
.L_overlay_start_1:
0x0: {  	(tag) =	ssettag $0x1  }
0x1: {  	s2 =	rddreg [dreg:$0x0]  }
0x2: {  	s7 =	rddreg [dreg:$0x1]  }
0x3: {  	s3 =	rddreg [dreg:$0x2]  }
0x4: {  	s0 =	rddreg [dreg:$0x3];
	s1 =	stileid.u32  }
0x5: {  	s5 =	srdreg.scid;
	s4 =	simm.s32 $0x0;
	s14 =	simm.s32 $0x800  }
0x6: {  	s15 =	simm.s32 $0x80;
	s16 =	simm.s32 $0x1100;
	s17 =	simm.s32 $0x5100  }
0x7: {  	s18 =	simm.s32 $0x1;
	s19 =	simm.s32 $0x1000;
	s20 =	simm.s32 $0x2  }
0x8: {  	s21 =	simm.s32 $0x1080;
	s8 =	smul.u32 $0x2780, s1;
	s9 =	sand.u32 $0x1, s5  }
0x9: {  	[smem:$0x7FF] =	sst s4;
	s5 =	sadd.s32 $0x13000, s7;
	s12 =	smul.u32 $0x4F000, s1  }
0xa: {  	s6 =	sadd.s32 $0x9000, s7;
	s31 =	sshll.u32 s1, $0x6;
	s10 =	smul.u32 $0x27800, s9  }
0xb: {  	_ =	strace $0x80000047;
	s11 =	ssub.s32 $0x2, s9;
	s28 =	sshll.u32 s9, $0x4  }
0xc: {  	s26 =	sshrl.u32 s11, $0x1;
	s29 =	sshrl.u32 s12, $0x2;
	s30 =	sor.u32 s1, s28  }
0xd: {  	s10 =	sadd.s32 s8, s10;
	s8 =	sadd.s32 s8, s7;
	s11 =	ssub.s32 s11, s26  }
0xe: {  	s13 =	sadd.s32 s29, s3;
	s9 =	smul.u32 $0x2800, s30;
	s10 =	sadd.s32 s10, s7  }
0xf: {  	s7 =	sadd.s32 $0x1D000, s8;
	s8 =	sor.u32 $0x1C03, s31;
	s11 =	smax.u32 s11, $0x1  }
0x10: {  	s12 =	sshrl.u32 s13, $0x3;
	s13 =	simm.s32 $0x3;
	s10 =	sadd.s32 $0x44800, s10  }
.LBB2_1:
0x11: {  	[spmem:s12], [sflag:s8] =	dma.local [hbm:s7], $0x2780  }
0x12: {  	_ =	swait.ge [sflag:s13], $0x2780  }
0x13: {  	[sflag:s13] =	ssyncset.done $0x0  }
0x14: {  	[sflag:s13] =	ssyncadd.s32 $0xFFFFD880  }
0x15: {  	s22 =	simm.s32 $0x0;
	[bflag:$0x0] =	sbarrier.arrive $0xFFFF  }
.LBB2_2:
0x16: {  	s23 =	sshll.u32 s22, $0xB  }
0x17: {  	s23 =	sadd.s32 s9, s23  }
0x18: {  	s23 =	sshrl.u32 s23, $0x3  }
0x19: {  	s25 =	simm.s32 $0x0;
	s24 =	sadd.s32 s5, s23  }
0x1a: {  	[tilespmem:s25], [sflag:$0x3] =	stream.linear.gather [hbm4b:s24+s25], $0x800, $0x38;
	[tilespmem:$0x1CD00] =	vst v63  }
0x1b: {  	_ =	swait.ge [sflag:s13], $0x800  }
0x1c: {  	[sflag:s13] =	ssyncset.done $0x0  }
0x1d: {  	s23 =	sadd.s32 s6, s23;
	[sflag:s13] =	ssyncadd.s32 $0xFFFFF800  }
0x1e: {  	[tilespmem:s14], [sflag:$0x3] =	stream.linear.gather [hbm4b:s23+s25], $0x800, $0x38;
	[tilespmem:$0x1CD00] =	vst v63  }
0x1f: {  	_ =	swait.ge [sflag:s13], $0x800  }
0x20: {  	[sflag:s13] =	ssyncset.done $0x0  }
0x21: {  	[sflag:s13] =	ssyncadd.s32 $0xFFFFF800  }
0x22: {  	[tilespmem:s16], [sflag:$0x1] =	stream.indirect.gather [hbm4b:s2+s15], $0x80, s25, s15, $0xb8;
	[tilespmem:$0x1CD00] =	vst v63  }
0x23: {  	_ = 	snop  }
0x24: {  	[tilespmem:s17], [sflag:$0x2] =	stream.indirect.gather [hbm4b:s2+s15], $0x80, s15, s15, $0xb8;
	[tilespmem:$0x1CD00] =	vst v63  }
0x25: {  	_ =	swait.ge [sflag:s18], $0x4000  }
0x26: {  	[sflag:s18] =	ssyncset.done $0x0  }
0x27: {  	s30 =	simm.s32 $0x0;
	[sflag:s18] =	ssyncadd.s32 $0xFFFFC000  }
0x28: {  	v0 =	vld [tilespmem:s30+$0x800];
	_ =	sdelay $0x4  }
0x29: {  	[tilespmem:$0x1000] =	vst v0  }
0x2a: {  	v0 =	vld [tilespmem:s30+$0x810];
	_ =	sdelay $0x4  }
0x2b: {  	[tilespmem:$0x1010] =	vst v0  }
0x2c: {  	v0 =	vld [tilespmem:s30+$0x820];
	_ =	sdelay $0x4  }
0x2d: {  	[tilespmem:$0x1020] =	vst v0  }
0x2e: {  	v0 =	vld [tilespmem:s30+$0x830];
	_ =	sdelay $0x4  }
0x2f: {  	[tilespmem:$0x1030] =	vst v0  }
0x30: {  	v0 =	vld [tilespmem:s30+$0x840];
	_ =	sdelay $0x4  }
0x31: {  	[tilespmem:$0x1040] =	vst v0  }
0x32: {  	v0 =	vld [tilespmem:s30+$0x850];
	_ =	sdelay $0x4  }
0x33: {  	[tilespmem:$0x1050] =	vst v0  }
0x34: {  	v0 =	vld [tilespmem:s30+$0x860];
	_ =	sdelay $0x4  }
0x35: {  	[tilespmem:$0x1060] =	vst v0  }
0x36: {  	v0 =	vld [tilespmem:s30+$0x870];
	_ =	sdelay $0x4  }
0x37: {  	[tilespmem:$0x1070] =	vst v0  }
0x38: {  	[spmem:s3] =	stream.indirect.scatter.add.f32 [tilespmem:s16], [sflag:$0x3], $0x80, s19, s15, $0xb8;
	[tilespmem:$0x1CD00] =	vst v63  }
0x39: {  	_ =	swait.ge [sflag:s13], $0x4000  }
0x3a: {  	[sflag:s13] =	ssyncset.done $0x0  }
0x3b: {  	s31 =	simm.s32 $0x100;
	[sflag:s13] =	ssyncadd.s32 $0xFFFFC000  }
0x3c: {  	[tilespmem:s16], [sflag:$0x1] =	stream.indirect.gather [hbm4b:s2+s15], $0x80, s31, s15, $0xb8;
	[tilespmem:$0x1CD00] =	vst v63  }
0x3d: {  	_ =	swait.ge [sflag:s20], $0x4000  }
0x3e: {  	[sflag:s20] =	ssyncset.done $0x0  }
0x3f: {  	[sflag:s20] =	ssyncadd.s32 $0xFFFFC000  }
0x40: {  	v63 =	vld [tilespmem:s30+$0x880];
	_ =	sdelay $0x4  }
0x41: {  	[tilespmem:$0x1080] =	vst v63  }
0x42: {  	v0 =	vld [tilespmem:s30+$0x890];
	_ =	sdelay $0x4  }
0x43: {  	[tilespmem:$0x1090] =	vst v0  }
0x44: {  	v0 =	vld [tilespmem:s30+$0x8A0];
	_ =	sdelay $0x4  }
0x45: {  	[tilespmem:$0x10A0] =	vst v0  }
0x46: {  	v0 =	vld [tilespmem:s30+$0x8B0];
	_ =	sdelay $0x4  }
0x47: {  	[tilespmem:$0x10B0] =	vst v0  }
0x48: {  	v0 =	vld [tilespmem:s30+$0x8C0];
	_ =	sdelay $0x4  }
0x49: {  	[tilespmem:$0x10C0] =	vst v0  }
0x4a: {  	v0 =	vld [tilespmem:s30+$0x8D0];
	_ =	sdelay $0x4  }
0x4b: {  	[tilespmem:$0x10D0] =	vst v0  }
0x4c: {  	v0 =	vld [tilespmem:s30+$0x8E0];
	_ =	sdelay $0x4  }
0x4d: {  	[tilespmem:$0x10E0] =	vst v0  }
0x4e: {  	v0 =	vld [tilespmem:s30+$0x8F0];
	_ =	sdelay $0x4  }
0x4f: {  	[tilespmem:$0x10F0] =	vst v0  }
0x50: {  	[spmem:s3] =	stream.indirect.scatter.add.f32 [tilespmem:s17], [sflag:$0x3], $0x80, s21, s15, $0xb8;
	[tilespmem:$0x1CD00] =	vst v63  }
0x51: {  	_ =	swait.ge [sflag:s13], $0x4000  }
0x52: {  	[sflag:s13] =	ssyncset.done $0x0  }
0x53: {  	s24 =	simm.s32 $0x180;
	s23 =	simm.s32 $0x400;
	[sflag:s13] =	ssyncadd.s32 $0xFFFFC000  }
.LBB2_3:
0x54: {  	[tilespmem:s17], [sflag:$0x2] =	stream.indirect.gather [hbm4b:s2+s15], $0x80, s24, s15, $0xb8;
	[tilespmem:$0x1CD00] =	vst v63  }
0x55: {  	s24 =	smov.u32 s23  }
0x56: {  	p0 =	sne.s32 s23, $0x1800;
	s23 =	sadd.s32 $0x400, s23;
	_ =	swait.ge [sflag:s18], $0x4000  }
0x57: {  	[sflag:s18] =	ssyncset.done $0x0  }
0x58: {  	s24 =	sshra.s32 s24, $0x2;
	[sflag:s18] =	ssyncadd.s32 $0xFFFFC000  }
0x59: {  	v0 =	vld [tilespmem:s24+$0x800];
	_ =	sdelay $0x4  }
0x5a: {  	[tilespmem:$0x1000] =	vst v0  }
0x5b: {  	v0 =	vld [tilespmem:s24+$0x810];
	_ =	sdelay $0x4  }
0x5c: {  	[tilespmem:$0x1010] =	vst v0  }
0x5d: {  	v0 =	vld [tilespmem:s24+$0x820];
	_ =	sdelay $0x4  }
0x5e: {  	[tilespmem:$0x1020] =	vst v0  }
0x5f: {  	v0 =	vld [tilespmem:s24+$0x830];
	_ =	sdelay $0x4  }
0x60: {  	[tilespmem:$0x1030] =	vst v0  }
0x61: {  	v0 =	vld [tilespmem:s24+$0x840];
	_ =	sdelay $0x4  }
0x62: {  	[tilespmem:$0x1040] =	vst v0  }
0x63: {  	v0 =	vld [tilespmem:s24+$0x850];
	_ =	sdelay $0x4  }
0x64: {  	[tilespmem:$0x1050] =	vst v0  }
0x65: {  	v0 =	vld [tilespmem:s24+$0x860];
	_ =	sdelay $0x4  }
0x66: {  	[tilespmem:$0x1060] =	vst v0  }
0x67: {  	v0 =	vld [tilespmem:s24+$0x870];
	_ =	sdelay $0x4  }
0x68: {  	[tilespmem:$0x1070] =	vst v0  }
0x69: {  	[spmem:s3] =	stream.indirect.scatter.add.f32 [tilespmem:s16], [sflag:$0x3], $0x80, s19, s15, $0xb8;
	[tilespmem:$0x1CD00] =	vst v63  }
0x6a: {  	_ =	swait.ge [sflag:s13], $0x4000  }
0x6b: {  	[sflag:s13] =	ssyncset.done $0x0  }
0x6c: {  	s25 =	sadd.s32 $0x100, s24;
	[sflag:s13] =	ssyncadd.s32 $0xFFFFC000  }
0x6d: {  	[tilespmem:s16], [sflag:$0x1] =	stream.indirect.gather [hbm4b:s2+s15], $0x80, s25, s15, $0xb8;
	[tilespmem:$0x1CD00] =	vst v63  }
0x6e: {  	_ =	swait.ge [sflag:s20], $0x4000  }
0x6f: {  	[sflag:s20] =	ssyncset.done $0x0  }
0x70: {  	[sflag:s20] =	ssyncadd.s32 $0xFFFFC000  }
0x71: {  	v0 =	vld [tilespmem:s24+$0x880];
	_ =	sdelay $0x4  }
0x72: {  	[tilespmem:$0x1080] =	vst v0  }
0x73: {  	v0 =	vld [tilespmem:s24+$0x890];
	_ =	sdelay $0x4  }
0x74: {  	[tilespmem:$0x1090] =	vst v0  }
0x75: {  	v0 =	vld [tilespmem:s24+$0x8A0];
	_ =	sdelay $0x4  }
0x76: {  	[tilespmem:$0x10A0] =	vst v0  }
0x77: {  	v0 =	vld [tilespmem:s24+$0x8B0];
	_ =	sdelay $0x4  }
0x78: {  	[tilespmem:$0x10B0] =	vst v0  }
0x79: {  	v0 =	vld [tilespmem:s24+$0x8C0];
	_ =	sdelay $0x4  }
0x7a: {  	[tilespmem:$0x10C0] =	vst v0  }
0x7b: {  	v0 =	vld [tilespmem:s24+$0x8D0];
	_ =	sdelay $0x4  }
0x7c: {  	[tilespmem:$0x10D0] =	vst v0  }
0x7d: {  	v0 =	vld [tilespmem:s24+$0x8E0];
	_ =	sdelay $0x4  }
0x7e: {  	[tilespmem:$0x10E0] =	vst v0  }
0x7f: {  	v0 =	vld [tilespmem:s24+$0x8F0];
	_ =	sdelay $0x4  }
.Ltmp0:
0x80: {  	[tilespmem:$0x10F0] =	vst v0;
	(pc) =	sbr.rel @p0 .LBB2_3-.Ltmp0, $4  }
0x81: {  	[spmem:s3] =	stream.indirect.scatter.add.f32 [tilespmem:s17], [sflag:$0x3], $0x80, s21, s15, $0xb8;
	[tilespmem:$0x1CD00] =	vst v63  }
0x82: {  	_ =	swait.ge [sflag:s13], $0x4000  }
0x83: {  	[sflag:s13] =	ssyncset.done $0x0  }
0x84: {  	s24 =	sadd.s32 $0x180, s24;
	[sflag:s13] =	ssyncadd.s32 $0xFFFFC000  }
0x85: {  	[tilespmem:s17], [sflag:$0x2] =	stream.indirect.gather [hbm4b:s2+s15], $0x80, s24, s15, $0xb8;
	[tilespmem:$0x1CD00] =	vst v63  }
0x86: {  	_ =	swait.ge [sflag:s18], $0x4000  }
0x87: {  	[sflag:s18] =	ssyncset.done $0x0  }
0x88: {  	[sflag:s18] =	ssyncadd.s32 $0xFFFFC000  }
0x89: {  	v0 =	vld [tilespmem:$0xF00]  }
0x8a: {  	v1 =	vld [tilespmem:$0xF10]  }
0x8b: {  	v2 =	vld [tilespmem:$0xF20]  }
0x8c: {  	v3 =	vld [tilespmem:$0xF30]  }
0x8d: {  	v4 =	vld [tilespmem:$0xF40]  }
0x8e: {  	v53 =	vld [tilespmem:$0xF50];
	[tilespmem:$0x1000] =	vst v0  }
0x8f: {  	v54 =	vld [tilespmem:$0xF60];
	[tilespmem:$0x1010] =	vst v1  }
0x90: {  	v55 =	vld [tilespmem:$0xF70];
	[tilespmem:$0x1020] =	vst v2  }
0x91: {  	[tilespmem:$0x1030] =	vst v3  }
0x92: {  	[tilespmem:$0x1040] =	vst v4  }
0x93: {  	[tilespmem:$0x1050] =	vst v53  }
0x94: {  	[tilespmem:$0x1060] =	vst v54  }
0x95: {  	[tilespmem:$0x1070] =	vst v55  }
0x96: {  	[spmem:s3] =	stream.indirect.scatter.add.f32 [tilespmem:s16], [sflag:$0x3], $0x80, s19, s15, $0xb8;
	[tilespmem:$0x1CD00] =	vst v63  }
0x97: {  	_ =	swait.ge [sflag:s13], $0x4000  }
0x98: {  	[sflag:s13] =	ssyncset.done $0x0  }
0x99: {  	[sflag:s13] =	ssyncadd.s32 $0xFFFFC000  }
0x9a: {  	_ =	swait.ge [sflag:s20], $0x4000  }
0x9b: {  	[sflag:s20] =	ssyncset.done $0x0  }
0x9c: {  	[sflag:s20] =	ssyncadd.s32 $0xFFFFC000  }
0x9d: {  	v56 =	vld [tilespmem:$0xF80]  }
0x9e: {  	v57 =	vld [tilespmem:$0xF90]  }
0x9f: {  	v58 =	vld [tilespmem:$0xFA0]  }
0xa0: {  	v59 =	vld [tilespmem:$0xFB0]  }
0xa1: {  	v60 =	vld [tilespmem:$0xFC0]  }
0xa2: {  	v61 =	vld [tilespmem:$0xFD0];
	[tilespmem:$0x1080] =	vst v56  }
0xa3: {  	v62 =	vld [tilespmem:$0xFE0];
	[tilespmem:$0x1090] =	vst v57  }
0xa4: {  	v63 =	vld [tilespmem:$0xFF0];
	[tilespmem:$0x10A0] =	vst v58  }
0xa5: {  	[tilespmem:$0x10B0] =	vst v59  }
0xa6: {  	[tilespmem:$0x10C0] =	vst v60  }
0xa7: {  	s22 =	sadd.s32 $0x1, s22;
	[tilespmem:$0x10D0] =	vst v61  }
0xa8: {  	p0 =	sne.s32 s22, $0x5;
	[tilespmem:$0x10E0] =	vst v62  }
.Ltmp1:
0xa9: {  	[tilespmem:$0x10F0] =	vst v63;
	(pc) =	sbr.rel @p0 .LBB2_2-.Ltmp1, $4  }
0xaa: {  	[spmem:s3] =	stream.indirect.scatter.add.f32 [tilespmem:s17], [sflag:$0x3], $0x80, s21, s15, $0xb8;
	[tilespmem:$0x1CD00] =	vst v63  }
0xab: {  	_ =	swait.ge [sflag:s13], $0x4000  }
0xac: {  	[sflag:s13] =	ssyncset.done $0x0  }
0xad: {  	[sflag:s13] =	ssyncadd.s32 $0xFFFFC000  }
0xae: {  	s4 =	sadd.s32 $0x1, s4  }
0xaf: {  	p0 =	sne.s32 s4, s11  }
.Ltmp2:
0xb0: {  	[bflag:$0x0] =	sbarrier.arrive $0xFFFF;
	(pc) =	sbr.rel @p0 .LBB2_1-.Ltmp2, $4  }
0xb1: {  	[hbm:s10], [sflag:s8] =	dma.local [spmem:s12], $0x2780  }
0xb2: {  	_ =	swait.ge [sflag:s13], $0x2780  }
0xb3: {  	[sflag:s13] =	ssyncset.done $0x0  }
0xb4: {  	[sflag:s13] =	ssyncadd.s32 $0xFFFFD880  }
0xb5: {  	_ =	sfence.sel $0x180000  }
0xb6: {  	[bflag:$0x0] =	sbarrier.arrive $0xFFFF  }
0xb7: {  	p0 =	sne.s32 s1, $0x0;
	_ =	strace $0x90000047  }
0xb8: {  	s0 =	sadd.s32 @!p0 $0x100000, s0;
	[bflag:$0x2] =	sbarrier.arrive $0xFFFF  }
0xb9: {  	[sflag:s0] =	ssyncadd.tile.s32 @!p0 $0x1;
	_ =	shalt  }
.Lfunc_end2:
_tile_overlayer_lowered:
.L_overlay_start_2:
0xba: {  	(tag) =	ssettag $0x2  }
0xbb: {  	s0 =	rddreg [dreg:$0x0];
	s2 =	stileid.u32  }
0xbc: {  	s1 =	rddreg [dreg:$0x1];
	p0 =	sne.s32 s2, $0x0  }
0xbd: {  	s3 =	rddreg [dreg:$0x2];
	[bflag:$0x3] =	sbarrier.arrive $0xFFFF;
	s2 =	simm.s32 @!p0 $0x1C03  }
0xbe: {  	[timem:s3], [sflag:s2] =	dma.local @!p0 [hbm:s0], s1  }
0xbf: {  	s0 =	simm.s32 @!p0 $0x3  }
0xc0: {  	_ =	swait.ge @!p0 [sflag:s0], s1  }
0xc1: {  	s1 =	ssub.s32 @!p0 $0x0, s1;
	[sflag:s0] =	ssyncset.done @!p0 $0x0  }
0xc2: {  	[sflag:s0] =	ssyncadd.s32 @!p0 s1  }
0xc3: {  	[bflag:$0x3] =	sbarrier.arrive $0xFFFF  }
0xc4: {  	_ =	shalt  }

// kernel: kernel.21.cloned.1.call-start
scs
__scs_entry_jumppad:
0x0: {  	(pc) =	sbr.rel $0x88, $3  }
0x1: {  	(tag) =	ssettag $0x0;
	lr =	simm.s32 $0x1  }
0x2: {  	[smem:$0x3F8B] =	sst lr;
	_ =	strace $0xD0000000  }
0x3: {  	_ = 	snop  }
0x4: {  	_ = 	snop  }
0x5: {  	_ = 	snop  }
0x6: {  	_ = 	snop  }
0x7: {  	_ = 	snop  }
__scs_overlays_trampoline_lowered:
0x8: {  	[smem:$0x3F9A] =	sst s0  }
0x9: {  	[smem:$0x3F9B] =	sst s1  }
0xa: {  	[smem:$0x3F9C] =	sst s2  }
0xb: {  	[smem:$0x3F9D] =	sst s3  }
0xc: {  	[smem:$0x3F9E] =	sst s4  }
0xd: {  	[smem:$0x3F9F] =	sst s5  }
0xe: {  	[smem:$0x3FA0] =	sst s6  }
0xf: {  	[smem:$0x3FA1] =	sst s7  }
0x10: {  	[smem:$0x3FA2] =	sst s8  }
0x11: {  	[smem:$0x3FA3] =	sst s9;
	s0 =	simm.s32 @!p0 $0x0  }
0x12: {  	s1 =	sld [smem:$0x3F89];
	s0 =	simm.s32 @p0 $0x1  }
0x13: {  	[smem:$0x3FA4] =	sst s0;
	s0 =	simm.s32 @!p1 $0x0  }
0x14: {  	s2 =	sld [smem:$0x3F88];
	s0 =	simm.s32 @p1 $0x1  }
0x15: {  	[smem:$0x3FA5] =	sst s0;
	s0 =	simm.s32 @!p2 $0x0  }
0x16: {  	s3 =	sld [smem:$0x3FDB];
	s0 =	simm.s32 @p2 $0x1  }
0x17: {  	s4 =	simm.s32 $0x1BF5;
	[smem:$0x3FA7] =	sst s0  }
0x18: {  	s0 =	sld [smem:$0x3F8A];
	_ =	swait.ge [sflag:s4], $0x0  }
0x19: {  	s7 =	sld [smem:$0x3F8B]  }
0x1a: {  	s8 =	sadd.s32 $0xFFFFE003, lr  }
0x1b: {  	s9 =	sadd.s32 $0xFFFFFEF7, lr;
	s5 =	simm.s32 $0xFFFFFFFF;
	p2 =	slt.u32 s8, $0xFFFFF086  }
0x1c: {  	p1 =	slt.u32 s9, $0xF7A;
	s5 =	simm.s32 @!p2 $0x0  }
0x1d: {  	s5 =	simm.s32 @p1 $0x1;
	p0 =	seq.s32 s7, s2  }
0x1e: {  	s7 =	smul.u32 @!p0 $0xF7A, s2;
	p2 =	seq.s32 @!p0 s5, $0x0  }
0x1f: {  	s9 =	smul.u32 $0xF7A, s1;
	s8 =	simm.s32 @!p0 $0x1BF5;
	p2 =	por !p2, p0  }
0x20: {  	[sflag:s8] =	ssyncset.s32 @!p0 $0xFFFFF086;
	s6 =	sadd.s32 @!p0 s3, s7;
	s7 =	simm.s32 @!p0 $0x108  }
0x21: {  	s3 =	sadd.s32 s3, s9;
	s6 =	sadd.s32 @!p0 $0x88, s6;
	s7 =	simm.s32 @p2 $0x1082  }
0x22: {  	[simem:s7], [sflag:s8] =	dma.local @!p0 [hbm:s6], $0xF7A  }
0x23: {  	s9 =	sor.u32 $0xD0000000, s2;
	s6 =	simm.s32 $0x108;
	_ =	swait.ge @!p0 [sflag:s8], $0x0  }
0x24: {  	s3 =	sadd.s32 $0x88, s3;
	s6 =	simm.s32 @!p1 $0x1082;
	[sflag:s4] =	ssyncset.s32 $0xFFFFF086  }
0x25: {  	[simem:s6], [sflag:s4] =	dma.local [hbm:s3], $0xF7A  }
0x26: {  	[smem:$0x3F8B] =	sst s1;
	(tag) =	ssettag s2;
	_ =	strace s9  }
0x27: {  	s1 =	sld [smem:$0x3F9B]  }
0x28: {  	s2 =	sld [smem:$0x3F9C]  }
0x29: {  	s4 =	sld [smem:$0x3F9E]  }
0x2a: {  	p0 =	seq.s32 s5, $0x0;
	s5 =	sld [smem:$0x3F9F]  }
0x2b: {  	s6 =	sld [smem:$0x3FA0]  }
0x2c: {  	s7 =	sld [smem:$0x3FA1]  }
0x2d: {  	s3 =	simm.s32 $0x108;
	s8 =	sld [smem:$0x3FA2]  }
0x2e: {  	s3 =	simm.s32 @!p0 $0x1082;
	s9 =	sld [smem:$0x3FA3]  }
0x2f: {  	lr =	sadd.s32 s0, s3;
	s0 =	sld [smem:$0x3F9A]  }
0x30: {  	s3 =	sld [smem:$0x3F9D]  }
0x31: {  	[smem:$0x3FA6] =	sst s10  }
0x32: {  	s10 =	sld [smem:$0x3FA4];
	_ =	sdelay $0x3  }
0x33: {  	p0 =	seq.s32 s10, $0x1;
	s10 =	sld [smem:$0x3FA6];
	_ =	sdelay $0x3  }
0x34: {  	[smem:$0x3FA6] =	sst s10  }
0x35: {  	s10 =	sld [smem:$0x3FA5];
	_ =	sdelay $0x3  }
0x36: {  	p1 =	seq.s32 s10, $0x1;
	s10 =	sld [smem:$0x3FA6];
	_ =	sdelay $0x3  }
0x37: {  	[smem:$0x3FA6] =	sst s10  }
0x38: {  	s10 =	sld [smem:$0x3FA7]  }
0x39: {  	_ = 	snop;
	(pc) =	sbr.ind lr, $3  }
0x3a: {  	_ = 	snop  }
0x3b: {  	_ = 	snop  }
0x3c: {  	p2 =	seq.s32 s10, $0x1;
	s10 =	sld [smem:$0x3FA6]  }
0x3d: {  	_ =	shalt  }
0x3e: {  	_ =	shalt  }
0x3f: {  	_ =	shalt  }
0x40: {  	_ =	shalt  }
0x41: {  	_ =	shalt  }
0x42: {  	_ =	shalt  }
0x43: {  	_ =	shalt  }
0x44: {  	_ =	shalt  }
0x45: {  	_ =	shalt  }
0x46: {  	_ =	shalt  }
0x47: {  	_ =	shalt  }
0x48: {  	_ =	shalt  }
0x49: {  	_ =	shalt  }
0x4a: {  	_ =	shalt  }
0x4b: {  	_ =	shalt  }
0x4c: {  	_ =	shalt  }
0x4d: {  	_ =	shalt  }
0x4e: {  	_ =	shalt  }
0x4f: {  	_ =	shalt  }
0x50: {  	_ =	shalt  }
0x51: {  	_ =	shalt  }
0x52: {  	_ =	shalt  }
0x53: {  	_ =	shalt  }
0x54: {  	_ =	shalt  }
0x55: {  	_ =	shalt  }
0x56: {  	_ =	shalt  }
0x57: {  	_ =	shalt  }
0x58: {  	_ =	shalt  }
0x59: {  	_ =	shalt  }
0x5a: {  	_ =	shalt  }
0x5b: {  	_ =	shalt  }
0x5c: {  	_ =	shalt  }
0x5d: {  	_ =	shalt  }
0x5e: {  	_ =	shalt  }
0x5f: {  	_ =	shalt  }
0x60: {  	_ =	shalt  }
0x61: {  	_ =	shalt  }
0x62: {  	_ =	shalt  }
0x63: {  	_ =	shalt  }
0x64: {  	_ =	shalt  }
0x65: {  	_ =	shalt  }
0x66: {  	_ =	shalt  }
0x67: {  	_ =	shalt  }
0x68: {  	_ =	shalt  }
0x69: {  	_ =	shalt  }
0x6a: {  	_ =	shalt  }
0x6b: {  	_ =	shalt  }
0x6c: {  	_ =	shalt  }
0x6d: {  	_ =	shalt  }
0x6e: {  	_ =	shalt  }
0x6f: {  	_ =	shalt  }
0x70: {  	_ =	shalt  }
0x71: {  	_ =	shalt  }
0x72: {  	_ =	shalt  }
0x73: {  	_ =	shalt  }
0x74: {  	_ =	shalt  }
0x75: {  	_ =	shalt  }
0x76: {  	_ =	shalt  }
0x77: {  	_ =	shalt  }
0x78: {  	_ =	shalt  }
0x79: {  	_ =	shalt  }
0x7a: {  	_ =	shalt  }
0x7b: {  	_ =	shalt  }
0x7c: {  	_ =	shalt  }
0x7d: {  	_ =	shalt  }
0x7e: {  	_ =	shalt  }
0x7f: {  	_ =	shalt  }
0x80: {  	_ =	shalt  }
0x81: {  	_ =	shalt  }
0x82: {  	_ =	shalt  }
0x83: {  	_ =	shalt  }
0x84: {  	_ =	shalt  }
0x85: {  	_ =	shalt  }
0x86: {  	_ =	shalt  }
0x87: {  	_ =	shalt  }
.Lfunc_end0:
.L_simem_size_0:
called_computation.2_lowered:
.L_overlay_start_0:
0x88: {  	s2 =	sld [smem:$0x3FD9]  }
0x89: {  	s3 =	sld [smem:$0x3FFE];
	_ =	sdelay $0x1  }
0x8a: {  	s1 =	srdreg.scid  }
0x8b: {  	s0 =	sand.u32 $0x1, s1  }
0x8c: {  	s16 =	sshll.u32 s0, $0xA;
	s2 =	sadd.s32 s3, s2  }
0x8d: {  	s2 =	sadd.s32 s2, s16  }
0x8e: {  	[smem:$0x3FB2] =	sst s2  }
0x8f: {  	_ = 	snop  }
0x90: {  	(tm) =	ssettm $0x1  }
0x91: {  	s17 =	sld [smem:$0x3FFB];
	_ =	sdelay $0x3  }
0x92: {  	_ =	strace s17  }
0x93: {  	s2 =	sld [smem:$0x3FFC];
	_ =	sdelay $0x3  }
0x94: {  	_ =	strace s2  }
0x95: {  	s2 =	sld [smem:$0x3FFD];
	_ =	sdelay $0x3  }
0x96: {  	_ =	strace s2  }
0x97: {  	_ =	strace $0x8FFFFFFF  }
0x98: {  	s18 =	sld [smem:$0x3FDB];
	_ =	sdelay $0x1  }
0x99: {  	s19 =	simm.s32 $_scs_section_size  }
0x9a: {  	s4 =	simm.s32 $_size__tile_overlayer_lowered;
	s5 =	simm.s32 $_tile_overlayer_lowered  }
0x9b: {  	s22 =	simm.s32 $0x1BFF;
	s21 =	sshll.u32 s5, $0x1;
	s2 =	sadd.s32 s19, s18  }
0x9c: {  	s6 =	simm.s32 $0x0;
	s20 =	sshll.u32 s4, $0x1;
	s4 =	sadd.s32 s21, s2  }
0x9d: {  	[timem:s6], [sflag:s22] =	dma.local [hbm:s4], s20  }
0x9e: {  	_ =	swait.ge [sflag:s22], s20  }
0x9f: {  	s3 =	ssub.s32 $0x0, s20;
	[sflag:s22] =	ssyncset.done $0x0  }
0xa0: {  	[sflag:s22] =	ssyncadd.s32 s3;
	_ =	sdelay $0x1  }
0xa1: {  	s23 =	simm.s32 $0x1B8B  }
0xa2: {  	_ =	swait.ge [sflag:s23], $0x1  }
0xa3: {  	[sflag:s23] =	ssyncset.done $0x0  }
0xa4: {  	s25 =	simm.s32 $0x1B8E;
	s24 =	sld [smem:$0x3FFE];
	[sflag:s23] =	ssyncadd.s32 $0xFFFFFFFF  }
0xa5: {  	s26 =	simm.s32 $execute0_lowered;
	[smem:$0x3FD2] =	sst s25  }
0xa6: {  	s4 =	sshll.u32 s26, $0x1;
	_ =	strace $0x8000004C;
	[dreg:$0x1] =	wrdreg $0xFFFFFFFF  }
0xa7: {  	s28 =	simm.s32 $_size_execute0_lowered;
	s2 =	sadd.s32 s2, s4;
	[dreg:$0x0] =	wrdreg $0x0  }
0xa8: {  	s4 =	sshll.u32 s28, $0x1;
	[dreg:$0x2] =	wrdreg s2  }
0xa9: {  	[dreg:$0x3] =	wrdreg s4  }
0xaa: {  	[dreg:$0x4] =	wrdreg $0xC0  }
0xab: {  	_ =	task [dreg:s6], $0x5FFFF  }
0xac: {  	[dreg:$0x1] =	wrdreg $0xFFFFFFFF  }
0xad: {  	[dreg:$0x0] =	wrdreg $0x60  }
0xae: {  	[dreg:$0x2] =	wrdreg s24  }
0xaf: {  	[dreg:$0x3] =	wrdreg $0x91000  }
0xb0: {  	[dreg:$0x4] =	wrdreg $0x9  }
0xb1: {  	_ =	task.clear_ibuf [dreg:s6], $0x5FFFF;
	_ =	strace $0x9000004C  }
0xb2: {  	s29 =	simm.s32 $0x9;
	_ =	strace $0x8000004E  }
0xb3: {  	_ =	swait.ge [sflag:s29], $0x1  }
0xb4: {  	[sflag:s29] =	ssyncadd.s32 $0xFFFFFFFF  }
0xb5: {  	_ =	strace $0x9000004E  }
0xb6: {  	_ =	sfence  }
0xb7: {  	s30 =	sld [smem:$0x0];
	_ =	sdelay $0x2  }
0xb8: {  	s31 =	sshll.u32 s1, $0xD;
	s1 =	sshrl.u32 s1, $0x2  }
0xb9: {  	s3 =	sand.u32 $0x4000, s31;
	s1 =	sadd.s32 s1, s30  }
0xba: {  	s0 =	sor.u32 s3, s0;
	s1 =	sshll.u32 s1, $0x11  }
0xbb: {  	s0 =	sor.u32 s1, s0  }
0xbc: {  	s0 =	sadd.s32 $0x8F2B, s0  }
0xbd: {  	[sflag:s0] =	ssyncadd.remote.s32 $0x1  }
0xbe: {  	_ =	sfence.sel $0xFFFF  }
0xbf: {  	[dreg:$0x0] =	wrdreg $0xFFFFFFFF;
	(pc) =	sbr.abs _section_cstart, $3  }
0xc0: {  	[dreg:$0x1] =	wrdreg $0xFFFFFFFF  }
0xc1: {  	_ =	task.clear_ibuf [dreg:s6], $0x2FFFF;
	_ =	strace $0x9FFFFFFF  }
0xc2: {  	(tm) =	ssettm $0x7FFFFFFF  }
0xc3: {  	_ =	shalt  }
tec
execute0_lowered:
.L_overlay_start_1:
0x0: {  	(tag) =	ssettag $0x1  }
0x1: {  	s7 =	rddreg [dreg:$0x0]  }
0x2: {  	s2 =	rddreg [dreg:$0x1]  }
0x3: {  	s0 =	rddreg [dreg:$0x2];
	s3 =	simm.s32 $0x0;
	s1 =	stileid.u32  }
0x4: {  	s4 =	srdreg.scid;
	s14 =	simm.s32 $0x800;
	s15 =	simm.s32 $0x80  }
0x5: {  	s16 =	simm.s32 $0x1100;
	s17 =	simm.s32 $0x5100;
	s18 =	simm.s32 $0x1  }
0x6: {  	s19 =	simm.s32 $0x1000;
	s20 =	simm.s32 $0x2;
	s21 =	simm.s32 $0x1080  }
0x7: {  	[smem:$0x7FF] =	sst s3;
	s8 =	smul.u32 $0x2780, s1;
	s9 =	sand.u32 $0x1, s4  }
0x8: {  	s4 =	sadd.s32 $0x44800, s7;
	s5 =	sadd.s32 $0x13000, s7;
	s6 =	sadd.s32 $0x9000, s7  }
0x9: {  	s12 =	smul.u32 $0x4F000, s1;
	s31 =	sshll.u32 s1, $0x6;
	_ =	strace $0x8000004D  }
0xa: {  	s10 =	smul.u32 $0x27800, s9;
	s11 =	ssub.s32 $0x2, s9;
	s28 =	sshll.u32 s9, $0x4  }
0xb: {  	s26 =	sshrl.u32 s11, $0x1;
	s29 =	sshrl.u32 s12, $0x2;
	s30 =	sor.u32 s1, s28  }
0xc: {  	s10 =	sadd.s32 s8, s10;
	s8 =	sadd.s32 s8, s7;
	s11 =	ssub.s32 s11, s26  }
0xd: {  	s13 =	sadd.s32 s29, s2;
	s9 =	smul.u32 $0x2800, s30;
	s10 =	sadd.s32 s10, s7  }
0xe: {  	s7 =	sadd.s32 $0x1D000, s8;
	s8 =	sor.u32 $0x1C03, s31;
	s11 =	smax.u32 s11, $0x1  }
0xf: {  	s12 =	sshrl.u32 s13, $0x3;
	s13 =	simm.s32 $0x3;
	s10 =	sadd.s32 $0x93800, s10  }
.LBB2_1:
0x10: {  	[spmem:s12], [sflag:s8] =	dma.local [hbm:s7], $0x2780  }
0x11: {  	_ =	swait.ge [sflag:s13], $0x2780  }
0x12: {  	[sflag:s13] =	ssyncset.done $0x0  }
0x13: {  	[sflag:s13] =	ssyncadd.s32 $0xFFFFD880  }
0x14: {  	s22 =	simm.s32 $0x0;
	[bflag:$0x0] =	sbarrier.arrive $0xFFFF  }
.LBB2_2:
0x15: {  	s23 =	sshll.u32 s22, $0xB  }
0x16: {  	s23 =	sadd.s32 s9, s23  }
0x17: {  	s23 =	sshrl.u32 s23, $0x3  }
0x18: {  	s25 =	simm.s32 $0x0;
	s24 =	sadd.s32 s5, s23  }
0x19: {  	[tilespmem:s25], [sflag:$0x3] =	stream.linear.gather [hbm4b:s24+s25], $0x800, $0x38;
	[tilespmem:$0x1CD00] =	vst v63  }
0x1a: {  	_ =	swait.ge [sflag:s13], $0x800  }
0x1b: {  	[sflag:s13] =	ssyncset.done $0x0  }
0x1c: {  	s23 =	sadd.s32 s6, s23;
	[sflag:s13] =	ssyncadd.s32 $0xFFFFF800  }
0x1d: {  	[tilespmem:s14], [sflag:$0x3] =	stream.linear.gather [hbm4b:s23+s25], $0x800, $0x38;
	[tilespmem:$0x1CD00] =	vst v63  }
0x1e: {  	_ =	swait.ge [sflag:s13], $0x800  }
0x1f: {  	[sflag:s13] =	ssyncset.done $0x0  }
0x20: {  	[sflag:s13] =	ssyncadd.s32 $0xFFFFF800  }
0x21: {  	[tilespmem:s16], [sflag:$0x1] =	stream.indirect.gather [hbm4b:s4+s15], $0x80, s25, s15, $0xb8;
	[tilespmem:$0x1CD00] =	vst v63  }
0x22: {  	_ = 	snop  }
0x23: {  	[tilespmem:s17], [sflag:$0x2] =	stream.indirect.gather [hbm4b:s4+s15], $0x80, s15, s15, $0xb8;
	[tilespmem:$0x1CD00] =	vst v63  }
0x24: {  	_ =	swait.ge [sflag:s18], $0x4000  }
0x25: {  	[sflag:s18] =	ssyncset.done $0x0  }
0x26: {  	s30 =	simm.s32 $0x0;
	[sflag:s18] =	ssyncadd.s32 $0xFFFFC000  }
0x27: {  	v0 =	vld [tilespmem:s30+$0x800];
	_ =	sdelay $0x4  }
0x28: {  	[tilespmem:$0x1000] =	vst v0  }
0x29: {  	v0 =	vld [tilespmem:s30+$0x810];
	_ =	sdelay $0x4  }
0x2a: {  	[tilespmem:$0x1010] =	vst v0  }
0x2b: {  	v0 =	vld [tilespmem:s30+$0x820];
	_ =	sdelay $0x4  }
0x2c: {  	[tilespmem:$0x1020] =	vst v0  }
0x2d: {  	v0 =	vld [tilespmem:s30+$0x830];
	_ =	sdelay $0x4  }
0x2e: {  	[tilespmem:$0x1030] =	vst v0  }
0x2f: {  	v0 =	vld [tilespmem:s30+$0x840];
	_ =	sdelay $0x4  }
0x30: {  	[tilespmem:$0x1040] =	vst v0  }
0x31: {  	v0 =	vld [tilespmem:s30+$0x850];
	_ =	sdelay $0x4  }
0x32: {  	[tilespmem:$0x1050] =	vst v0  }
0x33: {  	v0 =	vld [tilespmem:s30+$0x860];
	_ =	sdelay $0x4  }
0x34: {  	[tilespmem:$0x1060] =	vst v0  }
0x35: {  	v0 =	vld [tilespmem:s30+$0x870];
	_ =	sdelay $0x4  }
0x36: {  	[tilespmem:$0x1070] =	vst v0  }
0x37: {  	[spmem:s2] =	stream.indirect.scatter.add.f32 [tilespmem:s16], [sflag:$0x3], $0x80, s19, s15, $0xb8;
	[tilespmem:$0x1CD00] =	vst v63  }
0x38: {  	_ =	swait.ge [sflag:s13], $0x4000  }
0x39: {  	[sflag:s13] =	ssyncset.done $0x0  }
0x3a: {  	s31 =	simm.s32 $0x100;
	[sflag:s13] =	ssyncadd.s32 $0xFFFFC000  }
0x3b: {  	[tilespmem:s16], [sflag:$0x1] =	stream.indirect.gather [hbm4b:s4+s15], $0x80, s31, s15, $0xb8;
	[tilespmem:$0x1CD00] =	vst v63  }
0x3c: {  	_ =	swait.ge [sflag:s20], $0x4000  }
0x3d: {  	[sflag:s20] =	ssyncset.done $0x0  }
0x3e: {  	[sflag:s20] =	ssyncadd.s32 $0xFFFFC000  }
0x3f: {  	v63 =	vld [tilespmem:s30+$0x880];
	_ =	sdelay $0x4  }
0x40: {  	[tilespmem:$0x1080] =	vst v63  }
0x41: {  	v0 =	vld [tilespmem:s30+$0x890];
	_ =	sdelay $0x4  }
0x42: {  	[tilespmem:$0x1090] =	vst v0  }
0x43: {  	v0 =	vld [tilespmem:s30+$0x8A0];
	_ =	sdelay $0x4  }
0x44: {  	[tilespmem:$0x10A0] =	vst v0  }
0x45: {  	v0 =	vld [tilespmem:s30+$0x8B0];
	_ =	sdelay $0x4  }
0x46: {  	[tilespmem:$0x10B0] =	vst v0  }
0x47: {  	v0 =	vld [tilespmem:s30+$0x8C0];
	_ =	sdelay $0x4  }
0x48: {  	[tilespmem:$0x10C0] =	vst v0  }
0x49: {  	v0 =	vld [tilespmem:s30+$0x8D0];
	_ =	sdelay $0x4  }
0x4a: {  	[tilespmem:$0x10D0] =	vst v0  }
0x4b: {  	v0 =	vld [tilespmem:s30+$0x8E0];
	_ =	sdelay $0x4  }
0x4c: {  	[tilespmem:$0x10E0] =	vst v0  }
0x4d: {  	v0 =	vld [tilespmem:s30+$0x8F0];
	_ =	sdelay $0x4  }
0x4e: {  	[tilespmem:$0x10F0] =	vst v0  }
0x4f: {  	[spmem:s2] =	stream.indirect.scatter.add.f32 [tilespmem:s17], [sflag:$0x3], $0x80, s21, s15, $0xb8;
	[tilespmem:$0x1CD00] =	vst v63  }
0x50: {  	_ =	swait.ge [sflag:s13], $0x4000  }
0x51: {  	[sflag:s13] =	ssyncset.done $0x0  }
0x52: {  	s24 =	simm.s32 $0x180;
	s23 =	simm.s32 $0x400;
	[sflag:s13] =	ssyncadd.s32 $0xFFFFC000  }
.LBB2_3:
0x53: {  	[tilespmem:s17], [sflag:$0x2] =	stream.indirect.gather [hbm4b:s4+s15], $0x80, s24, s15, $0xb8;
	[tilespmem:$0x1CD00] =	vst v63  }
0x54: {  	s24 =	smov.u32 s23  }
0x55: {  	p0 =	sne.s32 s23, $0x1800;
	s23 =	sadd.s32 $0x400, s23;
	_ =	swait.ge [sflag:s18], $0x4000  }
0x56: {  	[sflag:s18] =	ssyncset.done $0x0  }
0x57: {  	s24 =	sshra.s32 s24, $0x2;
	[sflag:s18] =	ssyncadd.s32 $0xFFFFC000  }
0x58: {  	v0 =	vld [tilespmem:s24+$0x800];
	_ =	sdelay $0x4  }
0x59: {  	[tilespmem:$0x1000] =	vst v0  }
0x5a: {  	v0 =	vld [tilespmem:s24+$0x810];
	_ =	sdelay $0x4  }
0x5b: {  	[tilespmem:$0x1010] =	vst v0  }
0x5c: {  	v0 =	vld [tilespmem:s24+$0x820];
	_ =	sdelay $0x4  }
0x5d: {  	[tilespmem:$0x1020] =	vst v0  }
0x5e: {  	v0 =	vld [tilespmem:s24+$0x830];
	_ =	sdelay $0x4  }
0x5f: {  	[tilespmem:$0x1030] =	vst v0  }
0x60: {  	v0 =	vld [tilespmem:s24+$0x840];
	_ =	sdelay $0x4  }
0x61: {  	[tilespmem:$0x1040] =	vst v0  }
0x62: {  	v0 =	vld [tilespmem:s24+$0x850];
	_ =	sdelay $0x4  }
0x63: {  	[tilespmem:$0x1050] =	vst v0  }
0x64: {  	v0 =	vld [tilespmem:s24+$0x860];
	_ =	sdelay $0x4  }
0x65: {  	[tilespmem:$0x1060] =	vst v0  }
0x66: {  	v0 =	vld [tilespmem:s24+$0x870];
	_ =	sdelay $0x4  }
0x67: {  	[tilespmem:$0x1070] =	vst v0  }
0x68: {  	[spmem:s2] =	stream.indirect.scatter.add.f32 [tilespmem:s16], [sflag:$0x3], $0x80, s19, s15, $0xb8;
	[tilespmem:$0x1CD00] =	vst v63  }
0x69: {  	_ =	swait.ge [sflag:s13], $0x4000  }
0x6a: {  	[sflag:s13] =	ssyncset.done $0x0  }
0x6b: {  	s25 =	sadd.s32 $0x100, s24;
	[sflag:s13] =	ssyncadd.s32 $0xFFFFC000  }
0x6c: {  	[tilespmem:s16], [sflag:$0x1] =	stream.indirect.gather [hbm4b:s4+s15], $0x80, s25, s15, $0xb8;
	[tilespmem:$0x1CD00] =	vst v63  }
0x6d: {  	_ =	swait.ge [sflag:s20], $0x4000  }
0x6e: {  	[sflag:s20] =	ssyncset.done $0x0  }
0x6f: {  	[sflag:s20] =	ssyncadd.s32 $0xFFFFC000  }
0x70: {  	v0 =	vld [tilespmem:s24+$0x880];
	_ =	sdelay $0x4  }
0x71: {  	[tilespmem:$0x1080] =	vst v0  }
0x72: {  	v0 =	vld [tilespmem:s24+$0x890];
	_ =	sdelay $0x4  }
0x73: {  	[tilespmem:$0x1090] =	vst v0  }
0x74: {  	v0 =	vld [tilespmem:s24+$0x8A0];
	_ =	sdelay $0x4  }
0x75: {  	[tilespmem:$0x10A0] =	vst v0  }
0x76: {  	v0 =	vld [tilespmem:s24+$0x8B0];
	_ =	sdelay $0x4  }
0x77: {  	[tilespmem:$0x10B0] =	vst v0  }
0x78: {  	v0 =	vld [tilespmem:s24+$0x8C0];
	_ =	sdelay $0x4  }
0x79: {  	[tilespmem:$0x10C0] =	vst v0  }
0x7a: {  	v0 =	vld [tilespmem:s24+$0x8D0];
	_ =	sdelay $0x4  }
0x7b: {  	[tilespmem:$0x10D0] =	vst v0  }
0x7c: {  	v0 =	vld [tilespmem:s24+$0x8E0];
	_ =	sdelay $0x4  }
0x7d: {  	[tilespmem:$0x10E0] =	vst v0  }
0x7e: {  	v0 =	vld [tilespmem:s24+$0x8F0];
	_ =	sdelay $0x4  }
.Ltmp0:
0x7f: {  	[tilespmem:$0x10F0] =	vst v0;
	(pc) =	sbr.rel @p0 .LBB2_3-.Ltmp0, $4  }
0x80: {  	[spmem:s2] =	stream.indirect.scatter.add.f32 [tilespmem:s17], [sflag:$0x3], $0x80, s21, s15, $0xb8;
	[tilespmem:$0x1CD00] =	vst v63  }
0x81: {  	_ =	swait.ge [sflag:s13], $0x4000  }
0x82: {  	[sflag:s13] =	ssyncset.done $0x0  }
0x83: {  	s24 =	sadd.s32 $0x180, s24;
	[sflag:s13] =	ssyncadd.s32 $0xFFFFC000  }
0x84: {  	[tilespmem:s17], [sflag:$0x2] =	stream.indirect.gather [hbm4b:s4+s15], $0x80, s24, s15, $0xb8;
	[tilespmem:$0x1CD00] =	vst v63  }
0x85: {  	_ =	swait.ge [sflag:s18], $0x4000  }
0x86: {  	[sflag:s18] =	ssyncset.done $0x0  }
0x87: {  	[sflag:s18] =	ssyncadd.s32 $0xFFFFC000  }
0x88: {  	v0 =	vld [tilespmem:$0xF00]  }
0x89: {  	v1 =	vld [tilespmem:$0xF10]  }
0x8a: {  	v2 =	vld [tilespmem:$0xF20]  }
0x8b: {  	v3 =	vld [tilespmem:$0xF30]  }
0x8c: {  	v4 =	vld [tilespmem:$0xF40]  }
0x8d: {  	v53 =	vld [tilespmem:$0xF50];
	[tilespmem:$0x1000] =	vst v0  }
0x8e: {  	v54 =	vld [tilespmem:$0xF60];
	[tilespmem:$0x1010] =	vst v1  }
0x8f: {  	v55 =	vld [tilespmem:$0xF70];
	[tilespmem:$0x1020] =	vst v2  }
0x90: {  	[tilespmem:$0x1030] =	vst v3  }
0x91: {  	[tilespmem:$0x1040] =	vst v4  }
0x92: {  	[tilespmem:$0x1050] =	vst v53  }
0x93: {  	[tilespmem:$0x1060] =	vst v54  }
0x94: {  	[tilespmem:$0x1070] =	vst v55  }
0x95: {  	[spmem:s2] =	stream.indirect.scatter.add.f32 [tilespmem:s16], [sflag:$0x3], $0x80, s19, s15, $0xb8;
	[tilespmem:$0x1CD00] =	vst v63  }
0x96: {  	_ =	swait.ge [sflag:s13], $0x4000  }
0x97: {  	[sflag:s13] =	ssyncset.done $0x0  }
0x98: {  	[sflag:s13] =	ssyncadd.s32 $0xFFFFC000  }
0x99: {  	_ =	swait.ge [sflag:s20], $0x4000  }
0x9a: {  	[sflag:s20] =	ssyncset.done $0x0  }
0x9b: {  	[sflag:s20] =	ssyncadd.s32 $0xFFFFC000  }
0x9c: {  	v56 =	vld [tilespmem:$0xF80]  }
0x9d: {  	v57 =	vld [tilespmem:$0xF90]  }
0x9e: {  	v58 =	vld [tilespmem:$0xFA0]  }
0x9f: {  	v59 =	vld [tilespmem:$0xFB0]  }
0xa0: {  	v60 =	vld [tilespmem:$0xFC0]  }
0xa1: {  	v61 =	vld [tilespmem:$0xFD0];
	[tilespmem:$0x1080] =	vst v56  }
0xa2: {  	v62 =	vld [tilespmem:$0xFE0];
	[tilespmem:$0x1090] =	vst v57  }
0xa3: {  	v63 =	vld [tilespmem:$0xFF0];
	[tilespmem:$0x10A0] =	vst v58  }
0xa4: {  	[tilespmem:$0x10B0] =	vst v59  }
0xa5: {  	[tilespmem:$0x10C0] =	vst v60  }
0xa6: {  	s22 =	sadd.s32 $0x1, s22;
	[tilespmem:$0x10D0] =	vst v61  }
0xa7: {  	p0 =	sne.s32 s22, $0x5;
	[tilespmem:$0x10E0] =	vst v62  }
.Ltmp1:
0xa8: {  	[tilespmem:$0x10F0] =	vst v63;
	(pc) =	sbr.rel @p0 .LBB2_2-.Ltmp1, $4  }
0xa9: {  	[spmem:s2] =	stream.indirect.scatter.add.f32 [tilespmem:s17], [sflag:$0x3], $0x80, s21, s15, $0xb8;
	[tilespmem:$0x1CD00] =	vst v63  }
0xaa: {  	_ =	swait.ge [sflag:s13], $0x4000  }
0xab: {  	[sflag:s13] =	ssyncset.done $0x0  }
0xac: {  	[sflag:s13] =	ssyncadd.s32 $0xFFFFC000  }
0xad: {  	s3 =	sadd.s32 $0x1, s3  }
0xae: {  	p0 =	sne.s32 s3, s11  }
.Ltmp2:
0xaf: {  	[bflag:$0x0] =	sbarrier.arrive $0xFFFF;
	(pc) =	sbr.rel @p0 .LBB2_1-.Ltmp2, $4  }
0xb0: {  	[hbm:s10], [sflag:s8] =	dma.local [spmem:s12], $0x2780  }
0xb1: {  	_ =	swait.ge [sflag:s13], $0x2780  }
0xb2: {  	[sflag:s13] =	ssyncset.done $0x0  }
0xb3: {  	[sflag:s13] =	ssyncadd.s32 $0xFFFFD880  }
0xb4: {  	_ =	sfence.sel $0x180000  }
0xb5: {  	[bflag:$0x0] =	sbarrier.arrive $0xFFFF  }
0xb6: {  	p0 =	sne.s32 s1, $0x0;
	_ =	strace $0x9000004D  }
0xb7: {  	s0 =	sadd.s32 @!p0 $0x100000, s0;
	[bflag:$0x2] =	sbarrier.arrive $0xFFFF  }
0xb8: {  	[sflag:s0] =	ssyncadd.tile.s32 @!p0 $0x1;
	_ =	shalt  }
.Lfunc_end2:
_tile_overlayer_lowered:
.L_overlay_start_2:
0xb9: {  	(tag) =	ssettag $0x2  }
0xba: {  	s0 =	rddreg [dreg:$0x0];
	s2 =	stileid.u32  }
0xbb: {  	s1 =	rddreg [dreg:$0x1];
	p0 =	sne.s32 s2, $0x0  }
0xbc: {  	s3 =	rddreg [dreg:$0x2];
	[bflag:$0x3] =	sbarrier.arrive $0xFFFF;
	s2 =	simm.s32 @!p0 $0x1C03  }
0xbd: {  	[timem:s3], [sflag:s2] =	dma.local @!p0 [hbm:s0], s1  }
0xbe: {  	s0 =	simm.s32 @!p0 $0x3  }
0xbf: {  	_ =	swait.ge @!p0 [sflag:s0], s1  }
0xc0: {  	s1 =	ssub.s32 @!p0 $0x0, s1;
	[sflag:s0] =	ssyncset.done @!p0 $0x0  }
0xc1: {  	[sflag:s0] =	ssyncadd.s32 @!p0 s1  }
0xc2: {  	[bflag:$0x3] =	sbarrier.arrive $0xFFFF  }
0xc3: {  	_ =	shalt  }

// kernel: kernel.24.cloned.1.call-start
scs
__scs_entry_jumppad:
0x0: {  	(pc) =	sbr.rel $0x88, $3  }
0x1: {  	(tag) =	ssettag $0x0;
	lr =	simm.s32 $0x1  }
0x2: {  	[smem:$0x3F8B] =	sst lr;
	_ =	strace $0xD0000000  }
0x3: {  	_ = 	snop  }
0x4: {  	_ = 	snop  }
0x5: {  	_ = 	snop  }
0x6: {  	_ = 	snop  }
0x7: {  	_ = 	snop  }
__scs_overlays_trampoline_lowered:
0x8: {  	[smem:$0x3F9A] =	sst s0  }
0x9: {  	[smem:$0x3F9B] =	sst s1  }
0xa: {  	[smem:$0x3F9C] =	sst s2  }
0xb: {  	[smem:$0x3F9D] =	sst s3  }
0xc: {  	[smem:$0x3F9E] =	sst s4  }
0xd: {  	[smem:$0x3F9F] =	sst s5  }
0xe: {  	[smem:$0x3FA0] =	sst s6  }
0xf: {  	[smem:$0x3FA1] =	sst s7  }
0x10: {  	[smem:$0x3FA2] =	sst s8  }
0x11: {  	[smem:$0x3FA3] =	sst s9;
	s0 =	simm.s32 @!p0 $0x0  }
0x12: {  	s1 =	sld [smem:$0x3F89];
	s0 =	simm.s32 @p0 $0x1  }
0x13: {  	[smem:$0x3FA4] =	sst s0;
	s0 =	simm.s32 @!p1 $0x0  }
0x14: {  	s2 =	sld [smem:$0x3F88];
	s0 =	simm.s32 @p1 $0x1  }
0x15: {  	[smem:$0x3FA5] =	sst s0;
	s0 =	simm.s32 @!p2 $0x0  }
0x16: {  	s3 =	sld [smem:$0x3FDB];
	s0 =	simm.s32 @p2 $0x1  }
0x17: {  	s4 =	simm.s32 $0x1BF5;
	[smem:$0x3FA7] =	sst s0  }
0x18: {  	s0 =	sld [smem:$0x3F8A];
	_ =	swait.ge [sflag:s4], $0x0  }
0x19: {  	s7 =	sld [smem:$0x3F8B]  }
0x1a: {  	s8 =	sadd.s32 $0xFFFFE003, lr  }
0x1b: {  	s9 =	sadd.s32 $0xFFFFFEF7, lr;
	s5 =	simm.s32 $0xFFFFFFFF;
	p2 =	slt.u32 s8, $0xFFFFF086  }
0x1c: {  	p1 =	slt.u32 s9, $0xF7A;
	s5 =	simm.s32 @!p2 $0x0  }
0x1d: {  	s5 =	simm.s32 @p1 $0x1;
	p0 =	seq.s32 s7, s2  }
0x1e: {  	s7 =	smul.u32 @!p0 $0xF7A, s2;
	p2 =	seq.s32 @!p0 s5, $0x0  }
0x1f: {  	s9 =	smul.u32 $0xF7A, s1;
	s8 =	simm.s32 @!p0 $0x1BF5;
	p2 =	por !p2, p0  }
0x20: {  	[sflag:s8] =	ssyncset.s32 @!p0 $0xFFFFF086;
	s6 =	sadd.s32 @!p0 s3, s7;
	s7 =	simm.s32 @!p0 $0x108  }
0x21: {  	s3 =	sadd.s32 s3, s9;
	s6 =	sadd.s32 @!p0 $0x88, s6;
	s7 =	simm.s32 @p2 $0x1082  }
0x22: {  	[simem:s7], [sflag:s8] =	dma.local @!p0 [hbm:s6], $0xF7A  }
0x23: {  	s9 =	sor.u32 $0xD0000000, s2;
	s6 =	simm.s32 $0x108;
	_ =	swait.ge @!p0 [sflag:s8], $0x0  }
0x24: {  	s3 =	sadd.s32 $0x88, s3;
	s6 =	simm.s32 @!p1 $0x1082;
	[sflag:s4] =	ssyncset.s32 $0xFFFFF086  }
0x25: {  	[simem:s6], [sflag:s4] =	dma.local [hbm:s3], $0xF7A  }
0x26: {  	[smem:$0x3F8B] =	sst s1;
	(tag) =	ssettag s2;
	_ =	strace s9  }
0x27: {  	s1 =	sld [smem:$0x3F9B]  }
0x28: {  	s2 =	sld [smem:$0x3F9C]  }
0x29: {  	s4 =	sld [smem:$0x3F9E]  }
0x2a: {  	p0 =	seq.s32 s5, $0x0;
	s5 =	sld [smem:$0x3F9F]  }
0x2b: {  	s6 =	sld [smem:$0x3FA0]  }
0x2c: {  	s7 =	sld [smem:$0x3FA1]  }
0x2d: {  	s3 =	simm.s32 $0x108;
	s8 =	sld [smem:$0x3FA2]  }
0x2e: {  	s3 =	simm.s32 @!p0 $0x1082;
	s9 =	sld [smem:$0x3FA3]  }
0x2f: {  	lr =	sadd.s32 s0, s3;
	s0 =	sld [smem:$0x3F9A]  }
0x30: {  	s3 =	sld [smem:$0x3F9D]  }
0x31: {  	[smem:$0x3FA6] =	sst s10  }
0x32: {  	s10 =	sld [smem:$0x3FA4];
	_ =	sdelay $0x3  }
0x33: {  	p0 =	seq.s32 s10, $0x1;
	s10 =	sld [smem:$0x3FA6];
	_ =	sdelay $0x3  }
0x34: {  	[smem:$0x3FA6] =	sst s10  }
0x35: {  	s10 =	sld [smem:$0x3FA5];
	_ =	sdelay $0x3  }
0x36: {  	p1 =	seq.s32 s10, $0x1;
	s10 =	sld [smem:$0x3FA6];
	_ =	sdelay $0x3  }
0x37: {  	[smem:$0x3FA6] =	sst s10  }
0x38: {  	s10 =	sld [smem:$0x3FA7]  }
0x39: {  	_ = 	snop;
	(pc) =	sbr.ind lr, $3  }
0x3a: {  	_ = 	snop  }
0x3b: {  	_ = 	snop  }
0x3c: {  	p2 =	seq.s32 s10, $0x1;
	s10 =	sld [smem:$0x3FA6]  }
0x3d: {  	_ =	shalt  }
0x3e: {  	_ =	shalt  }
0x3f: {  	_ =	shalt  }
0x40: {  	_ =	shalt  }
0x41: {  	_ =	shalt  }
0x42: {  	_ =	shalt  }
0x43: {  	_ =	shalt  }
0x44: {  	_ =	shalt  }
0x45: {  	_ =	shalt  }
0x46: {  	_ =	shalt  }
0x47: {  	_ =	shalt  }
0x48: {  	_ =	shalt  }
0x49: {  	_ =	shalt  }
0x4a: {  	_ =	shalt  }
0x4b: {  	_ =	shalt  }
0x4c: {  	_ =	shalt  }
0x4d: {  	_ =	shalt  }
0x4e: {  	_ =	shalt  }
0x4f: {  	_ =	shalt  }
0x50: {  	_ =	shalt  }
0x51: {  	_ =	shalt  }
0x52: {  	_ =	shalt  }
0x53: {  	_ =	shalt  }
0x54: {  	_ =	shalt  }
0x55: {  	_ =	shalt  }
0x56: {  	_ =	shalt  }
0x57: {  	_ =	shalt  }
0x58: {  	_ =	shalt  }
0x59: {  	_ =	shalt  }
0x5a: {  	_ =	shalt  }
0x5b: {  	_ =	shalt  }
0x5c: {  	_ =	shalt  }
0x5d: {  	_ =	shalt  }
0x5e: {  	_ =	shalt  }
0x5f: {  	_ =	shalt  }
0x60: {  	_ =	shalt  }
0x61: {  	_ =	shalt  }
0x62: {  	_ =	shalt  }
0x63: {  	_ =	shalt  }
0x64: {  	_ =	shalt  }
0x65: {  	_ =	shalt  }
0x66: {  	_ =	shalt  }
0x67: {  	_ =	shalt  }
0x68: {  	_ =	shalt  }
0x69: {  	_ =	shalt  }
0x6a: {  	_ =	shalt  }
0x6b: {  	_ =	shalt  }
0x6c: {  	_ =	shalt  }
0x6d: {  	_ =	shalt  }
0x6e: {  	_ =	shalt  }
0x6f: {  	_ =	shalt  }
0x70: {  	_ =	shalt  }
0x71: {  	_ =	shalt  }
0x72: {  	_ =	shalt  }
0x73: {  	_ =	shalt  }
0x74: {  	_ =	shalt  }
0x75: {  	_ =	shalt  }
0x76: {  	_ =	shalt  }
0x77: {  	_ =	shalt  }
0x78: {  	_ =	shalt  }
0x79: {  	_ =	shalt  }
0x7a: {  	_ =	shalt  }
0x7b: {  	_ =	shalt  }
0x7c: {  	_ =	shalt  }
0x7d: {  	_ =	shalt  }
0x7e: {  	_ =	shalt  }
0x7f: {  	_ =	shalt  }
0x80: {  	_ =	shalt  }
0x81: {  	_ =	shalt  }
0x82: {  	_ =	shalt  }
0x83: {  	_ =	shalt  }
0x84: {  	_ =	shalt  }
0x85: {  	_ =	shalt  }
0x86: {  	_ =	shalt  }
0x87: {  	_ =	shalt  }
.Lfunc_end0:
.L_simem_size_0:
called_computation.3_lowered:
.L_overlay_start_0:
0x88: {  	s2 =	sld [smem:$0x3FD9]  }
0x89: {  	s3 =	sld [smem:$0x3FFE];
	_ =	sdelay $0x1  }
0x8a: {  	s1 =	srdreg.scid  }
0x8b: {  	s0 =	sand.u32 $0x1, s1  }
0x8c: {  	s16 =	sshll.u32 s0, $0xA;
	s2 =	sadd.s32 s3, s2  }
0x8d: {  	s2 =	sadd.s32 s2, s16  }
0x8e: {  	[smem:$0x3FB2] =	sst s2  }
0x8f: {  	_ = 	snop  }
0x90: {  	(tm) =	ssettm $0x1  }
0x91: {  	s17 =	sld [smem:$0x3FFB];
	_ =	sdelay $0x3  }
0x92: {  	_ =	strace s17  }
0x93: {  	s2 =	sld [smem:$0x3FFC];
	_ =	sdelay $0x3  }
0x94: {  	_ =	strace s2  }
0x95: {  	s2 =	sld [smem:$0x3FFD];
	_ =	sdelay $0x3  }
0x96: {  	_ =	strace s2  }
0x97: {  	_ =	strace $0x8FFFFFFF  }
0x98: {  	s18 =	sld [smem:$0x3FDB];
	_ =	sdelay $0x1  }
0x99: {  	s19 =	simm.s32 $_scs_section_size  }
0x9a: {  	s4 =	simm.s32 $_size__tile_overlayer_lowered;
	s5 =	simm.s32 $_tile_overlayer_lowered  }
0x9b: {  	s22 =	simm.s32 $0x1BFF;
	s21 =	sshll.u32 s5, $0x1;
	s2 =	sadd.s32 s19, s18  }
0x9c: {  	s6 =	simm.s32 $0x0;
	s20 =	sshll.u32 s4, $0x1;
	s4 =	sadd.s32 s21, s2  }
0x9d: {  	[timem:s6], [sflag:s22] =	dma.local [hbm:s4], s20  }
0x9e: {  	_ =	swait.ge [sflag:s22], s20  }
0x9f: {  	s3 =	ssub.s32 $0x0, s20;
	[sflag:s22] =	ssyncset.done $0x0  }
0xa0: {  	[sflag:s22] =	ssyncadd.s32 s3;
	_ =	sdelay $0x1  }
0xa1: {  	s23 =	simm.s32 $0x1B8B  }
0xa2: {  	_ =	swait.ge [sflag:s23], $0x1  }
0xa3: {  	[sflag:s23] =	ssyncset.done $0x0  }
0xa4: {  	s25 =	simm.s32 $0x1B8E;
	s24 =	sld [smem:$0x3FFE];
	[sflag:s23] =	ssyncadd.s32 $0xFFFFFFFF  }
0xa5: {  	s26 =	simm.s32 $execute0_lowered;
	[smem:$0x3FD2] =	sst s25  }
0xa6: {  	s4 =	sshll.u32 s26, $0x1;
	_ =	strace $0x8000004F;
	[dreg:$0x1] =	wrdreg $0xFFFFFFFF  }
0xa7: {  	s28 =	simm.s32 $_size_execute0_lowered;
	s2 =	sadd.s32 s2, s4;
	[dreg:$0x0] =	wrdreg $0x0  }
0xa8: {  	s4 =	sshll.u32 s28, $0x1;
	[dreg:$0x2] =	wrdreg s2  }
0xa9: {  	[dreg:$0x3] =	wrdreg s4  }
0xaa: {  	[dreg:$0x4] =	wrdreg $0xC0  }
0xab: {  	_ =	task [dreg:s6], $0x5FFFF  }
0xac: {  	[dreg:$0x1] =	wrdreg $0xFFFFFFFF  }
0xad: {  	[dreg:$0x0] =	wrdreg $0x60  }
0xae: {  	[dreg:$0x2] =	wrdreg s24  }
0xaf: {  	[dreg:$0x3] =	wrdreg $0x91000  }
0xb0: {  	[dreg:$0x4] =	wrdreg $0x9  }
0xb1: {  	_ =	task.clear_ibuf [dreg:s6], $0x5FFFF;
	_ =	strace $0x9000004F  }
0xb2: {  	s29 =	simm.s32 $0x9;
	_ =	strace $0x80000051  }
0xb3: {  	_ =	swait.ge [sflag:s29], $0x1  }
0xb4: {  	[sflag:s29] =	ssyncadd.s32 $0xFFFFFFFF  }
0xb5: {  	_ =	strace $0x90000051  }
0xb6: {  	_ =	sfence  }
0xb7: {  	s30 =	sld [smem:$0x0];
	_ =	sdelay $0x2  }
0xb8: {  	s31 =	sshll.u32 s1, $0xD;
	s1 =	sshrl.u32 s1, $0x2  }
0xb9: {  	s3 =	sand.u32 $0x4000, s31;
	s1 =	sadd.s32 s1, s30  }
0xba: {  	s0 =	sor.u32 s3, s0;
	s1 =	sshll.u32 s1, $0x11  }
0xbb: {  	s0 =	sor.u32 s1, s0  }
0xbc: {  	s0 =	sadd.s32 $0x8F2B, s0  }
0xbd: {  	[sflag:s0] =	ssyncadd.remote.s32 $0x1  }
0xbe: {  	_ =	sfence.sel $0xFFFF  }
0xbf: {  	[dreg:$0x0] =	wrdreg $0xFFFFFFFF;
	(pc) =	sbr.abs _section_cstart, $3  }
0xc0: {  	[dreg:$0x1] =	wrdreg $0xFFFFFFFF  }
0xc1: {  	_ =	task.clear_ibuf [dreg:s6], $0x2FFFF;
	_ =	strace $0x9FFFFFFF  }
0xc2: {  	(tm) =	ssettm $0x7FFFFFFF  }
0xc3: {  	_ =	shalt  }
tec
execute0_lowered:
.L_overlay_start_1:
0x0: {  	(tag) =	ssettag $0x1  }
0x1: {  	s7 =	rddreg [dreg:$0x0]  }
0x2: {  	s2 =	rddreg [dreg:$0x1]  }
0x3: {  	s0 =	rddreg [dreg:$0x2];
	s3 =	simm.s32 $0x0;
	s1 =	stileid.u32  }
0x4: {  	s4 =	srdreg.scid;
	s14 =	simm.s32 $0x800;
	s15 =	simm.s32 $0x80  }
0x5: {  	s16 =	simm.s32 $0x1100;
	s17 =	simm.s32 $0x5100;
	s18 =	simm.s32 $0x1  }
0x6: {  	s19 =	simm.s32 $0x1000;
	s20 =	simm.s32 $0x2;
	s21 =	simm.s32 $0x1080  }
0x7: {  	[smem:$0x7FF] =	sst s3;
	s8 =	smul.u32 $0x2780, s1;
	s9 =	sand.u32 $0x1, s4  }
0x8: {  	s4 =	sadd.s32 $0x44800, s7;
	s5 =	sadd.s32 $0x13000, s7;
	s6 =	sadd.s32 $0x9000, s7  }
0x9: {  	s12 =	smul.u32 $0x4F000, s1;
	s31 =	sshll.u32 s1, $0x6;
	_ =	strace $0x80000050  }
0xa: {  	s10 =	smul.u32 $0x27800, s9;
	s11 =	ssub.s32 $0x2, s9;
	s28 =	sshll.u32 s9, $0x4  }
0xb: {  	s26 =	sshrl.u32 s11, $0x1;
	s29 =	sshrl.u32 s12, $0x2;
	s30 =	sor.u32 s1, s28  }
0xc: {  	s10 =	sadd.s32 s8, s10;
	s8 =	sadd.s32 s8, s7;
	s11 =	ssub.s32 s11, s26  }
0xd: {  	s13 =	sadd.s32 s29, s2;
	s9 =	smul.u32 $0x2800, s30;
	s10 =	sadd.s32 s10, s7  }
0xe: {  	s7 =	sadd.s32 $0x1D000, s8;
	s8 =	sor.u32 $0x1C03, s31;
	s11 =	smax.u32 s11, $0x1  }
0xf: {  	s12 =	sshrl.u32 s13, $0x3;
	s13 =	simm.s32 $0x3;
	s10 =	sadd.s32 $0x93800, s10  }
.LBB2_1:
0x10: {  	[spmem:s12], [sflag:s8] =	dma.local [hbm:s7], $0x2780  }
0x11: {  	_ =	swait.ge [sflag:s13], $0x2780  }
0x12: {  	[sflag:s13] =	ssyncset.done $0x0  }
0x13: {  	[sflag:s13] =	ssyncadd.s32 $0xFFFFD880  }
0x14: {  	s22 =	simm.s32 $0x0;
	[bflag:$0x0] =	sbarrier.arrive $0xFFFF  }
.LBB2_2:
0x15: {  	s23 =	sshll.u32 s22, $0xB  }
0x16: {  	s23 =	sadd.s32 s9, s23  }
0x17: {  	s23 =	sshrl.u32 s23, $0x3  }
0x18: {  	s25 =	simm.s32 $0x0;
	s24 =	sadd.s32 s5, s23  }
0x19: {  	[tilespmem:s25], [sflag:$0x3] =	stream.linear.gather [hbm4b:s24+s25], $0x800, $0x38;
	[tilespmem:$0x1CD00] =	vst v63  }
0x1a: {  	_ =	swait.ge [sflag:s13], $0x800  }
0x1b: {  	[sflag:s13] =	ssyncset.done $0x0  }
0x1c: {  	s23 =	sadd.s32 s6, s23;
	[sflag:s13] =	ssyncadd.s32 $0xFFFFF800  }
0x1d: {  	[tilespmem:s14], [sflag:$0x3] =	stream.linear.gather [hbm4b:s23+s25], $0x800, $0x38;
	[tilespmem:$0x1CD00] =	vst v63  }
0x1e: {  	_ =	swait.ge [sflag:s13], $0x800  }
0x1f: {  	[sflag:s13] =	ssyncset.done $0x0  }
0x20: {  	[sflag:s13] =	ssyncadd.s32 $0xFFFFF800  }
0x21: {  	[tilespmem:s16], [sflag:$0x1] =	stream.indirect.gather [hbm4b:s4+s15], $0x80, s25, s15, $0xb8;
	[tilespmem:$0x1CD00] =	vst v63  }
0x22: {  	_ = 	snop  }
0x23: {  	[tilespmem:s17], [sflag:$0x2] =	stream.indirect.gather [hbm4b:s4+s15], $0x80, s15, s15, $0xb8;
	[tilespmem:$0x1CD00] =	vst v63  }
0x24: {  	_ =	swait.ge [sflag:s18], $0x4000  }
0x25: {  	[sflag:s18] =	ssyncset.done $0x0  }
0x26: {  	s30 =	simm.s32 $0x0;
	[sflag:s18] =	ssyncadd.s32 $0xFFFFC000  }
0x27: {  	v0 =	vld [tilespmem:s30+$0x800];
	_ =	sdelay $0x4  }
0x28: {  	[tilespmem:$0x1000] =	vst v0  }
0x29: {  	v0 =	vld [tilespmem:s30+$0x810];
	_ =	sdelay $0x4  }
0x2a: {  	[tilespmem:$0x1010] =	vst v0  }
0x2b: {  	v0 =	vld [tilespmem:s30+$0x820];
	_ =	sdelay $0x4  }
0x2c: {  	[tilespmem:$0x1020] =	vst v0  }
0x2d: {  	v0 =	vld [tilespmem:s30+$0x830];
	_ =	sdelay $0x4  }
0x2e: {  	[tilespmem:$0x1030] =	vst v0  }
0x2f: {  	v0 =	vld [tilespmem:s30+$0x840];
	_ =	sdelay $0x4  }
0x30: {  	[tilespmem:$0x1040] =	vst v0  }
0x31: {  	v0 =	vld [tilespmem:s30+$0x850];
	_ =	sdelay $0x4  }
0x32: {  	[tilespmem:$0x1050] =	vst v0  }
0x33: {  	v0 =	vld [tilespmem:s30+$0x860];
	_ =	sdelay $0x4  }
0x34: {  	[tilespmem:$0x1060] =	vst v0  }
0x35: {  	v0 =	vld [tilespmem:s30+$0x870];
	_ =	sdelay $0x4  }
0x36: {  	[tilespmem:$0x1070] =	vst v0  }
0x37: {  	[spmem:s2] =	stream.indirect.scatter.add.f32 [tilespmem:s16], [sflag:$0x3], $0x80, s19, s15, $0xb8;
	[tilespmem:$0x1CD00] =	vst v63  }
0x38: {  	_ =	swait.ge [sflag:s13], $0x4000  }
0x39: {  	[sflag:s13] =	ssyncset.done $0x0  }
0x3a: {  	s31 =	simm.s32 $0x100;
	[sflag:s13] =	ssyncadd.s32 $0xFFFFC000  }
0x3b: {  	[tilespmem:s16], [sflag:$0x1] =	stream.indirect.gather [hbm4b:s4+s15], $0x80, s31, s15, $0xb8;
	[tilespmem:$0x1CD00] =	vst v63  }
0x3c: {  	_ =	swait.ge [sflag:s20], $0x4000  }
0x3d: {  	[sflag:s20] =	ssyncset.done $0x0  }
0x3e: {  	[sflag:s20] =	ssyncadd.s32 $0xFFFFC000  }
0x3f: {  	v63 =	vld [tilespmem:s30+$0x880];
	_ =	sdelay $0x4  }
0x40: {  	[tilespmem:$0x1080] =	vst v63  }
0x41: {  	v0 =	vld [tilespmem:s30+$0x890];
	_ =	sdelay $0x4  }
0x42: {  	[tilespmem:$0x1090] =	vst v0  }
0x43: {  	v0 =	vld [tilespmem:s30+$0x8A0];
	_ =	sdelay $0x4  }
0x44: {  	[tilespmem:$0x10A0] =	vst v0  }
0x45: {  	v0 =	vld [tilespmem:s30+$0x8B0];
	_ =	sdelay $0x4  }
0x46: {  	[tilespmem:$0x10B0] =	vst v0  }
0x47: {  	v0 =	vld [tilespmem:s30+$0x8C0];
	_ =	sdelay $0x4  }
0x48: {  	[tilespmem:$0x10C0] =	vst v0  }
0x49: {  	v0 =	vld [tilespmem:s30+$0x8D0];
	_ =	sdelay $0x4  }
0x4a: {  	[tilespmem:$0x10D0] =	vst v0  }
0x4b: {  	v0 =	vld [tilespmem:s30+$0x8E0];
	_ =	sdelay $0x4  }
0x4c: {  	[tilespmem:$0x10E0] =	vst v0  }
0x4d: {  	v0 =	vld [tilespmem:s30+$0x8F0];
	_ =	sdelay $0x4  }
0x4e: {  	[tilespmem:$0x10F0] =	vst v0  }
0x4f: {  	[spmem:s2] =	stream.indirect.scatter.add.f32 [tilespmem:s17], [sflag:$0x3], $0x80, s21, s15, $0xb8;
	[tilespmem:$0x1CD00] =	vst v63  }
0x50: {  	_ =	swait.ge [sflag:s13], $0x4000  }
0x51: {  	[sflag:s13] =	ssyncset.done $0x0  }
0x52: {  	s24 =	simm.s32 $0x180;
	s23 =	simm.s32 $0x400;
	[sflag:s13] =	ssyncadd.s32 $0xFFFFC000  }
.LBB2_3:
0x53: {  	[tilespmem:s17], [sflag:$0x2] =	stream.indirect.gather [hbm4b:s4+s15], $0x80, s24, s15, $0xb8;
	[tilespmem:$0x1CD00] =	vst v63  }
0x54: {  	s24 =	smov.u32 s23  }
0x55: {  	p0 =	sne.s32 s23, $0x1800;
	s23 =	sadd.s32 $0x400, s23;
	_ =	swait.ge [sflag:s18], $0x4000  }
0x56: {  	[sflag:s18] =	ssyncset.done $0x0  }
0x57: {  	s24 =	sshra.s32 s24, $0x2;
	[sflag:s18] =	ssyncadd.s32 $0xFFFFC000  }
0x58: {  	v0 =	vld [tilespmem:s24+$0x800];
	_ =	sdelay $0x4  }
0x59: {  	[tilespmem:$0x1000] =	vst v0  }
0x5a: {  	v0 =	vld [tilespmem:s24+$0x810];
	_ =	sdelay $0x4  }
0x5b: {  	[tilespmem:$0x1010] =	vst v0  }
0x5c: {  	v0 =	vld [tilespmem:s24+$0x820];
	_ =	sdelay $0x4  }
0x5d: {  	[tilespmem:$0x1020] =	vst v0  }
0x5e: {  	v0 =	vld [tilespmem:s24+$0x830];
	_ =	sdelay $0x4  }
0x5f: {  	[tilespmem:$0x1030] =	vst v0  }
0x60: {  	v0 =	vld [tilespmem:s24+$0x840];
	_ =	sdelay $0x4  }
0x61: {  	[tilespmem:$0x1040] =	vst v0  }
0x62: {  	v0 =	vld [tilespmem:s24+$0x850];
	_ =	sdelay $0x4  }
0x63: {  	[tilespmem:$0x1050] =	vst v0  }
0x64: {  	v0 =	vld [tilespmem:s24+$0x860];
	_ =	sdelay $0x4  }
0x65: {  	[tilespmem:$0x1060] =	vst v0  }
0x66: {  	v0 =	vld [tilespmem:s24+$0x870];
	_ =	sdelay $0x4  }
0x67: {  	[tilespmem:$0x1070] =	vst v0  }
0x68: {  	[spmem:s2] =	stream.indirect.scatter.add.f32 [tilespmem:s16], [sflag:$0x3], $0x80, s19, s15, $0xb8;
	[tilespmem:$0x1CD00] =	vst v63  }
0x69: {  	_ =	swait.ge [sflag:s13], $0x4000  }
0x6a: {  	[sflag:s13] =	ssyncset.done $0x0  }
0x6b: {  	s25 =	sadd.s32 $0x100, s24;
	[sflag:s13] =	ssyncadd.s32 $0xFFFFC000  }
0x6c: {  	[tilespmem:s16], [sflag:$0x1] =	stream.indirect.gather [hbm4b:s4+s15], $0x80, s25, s15, $0xb8;
	[tilespmem:$0x1CD00] =	vst v63  }
0x6d: {  	_ =	swait.ge [sflag:s20], $0x4000  }
0x6e: {  	[sflag:s20] =	ssyncset.done $0x0  }
0x6f: {  	[sflag:s20] =	ssyncadd.s32 $0xFFFFC000  }
0x70: {  	v0 =	vld [tilespmem:s24+$0x880];
	_ =	sdelay $0x4  }
0x71: {  	[tilespmem:$0x1080] =	vst v0  }
0x72: {  	v0 =	vld [tilespmem:s24+$0x890];
	_ =	sdelay $0x4  }
0x73: {  	[tilespmem:$0x1090] =	vst v0  }
0x74: {  	v0 =	vld [tilespmem:s24+$0x8A0];
	_ =	sdelay $0x4  }
0x75: {  	[tilespmem:$0x10A0] =	vst v0  }
0x76: {  	v0 =	vld [tilespmem:s24+$0x8B0];
	_ =	sdelay $0x4  }
0x77: {  	[tilespmem:$0x10B0] =	vst v0  }
0x78: {  	v0 =	vld [tilespmem:s24+$0x8C0];
	_ =	sdelay $0x4  }
0x79: {  	[tilespmem:$0x10C0] =	vst v0  }
0x7a: {  	v0 =	vld [tilespmem:s24+$0x8D0];
	_ =	sdelay $0x4  }
0x7b: {  	[tilespmem:$0x10D0] =	vst v0  }
0x7c: {  	v0 =	vld [tilespmem:s24+$0x8E0];
	_ =	sdelay $0x4  }
0x7d: {  	[tilespmem:$0x10E0] =	vst v0  }
0x7e: {  	v0 =	vld [tilespmem:s24+$0x8F0];
	_ =	sdelay $0x4  }
.Ltmp0:
0x7f: {  	[tilespmem:$0x10F0] =	vst v0;
	(pc) =	sbr.rel @p0 .LBB2_3-.Ltmp0, $4  }
0x80: {  	[spmem:s2] =	stream.indirect.scatter.add.f32 [tilespmem:s17], [sflag:$0x3], $0x80, s21, s15, $0xb8;
	[tilespmem:$0x1CD00] =	vst v63  }
0x81: {  	_ =	swait.ge [sflag:s13], $0x4000  }
0x82: {  	[sflag:s13] =	ssyncset.done $0x0  }
0x83: {  	s24 =	sadd.s32 $0x180, s24;
	[sflag:s13] =	ssyncadd.s32 $0xFFFFC000  }
0x84: {  	[tilespmem:s17], [sflag:$0x2] =	stream.indirect.gather [hbm4b:s4+s15], $0x80, s24, s15, $0xb8;
	[tilespmem:$0x1CD00] =	vst v63  }
0x85: {  	_ =	swait.ge [sflag:s18], $0x4000  }
0x86: {  	[sflag:s18] =	ssyncset.done $0x0  }
0x87: {  	[sflag:s18] =	ssyncadd.s32 $0xFFFFC000  }
0x88: {  	v0 =	vld [tilespmem:$0xF00]  }
0x89: {  	v1 =	vld [tilespmem:$0xF10]  }
0x8a: {  	v2 =	vld [tilespmem:$0xF20]  }
0x8b: {  	v3 =	vld [tilespmem:$0xF30]  }
0x8c: {  	v4 =	vld [tilespmem:$0xF40]  }
0x8d: {  	v53 =	vld [tilespmem:$0xF50];
	[tilespmem:$0x1000] =	vst v0  }
0x8e: {  	v54 =	vld [tilespmem:$0xF60];
	[tilespmem:$0x1010] =	vst v1  }
0x8f: {  	v55 =	vld [tilespmem:$0xF70];
	[tilespmem:$0x1020] =	vst v2  }
0x90: {  	[tilespmem:$0x1030] =	vst v3  }
0x91: {  	[tilespmem:$0x1040] =	vst v4  }
0x92: {  	[tilespmem:$0x1050] =	vst v53  }
0x93: {  	[tilespmem:$0x1060] =	vst v54  }
0x94: {  	[tilespmem:$0x1070] =	vst v55  }
0x95: {  	[spmem:s2] =	stream.indirect.scatter.add.f32 [tilespmem:s16], [sflag:$0x3], $0x80, s19, s15, $0xb8;
	[tilespmem:$0x1CD00] =	vst v63  }
0x96: {  	_ =	swait.ge [sflag:s13], $0x4000  }
0x97: {  	[sflag:s13] =	ssyncset.done $0x0  }
0x98: {  	[sflag:s13] =	ssyncadd.s32 $0xFFFFC000  }
0x99: {  	_ =	swait.ge [sflag:s20], $0x4000  }
0x9a: {  	[sflag:s20] =	ssyncset.done $0x0  }
0x9b: {  	[sflag:s20] =	ssyncadd.s32 $0xFFFFC000  }
0x9c: {  	v56 =	vld [tilespmem:$0xF80]  }
0x9d: {  	v57 =	vld [tilespmem:$0xF90]  }
0x9e: {  	v58 =	vld [tilespmem:$0xFA0]  }
0x9f: {  	v59 =	vld [tilespmem:$0xFB0]  }
0xa0: {  	v60 =	vld [tilespmem:$0xFC0]  }
0xa1: {  	v61 =	vld [tilespmem:$0xFD0];
	[tilespmem:$0x1080] =	vst v56  }
0xa2: {  	v62 =	vld [tilespmem:$0xFE0];
	[tilespmem:$0x1090] =	vst v57  }
0xa3: {  	v63 =	vld [tilespmem:$0xFF0];
	[tilespmem:$0x10A0] =	vst v58  }
0xa4: {  	[tilespmem:$0x10B0] =	vst v59  }
0xa5: {  	[tilespmem:$0x10C0] =	vst v60  }
0xa6: {  	s22 =	sadd.s32 $0x1, s22;
	[tilespmem:$0x10D0] =	vst v61  }
0xa7: {  	p0 =	sne.s32 s22, $0x5;
	[tilespmem:$0x10E0] =	vst v62  }
.Ltmp1:
0xa8: {  	[tilespmem:$0x10F0] =	vst v63;
	(pc) =	sbr.rel @p0 .LBB2_2-.Ltmp1, $4  }
0xa9: {  	[spmem:s2] =	stream.indirect.scatter.add.f32 [tilespmem:s17], [sflag:$0x3], $0x80, s21, s15, $0xb8;
	[tilespmem:$0x1CD00] =	vst v63  }
0xaa: {  	_ =	swait.ge [sflag:s13], $0x4000  }
0xab: {  	[sflag:s13] =	ssyncset.done $0x0  }
0xac: {  	[sflag:s13] =	ssyncadd.s32 $0xFFFFC000  }
0xad: {  	s3 =	sadd.s32 $0x1, s3  }
0xae: {  	p0 =	sne.s32 s3, s11  }
.Ltmp2:
0xaf: {  	[bflag:$0x0] =	sbarrier.arrive $0xFFFF;
	(pc) =	sbr.rel @p0 .LBB2_1-.Ltmp2, $4  }
0xb0: {  	[hbm:s10], [sflag:s8] =	dma.local [spmem:s12], $0x2780  }
0xb1: {  	_ =	swait.ge [sflag:s13], $0x2780  }
0xb2: {  	[sflag:s13] =	ssyncset.done $0x0  }
0xb3: {  	[sflag:s13] =	ssyncadd.s32 $0xFFFFD880  }
0xb4: {  	_ =	sfence.sel $0x180000  }
0xb5: {  	[bflag:$0x0] =	sbarrier.arrive $0xFFFF  }
0xb6: {  	p0 =	sne.s32 s1, $0x0;
	_ =	strace $0x90000050  }
0xb7: {  	s0 =	sadd.s32 @!p0 $0x100000, s0;
	[bflag:$0x2] =	sbarrier.arrive $0xFFFF  }
0xb8: {  	[sflag:s0] =	ssyncadd.tile.s32 @!p0 $0x1;
	_ =	shalt  }
.Lfunc_end2:
_tile_overlayer_lowered:
.L_overlay_start_2:
0xb9: {  	(tag) =	ssettag $0x2  }
0xba: {  	s0 =	rddreg [dreg:$0x0];
	s2 =	stileid.u32  }
0xbb: {  	s1 =	rddreg [dreg:$0x1];
	p0 =	sne.s32 s2, $0x0  }
0xbc: {  	s3 =	rddreg [dreg:$0x2];
	[bflag:$0x3] =	sbarrier.arrive $0xFFFF;
	s2 =	simm.s32 @!p0 $0x1C03  }
0xbd: {  	[timem:s3], [sflag:s2] =	dma.local @!p0 [hbm:s0], s1  }
0xbe: {  	s0 =	simm.s32 @!p0 $0x3  }
0xbf: {  	_ =	swait.ge @!p0 [sflag:s0], s1  }
0xc0: {  	s1 =	ssub.s32 @!p0 $0x0, s1;
	[sflag:s0] =	ssyncset.done @!p0 $0x0  }
0xc1: {  	[sflag:s0] =	ssyncadd.s32 @!p0 s1  }
0xc2: {  	[bflag:$0x3] =	sbarrier.arrive $0xFFFF  }
0xc3: {  	_ =	shalt  }

// kernel: kernel.27.cloned.1.call-start
scs
__scs_entry_jumppad:
0x0: {  	(pc) =	sbr.rel $0x88, $3  }
0x1: {  	(tag) =	ssettag $0x0;
	lr =	simm.s32 $0x1  }
0x2: {  	[smem:$0x3F8B] =	sst lr;
	_ =	strace $0xD0000000  }
0x3: {  	_ = 	snop  }
0x4: {  	_ = 	snop  }
0x5: {  	_ = 	snop  }
0x6: {  	_ = 	snop  }
0x7: {  	_ = 	snop  }
__scs_overlays_trampoline_lowered:
0x8: {  	[smem:$0x3F9A] =	sst s0  }
0x9: {  	[smem:$0x3F9B] =	sst s1  }
0xa: {  	[smem:$0x3F9C] =	sst s2  }
0xb: {  	[smem:$0x3F9D] =	sst s3  }
0xc: {  	[smem:$0x3F9E] =	sst s4  }
0xd: {  	[smem:$0x3F9F] =	sst s5  }
0xe: {  	[smem:$0x3FA0] =	sst s6  }
0xf: {  	[smem:$0x3FA1] =	sst s7  }
0x10: {  	[smem:$0x3FA2] =	sst s8  }
0x11: {  	[smem:$0x3FA3] =	sst s9;
	s0 =	simm.s32 @!p0 $0x0  }
0x12: {  	s1 =	sld [smem:$0x3F89];
	s0 =	simm.s32 @p0 $0x1  }
0x13: {  	[smem:$0x3FA4] =	sst s0;
	s0 =	simm.s32 @!p1 $0x0  }
0x14: {  	s2 =	sld [smem:$0x3F88];
	s0 =	simm.s32 @p1 $0x1  }
0x15: {  	[smem:$0x3FA5] =	sst s0;
	s0 =	simm.s32 @!p2 $0x0  }
0x16: {  	s3 =	sld [smem:$0x3FDB];
	s0 =	simm.s32 @p2 $0x1  }
0x17: {  	s4 =	simm.s32 $0x1BF5;
	[smem:$0x3FA7] =	sst s0  }
0x18: {  	s0 =	sld [smem:$0x3F8A];
	_ =	swait.ge [sflag:s4], $0x0  }
0x19: {  	s7 =	sld [smem:$0x3F8B]  }
0x1a: {  	s8 =	sadd.s32 $0xFFFFE003, lr  }
0x1b: {  	s9 =	sadd.s32 $0xFFFFFEF7, lr;
	s5 =	simm.s32 $0xFFFFFFFF;
	p2 =	slt.u32 s8, $0xFFFFF086  }
0x1c: {  	p1 =	slt.u32 s9, $0xF7A;
	s5 =	simm.s32 @!p2 $0x0  }
0x1d: {  	s5 =	simm.s32 @p1 $0x1;
	p0 =	seq.s32 s7, s2  }
0x1e: {  	s7 =	smul.u32 @!p0 $0xF7A, s2;
	p2 =	seq.s32 @!p0 s5, $0x0  }
0x1f: {  	s9 =	smul.u32 $0xF7A, s1;
	s8 =	simm.s32 @!p0 $0x1BF5;
	p2 =	por !p2, p0  }
0x20: {  	[sflag:s8] =	ssyncset.s32 @!p0 $0xFFFFF086;
	s6 =	sadd.s32 @!p0 s3, s7;
	s7 =	simm.s32 @!p0 $0x108  }
0x21: {  	s3 =	sadd.s32 s3, s9;
	s6 =	sadd.s32 @!p0 $0x88, s6;
	s7 =	simm.s32 @p2 $0x1082  }
0x22: {  	[simem:s7], [sflag:s8] =	dma.local @!p0 [hbm:s6], $0xF7A  }
0x23: {  	s9 =	sor.u32 $0xD0000000, s2;
	s6 =	simm.s32 $0x108;
	_ =	swait.ge @!p0 [sflag:s8], $0x0  }
0x24: {  	s3 =	sadd.s32 $0x88, s3;
	s6 =	simm.s32 @!p1 $0x1082;
	[sflag:s4] =	ssyncset.s32 $0xFFFFF086  }
0x25: {  	[simem:s6], [sflag:s4] =	dma.local [hbm:s3], $0xF7A  }
0x26: {  	[smem:$0x3F8B] =	sst s1;
	(tag) =	ssettag s2;
	_ =	strace s9  }
0x27: {  	s1 =	sld [smem:$0x3F9B]  }
0x28: {  	s2 =	sld [smem:$0x3F9C]  }
0x29: {  	s4 =	sld [smem:$0x3F9E]  }
0x2a: {  	p0 =	seq.s32 s5, $0x0;
	s5 =	sld [smem:$0x3F9F]  }
0x2b: {  	s6 =	sld [smem:$0x3FA0]  }
0x2c: {  	s7 =	sld [smem:$0x3FA1]  }
0x2d: {  	s3 =	simm.s32 $0x108;
	s8 =	sld [smem:$0x3FA2]  }
0x2e: {  	s3 =	simm.s32 @!p0 $0x1082;
	s9 =	sld [smem:$0x3FA3]  }
0x2f: {  	lr =	sadd.s32 s0, s3;
	s0 =	sld [smem:$0x3F9A]  }
0x30: {  	s3 =	sld [smem:$0x3F9D]  }
0x31: {  	[smem:$0x3FA6] =	sst s10  }
0x32: {  	s10 =	sld [smem:$0x3FA4];
	_ =	sdelay $0x3  }
0x33: {  	p0 =	seq.s32 s10, $0x1;
	s10 =	sld [smem:$0x3FA6];
	_ =	sdelay $0x3  }
0x34: {  	[smem:$0x3FA6] =	sst s10  }
0x35: {  	s10 =	sld [smem:$0x3FA5];
	_ =	sdelay $0x3  }
0x36: {  	p1 =	seq.s32 s10, $0x1;
	s10 =	sld [smem:$0x3FA6];
	_ =	sdelay $0x3  }
0x37: {  	[smem:$0x3FA6] =	sst s10  }
0x38: {  	s10 =	sld [smem:$0x3FA7]  }
0x39: {  	_ = 	snop;
	(pc) =	sbr.ind lr, $3  }
0x3a: {  	_ = 	snop  }
0x3b: {  	_ = 	snop  }
0x3c: {  	p2 =	seq.s32 s10, $0x1;
	s10 =	sld [smem:$0x3FA6]  }
0x3d: {  	_ =	shalt  }
0x3e: {  	_ =	shalt  }
0x3f: {  	_ =	shalt  }
0x40: {  	_ =	shalt  }
0x41: {  	_ =	shalt  }
0x42: {  	_ =	shalt  }
0x43: {  	_ =	shalt  }
0x44: {  	_ =	shalt  }
0x45: {  	_ =	shalt  }
0x46: {  	_ =	shalt  }
0x47: {  	_ =	shalt  }
0x48: {  	_ =	shalt  }
0x49: {  	_ =	shalt  }
0x4a: {  	_ =	shalt  }
0x4b: {  	_ =	shalt  }
0x4c: {  	_ =	shalt  }
0x4d: {  	_ =	shalt  }
0x4e: {  	_ =	shalt  }
0x4f: {  	_ =	shalt  }
0x50: {  	_ =	shalt  }
0x51: {  	_ =	shalt  }
0x52: {  	_ =	shalt  }
0x53: {  	_ =	shalt  }
0x54: {  	_ =	shalt  }
0x55: {  	_ =	shalt  }
0x56: {  	_ =	shalt  }
0x57: {  	_ =	shalt  }
0x58: {  	_ =	shalt  }
0x59: {  	_ =	shalt  }
0x5a: {  	_ =	shalt  }
0x5b: {  	_ =	shalt  }
0x5c: {  	_ =	shalt  }
0x5d: {  	_ =	shalt  }
0x5e: {  	_ =	shalt  }
0x5f: {  	_ =	shalt  }
0x60: {  	_ =	shalt  }
0x61: {  	_ =	shalt  }
0x62: {  	_ =	shalt  }
0x63: {  	_ =	shalt  }
0x64: {  	_ =	shalt  }
0x65: {  	_ =	shalt  }
0x66: {  	_ =	shalt  }
0x67: {  	_ =	shalt  }
0x68: {  	_ =	shalt  }
0x69: {  	_ =	shalt  }
0x6a: {  	_ =	shalt  }
0x6b: {  	_ =	shalt  }
0x6c: {  	_ =	shalt  }
0x6d: {  	_ =	shalt  }
0x6e: {  	_ =	shalt  }
0x6f: {  	_ =	shalt  }
0x70: {  	_ =	shalt  }
0x71: {  	_ =	shalt  }
0x72: {  	_ =	shalt  }
0x73: {  	_ =	shalt  }
0x74: {  	_ =	shalt  }
0x75: {  	_ =	shalt  }
0x76: {  	_ =	shalt  }
0x77: {  	_ =	shalt  }
0x78: {  	_ =	shalt  }
0x79: {  	_ =	shalt  }
0x7a: {  	_ =	shalt  }
0x7b: {  	_ =	shalt  }
0x7c: {  	_ =	shalt  }
0x7d: {  	_ =	shalt  }
0x7e: {  	_ =	shalt  }
0x7f: {  	_ =	shalt  }
0x80: {  	_ =	shalt  }
0x81: {  	_ =	shalt  }
0x82: {  	_ =	shalt  }
0x83: {  	_ =	shalt  }
0x84: {  	_ =	shalt  }
0x85: {  	_ =	shalt  }
0x86: {  	_ =	shalt  }
0x87: {  	_ =	shalt  }
.Lfunc_end0:
.L_simem_size_0:
called_computation.4_lowered:
.L_overlay_start_0:
0x88: {  	s2 =	sld [smem:$0x3FD9]  }
0x89: {  	s3 =	sld [smem:$0x3FFE];
	_ =	sdelay $0x1  }
0x8a: {  	s1 =	srdreg.scid  }
0x8b: {  	s0 =	sand.u32 $0x1, s1  }
0x8c: {  	s16 =	sshll.u32 s0, $0xA;
	s2 =	sadd.s32 s3, s2  }
0x8d: {  	s2 =	sadd.s32 s2, s16  }
0x8e: {  	[smem:$0x3FB2] =	sst s2  }
0x8f: {  	_ = 	snop  }
0x90: {  	(tm) =	ssettm $0x1  }
0x91: {  	s17 =	sld [smem:$0x3FFB];
	_ =	sdelay $0x3  }
0x92: {  	_ =	strace s17  }
0x93: {  	s2 =	sld [smem:$0x3FFC];
	_ =	sdelay $0x3  }
0x94: {  	_ =	strace s2  }
0x95: {  	s2 =	sld [smem:$0x3FFD];
	_ =	sdelay $0x3  }
0x96: {  	_ =	strace s2  }
0x97: {  	_ =	strace $0x8FFFFFFF  }
0x98: {  	s18 =	sld [smem:$0x3FDB];
	_ =	sdelay $0x1  }
0x99: {  	s19 =	simm.s32 $_scs_section_size  }
0x9a: {  	s4 =	simm.s32 $_size__tile_overlayer_lowered;
	s5 =	simm.s32 $_tile_overlayer_lowered  }
0x9b: {  	s22 =	simm.s32 $0x1BFF;
	s21 =	sshll.u32 s5, $0x1;
	s2 =	sadd.s32 s19, s18  }
0x9c: {  	s6 =	simm.s32 $0x0;
	s20 =	sshll.u32 s4, $0x1;
	s4 =	sadd.s32 s21, s2  }
0x9d: {  	[timem:s6], [sflag:s22] =	dma.local [hbm:s4], s20  }
0x9e: {  	_ =	swait.ge [sflag:s22], s20  }
0x9f: {  	s3 =	ssub.s32 $0x0, s20;
	[sflag:s22] =	ssyncset.done $0x0  }
0xa0: {  	[sflag:s22] =	ssyncadd.s32 s3;
	_ =	sdelay $0x1  }
0xa1: {  	s23 =	simm.s32 $0x1B8B  }
0xa2: {  	_ =	swait.ge [sflag:s23], $0x1  }
0xa3: {  	[sflag:s23] =	ssyncset.done $0x0  }
0xa4: {  	s25 =	simm.s32 $0x1B8E;
	s24 =	sld [smem:$0x3FFE];
	[sflag:s23] =	ssyncadd.s32 $0xFFFFFFFF  }
0xa5: {  	s26 =	simm.s32 $execute0_lowered;
	[smem:$0x3FD2] =	sst s25  }
0xa6: {  	s4 =	sshll.u32 s26, $0x1;
	_ =	strace $0x80000052;
	[dreg:$0x1] =	wrdreg $0xFFFFFFFF  }
0xa7: {  	s28 =	simm.s32 $_size_execute0_lowered;
	s2 =	sadd.s32 s2, s4;
	[dreg:$0x0] =	wrdreg $0x0  }
0xa8: {  	s4 =	sshll.u32 s28, $0x1;
	[dreg:$0x2] =	wrdreg s2  }
0xa9: {  	[dreg:$0x3] =	wrdreg s4  }
0xaa: {  	[dreg:$0x4] =	wrdreg $0xC0  }
0xab: {  	_ =	task [dreg:s6], $0x5FFFF  }
0xac: {  	[dreg:$0x1] =	wrdreg $0xFFFFFFFF  }
0xad: {  	[dreg:$0x0] =	wrdreg $0x60  }
0xae: {  	[dreg:$0x2] =	wrdreg s24  }
0xaf: {  	[dreg:$0x3] =	wrdreg $0x91000  }
0xb0: {  	[dreg:$0x4] =	wrdreg $0x9  }
0xb1: {  	_ =	task.clear_ibuf [dreg:s6], $0x5FFFF;
	_ =	strace $0x90000052  }
0xb2: {  	s29 =	simm.s32 $0x9;
	_ =	strace $0x80000054  }
0xb3: {  	_ =	swait.ge [sflag:s29], $0x1  }
0xb4: {  	[sflag:s29] =	ssyncadd.s32 $0xFFFFFFFF  }
0xb5: {  	_ =	strace $0x90000054  }
0xb6: {  	_ =	sfence  }
0xb7: {  	s30 =	sld [smem:$0x0];
	_ =	sdelay $0x2  }
0xb8: {  	s31 =	sshll.u32 s1, $0xD;
	s1 =	sshrl.u32 s1, $0x2  }
0xb9: {  	s3 =	sand.u32 $0x4000, s31;
	s1 =	sadd.s32 s1, s30  }
0xba: {  	s0 =	sor.u32 s3, s0;
	s1 =	sshll.u32 s1, $0x11  }
0xbb: {  	s0 =	sor.u32 s1, s0  }
0xbc: {  	s0 =	sadd.s32 $0x8F2B, s0  }
0xbd: {  	[sflag:s0] =	ssyncadd.remote.s32 $0x1  }
0xbe: {  	_ =	sfence.sel $0xFFFF  }
0xbf: {  	[dreg:$0x0] =	wrdreg $0xFFFFFFFF;
	(pc) =	sbr.abs _section_cstart, $3  }
0xc0: {  	[dreg:$0x1] =	wrdreg $0xFFFFFFFF  }
0xc1: {  	_ =	task.clear_ibuf [dreg:s6], $0x2FFFF;
	_ =	strace $0x9FFFFFFF  }
0xc2: {  	(tm) =	ssettm $0x7FFFFFFF  }
0xc3: {  	_ =	shalt  }
tec
execute0_lowered:
.L_overlay_start_1:
0x0: {  	(tag) =	ssettag $0x1  }
0x1: {  	s7 =	rddreg [dreg:$0x0]  }
0x2: {  	s2 =	rddreg [dreg:$0x1]  }
0x3: {  	s0 =	rddreg [dreg:$0x2];
	s3 =	simm.s32 $0x0;
	s1 =	stileid.u32  }
0x4: {  	s4 =	srdreg.scid;
	s14 =	simm.s32 $0x800;
	s15 =	simm.s32 $0x80  }
0x5: {  	s16 =	simm.s32 $0x1100;
	s17 =	simm.s32 $0x5100;
	s18 =	simm.s32 $0x1  }
0x6: {  	s19 =	simm.s32 $0x1000;
	s20 =	simm.s32 $0x2;
	s21 =	simm.s32 $0x1080  }
0x7: {  	[smem:$0x7FF] =	sst s3;
	s8 =	smul.u32 $0x2780, s1;
	s9 =	sand.u32 $0x1, s4  }
0x8: {  	s4 =	sadd.s32 $0x44800, s7;
	s5 =	sadd.s32 $0x13000, s7;
	s6 =	sadd.s32 $0x9000, s7  }
0x9: {  	s12 =	smul.u32 $0x4F000, s1;
	s31 =	sshll.u32 s1, $0x6;
	_ =	strace $0x80000053  }
0xa: {  	s10 =	smul.u32 $0x27800, s9;
	s11 =	ssub.s32 $0x2, s9;
	s28 =	sshll.u32 s9, $0x4  }
0xb: {  	s26 =	sshrl.u32 s11, $0x1;
	s29 =	sshrl.u32 s12, $0x2;
	s30 =	sor.u32 s1, s28  }
0xc: {  	s10 =	sadd.s32 s8, s10;
	s8 =	sadd.s32 s8, s7;
	s11 =	ssub.s32 s11, s26  }
0xd: {  	s13 =	sadd.s32 s29, s2;
	s9 =	smul.u32 $0x2800, s30;
	s10 =	sadd.s32 s10, s7  }
0xe: {  	s7 =	sadd.s32 $0x1D000, s8;
	s8 =	sor.u32 $0x1C03, s31;
	s11 =	smax.u32 s11, $0x1  }
0xf: {  	s12 =	sshrl.u32 s13, $0x3;
	s13 =	simm.s32 $0x3;
	s10 =	sadd.s32 $0x93800, s10  }
.LBB2_1:
0x10: {  	[spmem:s12], [sflag:s8] =	dma.local [hbm:s7], $0x2780  }
0x11: {  	_ =	swait.ge [sflag:s13], $0x2780  }
0x12: {  	[sflag:s13] =	ssyncset.done $0x0  }
0x13: {  	[sflag:s13] =	ssyncadd.s32 $0xFFFFD880  }
0x14: {  	s22 =	simm.s32 $0x0;
	[bflag:$0x0] =	sbarrier.arrive $0xFFFF  }
.LBB2_2:
0x15: {  	s23 =	sshll.u32 s22, $0xB  }
0x16: {  	s23 =	sadd.s32 s9, s23  }
0x17: {  	s23 =	sshrl.u32 s23, $0x3  }
0x18: {  	s25 =	simm.s32 $0x0;
	s24 =	sadd.s32 s5, s23  }
0x19: {  	[tilespmem:s25], [sflag:$0x3] =	stream.linear.gather [hbm4b:s24+s25], $0x800, $0x38;
	[tilespmem:$0x1CD00] =	vst v63  }
0x1a: {  	_ =	swait.ge [sflag:s13], $0x800  }
0x1b: {  	[sflag:s13] =	ssyncset.done $0x0  }
0x1c: {  	s23 =	sadd.s32 s6, s23;
	[sflag:s13] =	ssyncadd.s32 $0xFFFFF800  }
0x1d: {  	[tilespmem:s14], [sflag:$0x3] =	stream.linear.gather [hbm4b:s23+s25], $0x800, $0x38;
	[tilespmem:$0x1CD00] =	vst v63  }
0x1e: {  	_ =	swait.ge [sflag:s13], $0x800  }
0x1f: {  	[sflag:s13] =	ssyncset.done $0x0  }
0x20: {  	[sflag:s13] =	ssyncadd.s32 $0xFFFFF800  }
0x21: {  	[tilespmem:s16], [sflag:$0x1] =	stream.indirect.gather [hbm4b:s4+s15], $0x80, s25, s15, $0xb8;
	[tilespmem:$0x1CD00] =	vst v63  }
0x22: {  	_ = 	snop  }
0x23: {  	[tilespmem:s17], [sflag:$0x2] =	stream.indirect.gather [hbm4b:s4+s15], $0x80, s15, s15, $0xb8;
	[tilespmem:$0x1CD00] =	vst v63  }
0x24: {  	_ =	swait.ge [sflag:s18], $0x4000  }
0x25: {  	[sflag:s18] =	ssyncset.done $0x0  }
0x26: {  	s30 =	simm.s32 $0x0;
	[sflag:s18] =	ssyncadd.s32 $0xFFFFC000  }
0x27: {  	v0 =	vld [tilespmem:s30+$0x800];
	_ =	sdelay $0x4  }
0x28: {  	[tilespmem:$0x1000] =	vst v0  }
0x29: {  	v0 =	vld [tilespmem:s30+$0x810];
	_ =	sdelay $0x4  }
0x2a: {  	[tilespmem:$0x1010] =	vst v0  }
0x2b: {  	v0 =	vld [tilespmem:s30+$0x820];
	_ =	sdelay $0x4  }
0x2c: {  	[tilespmem:$0x1020] =	vst v0  }
0x2d: {  	v0 =	vld [tilespmem:s30+$0x830];
	_ =	sdelay $0x4  }
0x2e: {  	[tilespmem:$0x1030] =	vst v0  }
0x2f: {  	v0 =	vld [tilespmem:s30+$0x840];
	_ =	sdelay $0x4  }
0x30: {  	[tilespmem:$0x1040] =	vst v0  }
0x31: {  	v0 =	vld [tilespmem:s30+$0x850];
	_ =	sdelay $0x4  }
0x32: {  	[tilespmem:$0x1050] =	vst v0  }
0x33: {  	v0 =	vld [tilespmem:s30+$0x860];
	_ =	sdelay $0x4  }
0x34: {  	[tilespmem:$0x1060] =	vst v0  }
0x35: {  	v0 =	vld [tilespmem:s30+$0x870];
	_ =	sdelay $0x4  }
0x36: {  	[tilespmem:$0x1070] =	vst v0  }
0x37: {  	[spmem:s2] =	stream.indirect.scatter.add.f32 [tilespmem:s16], [sflag:$0x3], $0x80, s19, s15, $0xb8;
	[tilespmem:$0x1CD00] =	vst v63  }
0x38: {  	_ =	swait.ge [sflag:s13], $0x4000  }
0x39: {  	[sflag:s13] =	ssyncset.done $0x0  }
0x3a: {  	s31 =	simm.s32 $0x100;
	[sflag:s13] =	ssyncadd.s32 $0xFFFFC000  }
0x3b: {  	[tilespmem:s16], [sflag:$0x1] =	stream.indirect.gather [hbm4b:s4+s15], $0x80, s31, s15, $0xb8;
	[tilespmem:$0x1CD00] =	vst v63  }
0x3c: {  	_ =	swait.ge [sflag:s20], $0x4000  }
0x3d: {  	[sflag:s20] =	ssyncset.done $0x0  }
0x3e: {  	[sflag:s20] =	ssyncadd.s32 $0xFFFFC000  }
0x3f: {  	v63 =	vld [tilespmem:s30+$0x880];
	_ =	sdelay $0x4  }
0x40: {  	[tilespmem:$0x1080] =	vst v63  }
0x41: {  	v0 =	vld [tilespmem:s30+$0x890];
	_ =	sdelay $0x4  }
0x42: {  	[tilespmem:$0x1090] =	vst v0  }
0x43: {  	v0 =	vld [tilespmem:s30+$0x8A0];
	_ =	sdelay $0x4  }
0x44: {  	[tilespmem:$0x10A0] =	vst v0  }
0x45: {  	v0 =	vld [tilespmem:s30+$0x8B0];
	_ =	sdelay $0x4  }
0x46: {  	[tilespmem:$0x10B0] =	vst v0  }
0x47: {  	v0 =	vld [tilespmem:s30+$0x8C0];
	_ =	sdelay $0x4  }
0x48: {  	[tilespmem:$0x10C0] =	vst v0  }
0x49: {  	v0 =	vld [tilespmem:s30+$0x8D0];
	_ =	sdelay $0x4  }
0x4a: {  	[tilespmem:$0x10D0] =	vst v0  }
0x4b: {  	v0 =	vld [tilespmem:s30+$0x8E0];
	_ =	sdelay $0x4  }
0x4c: {  	[tilespmem:$0x10E0] =	vst v0  }
0x4d: {  	v0 =	vld [tilespmem:s30+$0x8F0];
	_ =	sdelay $0x4  }
0x4e: {  	[tilespmem:$0x10F0] =	vst v0  }
0x4f: {  	[spmem:s2] =	stream.indirect.scatter.add.f32 [tilespmem:s17], [sflag:$0x3], $0x80, s21, s15, $0xb8;
	[tilespmem:$0x1CD00] =	vst v63  }
0x50: {  	_ =	swait.ge [sflag:s13], $0x4000  }
0x51: {  	[sflag:s13] =	ssyncset.done $0x0  }
0x52: {  	s24 =	simm.s32 $0x180;
	s23 =	simm.s32 $0x400;
	[sflag:s13] =	ssyncadd.s32 $0xFFFFC000  }
.LBB2_3:
0x53: {  	[tilespmem:s17], [sflag:$0x2] =	stream.indirect.gather [hbm4b:s4+s15], $0x80, s24, s15, $0xb8;
	[tilespmem:$0x1CD00] =	vst v63  }
0x54: {  	s24 =	smov.u32 s23  }
0x55: {  	p0 =	sne.s32 s23, $0x1800;
	s23 =	sadd.s32 $0x400, s23;
	_ =	swait.ge [sflag:s18], $0x4000  }
0x56: {  	[sflag:s18] =	ssyncset.done $0x0  }
0x57: {  	s24 =	sshra.s32 s24, $0x2;
	[sflag:s18] =	ssyncadd.s32 $0xFFFFC000  }
0x58: {  	v0 =	vld [tilespmem:s24+$0x800];
	_ =	sdelay $0x4  }
0x59: {  	[tilespmem:$0x1000] =	vst v0  }
0x5a: {  	v0 =	vld [tilespmem:s24+$0x810];
	_ =	sdelay $0x4  }
0x5b: {  	[tilespmem:$0x1010] =	vst v0  }
0x5c: {  	v0 =	vld [tilespmem:s24+$0x820];
	_ =	sdelay $0x4  }
0x5d: {  	[tilespmem:$0x1020] =	vst v0  }
0x5e: {  	v0 =	vld [tilespmem:s24+$0x830];
	_ =	sdelay $0x4  }
0x5f: {  	[tilespmem:$0x1030] =	vst v0  }
0x60: {  	v0 =	vld [tilespmem:s24+$0x840];
	_ =	sdelay $0x4  }
0x61: {  	[tilespmem:$0x1040] =	vst v0  }
0x62: {  	v0 =	vld [tilespmem:s24+$0x850];
	_ =	sdelay $0x4  }
0x63: {  	[tilespmem:$0x1050] =	vst v0  }
0x64: {  	v0 =	vld [tilespmem:s24+$0x860];
	_ =	sdelay $0x4  }
0x65: {  	[tilespmem:$0x1060] =	vst v0  }
0x66: {  	v0 =	vld [tilespmem:s24+$0x870];
	_ =	sdelay $0x4  }
0x67: {  	[tilespmem:$0x1070] =	vst v0  }
0x68: {  	[spmem:s2] =	stream.indirect.scatter.add.f32 [tilespmem:s16], [sflag:$0x3], $0x80, s19, s15, $0xb8;
	[tilespmem:$0x1CD00] =	vst v63  }
0x69: {  	_ =	swait.ge [sflag:s13], $0x4000  }
0x6a: {  	[sflag:s13] =	ssyncset.done $0x0  }
0x6b: {  	s25 =	sadd.s32 $0x100, s24;
	[sflag:s13] =	ssyncadd.s32 $0xFFFFC000  }
0x6c: {  	[tilespmem:s16], [sflag:$0x1] =	stream.indirect.gather [hbm4b:s4+s15], $0x80, s25, s15, $0xb8;
	[tilespmem:$0x1CD00] =	vst v63  }
0x6d: {  	_ =	swait.ge [sflag:s20], $0x4000  }
0x6e: {  	[sflag:s20] =	ssyncset.done $0x0  }
0x6f: {  	[sflag:s20] =	ssyncadd.s32 $0xFFFFC000  }
0x70: {  	v0 =	vld [tilespmem:s24+$0x880];
	_ =	sdelay $0x4  }
0x71: {  	[tilespmem:$0x1080] =	vst v0  }
0x72: {  	v0 =	vld [tilespmem:s24+$0x890];
	_ =	sdelay $0x4  }
0x73: {  	[tilespmem:$0x1090] =	vst v0  }
0x74: {  	v0 =	vld [tilespmem:s24+$0x8A0];
	_ =	sdelay $0x4  }
0x75: {  	[tilespmem:$0x10A0] =	vst v0  }
0x76: {  	v0 =	vld [tilespmem:s24+$0x8B0];
	_ =	sdelay $0x4  }
0x77: {  	[tilespmem:$0x10B0] =	vst v0  }
0x78: {  	v0 =	vld [tilespmem:s24+$0x8C0];
	_ =	sdelay $0x4  }
0x79: {  	[tilespmem:$0x10C0] =	vst v0  }
0x7a: {  	v0 =	vld [tilespmem:s24+$0x8D0];
	_ =	sdelay $0x4  }
0x7b: {  	[tilespmem:$0x10D0] =	vst v0  }
0x7c: {  	v0 =	vld [tilespmem:s24+$0x8E0];
	_ =	sdelay $0x4  }
0x7d: {  	[tilespmem:$0x10E0] =	vst v0  }
0x7e: {  	v0 =	vld [tilespmem:s24+$0x8F0];
	_ =	sdelay $0x4  }
.Ltmp0:
0x7f: {  	[tilespmem:$0x10F0] =	vst v0;
	(pc) =	sbr.rel @p0 .LBB2_3-.Ltmp0, $4  }
0x80: {  	[spmem:s2] =	stream.indirect.scatter.add.f32 [tilespmem:s17], [sflag:$0x3], $0x80, s21, s15, $0xb8;
	[tilespmem:$0x1CD00] =	vst v63  }
0x81: {  	_ =	swait.ge [sflag:s13], $0x4000  }
0x82: {  	[sflag:s13] =	ssyncset.done $0x0  }
0x83: {  	s24 =	sadd.s32 $0x180, s24;
	[sflag:s13] =	ssyncadd.s32 $0xFFFFC000  }
0x84: {  	[tilespmem:s17], [sflag:$0x2] =	stream.indirect.gather [hbm4b:s4+s15], $0x80, s24, s15, $0xb8;
	[tilespmem:$0x1CD00] =	vst v63  }
0x85: {  	_ =	swait.ge [sflag:s18], $0x4000  }
0x86: {  	[sflag:s18] =	ssyncset.done $0x0  }
0x87: {  	[sflag:s18] =	ssyncadd.s32 $0xFFFFC000  }
0x88: {  	v0 =	vld [tilespmem:$0xF00]  }
0x89: {  	v1 =	vld [tilespmem:$0xF10]  }
0x8a: {  	v2 =	vld [tilespmem:$0xF20]  }
0x8b: {  	v3 =	vld [tilespmem:$0xF30]  }
0x8c: {  	v4 =	vld [tilespmem:$0xF40]  }
0x8d: {  	v53 =	vld [tilespmem:$0xF50];
	[tilespmem:$0x1000] =	vst v0  }
0x8e: {  	v54 =	vld [tilespmem:$0xF60];
	[tilespmem:$0x1010] =	vst v1  }
0x8f: {  	v55 =	vld [tilespmem:$0xF70];
	[tilespmem:$0x1020] =	vst v2  }
0x90: {  	[tilespmem:$0x1030] =	vst v3  }
0x91: {  	[tilespmem:$0x1040] =	vst v4  }
0x92: {  	[tilespmem:$0x1050] =	vst v53  }
0x93: {  	[tilespmem:$0x1060] =	vst v54  }
0x94: {  	[tilespmem:$0x1070] =	vst v55  }
0x95: {  	[spmem:s2] =	stream.indirect.scatter.add.f32 [tilespmem:s16], [sflag:$0x3], $0x80, s19, s15, $0xb8;
	[tilespmem:$0x1CD00] =	vst v63  }
0x96: {  	_ =	swait.ge [sflag:s13], $0x4000  }
0x97: {  	[sflag:s13] =	ssyncset.done $0x0  }
0x98: {  	[sflag:s13] =	ssyncadd.s32 $0xFFFFC000  }
0x99: {  	_ =	swait.ge [sflag:s20], $0x4000  }
0x9a: {  	[sflag:s20] =	ssyncset.done $0x0  }
0x9b: {  	[sflag:s20] =	ssyncadd.s32 $0xFFFFC000  }
0x9c: {  	v56 =	vld [tilespmem:$0xF80]  }
0x9d: {  	v57 =	vld [tilespmem:$0xF90]  }
0x9e: {  	v58 =	vld [tilespmem:$0xFA0]  }
0x9f: {  	v59 =	vld [tilespmem:$0xFB0]  }
0xa0: {  	v60 =	vld [tilespmem:$0xFC0]  }
0xa1: {  	v61 =	vld [tilespmem:$0xFD0];
	[tilespmem:$0x1080] =	vst v56  }
0xa2: {  	v62 =	vld [tilespmem:$0xFE0];
	[tilespmem:$0x1090] =	vst v57  }
0xa3: {  	v63 =	vld [tilespmem:$0xFF0];
	[tilespmem:$0x10A0] =	vst v58  }
0xa4: {  	[tilespmem:$0x10B0] =	vst v59  }
0xa5: {  	[tilespmem:$0x10C0] =	vst v60  }
0xa6: {  	s22 =	sadd.s32 $0x1, s22;
	[tilespmem:$0x10D0] =	vst v61  }
0xa7: {  	p0 =	sne.s32 s22, $0x5;
	[tilespmem:$0x10E0] =	vst v62  }
.Ltmp1:
0xa8: {  	[tilespmem:$0x10F0] =	vst v63;
	(pc) =	sbr.rel @p0 .LBB2_2-.Ltmp1, $4  }
0xa9: {  	[spmem:s2] =	stream.indirect.scatter.add.f32 [tilespmem:s17], [sflag:$0x3], $0x80, s21, s15, $0xb8;
	[tilespmem:$0x1CD00] =	vst v63  }
0xaa: {  	_ =	swait.ge [sflag:s13], $0x4000  }
0xab: {  	[sflag:s13] =	ssyncset.done $0x0  }
0xac: {  	[sflag:s13] =	ssyncadd.s32 $0xFFFFC000  }
0xad: {  	s3 =	sadd.s32 $0x1, s3  }
0xae: {  	p0 =	sne.s32 s3, s11  }
.Ltmp2:
0xaf: {  	[bflag:$0x0] =	sbarrier.arrive $0xFFFF;
	(pc) =	sbr.rel @p0 .LBB2_1-.Ltmp2, $4  }
0xb0: {  	[hbm:s10], [sflag:s8] =	dma.local [spmem:s12], $0x2780  }
0xb1: {  	_ =	swait.ge [sflag:s13], $0x2780  }
0xb2: {  	[sflag:s13] =	ssyncset.done $0x0  }
0xb3: {  	[sflag:s13] =	ssyncadd.s32 $0xFFFFD880  }
0xb4: {  	_ =	sfence.sel $0x180000  }
0xb5: {  	[bflag:$0x0] =	sbarrier.arrive $0xFFFF  }
0xb6: {  	p0 =	sne.s32 s1, $0x0;
	_ =	strace $0x90000053  }
0xb7: {  	s0 =	sadd.s32 @!p0 $0x100000, s0;
	[bflag:$0x2] =	sbarrier.arrive $0xFFFF  }
0xb8: {  	[sflag:s0] =	ssyncadd.tile.s32 @!p0 $0x1;
	_ =	shalt  }
.Lfunc_end2:
_tile_overlayer_lowered:
.L_overlay_start_2:
0xb9: {  	(tag) =	ssettag $0x2  }
0xba: {  	s0 =	rddreg [dreg:$0x0];
	s2 =	stileid.u32  }
0xbb: {  	s1 =	rddreg [dreg:$0x1];
	p0 =	sne.s32 s2, $0x0  }
0xbc: {  	s3 =	rddreg [dreg:$0x2];
	[bflag:$0x3] =	sbarrier.arrive $0xFFFF;
	s2 =	simm.s32 @!p0 $0x1C03  }
0xbd: {  	[timem:s3], [sflag:s2] =	dma.local @!p0 [hbm:s0], s1  }
0xbe: {  	s0 =	simm.s32 @!p0 $0x3  }
0xbf: {  	_ =	swait.ge @!p0 [sflag:s0], s1  }
0xc0: {  	s1 =	ssub.s32 @!p0 $0x0, s1;
	[sflag:s0] =	ssyncset.done @!p0 $0x0  }
0xc1: {  	[sflag:s0] =	ssyncadd.s32 @!p0 s1  }
0xc2: {  	[bflag:$0x3] =	sbarrier.arrive $0xFFFF  }
0xc3: {  	_ =	shalt  }

// kernel: kernel.30.cloned.1.call-start
scs
__scs_entry_jumppad:
0x0: {  	(pc) =	sbr.rel $0x88, $3  }
0x1: {  	(tag) =	ssettag $0x0;
	lr =	simm.s32 $0x1  }
0x2: {  	[smem:$0x3F8B] =	sst lr;
	_ =	strace $0xD0000000  }
0x3: {  	_ = 	snop  }
0x4: {  	_ = 	snop  }
0x5: {  	_ = 	snop  }
0x6: {  	_ = 	snop  }
0x7: {  	_ = 	snop  }
__scs_overlays_trampoline_lowered:
0x8: {  	[smem:$0x3F9A] =	sst s0  }
0x9: {  	[smem:$0x3F9B] =	sst s1  }
0xa: {  	[smem:$0x3F9C] =	sst s2  }
0xb: {  	[smem:$0x3F9D] =	sst s3  }
0xc: {  	[smem:$0x3F9E] =	sst s4  }
0xd: {  	[smem:$0x3F9F] =	sst s5  }
0xe: {  	[smem:$0x3FA0] =	sst s6  }
0xf: {  	[smem:$0x3FA1] =	sst s7  }
0x10: {  	[smem:$0x3FA2] =	sst s8  }
0x11: {  	[smem:$0x3FA3] =	sst s9;
	s0 =	simm.s32 @!p0 $0x0  }
0x12: {  	s1 =	sld [smem:$0x3F89];
	s0 =	simm.s32 @p0 $0x1  }
0x13: {  	[smem:$0x3FA4] =	sst s0;
	s0 =	simm.s32 @!p1 $0x0  }
0x14: {  	s2 =	sld [smem:$0x3F88];
	s0 =	simm.s32 @p1 $0x1  }
0x15: {  	[smem:$0x3FA5] =	sst s0;
	s0 =	simm.s32 @!p2 $0x0  }
0x16: {  	s3 =	sld [smem:$0x3FDB];
	s0 =	simm.s32 @p2 $0x1  }
0x17: {  	s4 =	simm.s32 $0x1BF5;
	[smem:$0x3FA7] =	sst s0  }
0x18: {  	s0 =	sld [smem:$0x3F8A];
	_ =	swait.ge [sflag:s4], $0x0  }
0x19: {  	s7 =	sld [smem:$0x3F8B]  }
0x1a: {  	s8 =	sadd.s32 $0xFFFFE003, lr  }
0x1b: {  	s9 =	sadd.s32 $0xFFFFFEF7, lr;
	s5 =	simm.s32 $0xFFFFFFFF;
	p2 =	slt.u32 s8, $0xFFFFF086  }
0x1c: {  	p1 =	slt.u32 s9, $0xF7A;
	s5 =	simm.s32 @!p2 $0x0  }
0x1d: {  	s5 =	simm.s32 @p1 $0x1;
	p0 =	seq.s32 s7, s2  }
0x1e: {  	s7 =	smul.u32 @!p0 $0xF7A, s2;
	p2 =	seq.s32 @!p0 s5, $0x0  }
0x1f: {  	s9 =	smul.u32 $0xF7A, s1;
	s8 =	simm.s32 @!p0 $0x1BF5;
	p2 =	por !p2, p0  }
0x20: {  	[sflag:s8] =	ssyncset.s32 @!p0 $0xFFFFF086;
	s6 =	sadd.s32 @!p0 s3, s7;
	s7 =	simm.s32 @!p0 $0x108  }
0x21: {  	s3 =	sadd.s32 s3, s9;
	s6 =	sadd.s32 @!p0 $0x88, s6;
	s7 =	simm.s32 @p2 $0x1082  }
0x22: {  	[simem:s7], [sflag:s8] =	dma.local @!p0 [hbm:s6], $0xF7A  }
0x23: {  	s9 =	sor.u32 $0xD0000000, s2;
	s6 =	simm.s32 $0x108;
	_ =	swait.ge @!p0 [sflag:s8], $0x0  }
0x24: {  	s3 =	sadd.s32 $0x88, s3;
	s6 =	simm.s32 @!p1 $0x1082;
	[sflag:s4] =	ssyncset.s32 $0xFFFFF086  }
0x25: {  	[simem:s6], [sflag:s4] =	dma.local [hbm:s3], $0xF7A  }
0x26: {  	[smem:$0x3F8B] =	sst s1;
	(tag) =	ssettag s2;
	_ =	strace s9  }
0x27: {  	s1 =	sld [smem:$0x3F9B]  }
0x28: {  	s2 =	sld [smem:$0x3F9C]  }
0x29: {  	s4 =	sld [smem:$0x3F9E]  }
0x2a: {  	p0 =	seq.s32 s5, $0x0;
	s5 =	sld [smem:$0x3F9F]  }
0x2b: {  	s6 =	sld [smem:$0x3FA0]  }
0x2c: {  	s7 =	sld [smem:$0x3FA1]  }
0x2d: {  	s3 =	simm.s32 $0x108;
	s8 =	sld [smem:$0x3FA2]  }
0x2e: {  	s3 =	simm.s32 @!p0 $0x1082;
	s9 =	sld [smem:$0x3FA3]  }
0x2f: {  	lr =	sadd.s32 s0, s3;
	s0 =	sld [smem:$0x3F9A]  }
0x30: {  	s3 =	sld [smem:$0x3F9D]  }
0x31: {  	[smem:$0x3FA6] =	sst s10  }
0x32: {  	s10 =	sld [smem:$0x3FA4];
	_ =	sdelay $0x3  }
0x33: {  	p0 =	seq.s32 s10, $0x1;
	s10 =	sld [smem:$0x3FA6];
	_ =	sdelay $0x3  }
0x34: {  	[smem:$0x3FA6] =	sst s10  }
0x35: {  	s10 =	sld [smem:$0x3FA5];
	_ =	sdelay $0x3  }
0x36: {  	p1 =	seq.s32 s10, $0x1;
	s10 =	sld [smem:$0x3FA6];
	_ =	sdelay $0x3  }
0x37: {  	[smem:$0x3FA6] =	sst s10  }
0x38: {  	s10 =	sld [smem:$0x3FA7]  }
0x39: {  	_ = 	snop;
	(pc) =	sbr.ind lr, $3  }
0x3a: {  	_ = 	snop  }
0x3b: {  	_ = 	snop  }
0x3c: {  	p2 =	seq.s32 s10, $0x1;
	s10 =	sld [smem:$0x3FA6]  }
0x3d: {  	_ =	shalt  }
0x3e: {  	_ =	shalt  }
0x3f: {  	_ =	shalt  }
0x40: {  	_ =	shalt  }
0x41: {  	_ =	shalt  }
0x42: {  	_ =	shalt  }
0x43: {  	_ =	shalt  }
0x44: {  	_ =	shalt  }
0x45: {  	_ =	shalt  }
0x46: {  	_ =	shalt  }
0x47: {  	_ =	shalt  }
0x48: {  	_ =	shalt  }
0x49: {  	_ =	shalt  }
0x4a: {  	_ =	shalt  }
0x4b: {  	_ =	shalt  }
0x4c: {  	_ =	shalt  }
0x4d: {  	_ =	shalt  }
0x4e: {  	_ =	shalt  }
0x4f: {  	_ =	shalt  }
0x50: {  	_ =	shalt  }
0x51: {  	_ =	shalt  }
0x52: {  	_ =	shalt  }
0x53: {  	_ =	shalt  }
0x54: {  	_ =	shalt  }
0x55: {  	_ =	shalt  }
0x56: {  	_ =	shalt  }
0x57: {  	_ =	shalt  }
0x58: {  	_ =	shalt  }
0x59: {  	_ =	shalt  }
0x5a: {  	_ =	shalt  }
0x5b: {  	_ =	shalt  }
0x5c: {  	_ =	shalt  }
0x5d: {  	_ =	shalt  }
0x5e: {  	_ =	shalt  }
0x5f: {  	_ =	shalt  }
0x60: {  	_ =	shalt  }
0x61: {  	_ =	shalt  }
0x62: {  	_ =	shalt  }
0x63: {  	_ =	shalt  }
0x64: {  	_ =	shalt  }
0x65: {  	_ =	shalt  }
0x66: {  	_ =	shalt  }
0x67: {  	_ =	shalt  }
0x68: {  	_ =	shalt  }
0x69: {  	_ =	shalt  }
0x6a: {  	_ =	shalt  }
0x6b: {  	_ =	shalt  }
0x6c: {  	_ =	shalt  }
0x6d: {  	_ =	shalt  }
0x6e: {  	_ =	shalt  }
0x6f: {  	_ =	shalt  }
0x70: {  	_ =	shalt  }
0x71: {  	_ =	shalt  }
0x72: {  	_ =	shalt  }
0x73: {  	_ =	shalt  }
0x74: {  	_ =	shalt  }
0x75: {  	_ =	shalt  }
0x76: {  	_ =	shalt  }
0x77: {  	_ =	shalt  }
0x78: {  	_ =	shalt  }
0x79: {  	_ =	shalt  }
0x7a: {  	_ =	shalt  }
0x7b: {  	_ =	shalt  }
0x7c: {  	_ =	shalt  }
0x7d: {  	_ =	shalt  }
0x7e: {  	_ =	shalt  }
0x7f: {  	_ =	shalt  }
0x80: {  	_ =	shalt  }
0x81: {  	_ =	shalt  }
0x82: {  	_ =	shalt  }
0x83: {  	_ =	shalt  }
0x84: {  	_ =	shalt  }
0x85: {  	_ =	shalt  }
0x86: {  	_ =	shalt  }
0x87: {  	_ =	shalt  }
.Lfunc_end0:
.L_simem_size_0:
called_computation.5_lowered:
.L_overlay_start_0:
0x88: {  	s2 =	sld [smem:$0x3FD9]  }
0x89: {  	s3 =	sld [smem:$0x3FFE];
	_ =	sdelay $0x1  }
0x8a: {  	s1 =	srdreg.scid  }
0x8b: {  	s0 =	sand.u32 $0x1, s1  }
0x8c: {  	s16 =	sshll.u32 s0, $0xA;
	s2 =	sadd.s32 s3, s2  }
0x8d: {  	s2 =	sadd.s32 s2, s16  }
0x8e: {  	[smem:$0x3FB2] =	sst s2  }
0x8f: {  	_ = 	snop  }
0x90: {  	(tm) =	ssettm $0x1  }
0x91: {  	s17 =	sld [smem:$0x3FFB];
	_ =	sdelay $0x3  }
0x92: {  	_ =	strace s17  }
0x93: {  	s2 =	sld [smem:$0x3FFC];
	_ =	sdelay $0x3  }
0x94: {  	_ =	strace s2  }
0x95: {  	s2 =	sld [smem:$0x3FFD];
	_ =	sdelay $0x3  }
0x96: {  	_ =	strace s2  }
0x97: {  	_ =	strace $0x8FFFFFFF  }
0x98: {  	s18 =	sld [smem:$0x3FDB];
	_ =	sdelay $0x1  }
0x99: {  	s19 =	simm.s32 $_scs_section_size  }
0x9a: {  	s4 =	simm.s32 $_size__tile_overlayer_lowered;
	s5 =	simm.s32 $_tile_overlayer_lowered  }
0x9b: {  	s22 =	simm.s32 $0x1BFF;
	s21 =	sshll.u32 s5, $0x1;
	s2 =	sadd.s32 s19, s18  }
0x9c: {  	s6 =	simm.s32 $0x0;
	s20 =	sshll.u32 s4, $0x1;
	s4 =	sadd.s32 s21, s2  }
0x9d: {  	[timem:s6], [sflag:s22] =	dma.local [hbm:s4], s20  }
0x9e: {  	_ =	swait.ge [sflag:s22], s20  }
0x9f: {  	s3 =	ssub.s32 $0x0, s20;
	[sflag:s22] =	ssyncset.done $0x0  }
0xa0: {  	[sflag:s22] =	ssyncadd.s32 s3;
	_ =	sdelay $0x1  }
0xa1: {  	s23 =	simm.s32 $0x1B8B  }
0xa2: {  	_ =	swait.ge [sflag:s23], $0x1  }
0xa3: {  	[sflag:s23] =	ssyncset.done $0x0  }
0xa4: {  	s25 =	simm.s32 $0x1B8E;
	s24 =	sld [smem:$0x3FFE];
	[sflag:s23] =	ssyncadd.s32 $0xFFFFFFFF  }
0xa5: {  	s26 =	simm.s32 $execute0_lowered;
	[smem:$0x3FD2] =	sst s25  }
0xa6: {  	s4 =	sshll.u32 s26, $0x1;
	_ =	strace $0x80000055;
	[dreg:$0x1] =	wrdreg $0xFFFFFFFF  }
0xa7: {  	s28 =	simm.s32 $_size_execute0_lowered;
	s2 =	sadd.s32 s2, s4;
	[dreg:$0x0] =	wrdreg $0x0  }
0xa8: {  	s4 =	sshll.u32 s28, $0x1;
	[dreg:$0x2] =	wrdreg s2  }
0xa9: {  	[dreg:$0x3] =	wrdreg s4  }
0xaa: {  	[dreg:$0x4] =	wrdreg $0xC0  }
0xab: {  	_ =	task [dreg:s6], $0x5FFFF  }
0xac: {  	[dreg:$0x1] =	wrdreg $0xFFFFFFFF  }
0xad: {  	[dreg:$0x0] =	wrdreg $0x60  }
0xae: {  	[dreg:$0x2] =	wrdreg s24  }
0xaf: {  	[dreg:$0x3] =	wrdreg $0x91000  }
0xb0: {  	[dreg:$0x4] =	wrdreg $0x9  }
0xb1: {  	_ =	task.clear_ibuf [dreg:s6], $0x5FFFF;
	_ =	strace $0x90000055  }
0xb2: {  	s29 =	simm.s32 $0x9;
	_ =	strace $0x80000057  }
0xb3: {  	_ =	swait.ge [sflag:s29], $0x1  }
0xb4: {  	[sflag:s29] =	ssyncadd.s32 $0xFFFFFFFF  }
0xb5: {  	_ =	strace $0x90000057  }
0xb6: {  	_ =	sfence  }
0xb7: {  	s30 =	sld [smem:$0x0];
	_ =	sdelay $0x2  }
0xb8: {  	s31 =	sshll.u32 s1, $0xD;
	s1 =	sshrl.u32 s1, $0x2  }
0xb9: {  	s3 =	sand.u32 $0x4000, s31;
	s1 =	sadd.s32 s1, s30  }
0xba: {  	s0 =	sor.u32 s3, s0;
	s1 =	sshll.u32 s1, $0x11  }
0xbb: {  	s0 =	sor.u32 s1, s0  }
0xbc: {  	s0 =	sadd.s32 $0x8F2B, s0  }
0xbd: {  	[sflag:s0] =	ssyncadd.remote.s32 $0x1  }
0xbe: {  	_ =	sfence.sel $0xFFFF  }
0xbf: {  	[dreg:$0x0] =	wrdreg $0xFFFFFFFF;
	(pc) =	sbr.abs _section_cstart, $3  }
0xc0: {  	[dreg:$0x1] =	wrdreg $0xFFFFFFFF  }
0xc1: {  	_ =	task.clear_ibuf [dreg:s6], $0x2FFFF;
	_ =	strace $0x9FFFFFFF  }
0xc2: {  	(tm) =	ssettm $0x7FFFFFFF  }
0xc3: {  	_ =	shalt  }
tec
execute0_lowered:
.L_overlay_start_1:
0x0: {  	(tag) =	ssettag $0x1  }
0x1: {  	s7 =	rddreg [dreg:$0x0]  }
0x2: {  	s2 =	rddreg [dreg:$0x1]  }
0x3: {  	s0 =	rddreg [dreg:$0x2];
	s3 =	simm.s32 $0x0;
	s1 =	stileid.u32  }
0x4: {  	s4 =	srdreg.scid;
	s14 =	simm.s32 $0x800;
	s15 =	simm.s32 $0x80  }
0x5: {  	s16 =	simm.s32 $0x1100;
	s17 =	simm.s32 $0x5100;
	s18 =	simm.s32 $0x1  }
0x6: {  	s19 =	simm.s32 $0x1000;
	s20 =	simm.s32 $0x2;
	s21 =	simm.s32 $0x1080  }
0x7: {  	[smem:$0x7FF] =	sst s3;
	s8 =	smul.u32 $0x2780, s1;
	s9 =	sand.u32 $0x1, s4  }
0x8: {  	s4 =	sadd.s32 $0x44800, s7;
	s5 =	sadd.s32 $0x13000, s7;
	s6 =	sadd.s32 $0x9000, s7  }
0x9: {  	s12 =	smul.u32 $0x4F000, s1;
	s31 =	sshll.u32 s1, $0x6;
	_ =	strace $0x80000056  }
0xa: {  	s10 =	smul.u32 $0x27800, s9;
	s11 =	ssub.s32 $0x2, s9;
	s28 =	sshll.u32 s9, $0x4  }
0xb: {  	s26 =	sshrl.u32 s11, $0x1;
	s29 =	sshrl.u32 s12, $0x2;
	s30 =	sor.u32 s1, s28  }
0xc: {  	s10 =	sadd.s32 s8, s10;
	s8 =	sadd.s32 s8, s7;
	s11 =	ssub.s32 s11, s26  }
0xd: {  	s13 =	sadd.s32 s29, s2;
	s9 =	smul.u32 $0x2800, s30;
	s10 =	sadd.s32 s10, s7  }
0xe: {  	s7 =	sadd.s32 $0x1D000, s8;
	s8 =	sor.u32 $0x1C03, s31;
	s11 =	smax.u32 s11, $0x1  }
0xf: {  	s12 =	sshrl.u32 s13, $0x3;
	s13 =	simm.s32 $0x3;
	s10 =	sadd.s32 $0x93800, s10  }
.LBB2_1:
0x10: {  	[spmem:s12], [sflag:s8] =	dma.local [hbm:s7], $0x2780  }
0x11: {  	_ =	swait.ge [sflag:s13], $0x2780  }
0x12: {  	[sflag:s13] =	ssyncset.done $0x0  }
0x13: {  	[sflag:s13] =	ssyncadd.s32 $0xFFFFD880  }
0x14: {  	s22 =	simm.s32 $0x0;
	[bflag:$0x0] =	sbarrier.arrive $0xFFFF  }
.LBB2_2:
0x15: {  	s23 =	sshll.u32 s22, $0xB  }
0x16: {  	s23 =	sadd.s32 s9, s23  }
0x17: {  	s23 =	sshrl.u32 s23, $0x3  }
0x18: {  	s25 =	simm.s32 $0x0;
	s24 =	sadd.s32 s5, s23  }
0x19: {  	[tilespmem:s25], [sflag:$0x3] =	stream.linear.gather [hbm4b:s24+s25], $0x800, $0x38;
	[tilespmem:$0x1CD00] =	vst v63  }
0x1a: {  	_ =	swait.ge [sflag:s13], $0x800  }
0x1b: {  	[sflag:s13] =	ssyncset.done $0x0  }
0x1c: {  	s23 =	sadd.s32 s6, s23;
	[sflag:s13] =	ssyncadd.s32 $0xFFFFF800  }
0x1d: {  	[tilespmem:s14], [sflag:$0x3] =	stream.linear.gather [hbm4b:s23+s25], $0x800, $0x38;
	[tilespmem:$0x1CD00] =	vst v63  }
0x1e: {  	_ =	swait.ge [sflag:s13], $0x800  }
0x1f: {  	[sflag:s13] =	ssyncset.done $0x0  }
0x20: {  	[sflag:s13] =	ssyncadd.s32 $0xFFFFF800  }
0x21: {  	[tilespmem:s16], [sflag:$0x1] =	stream.indirect.gather [hbm4b:s4+s15], $0x80, s25, s15, $0xb8;
	[tilespmem:$0x1CD00] =	vst v63  }
0x22: {  	_ = 	snop  }
0x23: {  	[tilespmem:s17], [sflag:$0x2] =	stream.indirect.gather [hbm4b:s4+s15], $0x80, s15, s15, $0xb8;
	[tilespmem:$0x1CD00] =	vst v63  }
0x24: {  	_ =	swait.ge [sflag:s18], $0x4000  }
0x25: {  	[sflag:s18] =	ssyncset.done $0x0  }
0x26: {  	s30 =	simm.s32 $0x0;
	[sflag:s18] =	ssyncadd.s32 $0xFFFFC000  }
0x27: {  	v0 =	vld [tilespmem:s30+$0x800];
	_ =	sdelay $0x4  }
0x28: {  	[tilespmem:$0x1000] =	vst v0  }
0x29: {  	v0 =	vld [tilespmem:s30+$0x810];
	_ =	sdelay $0x4  }
0x2a: {  	[tilespmem:$0x1010] =	vst v0  }
0x2b: {  	v0 =	vld [tilespmem:s30+$0x820];
	_ =	sdelay $0x4  }
0x2c: {  	[tilespmem:$0x1020] =	vst v0  }
0x2d: {  	v0 =	vld [tilespmem:s30+$0x830];
	_ =	sdelay $0x4  }
0x2e: {  	[tilespmem:$0x1030] =	vst v0  }
0x2f: {  	v0 =	vld [tilespmem:s30+$0x840];
	_ =	sdelay $0x4  }
0x30: {  	[tilespmem:$0x1040] =	vst v0  }
0x31: {  	v0 =	vld [tilespmem:s30+$0x850];
	_ =	sdelay $0x4  }
0x32: {  	[tilespmem:$0x1050] =	vst v0  }
0x33: {  	v0 =	vld [tilespmem:s30+$0x860];
	_ =	sdelay $0x4  }
0x34: {  	[tilespmem:$0x1060] =	vst v0  }
0x35: {  	v0 =	vld [tilespmem:s30+$0x870];
	_ =	sdelay $0x4  }
0x36: {  	[tilespmem:$0x1070] =	vst v0  }
0x37: {  	[spmem:s2] =	stream.indirect.scatter.add.f32 [tilespmem:s16], [sflag:$0x3], $0x80, s19, s15, $0xb8;
	[tilespmem:$0x1CD00] =	vst v63  }
0x38: {  	_ =	swait.ge [sflag:s13], $0x4000  }
0x39: {  	[sflag:s13] =	ssyncset.done $0x0  }
0x3a: {  	s31 =	simm.s32 $0x100;
	[sflag:s13] =	ssyncadd.s32 $0xFFFFC000  }
0x3b: {  	[tilespmem:s16], [sflag:$0x1] =	stream.indirect.gather [hbm4b:s4+s15], $0x80, s31, s15, $0xb8;
	[tilespmem:$0x1CD00] =	vst v63  }
0x3c: {  	_ =	swait.ge [sflag:s20], $0x4000  }
0x3d: {  	[sflag:s20] =	ssyncset.done $0x0  }
0x3e: {  	[sflag:s20] =	ssyncadd.s32 $0xFFFFC000  }
0x3f: {  	v63 =	vld [tilespmem:s30+$0x880];
	_ =	sdelay $0x4  }
0x40: {  	[tilespmem:$0x1080] =	vst v63  }
0x41: {  	v0 =	vld [tilespmem:s30+$0x890];
	_ =	sdelay $0x4  }
0x42: {  	[tilespmem:$0x1090] =	vst v0  }
0x43: {  	v0 =	vld [tilespmem:s30+$0x8A0];
	_ =	sdelay $0x4  }
0x44: {  	[tilespmem:$0x10A0] =	vst v0  }
0x45: {  	v0 =	vld [tilespmem:s30+$0x8B0];
	_ =	sdelay $0x4  }
0x46: {  	[tilespmem:$0x10B0] =	vst v0  }
0x47: {  	v0 =	vld [tilespmem:s30+$0x8C0];
	_ =	sdelay $0x4  }
0x48: {  	[tilespmem:$0x10C0] =	vst v0  }
0x49: {  	v0 =	vld [tilespmem:s30+$0x8D0];
	_ =	sdelay $0x4  }
0x4a: {  	[tilespmem:$0x10D0] =	vst v0  }
0x4b: {  	v0 =	vld [tilespmem:s30+$0x8E0];
	_ =	sdelay $0x4  }
0x4c: {  	[tilespmem:$0x10E0] =	vst v0  }
0x4d: {  	v0 =	vld [tilespmem:s30+$0x8F0];
	_ =	sdelay $0x4  }
0x4e: {  	[tilespmem:$0x10F0] =	vst v0  }
0x4f: {  	[spmem:s2] =	stream.indirect.scatter.add.f32 [tilespmem:s17], [sflag:$0x3], $0x80, s21, s15, $0xb8;
	[tilespmem:$0x1CD00] =	vst v63  }
0x50: {  	_ =	swait.ge [sflag:s13], $0x4000  }
0x51: {  	[sflag:s13] =	ssyncset.done $0x0  }
0x52: {  	s24 =	simm.s32 $0x180;
	s23 =	simm.s32 $0x400;
	[sflag:s13] =	ssyncadd.s32 $0xFFFFC000  }
.LBB2_3:
0x53: {  	[tilespmem:s17], [sflag:$0x2] =	stream.indirect.gather [hbm4b:s4+s15], $0x80, s24, s15, $0xb8;
	[tilespmem:$0x1CD00] =	vst v63  }
0x54: {  	s24 =	smov.u32 s23  }
0x55: {  	p0 =	sne.s32 s23, $0x1800;
	s23 =	sadd.s32 $0x400, s23;
	_ =	swait.ge [sflag:s18], $0x4000  }
0x56: {  	[sflag:s18] =	ssyncset.done $0x0  }
0x57: {  	s24 =	sshra.s32 s24, $0x2;
	[sflag:s18] =	ssyncadd.s32 $0xFFFFC000  }
0x58: {  	v0 =	vld [tilespmem:s24+$0x800];
	_ =	sdelay $0x4  }
0x59: {  	[tilespmem:$0x1000] =	vst v0  }
0x5a: {  	v0 =	vld [tilespmem:s24+$0x810];
	_ =	sdelay $0x4  }
0x5b: {  	[tilespmem:$0x1010] =	vst v0  }
0x5c: {  	v0 =	vld [tilespmem:s24+$0x820];
	_ =	sdelay $0x4  }
0x5d: {  	[tilespmem:$0x1020] =	vst v0  }
0x5e: {  	v0 =	vld [tilespmem:s24+$0x830];
	_ =	sdelay $0x4  }
0x5f: {  	[tilespmem:$0x1030] =	vst v0  }
0x60: {  	v0 =	vld [tilespmem:s24+$0x840];
	_ =	sdelay $0x4  }
0x61: {  	[tilespmem:$0x1040] =	vst v0  }
0x62: {  	v0 =	vld [tilespmem:s24+$0x850];
	_ =	sdelay $0x4  }
0x63: {  	[tilespmem:$0x1050] =	vst v0  }
0x64: {  	v0 =	vld [tilespmem:s24+$0x860];
	_ =	sdelay $0x4  }
0x65: {  	[tilespmem:$0x1060] =	vst v0  }
0x66: {  	v0 =	vld [tilespmem:s24+$0x870];
	_ =	sdelay $0x4  }
0x67: {  	[tilespmem:$0x1070] =	vst v0  }
0x68: {  	[spmem:s2] =	stream.indirect.scatter.add.f32 [tilespmem:s16], [sflag:$0x3], $0x80, s19, s15, $0xb8;
	[tilespmem:$0x1CD00] =	vst v63  }
0x69: {  	_ =	swait.ge [sflag:s13], $0x4000  }
0x6a: {  	[sflag:s13] =	ssyncset.done $0x0  }
0x6b: {  	s25 =	sadd.s32 $0x100, s24;
	[sflag:s13] =	ssyncadd.s32 $0xFFFFC000  }
0x6c: {  	[tilespmem:s16], [sflag:$0x1] =	stream.indirect.gather [hbm4b:s4+s15], $0x80, s25, s15, $0xb8;
	[tilespmem:$0x1CD00] =	vst v63  }
0x6d: {  	_ =	swait.ge [sflag:s20], $0x4000  }
0x6e: {  	[sflag:s20] =	ssyncset.done $0x0  }
0x6f: {  	[sflag:s20] =	ssyncadd.s32 $0xFFFFC000  }
0x70: {  	v0 =	vld [tilespmem:s24+$0x880];
	_ =	sdelay $0x4  }
0x71: {  	[tilespmem:$0x1080] =	vst v0  }
0x72: {  	v0 =	vld [tilespmem:s24+$0x890];
	_ =	sdelay $0x4  }
0x73: {  	[tilespmem:$0x1090] =	vst v0  }
0x74: {  	v0 =	vld [tilespmem:s24+$0x8A0];
	_ =	sdelay $0x4  }
0x75: {  	[tilespmem:$0x10A0] =	vst v0  }
0x76: {  	v0 =	vld [tilespmem:s24+$0x8B0];
	_ =	sdelay $0x4  }
0x77: {  	[tilespmem:$0x10B0] =	vst v0  }
0x78: {  	v0 =	vld [tilespmem:s24+$0x8C0];
	_ =	sdelay $0x4  }
0x79: {  	[tilespmem:$0x10C0] =	vst v0  }
0x7a: {  	v0 =	vld [tilespmem:s24+$0x8D0];
	_ =	sdelay $0x4  }
0x7b: {  	[tilespmem:$0x10D0] =	vst v0  }
0x7c: {  	v0 =	vld [tilespmem:s24+$0x8E0];
	_ =	sdelay $0x4  }
0x7d: {  	[tilespmem:$0x10E0] =	vst v0  }
0x7e: {  	v0 =	vld [tilespmem:s24+$0x8F0];
	_ =	sdelay $0x4  }
.Ltmp0:
0x7f: {  	[tilespmem:$0x10F0] =	vst v0;
	(pc) =	sbr.rel @p0 .LBB2_3-.Ltmp0, $4  }
0x80: {  	[spmem:s2] =	stream.indirect.scatter.add.f32 [tilespmem:s17], [sflag:$0x3], $0x80, s21, s15, $0xb8;
	[tilespmem:$0x1CD00] =	vst v63  }
0x81: {  	_ =	swait.ge [sflag:s13], $0x4000  }
0x82: {  	[sflag:s13] =	ssyncset.done $0x0  }
0x83: {  	s24 =	sadd.s32 $0x180, s24;
	[sflag:s13] =	ssyncadd.s32 $0xFFFFC000  }
0x84: {  	[tilespmem:s17], [sflag:$0x2] =	stream.indirect.gather [hbm4b:s4+s15], $0x80, s24, s15, $0xb8;
	[tilespmem:$0x1CD00] =	vst v63  }
0x85: {  	_ =	swait.ge [sflag:s18], $0x4000  }
0x86: {  	[sflag:s18] =	ssyncset.done $0x0  }
0x87: {  	[sflag:s18] =	ssyncadd.s32 $0xFFFFC000  }
0x88: {  	v0 =	vld [tilespmem:$0xF00]  }
0x89: {  	v1 =	vld [tilespmem:$0xF10]  }
0x8a: {  	v2 =	vld [tilespmem:$0xF20]  }
0x8b: {  	v3 =	vld [tilespmem:$0xF30]  }
0x8c: {  	v4 =	vld [tilespmem:$0xF40]  }
0x8d: {  	v53 =	vld [tilespmem:$0xF50];
	[tilespmem:$0x1000] =	vst v0  }
0x8e: {  	v54 =	vld [tilespmem:$0xF60];
	[tilespmem:$0x1010] =	vst v1  }
0x8f: {  	v55 =	vld [tilespmem:$0xF70];
	[tilespmem:$0x1020] =	vst v2  }
0x90: {  	[tilespmem:$0x1030] =	vst v3  }
0x91: {  	[tilespmem:$0x1040] =	vst v4  }
0x92: {  	[tilespmem:$0x1050] =	vst v53  }
0x93: {  	[tilespmem:$0x1060] =	vst v54  }
0x94: {  	[tilespmem:$0x1070] =	vst v55  }
0x95: {  	[spmem:s2] =	stream.indirect.scatter.add.f32 [tilespmem:s16], [sflag:$0x3], $0x80, s19, s15, $0xb8;
	[tilespmem:$0x1CD00] =	vst v63  }
0x96: {  	_ =	swait.ge [sflag:s13], $0x4000  }
0x97: {  	[sflag:s13] =	ssyncset.done $0x0  }
0x98: {  	[sflag:s13] =	ssyncadd.s32 $0xFFFFC000  }
0x99: {  	_ =	swait.ge [sflag:s20], $0x4000  }
0x9a: {  	[sflag:s20] =	ssyncset.done $0x0  }
0x9b: {  	[sflag:s20] =	ssyncadd.s32 $0xFFFFC000  }
0x9c: {  	v56 =	vld [tilespmem:$0xF80]  }
0x9d: {  	v57 =	vld [tilespmem:$0xF90]  }
0x9e: {  	v58 =	vld [tilespmem:$0xFA0]  }
0x9f: {  	v59 =	vld [tilespmem:$0xFB0]  }
0xa0: {  	v60 =	vld [tilespmem:$0xFC0]  }
0xa1: {  	v61 =	vld [tilespmem:$0xFD0];
	[tilespmem:$0x1080] =	vst v56  }
0xa2: {  	v62 =	vld [tilespmem:$0xFE0];
	[tilespmem:$0x1090] =	vst v57  }
0xa3: {  	v63 =	vld [tilespmem:$0xFF0];
	[tilespmem:$0x10A0] =	vst v58  }
0xa4: {  	[tilespmem:$0x10B0] =	vst v59  }
0xa5: {  	[tilespmem:$0x10C0] =	vst v60  }
0xa6: {  	s22 =	sadd.s32 $0x1, s22;
	[tilespmem:$0x10D0] =	vst v61  }
0xa7: {  	p0 =	sne.s32 s22, $0x5;
	[tilespmem:$0x10E0] =	vst v62  }
.Ltmp1:
0xa8: {  	[tilespmem:$0x10F0] =	vst v63;
	(pc) =	sbr.rel @p0 .LBB2_2-.Ltmp1, $4  }
0xa9: {  	[spmem:s2] =	stream.indirect.scatter.add.f32 [tilespmem:s17], [sflag:$0x3], $0x80, s21, s15, $0xb8;
	[tilespmem:$0x1CD00] =	vst v63  }
0xaa: {  	_ =	swait.ge [sflag:s13], $0x4000  }
0xab: {  	[sflag:s13] =	ssyncset.done $0x0  }
0xac: {  	[sflag:s13] =	ssyncadd.s32 $0xFFFFC000  }
0xad: {  	s3 =	sadd.s32 $0x1, s3  }
0xae: {  	p0 =	sne.s32 s3, s11  }
.Ltmp2:
0xaf: {  	[bflag:$0x0] =	sbarrier.arrive $0xFFFF;
	(pc) =	sbr.rel @p0 .LBB2_1-.Ltmp2, $4  }
0xb0: {  	[hbm:s10], [sflag:s8] =	dma.local [spmem:s12], $0x2780  }
0xb1: {  	_ =	swait.ge [sflag:s13], $0x2780  }
0xb2: {  	[sflag:s13] =	ssyncset.done $0x0  }
0xb3: {  	[sflag:s13] =	ssyncadd.s32 $0xFFFFD880  }
0xb4: {  	_ =	sfence.sel $0x180000  }
0xb5: {  	[bflag:$0x0] =	sbarrier.arrive $0xFFFF  }
0xb6: {  	p0 =	sne.s32 s1, $0x0;
	_ =	strace $0x90000056  }
0xb7: {  	s0 =	sadd.s32 @!p0 $0x100000, s0;
	[bflag:$0x2] =	sbarrier.arrive $0xFFFF  }
0xb8: {  	[sflag:s0] =	ssyncadd.tile.s32 @!p0 $0x1;
	_ =	shalt  }
.Lfunc_end2:
_tile_overlayer_lowered:
.L_overlay_start_2:
0xb9: {  	(tag) =	ssettag $0x2  }
0xba: {  	s0 =	rddreg [dreg:$0x0];
	s2 =	stileid.u32  }
0xbb: {  	s1 =	rddreg [dreg:$0x1];
	p0 =	sne.s32 s2, $0x0  }
0xbc: {  	s3 =	rddreg [dreg:$0x2];
	[bflag:$0x3] =	sbarrier.arrive $0xFFFF;
	s2 =	simm.s32 @!p0 $0x1C03  }
0xbd: {  	[timem:s3], [sflag:s2] =	dma.local @!p0 [hbm:s0], s1  }
0xbe: {  	s0 =	simm.s32 @!p0 $0x3  }
0xbf: {  	_ =	swait.ge @!p0 [sflag:s0], s1  }
0xc0: {  	s1 =	ssub.s32 @!p0 $0x0, s1;
	[sflag:s0] =	ssyncset.done @!p0 $0x0  }
0xc1: {  	[sflag:s0] =	ssyncadd.s32 @!p0 s1  }
0xc2: {  	[bflag:$0x3] =	sbarrier.arrive $0xFFFF  }
0xc3: {  	_ =	shalt  }

</sc_bundles>
